<compile_context>
chip_gen: v7x
topology: tpu7x:2x2x1
jax: 0.10.2.dev20260603
libtpu: 0.0.44.dev20260713+nightly
codegen_flags: <defaults>
</compile_context>

<pallas_src>
import functools

import jax
import jax.numpy as jnp
from jax import lax
from jax.experimental import pallas as pl
from jax.experimental.pallas import tpu as pltpu
from jax.experimental.pallas import tpu_sc as plsc

N = 10000
E = 320000
D = 128

NCORE = 2
NSUB = 16
BLK = 64
NPAD = 10240
LANES = 16

NBLK = 160
G = 8
EPT = NBLK * BLK
EP = NCORE * NSUB * EPT


def _dense_proj_kernel(x_ref, wl_ref, bl_ref, wr_ref, br_ref, xl_ref, xr_ref):
    x = x_ref[...]
    xl_ref[...] = jnp.dot(x, wl_ref[...], preferred_element_type=jnp.float32) + bl_ref[...]
    xr_ref[...] = jnp.dot(x, wr_ref[...], preferred_element_type=jnp.float32) + br_ref[...]


def _dense_proj(x, wl, bl, wr, br):
    hc = wl.shape[1]
    return pl.pallas_call(
        _dense_proj_kernel,
        compiler_params=pltpu.CompilerParams(vmem_limit_bytes=100 * 1024 * 1024),
        out_shape=(
            jax.ShapeDtypeStruct((N, hc), jnp.float32),
            jax.ShapeDtypeStruct((N, hc), jnp.float32),
        ),
    )(x, wl, bl.reshape(1, hc), wr, br.reshape(1, hc))


def _dense_proj3_kernel(x_ref, wl_ref, bl_ref, wr_ref, br_ref, wres_ref, bres_ref,
                        xl_ref, xr_ref, xres_ref):
    x = x_ref[...]
    xl_ref[...] = jnp.dot(x, wl_ref[...], preferred_element_type=jnp.float32) + bl_ref[...]
    xr_ref[...] = jnp.dot(x, wr_ref[...], preferred_element_type=jnp.float32) + br_ref[...]
    xres_ref[...] = jnp.dot(x, wres_ref[...], preferred_element_type=jnp.float32) + bres_ref[...]


def _dense_proj3(x, wl, bl, wr, br, wres, bres):
    hc = wl.shape[1]
    co = wres.shape[1]
    return pl.pallas_call(
        _dense_proj3_kernel,
        compiler_params=pltpu.CompilerParams(vmem_limit_bytes=100 * 1024 * 1024),
        out_shape=(
            jax.ShapeDtypeStruct((N, hc), jnp.float32),
            jax.ShapeDtypeStruct((N, hc), jnp.float32),
            jax.ShapeDtypeStruct((N, co), jnp.float32),
        ),
    )(x, wl, bl.reshape(1, hc), wr, br.reshape(1, hc), wres, bres.reshape(1, co))


def _edge_body(h, c, w_row, src_hbm, dst_hbm, ea_hbm, xl_hbm, xr_hbm, wab_hbm,
               z_hbm, out_hbm, src_v, dst_v, ea_v, xl_b, xr_b, sval, wab_v,
               acc, sem0, sem1):
    hc = h * c
    cid = lax.axis_index("c")
    sid = lax.axis_index("s")

    pltpu.sync_copy(wab_hbm, wab_v)

    rows_per_tile = NPAD // NSUB
    zbase = sid * rows_per_tile
    pltpu.sync_copy(z_hbm.at[pl.ds(zbase, rows_per_tile)],
                    acc.at[pl.ds(zbase, rows_per_tile)])
    plsc.subcore_barrier()

    bbase = (cid * NSUB + sid) * NBLK
    lane_iota = lax.iota(jnp.int32, LANES)

    def chunk(ck, _):
        cbase = pl.multiple_of(bbase + ck * G, G)
        pltpu.sync_copy(src_hbm.at[pl.ds(cbase, G)], src_v)
        pltpu.sync_copy(dst_hbm.at[pl.ds(cbase, G)], dst_v)
        pltpu.sync_copy(ea_hbm.at[pl.ds(cbase, G)], ea_v)
        lax.fori_loop(0, G, block, None)
        return _

    def block(b, _):
        g0 = pltpu.async_copy(xl_hbm.at[src_v.at[b]], xl_b, sem0)
        g1 = pltpu.async_copy(xr_hbm.at[dst_v.at[b]], xr_b, sem1)
        g0.wait()
        g1.wait()

        def subblock(sb, _):
            rows = sb * LANES + lane_iota
            eav = ea_v[b, pl.ds(sb * LANES, LANES)]
            exs = []
            zero16 = jnp.zeros((LANES,), jnp.float32)
            for hh in range(h):
                @plsc.parallel_loop(hh * c, (hh + 1) * c, unroll=8,
                                    carry=(zero16, zero16))
                def pA(j, accs):
                    a0, a1 = accs
                    cj = jnp.full((LANES,), j, jnp.int32)
                    xlv = plsc.load_gather(xl_b, [rows, cj])
                    xrv = plsc.load_gather(xr_b, [rows, cj])
                    wspl = wab_v[0, j, :]
                    aspl = wab_v[1, j, :]
                    t = xlv + xrv + eav * wspl
                    t = jnp.maximum(t, 0.2 * t)
                    return (a1, a0 + t * aspl)
                a0, a1 = pA
                exs.append(jnp.exp(a0 + a1))
            for hh in range(h):
                exv = exs[hh]
                @plsc.parallel_loop(hh * c, (hh + 1) * c, unroll=8)
                def pB(j):
                    cj = jnp.full((LANES,), j, jnp.int32)
                    xlv = plsc.load_gather(xl_b, [rows, cj])
                    plsc.store_scatter(sval, [rows, cj], xlv * exv)
                ch = jnp.full((LANES,), hc + hh, jnp.int32)
                plsc.store_scatter(sval, [rows, ch], exv)
            return _

        lax.fori_loop(0, BLK // LANES, subblock, None)
        pltpu.sync_copy(sval, acc.at[dst_v.at[b]], add=True)
        return _

    lax.fori_loop(0, NBLK // G, chunk, None)
    plsc.subcore_barrier()
    pltpu.sync_copy(acc.at[pl.ds(zbase, rows_per_tile)],
                    out_hbm.at[pl.ds(cid * NPAD + zbase, rows_per_tile)])


def _edge_phase(h, c, w_row, srcp, dstp, eap, xl, xr, wab, zrows):
    hc = h * c
    mesh = plsc.VectorSubcoreMesh(core_axis_name="c", subcore_axis_name="s",
                                  num_cores=NCORE, num_subcores=NSUB)
    body = functools.partial(_edge_body, h, c, w_row)
    f = pl.kernel(
        body,
        out_type=jax.ShapeDtypeStruct((NCORE * NPAD, w_row), jnp.float32),
        mesh=mesh,
        compiler_params=pltpu.CompilerParams(needs_layout_passes=False,
                                             use_tc_tiling_on_sc=False),
        scratch_types=[
            pltpu.VMEM((G, BLK), jnp.int32),
            pltpu.VMEM((G, BLK), jnp.int32),
            pltpu.VMEM((G, BLK), jnp.float32),
            pltpu.VMEM((BLK, hc), jnp.float32),
            pltpu.VMEM((BLK, hc), jnp.float32),
            pltpu.VMEM((BLK, w_row), jnp.float32),
            pltpu.VMEM((2, hc, LANES), jnp.float32),
            pltpu.VMEM_SHARED((NPAD, w_row), jnp.float32),
            pltpu.SemaphoreType.DMA,
            pltpu.SemaphoreType.DMA,
        ],
    )
    return f(srcp, dstp, eap, xl, xr, wab, zrows)


def _post_kernel(h, c, part_ref, bias_ref, g_ref, b_ref, xres_ref, o_ref):
    hc = h * c
    p = part_ref[0:N, :] + part_ref[NPAD:NPAD + N, :]
    cols = []
    for hh in range(h):
        num = p[:, hh * c:(hh + 1) * c]
        den = p[:, hc + hh:hc + hh + 1]
        cols.append(num / (den + 1e-16))
    y = cols[0] if h == 1 else jnp.concatenate(cols, axis=1)
    y = y + bias_ref[...]
    y = jnp.where(y > 0, y, jnp.exp(y) - 1.0)
    mu = jnp.mean(y, axis=-1, keepdims=True)
    var = jnp.mean((y - mu) ** 2, axis=-1, keepdims=True)
    y = (y - mu) / jnp.sqrt(var + 1e-5) * g_ref[...] + b_ref[...]
    o_ref[...] = y + xres_ref[...]


def _post(h, c, part, bias, ln_g, ln_b, xres):
    hc = h * c
    co = hc if h > 1 else c
    kfn = functools.partial(_post_kernel, h, c)
    return pl.pallas_call(
        kfn,
        compiler_params=pltpu.CompilerParams(vmem_limit_bytes=100 * 1024 * 1024),
        out_shape=jax.ShapeDtypeStruct((N, co), jnp.float32),
    )(part, bias.reshape(1, co), ln_g.reshape(1, co), ln_b.reshape(1, co), xres)


def kernel(node_emb, edge_attr, params, edge_index):
    src = edge_index[0].astype(jnp.int32)
    dst = edge_index[1].astype(jnp.int32)
    ea = edge_attr[:, 0].astype(jnp.float32)
    pad = EP - E
    srcp = jnp.concatenate([src, jnp.zeros((pad,), jnp.int32)]).reshape(EP // BLK, BLK)
    dstp = jnp.concatenate([dst, jnp.full((pad,), N, jnp.int32)]).reshape(EP // BLK, BLK)
    eap = jnp.concatenate([ea, jnp.zeros((pad,), jnp.float32)]).reshape(EP // BLK, BLK)

    x = node_emb
    cfgs = [(4, 32, 144), (4, 32, 144), (1, 32, 48)]
    for i, (h, c, w_row) in enumerate(cfgs):
        hc = h * c
        P = params
        if i == 2:
            xl, xr, xres = _dense_proj3(x, P['Wl%d' % i], P['bl%d' % i],
                                        P['Wr%d' % i], P['br%d' % i],
                                        P['Wres2'], P['bres2'])
        else:
            xl, xr = _dense_proj(x, P['Wl%d' % i], P['bl%d' % i],
                                 P['Wr%d' % i], P['br%d' % i])
            xres = x
        wa = jnp.stack([P['We%d' % i].reshape(hc), P['att%d' % i].reshape(hc)])
        wab = jnp.broadcast_to(wa[:, :, None], (2, hc, LANES)).astype(jnp.float32)
        zrows = jnp.zeros((NPAD, w_row), jnp.float32)
        part = _edge_phase(h, c, w_row, srcp, dstp, eap, xl, xr, wab, zrows)
        x = _post(h, c, part, P['bias%d' % i], P['ln_g%d' % i], P['ln_b%d' % i], xres)
    return x

# --- scband reference (transcript-rebuilt; emitter-appended) ---
"""Pipeline reference for scband-gatrecommender-78331613545097 (READ-ONLY COPY).

The authoritative reference and input builder live on the scoring server;
editing this copy changes nothing except your own understanding.
"""

import jax, jax.numpy as jnp
import numpy as np

N = 10000
E = 320000
D = 128
C = 32

def _glorot(key, shape):
    s = jnp.sqrt(6.0 / (shape[0] + shape[1]))
    return jax.random.uniform(key, shape, minval=-s, maxval=s, dtype=jnp.float32)

def setup_inputs(seed: int = 0):
    key = jax.random.key(seed)
    ks = jax.random.split(key, 32)
    node_emb = jax.random.normal(ks[0], (N, D), dtype=jnp.float32) * 0.1
    edge_index = jax.random.randint(ks[1], (2, E), 0, N, dtype=jnp.int64 if jax.config.jax_enable_x64 else jnp.int32)
    edge_attr = jax.random.normal(ks[2], (E, 1), dtype=jnp.float32)
    params = {}
    ki = 3
    layer_cfg = [(D, 4, C, True), (4 * C, 4, C, True), (4 * C, 1, C, False)]
    for i, (cin, h, c, concat) in enumerate(layer_cfg):
        params['Wl%d' % i] = _glorot(ks[ki], (cin, h * c)); ki += 1
        params['bl%d' % i] = jnp.zeros((h * c,), jnp.float32)
        params['Wr%d' % i] = _glorot(ks[ki], (cin, h * c)); ki += 1
        params['br%d' % i] = jnp.zeros((h * c,), jnp.float32)
        params['att%d' % i] = _glorot(ks[ki], (h, c)); ki += 1
        params['We%d' % i] = _glorot(ks[ki], (1, h * c)); ki += 1
        out_dim = h * c if concat else c
        params['bias%d' % i] = jnp.zeros((out_dim,), jnp.float32)
        params['ln_g%d' % i] = jnp.ones((out_dim,), jnp.float32)
        params['ln_b%d' % i] = jnp.zeros((out_dim,), jnp.float32)
    params['Wres2'] = _glorot(ks[ki], (4 * C, C)); ki += 1
    params['bres2'] = jnp.zeros((C,), jnp.float32)
    return {'node_emb': node_emb, 'edge_attr': edge_attr, 'params': params, 'edge_index': edge_index}

def _gatv2(x, src, dst, edge_attr, Wl, bl, Wr, br, att, We, bias, h, c, concat):
    n = x.shape[0]
    xl = (x @ Wl + bl).reshape(n, h, c)
    xr = (x @ Wr + br).reshape(n, h, c)
    ee = (edge_attr @ We).reshape(-1, h, c)
    m = xl[src] + xr[dst] + ee
    m = jax.nn.leaky_relu(m, negative_slope=0.2)
    alpha = jnp.sum(m * att[None, :, :], axis=-1)
    amax = jax.ops.segment_max(alpha, dst, num_segments=n)
    amax = jnp.where(jnp.isfinite(amax), amax, 0.0)
    ex = jnp.exp(alpha - amax[dst])
    denom = jax.ops.segment_sum(ex, dst, num_segments=n)
    a = ex / (denom[dst] + 1e-16)
    out = jax.ops.segment_sum(a[:, :, None] * xl[src], dst, num_segments=n)
    if concat:
        out = out.reshape(n, h * c)
    else:
        out = out.mean(axis=1)
    return out + bias

def _layernorm(x, g, b):
    mu = jnp.mean(x, axis=-1, keepdims=True)
    var = jnp.mean((x - mu) ** 2, axis=-1, keepdims=True)
    return (x - mu) / jnp.sqrt(var + 1e-5) * g + b

def _forward(node_emb, edge_index, edge_attr, params):
    src, dst = edge_index[0], edge_index[1]
    x = node_emb
    cfgs = [(4, C, True), (4, C, True), (1, C, False)]
    for i, (h, c, concat) in enumerate(cfgs):
        xres = x
        x = _gatv2(x, src, dst, edge_attr, params['Wl%d' % i], params['bl%d' % i], params['Wr%d' % i], params['br%d' % i], params['att%d' % i], params['We%d' % i], params['bias%d' % i], h, c, concat)
        x = jax.nn.elu(x)
        x = _layernorm(x, params['ln_g%d' % i], params['ln_b%d' % i])
        if i == 2:
            xres = xres @ params['Wres2'] + params['bres2']
        x = x + xres
    return x

def reference(node_emb, edge_attr, params, edge_index):
    return _forward(node_emb, edge_index, edge_attr, params)

if __name__ == "__main__":
    import jax
    _d = setup_inputs()
    print(jax.jit(kernel)(*tuple(_d.values())))

</pallas_src>

<mosaic_0001>
#map = affine_map<(d0, d1) -> (0, 0)>
#map1 = affine_map<(d0, d1) -> (0, 0, 0)>
module attributes {stable_mosaic.version = 14 : i64} {
  func.func @_edge_body(%arg0: i32, %arg1: i32, %arg2: memref<5120x64xi32, #tpu.memory_space<hbm>>, %arg3: memref<5120x64xi32, #tpu.memory_space<hbm>>, %arg4: memref<5120x64xf32, #tpu.memory_space<hbm>>, %arg5: memref<10000x128xf32, #tpu.memory_space<hbm>>, %arg6: memref<10000x128xf32, #tpu.memory_space<hbm>>, %arg7: memref<2x128x16xf32, #tpu.memory_space<hbm>>, %arg8: memref<10240x144xf32, #tpu.memory_space<hbm>>, %arg9: memref<20480x144xf32, #tpu.memory_space<hbm>>, %arg10: memref<8x64xi32, #tpu.memory_space<vmem>>, %arg11: memref<8x64xi32, #tpu.memory_space<vmem>>, %arg12: memref<8x64xf32, #tpu.memory_space<vmem>>, %arg13: memref<64x128xf32, #tpu.memory_space<vmem>>, %arg14: memref<64x128xf32, #tpu.memory_space<vmem>>, %arg15: memref<64x144xf32, #tpu.memory_space<vmem>>, %arg16: memref<2x128x16xf32, #tpu.memory_space<vmem>>, %arg17: memref<10240x144xf32, #tpu.memory_space<vmem_shared>>, %arg18: memref<!tpu.dma_semaphore, #tpu.memory_space<semaphore_mem>>, %arg19: memref<!tpu.dma_semaphore, #tpu.memory_space<semaphore_mem>>) attributes {dimension_semantics = [#tpu.dimension_semantics<core_parallel>, #tpu.dimension_semantics<subcore_parallel>], iteration_bounds = array<i64: 2, 16>, scalar_prefetch = 0 : i64, scratch_operands = 10 : i64, tpu.core_type = #tpu.core_type<sc_vector_subcore>, window_params = [{transform_indices = #map}, {transform_indices = #map}, {transform_indices = #map}, {transform_indices = #map}, {transform_indices = #map}, {transform_indices = #map1}, {transform_indices = #map}, {transform_indices = #map}]} {
    "tpu.region"() ({
      %run_scoped3A = tpu.sem_alloc : memref<!tpu.dma_semaphore, #tpu.memory_space<semaphore_mem>>
      tpu.enqueue_dma source(%arg7 : memref<2x128x16xf32, #tpu.memory_space<hbm>>) target(%arg16 : memref<2x128x16xf32, #tpu.memory_space<vmem>>) target_semaphore(%run_scoped3A : memref<!tpu.dma_semaphore, #tpu.memory_space<semaphore_mem>>)
      tpu.wait_dma2 semaphore(%run_scoped3A : memref<!tpu.dma_semaphore, #tpu.memory_space<semaphore_mem>>) src(%arg7 : memref<2x128x16xf32, #tpu.memory_space<hbm>>) dst(%arg16 : memref<2x128x16xf32, #tpu.memory_space<vmem>>)
      tpu.yield
    }) : () -> ()
    %mul3A = arith.constant 640 : i32
    %mul3A_0 = arith.muli %arg1, %mul3A : i32
    "tpu.region"() ({
      %run_scoped3A = tpu.sem_alloc : memref<!tpu.dma_semaphore, #tpu.memory_space<semaphore_mem>>
      %dma_start3A = arith.constant 0 : i32
      %dma_start3A_13 = tpu.memref_slice %arg17[%mul3A_0, %dma_start3A] : memref<10240x144xf32, #tpu.memory_space<vmem_shared>> -> memref<640x144xf32, #tpu.memory_space<vmem_shared>>
      %dma_start3A_14 = arith.constant 0 : i32
      %dma_start3A_15 = tpu.memref_slice %arg8[%mul3A_0, %dma_start3A_14] : memref<10240x144xf32, #tpu.memory_space<hbm>> -> memref<640x144xf32, #tpu.memory_space<hbm>>
      tpu.enqueue_dma source(%dma_start3A_15 : memref<640x144xf32, #tpu.memory_space<hbm>>) target(%dma_start3A_13 : memref<640x144xf32, #tpu.memory_space<vmem_shared>>) target_semaphore(%run_scoped3A : memref<!tpu.dma_semaphore, #tpu.memory_space<semaphore_mem>>)
      %dma_wait3A = arith.constant 0 : i32
      %dma_wait3A_16 = tpu.memref_slice %arg17[%mul3A_0, %dma_wait3A] : memref<10240x144xf32, #tpu.memory_space<vmem_shared>> -> memref<640x144xf32, #tpu.memory_space<vmem_shared>>
      %dma_wait3A_17 = arith.constant 0 : i32
      %dma_wait3A_18 = tpu.memref_slice %arg8[%mul3A_0, %dma_wait3A_17] : memref<10240x144xf32, #tpu.memory_space<hbm>> -> memref<640x144xf32, #tpu.memory_space<hbm>>
      tpu.wait_dma2 semaphore(%run_scoped3A : memref<!tpu.dma_semaphore, #tpu.memory_space<semaphore_mem>>) src(%dma_wait3A_18 : memref<640x144xf32, #tpu.memory_space<hbm>>) dst(%dma_wait3A_16 : memref<640x144xf32, #tpu.memory_space<vmem_shared>>)
      tpu.yield
    }) : () -> ()
    %barrier3A = arith.constant 0 : index
    tpu.barrier barrier_id(%barrier3A)
    %mul3A_1 = arith.constant 16 : i32
    %mul3A_2 = arith.muli %arg0, %mul3A_1 : i32
    %add3A = arith.addi %mul3A_2, %arg1 : i32
    %mul3A_3 = arith.constant 160 : i32
    %mul3A_4 = arith.muli %add3A, %mul3A_3 : i32
    %iota3A = tpu.iota {dimensions = array<i32: 0>} : vector<16xi32>
    %scan3A = arith.constant 0 : i32
    %scan3A_5 = arith.constant 20 : i32
    %scan3A_6 = arith.addi %scan3A, %scan3A_5 : i32
    %scan3A_7 = arith.constant 1 : i32
    scf.for %scan3A_13 = %scan3A to %scan3A_6 step %scan3A_7  : i32 {
      %mul3A_14 = arith.constant 8 : i32
      %mul3A_15 = arith.muli %scan3A_13, %mul3A_14 : i32
      %add3A_16 = arith.addi %mul3A_4, %mul3A_15 : i32
      %multiple_of3A = tpu.assume_multiple %add3A_16, 8 : i32
      "tpu.region"() ({
        %run_scoped3A = tpu.sem_alloc : memref<!tpu.dma_semaphore, #tpu.memory_space<semaphore_mem>>
        %dma_start3A = arith.constant 0 : i32
        %dma_start3A_22 = tpu.memref_slice %arg2[%multiple_of3A, %dma_start3A] : memref<5120x64xi32, #tpu.memory_space<hbm>> -> memref<8x64xi32, #tpu.memory_space<hbm>>
        %dma_start3A_23 = arith.constant 0 : i32
        %dma_start3A_24 = tpu.memref_slice %arg2[%multiple_of3A, %dma_start3A_23] : memref<5120x64xi32, #tpu.memory_space<hbm>> -> memref<8x64xi32, #tpu.memory_space<hbm>>
        tpu.enqueue_dma source(%dma_start3A_24 : memref<8x64xi32, #tpu.memory_space<hbm>>) target(%arg10 : memref<8x64xi32, #tpu.memory_space<vmem>>) target_semaphore(%run_scoped3A : memref<!tpu.dma_semaphore, #tpu.memory_space<semaphore_mem>>)
        %dma_wait3A = arith.constant 0 : i32
        %dma_wait3A_25 = tpu.memref_slice %arg2[%multiple_of3A, %dma_wait3A] : memref<5120x64xi32, #tpu.memory_space<hbm>> -> memref<8x64xi32, #tpu.memory_space<hbm>>
        %dma_wait3A_26 = arith.constant 0 : i32
        %dma_wait3A_27 = tpu.memref_slice %arg2[%multiple_of3A, %dma_wait3A_26] : memref<5120x64xi32, #tpu.memory_space<hbm>> -> memref<8x64xi32, #tpu.memory_space<hbm>>
        tpu.wait_dma2 semaphore(%run_scoped3A : memref<!tpu.dma_semaphore, #tpu.memory_space<semaphore_mem>>) src(%dma_wait3A_27 : memref<8x64xi32, #tpu.memory_space<hbm>>) dst(%arg10 : memref<8x64xi32, #tpu.memory_space<vmem>>)
        tpu.yield
      }) : () -> ()
      "tpu.region"() ({
        %run_scoped3A = tpu.sem_alloc : memref<!tpu.dma_semaphore, #tpu.memory_space<semaphore_mem>>
        %dma_start3A = arith.constant 0 : i32
        %dma_start3A_22 = tpu.memref_slice %arg3[%multiple_of3A, %dma_start3A] : memref<5120x64xi32, #tpu.memory_space<hbm>> -> memref<8x64xi32, #tpu.memory_space<hbm>>
        %dma_start3A_23 = arith.constant 0 : i32
        %dma_start3A_24 = tpu.memref_slice %arg3[%multiple_of3A, %dma_start3A_23] : memref<5120x64xi32, #tpu.memory_space<hbm>> -> memref<8x64xi32, #tpu.memory_space<hbm>>
        tpu.enqueue_dma source(%dma_start3A_24 : memref<8x64xi32, #tpu.memory_space<hbm>>) target(%arg11 : memref<8x64xi32, #tpu.memory_space<vmem>>) target_semaphore(%run_scoped3A : memref<!tpu.dma_semaphore, #tpu.memory_space<semaphore_mem>>)
        %dma_wait3A = arith.constant 0 : i32
        %dma_wait3A_25 = tpu.memref_slice %arg3[%multiple_of3A, %dma_wait3A] : memref<5120x64xi32, #tpu.memory_space<hbm>> -> memref<8x64xi32, #tpu.memory_space<hbm>>
        %dma_wait3A_26 = arith.constant 0 : i32
        %dma_wait3A_27 = tpu.memref_slice %arg3[%multiple_of3A, %dma_wait3A_26] : memref<5120x64xi32, #tpu.memory_space<hbm>> -> memref<8x64xi32, #tpu.memory_space<hbm>>
        tpu.wait_dma2 semaphore(%run_scoped3A : memref<!tpu.dma_semaphore, #tpu.memory_space<semaphore_mem>>) src(%dma_wait3A_27 : memref<8x64xi32, #tpu.memory_space<hbm>>) dst(%arg11 : memref<8x64xi32, #tpu.memory_space<vmem>>)
        tpu.yield
      }) : () -> ()
      "tpu.region"() ({
        %run_scoped3A = tpu.sem_alloc : memref<!tpu.dma_semaphore, #tpu.memory_space<semaphore_mem>>
        %dma_start3A = arith.constant 0 : i32
        %dma_start3A_22 = tpu.memref_slice %arg4[%multiple_of3A, %dma_start3A] : memref<5120x64xf32, #tpu.memory_space<hbm>> -> memref<8x64xf32, #tpu.memory_space<hbm>>
        %dma_start3A_23 = arith.constant 0 : i32
        %dma_start3A_24 = tpu.memref_slice %arg4[%multiple_of3A, %dma_start3A_23] : memref<5120x64xf32, #tpu.memory_space<hbm>> -> memref<8x64xf32, #tpu.memory_space<hbm>>
        tpu.enqueue_dma source(%dma_start3A_24 : memref<8x64xf32, #tpu.memory_space<hbm>>) target(%arg12 : memref<8x64xf32, #tpu.memory_space<vmem>>) target_semaphore(%run_scoped3A : memref<!tpu.dma_semaphore, #tpu.memory_space<semaphore_mem>>)
        %dma_wait3A = arith.constant 0 : i32
        %dma_wait3A_25 = tpu.memref_slice %arg4[%multiple_of3A, %dma_wait3A] : memref<5120x64xf32, #tpu.memory_space<hbm>> -> memref<8x64xf32, #tpu.memory_space<hbm>>
        %dma_wait3A_26 = arith.constant 0 : i32
        %dma_wait3A_27 = tpu.memref_slice %arg4[%multiple_of3A, %dma_wait3A_26] : memref<5120x64xf32, #tpu.memory_space<hbm>> -> memref<8x64xf32, #tpu.memory_space<hbm>>
        tpu.wait_dma2 semaphore(%run_scoped3A : memref<!tpu.dma_semaphore, #tpu.memory_space<semaphore_mem>>) src(%dma_wait3A_27 : memref<8x64xf32, #tpu.memory_space<hbm>>) dst(%arg12 : memref<8x64xf32, #tpu.memory_space<vmem>>)
        tpu.yield
      }) : () -> ()
      %scan3A_17 = arith.constant 0 : i32
      %scan3A_18 = arith.constant 8 : i32
      %scan3A_19 = arith.addi %scan3A_17, %scan3A_18 : i32
      %scan3A_20 = arith.constant 1 : i32
      scf.for %scan3A_22 = %scan3A_17 to %scan3A_19 step %scan3A_20  : i32 {
        %dma_start3A = arith.constant 0 : i32
        %dma_start3A_23 = tpu.memref_slice %arg10[%scan3A_22, %dma_start3A] : memref<8x64xi32, #tpu.memory_space<vmem>> -> memref<1x64xi32, #tpu.memory_space<vmem>>
        %dma_start3A_24 = tpu.memref_squeeze %dma_start3A_23 : memref<1x64xi32, #tpu.memory_space<vmem>> -> memref<64xi32, #tpu.memory_space<vmem>>
        %dma_start3A_25 = arith.constant 0 : i32
        %dma_start3A_26 = arith.constant 0 : i32
        %dma_start3A_27 = tpu.memref_slice %arg5[%dma_start3A_25, %dma_start3A_26] : memref<10000x128xf32, #tpu.memory_space<hbm>> -> memref<10000x128xf32, #tpu.memory_space<hbm>>
        tpu.enqueue_indirect_dma source(%dma_start3A_27 : memref<10000x128xf32, #tpu.memory_space<hbm>>) target(%arg13 : memref<64x128xf32, #tpu.memory_space<vmem>>) offsets(%dma_start3A_24 : memref<64xi32, #tpu.memory_space<vmem>>) semaphore(%arg18 : memref<!tpu.dma_semaphore, #tpu.memory_space<semaphore_mem>>)
        %dma_start3A_28 = arith.constant 0 : i32
        %dma_start3A_29 = tpu.memref_slice %arg11[%scan3A_22, %dma_start3A_28] : memref<8x64xi32, #tpu.memory_space<vmem>> -> memref<1x64xi32, #tpu.memory_space<vmem>>
        %dma_start3A_30 = tpu.memref_squeeze %dma_start3A_29 : memref<1x64xi32, #tpu.memory_space<vmem>> -> memref<64xi32, #tpu.memory_space<vmem>>
        %dma_start3A_31 = arith.constant 0 : i32
        %dma_start3A_32 = arith.constant 0 : i32
        %dma_start3A_33 = tpu.memref_slice %arg6[%dma_start3A_31, %dma_start3A_32] : memref<10000x128xf32, #tpu.memory_space<hbm>> -> memref<10000x128xf32, #tpu.memory_space<hbm>>
        tpu.enqueue_indirect_dma source(%dma_start3A_33 : memref<10000x128xf32, #tpu.memory_space<hbm>>) target(%arg14 : memref<64x128xf32, #tpu.memory_space<vmem>>) offsets(%dma_start3A_30 : memref<64xi32, #tpu.memory_space<vmem>>) semaphore(%arg19 : memref<!tpu.dma_semaphore, #tpu.memory_space<semaphore_mem>>)
        %dma_wait3A = arith.constant 0 : i32
        %dma_wait3A_34 = tpu.memref_slice %arg10[%scan3A_22, %dma_wait3A] : memref<8x64xi32, #tpu.memory_space<vmem>> -> memref<1x64xi32, #tpu.memory_space<vmem>>
        %dma_wait3A_35 = tpu.memref_squeeze %dma_wait3A_34 : memref<1x64xi32, #tpu.memory_space<vmem>> -> memref<64xi32, #tpu.memory_space<vmem>>
        %dma_wait3A_36 = arith.constant 0 : i32
        %dma_wait3A_37 = arith.constant 0 : i32
        %dma_wait3A_38 = tpu.memref_slice %arg5[%dma_wait3A_36, %dma_wait3A_37] : memref<10000x128xf32, #tpu.memory_space<hbm>> -> memref<10000x128xf32, #tpu.memory_space<hbm>>
        tpu.wait_indirect_dma semaphore(%arg18 : memref<!tpu.dma_semaphore, #tpu.memory_space<semaphore_mem>>) src(%dma_wait3A_38 : memref<10000x128xf32, #tpu.memory_space<hbm>>) dst(%arg13 : memref<64x128xf32, #tpu.memory_space<vmem>>)
        %dma_wait3A_39 = arith.constant 0 : i32
        %dma_wait3A_40 = tpu.memref_slice %arg11[%scan3A_22, %dma_wait3A_39] : memref<8x64xi32, #tpu.memory_space<vmem>> -> memref<1x64xi32, #tpu.memory_space<vmem>>
        %dma_wait3A_41 = tpu.memref_squeeze %dma_wait3A_40 : memref<1x64xi32, #tpu.memory_space<vmem>> -> memref<64xi32, #tpu.memory_space<vmem>>
        %dma_wait3A_42 = arith.constant 0 : i32
        %dma_wait3A_43 = arith.constant 0 : i32
        %dma_wait3A_44 = tpu.memref_slice %arg6[%dma_wait3A_42, %dma_wait3A_43] : memref<10000x128xf32, #tpu.memory_space<hbm>> -> memref<10000x128xf32, #tpu.memory_space<hbm>>
        tpu.wait_indirect_dma semaphore(%arg19 : memref<!tpu.dma_semaphore, #tpu.memory_space<semaphore_mem>>) src(%dma_wait3A_44 : memref<10000x128xf32, #tpu.memory_space<hbm>>) dst(%arg14 : memref<64x128xf32, #tpu.memory_space<vmem>>)
        %scan3A_45 = arith.constant 0 : i32
        %scan3A_46 = arith.constant 4 : i32
        %scan3A_47 = arith.addi %scan3A_45, %scan3A_46 : i32
        %scan3A_48 = arith.constant 1 : i32
        scf.for %scan3A_50 = %scan3A_45 to %scan3A_47 step %scan3A_48  : i32 {
          %mul3A_51 = arith.constant 16 : i32
          %mul3A_52 = arith.muli %scan3A_50, %mul3A_51 : i32
          %add3A_53 = vector.broadcast %mul3A_52 : i32 to vector<16xi32>
          %add3A_54 = arith.addi %add3A_53, %iota3A : vector<16xi32>
          %mul3A_55 = arith.constant 16 : i32
          %mul3A_56 = arith.muli %scan3A_50, %mul3A_55 : i32
          %get3A = arith.index_cast %scan3A_22 : i32 to index
          %get3A_57 = arith.index_cast %mul3A_56 : i32 to index
          %get3A_58 = tpu.vector_load %arg12[%get3A, %get3A_57] {strides = array<i32>} : memref<8x64xf32, #tpu.memory_space<vmem>>, vector<16xf32>,
          %broadcast_in_dim3A = arith.constant 0.000000e+00 : f32
          %broadcast_in_dim3A_59 = vector.broadcast %broadcast_in_dim3A : f32 to vector<16xf32>
          %parallel_loop3A = arith.constant 0 : i32
          %parallel_loop3A_60 = arith.constant 32 : i32
          %parallel_loop3A_61 = arith.constant 1 : i32
          %parallel_loop3A_62:2 = scf.for %parallel_loop3A_102 = %parallel_loop3A to %parallel_loop3A_60 step %parallel_loop3A_61 iter_args(%parallel_loop3A_103 = %broadcast_in_dim3A_59, %parallel_loop3A_104 = %broadcast_in_dim3A_59) -> (vector<16xf32>, vector<16xf32>)  : i32 {
            %parallel_loop3A_105 = vector.broadcast %parallel_loop3A_102 : i32 to vector<16xi32>
            %parallel_loop3A_106 = tpu.vector_load_idx %arg13[%add3A_54, %parallel_loop3A_105] : memref<64x128xf32, #tpu.memory_space<vmem>>[vector<16xi32>, vector<16xi32>], vector<16xf32>,
            %parallel_loop3A_107 = tpu.vector_load_idx %arg14[%add3A_54, %parallel_loop3A_105] : memref<64x128xf32, #tpu.memory_space<vmem>>[vector<16xi32>, vector<16xi32>], vector<16xf32>,
            %parallel_loop3A_108 = arith.constant 0 : i32
            %parallel_loop3A_109 = arith.index_cast %parallel_loop3A_108 : i32 to index
            %parallel_loop3A_110 = arith.index_cast %parallel_loop3A_102 : i32 to index
            %parallel_loop3A_111 = arith.constant 0 : index
            %parallel_loop3A_112 = tpu.vector_load %arg16[%parallel_loop3A_109, %parallel_loop3A_110, %parallel_loop3A_111] {strides = array<i32>} : memref<2x128x16xf32, #tpu.memory_space<vmem>>, vector<16xf32>,
            %parallel_loop3A_113 = arith.constant 1 : i32
            %parallel_loop3A_114 = arith.index_cast %parallel_loop3A_113 : i32 to index
            %parallel_loop3A_115 = arith.index_cast %parallel_loop3A_102 : i32 to index
            %parallel_loop3A_116 = arith.constant 0 : index
            %parallel_loop3A_117 = tpu.vector_load %arg16[%parallel_loop3A_114, %parallel_loop3A_115, %parallel_loop3A_116] {strides = array<i32>} : memref<2x128x16xf32, #tpu.memory_space<vmem>>, vector<16xf32>,
            %parallel_loop3A_118 = arith.addf %parallel_loop3A_106, %parallel_loop3A_107 : vector<16xf32>
            %parallel_loop3A_119 = arith.mulf %get3A_58, %parallel_loop3A_112 : vector<16xf32>
            %parallel_loop3A_120 = arith.addf %parallel_loop3A_118, %parallel_loop3A_119 : vector<16xf32>
            %parallel_loop3A_121 = arith.constant 2.000000e-01 : f32
            %parallel_loop3A_122 = vector.broadcast %parallel_loop3A_121 : f32 to vector<16xf32>
            %parallel_loop3A_123 = arith.mulf %parallel_loop3A_122, %parallel_loop3A_120 : vector<16xf32>
            %parallel_loop3A_124 = arith.maximumf %parallel_loop3A_120, %parallel_loop3A_123 : vector<16xf32>
            %parallel_loop3A_125 = arith.mulf %parallel_loop3A_124, %parallel_loop3A_117 : vector<16xf32>
            %parallel_loop3A_126 = arith.addf %parallel_loop3A_103, %parallel_loop3A_125 : vector<16xf32>
            scf.yield %parallel_loop3A_104, %parallel_loop3A_126 : vector<16xf32>, vector<16xf32>
          } {sc.loop_unroll_factor = 8 : i64, sc.parallel_access}
          %add3A_63 = arith.addf %parallel_loop3A_62#0, %parallel_loop3A_62#1 : vector<16xf32>
          %exp3A = math.exp %add3A_63 : vector<16xf32>
          %parallel_loop3A_64 = arith.constant 32 : i32
          %parallel_loop3A_65 = arith.constant 64 : i32
          %parallel_loop3A_66 = arith.constant 1 : i32
          %parallel_loop3A_67:2 = scf.for %parallel_loop3A_102 = %parallel_loop3A_64 to %parallel_loop3A_65 step %parallel_loop3A_66 iter_args(%parallel_loop3A_103 = %broadcast_in_dim3A_59, %parallel_loop3A_104 = %broadcast_in_dim3A_59) -> (vector<16xf32>, vector<16xf32>)  : i32 {
            %parallel_loop3A_105 = vector.broadcast %parallel_loop3A_102 : i32 to vector<16xi32>
            %parallel_loop3A_106 = tpu.vector_load_idx %arg13[%add3A_54, %parallel_loop3A_105] : memref<64x128xf32, #tpu.memory_space<vmem>>[vector<16xi32>, vector<16xi32>], vector<16xf32>,
            %parallel_loop3A_107 = tpu.vector_load_idx %arg14[%add3A_54, %parallel_loop3A_105] : memref<64x128xf32, #tpu.memory_space<vmem>>[vector<16xi32>, vector<16xi32>], vector<16xf32>,
            %parallel_loop3A_108 = arith.constant 0 : i32
            %parallel_loop3A_109 = arith.index_cast %parallel_loop3A_108 : i32 to index
            %parallel_loop3A_110 = arith.index_cast %parallel_loop3A_102 : i32 to index
            %parallel_loop3A_111 = arith.constant 0 : index
            %parallel_loop3A_112 = tpu.vector_load %arg16[%parallel_loop3A_109, %parallel_loop3A_110, %parallel_loop3A_111] {strides = array<i32>} : memref<2x128x16xf32, #tpu.memory_space<vmem>>, vector<16xf32>,
            %parallel_loop3A_113 = arith.constant 1 : i32
            %parallel_loop3A_114 = arith.index_cast %parallel_loop3A_113 : i32 to index
            %parallel_loop3A_115 = arith.index_cast %parallel_loop3A_102 : i32 to index
            %parallel_loop3A_116 = arith.constant 0 : index
            %parallel_loop3A_117 = tpu.vector_load %arg16[%parallel_loop3A_114, %parallel_loop3A_115, %parallel_loop3A_116] {strides = array<i32>} : memref<2x128x16xf32, #tpu.memory_space<vmem>>, vector<16xf32>,
            %parallel_loop3A_118 = arith.addf %parallel_loop3A_106, %parallel_loop3A_107 : vector<16xf32>
            %parallel_loop3A_119 = arith.mulf %get3A_58, %parallel_loop3A_112 : vector<16xf32>
            %parallel_loop3A_120 = arith.addf %parallel_loop3A_118, %parallel_loop3A_119 : vector<16xf32>
            %parallel_loop3A_121 = arith.constant 2.000000e-01 : f32
            %parallel_loop3A_122 = vector.broadcast %parallel_loop3A_121 : f32 to vector<16xf32>
            %parallel_loop3A_123 = arith.mulf %parallel_loop3A_122, %parallel_loop3A_120 : vector<16xf32>
            %parallel_loop3A_124 = arith.maximumf %parallel_loop3A_120, %parallel_loop3A_123 : vector<16xf32>
            %parallel_loop3A_125 = arith.mulf %parallel_loop3A_124, %parallel_loop3A_117 : vector<16xf32>
            %parallel_loop3A_126 = arith.addf %parallel_loop3A_103, %parallel_loop3A_125 : vector<16xf32>
            scf.yield %parallel_loop3A_104, %parallel_loop3A_126 : vector<16xf32>, vector<16xf32>
          } {sc.loop_unroll_factor = 8 : i64, sc.parallel_access}
          %add3A_68 = arith.addf %parallel_loop3A_67#0, %parallel_loop3A_67#1 : vector<16xf32>
          %exp3A_69 = math.exp %add3A_68 : vector<16xf32>
          %parallel_loop3A_70 = arith.constant 64 : i32
          %parallel_loop3A_71 = arith.constant 96 : i32
          %parallel_loop3A_72 = arith.constant 1 : i32
          %parallel_loop3A_73:2 = scf.for %parallel_loop3A_102 = %parallel_loop3A_70 to %parallel_loop3A_71 step %parallel_loop3A_72 iter_args(%parallel_loop3A_103 = %broadcast_in_dim3A_59, %parallel_loop3A_104 = %broadcast_in_dim3A_59) -> (vector<16xf32>, vector<16xf32>)  : i32 {
            %parallel_loop3A_105 = vector.broadcast %parallel_loop3A_102 : i32 to vector<16xi32>
            %parallel_loop3A_106 = tpu.vector_load_idx %arg13[%add3A_54, %parallel_loop3A_105] : memref<64x128xf32, #tpu.memory_space<vmem>>[vector<16xi32>, vector<16xi32>], vector<16xf32>,
            %parallel_loop3A_107 = tpu.vector_load_idx %arg14[%add3A_54, %parallel_loop3A_105] : memref<64x128xf32, #tpu.memory_space<vmem>>[vector<16xi32>, vector<16xi32>], vector<16xf32>,
            %parallel_loop3A_108 = arith.constant 0 : i32
            %parallel_loop3A_109 = arith.index_cast %parallel_loop3A_108 : i32 to index
            %parallel_loop3A_110 = arith.index_cast %parallel_loop3A_102 : i32 to index
            %parallel_loop3A_111 = arith.constant 0 : index
            %parallel_loop3A_112 = tpu.vector_load %arg16[%parallel_loop3A_109, %parallel_loop3A_110, %parallel_loop3A_111] {strides = array<i32>} : memref<2x128x16xf32, #tpu.memory_space<vmem>>, vector<16xf32>,
            %parallel_loop3A_113 = arith.constant 1 : i32
            %parallel_loop3A_114 = arith.index_cast %parallel_loop3A_113 : i32 to index
            %parallel_loop3A_115 = arith.index_cast %parallel_loop3A_102 : i32 to index
            %parallel_loop3A_116 = arith.constant 0 : index
            %parallel_loop3A_117 = tpu.vector_load %arg16[%parallel_loop3A_114, %parallel_loop3A_115, %parallel_loop3A_116] {strides = array<i32>} : memref<2x128x16xf32, #tpu.memory_space<vmem>>, vector<16xf32>,
            %parallel_loop3A_118 = arith.addf %parallel_loop3A_106, %parallel_loop3A_107 : vector<16xf32>
            %parallel_loop3A_119 = arith.mulf %get3A_58, %parallel_loop3A_112 : vector<16xf32>
            %parallel_loop3A_120 = arith.addf %parallel_loop3A_118, %parallel_loop3A_119 : vector<16xf32>
            %parallel_loop3A_121 = arith.constant 2.000000e-01 : f32
            %parallel_loop3A_122 = vector.broadcast %parallel_loop3A_121 : f32 to vector<16xf32>
            %parallel_loop3A_123 = arith.mulf %parallel_loop3A_122, %parallel_loop3A_120 : vector<16xf32>
            %parallel_loop3A_124 = arith.maximumf %parallel_loop3A_120, %parallel_loop3A_123 : vector<16xf32>
            %parallel_loop3A_125 = arith.mulf %parallel_loop3A_124, %parallel_loop3A_117 : vector<16xf32>
            %parallel_loop3A_126 = arith.addf %parallel_loop3A_103, %parallel_loop3A_125 : vector<16xf32>
            scf.yield %parallel_loop3A_104, %parallel_loop3A_126 : vector<16xf32>, vector<16xf32>
          } {sc.loop_unroll_factor = 8 : i64, sc.parallel_access}
          %add3A_74 = arith.addf %parallel_loop3A_73#0, %parallel_loop3A_73#1 : vector<16xf32>
          %exp3A_75 = math.exp %add3A_74 : vector<16xf32>
          %parallel_loop3A_76 = arith.constant 96 : i32
          %parallel_loop3A_77 = arith.constant 128 : i32
          %parallel_loop3A_78 = arith.constant 1 : i32
          %parallel_loop3A_79:2 = scf.for %parallel_loop3A_102 = %parallel_loop3A_76 to %parallel_loop3A_77 step %parallel_loop3A_78 iter_args(%parallel_loop3A_103 = %broadcast_in_dim3A_59, %parallel_loop3A_104 = %broadcast_in_dim3A_59) -> (vector<16xf32>, vector<16xf32>)  : i32 {
            %parallel_loop3A_105 = vector.broadcast %parallel_loop3A_102 : i32 to vector<16xi32>
            %parallel_loop3A_106 = tpu.vector_load_idx %arg13[%add3A_54, %parallel_loop3A_105] : memref<64x128xf32, #tpu.memory_space<vmem>>[vector<16xi32>, vector<16xi32>], vector<16xf32>,
            %parallel_loop3A_107 = tpu.vector_load_idx %arg14[%add3A_54, %parallel_loop3A_105] : memref<64x128xf32, #tpu.memory_space<vmem>>[vector<16xi32>, vector<16xi32>], vector<16xf32>,
            %parallel_loop3A_108 = arith.constant 0 : i32
            %parallel_loop3A_109 = arith.index_cast %parallel_loop3A_108 : i32 to index
            %parallel_loop3A_110 = arith.index_cast %parallel_loop3A_102 : i32 to index
            %parallel_loop3A_111 = arith.constant 0 : index
            %parallel_loop3A_112 = tpu.vector_load %arg16[%parallel_loop3A_109, %parallel_loop3A_110, %parallel_loop3A_111] {strides = array<i32>} : memref<2x128x16xf32, #tpu.memory_space<vmem>>, vector<16xf32>,
            %parallel_loop3A_113 = arith.constant 1 : i32
            %parallel_loop3A_114 = arith.index_cast %parallel_loop3A_113 : i32 to index
            %parallel_loop3A_115 = arith.index_cast %parallel_loop3A_102 : i32 to index
            %parallel_loop3A_116 = arith.constant 0 : index
            %parallel_loop3A_117 = tpu.vector_load %arg16[%parallel_loop3A_114, %parallel_loop3A_115, %parallel_loop3A_116] {strides = array<i32>} : memref<2x128x16xf32, #tpu.memory_space<vmem>>, vector<16xf32>,
            %parallel_loop3A_118 = arith.addf %parallel_loop3A_106, %parallel_loop3A_107 : vector<16xf32>
            %parallel_loop3A_119 = arith.mulf %get3A_58, %parallel_loop3A_112 : vector<16xf32>
            %parallel_loop3A_120 = arith.addf %parallel_loop3A_118, %parallel_loop3A_119 : vector<16xf32>
            %parallel_loop3A_121 = arith.constant 2.000000e-01 : f32
            %parallel_loop3A_122 = vector.broadcast %parallel_loop3A_121 : f32 to vector<16xf32>
            %parallel_loop3A_123 = arith.mulf %parallel_loop3A_122, %parallel_loop3A_120 : vector<16xf32>
            %parallel_loop3A_124 = arith.maximumf %parallel_loop3A_120, %parallel_loop3A_123 : vector<16xf32>
            %parallel_loop3A_125 = arith.mulf %parallel_loop3A_124, %parallel_loop3A_117 : vector<16xf32>
            %parallel_loop3A_126 = arith.addf %parallel_loop3A_103, %parallel_loop3A_125 : vector<16xf32>
            scf.yield %parallel_loop3A_104, %parallel_loop3A_126 : vector<16xf32>, vector<16xf32>
          } {sc.loop_unroll_factor = 8 : i64, sc.parallel_access}
          %add3A_80 = arith.addf %parallel_loop3A_79#0, %parallel_loop3A_79#1 : vector<16xf32>
          %exp3A_81 = math.exp %add3A_80 : vector<16xf32>
          %parallel_loop3A_82 = arith.constant 0 : i32
          %parallel_loop3A_83 = arith.constant 32 : i32
          %parallel_loop3A_84 = arith.constant 1 : i32
          scf.for %parallel_loop3A_102 = %parallel_loop3A_82 to %parallel_loop3A_83 step %parallel_loop3A_84  : i32 {
            %parallel_loop3A_103 = vector.broadcast %parallel_loop3A_102 : i32 to vector<16xi32>
            %parallel_loop3A_104 = tpu.vector_load_idx %arg13[%add3A_54, %parallel_loop3A_103] : memref<64x128xf32, #tpu.memory_space<vmem>>[vector<16xi32>, vector<16xi32>], vector<16xf32>,
            %parallel_loop3A_105 = arith.mulf %parallel_loop3A_104, %exp3A : vector<16xf32>
            tpu.vector_store_idx %arg15[%add3A_54, %parallel_loop3A_103], %parallel_loop3A_105 : memref<64x144xf32, #tpu.memory_space<vmem>>[vector<16xi32>, vector<16xi32>], vector<16xf32>,
          } {sc.loop_unroll_factor = 8 : i64, sc.parallel_access}
          %broadcast_in_dim3A_85 = arith.constant 128 : i32
          %broadcast_in_dim3A_86 = vector.broadcast %broadcast_in_dim3A_85 : i32 to vector<16xi32>
          tpu.vector_store_idx %arg15[%add3A_54, %broadcast_in_dim3A_86], %exp3A : memref<64x144xf32, #tpu.memory_space<vmem>>[vector<16xi32>, vector<16xi32>], vector<16xf32>,
          %parallel_loop3A_87 = arith.constant 32 : i32
          %parallel_loop3A_88 = arith.constant 64 : i32
          %parallel_loop3A_89 = arith.constant 1 : i32
          scf.for %parallel_loop3A_102 = %parallel_loop3A_87 to %parallel_loop3A_88 step %parallel_loop3A_89  : i32 {
            %parallel_loop3A_103 = vector.broadcast %parallel_loop3A_102 : i32 to vector<16xi32>
            %parallel_loop3A_104 = tpu.vector_load_idx %arg13[%add3A_54, %parallel_loop3A_103] : memref<64x128xf32, #tpu.memory_space<vmem>>[vector<16xi32>, vector<16xi32>], vector<16xf32>,
            %parallel_loop3A_105 = arith.mulf %parallel_loop3A_104, %exp3A_69 : vector<16xf32>
            tpu.vector_store_idx %arg15[%add3A_54, %parallel_loop3A_103], %parallel_loop3A_105 : memref<64x144xf32, #tpu.memory_space<vmem>>[vector<16xi32>, vector<16xi32>], vector<16xf32>,
          } {sc.loop_unroll_factor = 8 : i64, sc.parallel_access}
          %broadcast_in_dim3A_90 = arith.constant 129 : i32
          %broadcast_in_dim3A_91 = vector.broadcast %broadcast_in_dim3A_90 : i32 to vector<16xi32>
          tpu.vector_store_idx %arg15[%add3A_54, %broadcast_in_dim3A_91], %exp3A_69 : memref<64x144xf32, #tpu.memory_space<vmem>>[vector<16xi32>, vector<16xi32>], vector<16xf32>,
          %parallel_loop3A_92 = arith.constant 64 : i32
          %parallel_loop3A_93 = arith.constant 96 : i32
          %parallel_loop3A_94 = arith.constant 1 : i32
          scf.for %parallel_loop3A_102 = %parallel_loop3A_92 to %parallel_loop3A_93 step %parallel_loop3A_94  : i32 {
            %parallel_loop3A_103 = vector.broadcast %parallel_loop3A_102 : i32 to vector<16xi32>
            %parallel_loop3A_104 = tpu.vector_load_idx %arg13[%add3A_54, %parallel_loop3A_103] : memref<64x128xf32, #tpu.memory_space<vmem>>[vector<16xi32>, vector<16xi32>], vector<16xf32>,
            %parallel_loop3A_105 = arith.mulf %parallel_loop3A_104, %exp3A_75 : vector<16xf32>
            tpu.vector_store_idx %arg15[%add3A_54, %parallel_loop3A_103], %parallel_loop3A_105 : memref<64x144xf32, #tpu.memory_space<vmem>>[vector<16xi32>, vector<16xi32>], vector<16xf32>,
          } {sc.loop_unroll_factor = 8 : i64, sc.parallel_access}
          %broadcast_in_dim3A_95 = arith.constant 130 : i32
          %broadcast_in_dim3A_96 = vector.broadcast %broadcast_in_dim3A_95 : i32 to vector<16xi32>
          tpu.vector_store_idx %arg15[%add3A_54, %broadcast_in_dim3A_96], %exp3A_75 : memref<64x144xf32, #tpu.memory_space<vmem>>[vector<16xi32>, vector<16xi32>], vector<16xf32>,
          %parallel_loop3A_97 = arith.constant 96 : i32
          %parallel_loop3A_98 = arith.constant 128 : i32
          %parallel_loop3A_99 = arith.constant 1 : i32
          scf.for %parallel_loop3A_102 = %parallel_loop3A_97 to %parallel_loop3A_98 step %parallel_loop3A_99  : i32 {
            %parallel_loop3A_103 = vector.broadcast %parallel_loop3A_102 : i32 to vector<16xi32>
            %parallel_loop3A_104 = tpu.vector_load_idx %arg13[%add3A_54, %parallel_loop3A_103] : memref<64x128xf32, #tpu.memory_space<vmem>>[vector<16xi32>, vector<16xi32>], vector<16xf32>,
            %parallel_loop3A_105 = arith.mulf %parallel_loop3A_104, %exp3A_81 : vector<16xf32>
            tpu.vector_store_idx %arg15[%add3A_54, %parallel_loop3A_103], %parallel_loop3A_105 : memref<64x144xf32, #tpu.memory_space<vmem>>[vector<16xi32>, vector<16xi32>], vector<16xf32>,
          } {sc.loop_unroll_factor = 8 : i64, sc.parallel_access}
          %broadcast_in_dim3A_100 = arith.constant 131 : i32
          %broadcast_in_dim3A_101 = vector.broadcast %broadcast_in_dim3A_100 : i32 to vector<16xi32>
          tpu.vector_store_idx %arg15[%add3A_54, %broadcast_in_dim3A_101], %exp3A_81 : memref<64x144xf32, #tpu.memory_space<vmem>>[vector<16xi32>, vector<16xi32>], vector<16xf32>,
        }
        %scan3A_49 = arith.constant 4 : i32
        "tpu.region"() ({
          %run_scoped3A = tpu.sem_alloc : memref<!tpu.dma_semaphore, #tpu.memory_space<semaphore_mem>>
          %dma_start3A_50 = arith.constant 0 : i32
          %dma_start3A_51 = tpu.memref_slice %arg11[%scan3A_22, %dma_start3A_50] : memref<8x64xi32, #tpu.memory_space<vmem>> -> memref<1x64xi32, #tpu.memory_space<vmem>>
          %dma_start3A_52 = tpu.memref_squeeze %dma_start3A_51 : memref<1x64xi32, #tpu.memory_space<vmem>> -> memref<64xi32, #tpu.memory_space<vmem>>
          %dma_start3A_53 = arith.constant 0 : i32
          %dma_start3A_54 = arith.constant 0 : i32
          %dma_start3A_55 = tpu.memref_slice %arg17[%dma_start3A_53, %dma_start3A_54] : memref<10240x144xf32, #tpu.memory_space<vmem_shared>> -> memref<10240x144xf32, #tpu.memory_space<vmem_shared>>
          tpu.enqueue_indirect_dma source(%arg15 : memref<64x144xf32, #tpu.memory_space<vmem>>) target(%dma_start3A_55 : memref<10240x144xf32, #tpu.memory_space<vmem_shared>>) offsets(%dma_start3A_52 : memref<64xi32, #tpu.memory_space<vmem>>) semaphore(%run_scoped3A : memref<!tpu.dma_semaphore, #tpu.memory_space<semaphore_mem>>) {add = true}
          %dma_wait3A_56 = arith.constant 0 : i32
          %dma_wait3A_57 = tpu.memref_slice %arg11[%scan3A_22, %dma_wait3A_56] : memref<8x64xi32, #tpu.memory_space<vmem>> -> memref<1x64xi32, #tpu.memory_space<vmem>>
          %dma_wait3A_58 = tpu.memref_squeeze %dma_wait3A_57 : memref<1x64xi32, #tpu.memory_space<vmem>> -> memref<64xi32, #tpu.memory_space<vmem>>
          %dma_wait3A_59 = arith.constant 0 : i32
          %dma_wait3A_60 = arith.constant 0 : i32
          %dma_wait3A_61 = tpu.memref_slice %arg17[%dma_wait3A_59, %dma_wait3A_60] : memref<10240x144xf32, #tpu.memory_space<vmem_shared>> -> memref<10240x144xf32, #tpu.memory_space<vmem_shared>>
          tpu.wait_indirect_dma semaphore(%run_scoped3A : memref<!tpu.dma_semaphore, #tpu.memory_space<semaphore_mem>>) src(%arg15 : memref<64x144xf32, #tpu.memory_space<vmem>>) dst(%dma_wait3A_61 : memref<10240x144xf32, #tpu.memory_space<vmem_shared>>)
          tpu.yield
        }) : () -> ()
      }
      %scan3A_21 = arith.constant 8 : i32
    }
    %scan3A_8 = arith.constant 20 : i32
    %barrier3A_9 = arith.constant 0 : index
    tpu.barrier barrier_id(%barrier3A_9)
    %mul3A_10 = arith.constant 10240 : i32
    %mul3A_11 = arith.muli %arg0, %mul3A_10 : i32
    %add3A_12 = arith.addi %mul3A_11, %mul3A_0 : i32
    "tpu.region"() ({
      %run_scoped3A = tpu.sem_alloc : memref<!tpu.dma_semaphore, #tpu.memory_space<semaphore_mem>>
      %dma_start3A = arith.constant 0 : i32
      %dma_start3A_13 = tpu.memref_slice %arg9[%add3A_12, %dma_start3A] : memref<20480x144xf32, #tpu.memory_space<hbm>> -> memref<640x144xf32, #tpu.memory_space<hbm>>
      %dma_start3A_14 = arith.constant 0 : i32
      %dma_start3A_15 = tpu.memref_slice %arg17[%mul3A_0, %dma_start3A_14] : memref<10240x144xf32, #tpu.memory_space<vmem_shared>> -> memref<640x144xf32, #tpu.memory_space<vmem_shared>>
      tpu.enqueue_dma source(%dma_start3A_15 : memref<640x144xf32, #tpu.memory_space<vmem_shared>>) target(%dma_start3A_13 : memref<640x144xf32, #tpu.memory_space<hbm>>) target_semaphore(%run_scoped3A : memref<!tpu.dma_semaphore, #tpu.memory_space<semaphore_mem>>)
      %dma_wait3A = arith.constant 0 : i32
      %dma_wait3A_16 = tpu.memref_slice %arg9[%add3A_12, %dma_wait3A] : memref<20480x144xf32, #tpu.memory_space<hbm>> -> memref<640x144xf32, #tpu.memory_space<hbm>>
      %dma_wait3A_17 = arith.constant 0 : i32
      %dma_wait3A_18 = tpu.memref_slice %arg17[%mul3A_0, %dma_wait3A_17] : memref<10240x144xf32, #tpu.memory_space<vmem_shared>> -> memref<640x144xf32, #tpu.memory_space<vmem_shared>>
      tpu.wait_dma2 semaphore(%run_scoped3A : memref<!tpu.dma_semaphore, #tpu.memory_space<semaphore_mem>>) src(%dma_wait3A_18 : memref<640x144xf32, #tpu.memory_space<vmem_shared>>) dst(%dma_wait3A_16 : memref<640x144xf32, #tpu.memory_space<hbm>>)
      tpu.yield
    }) : () -> ()
    return
  }
}

#map = affine_map<(d0, d1) -> (0, 0)>
#map1 = affine_map<(d0, d1) -> (0, 0, 0)>
module attributes {stable_mosaic.version = 14 : i64} {
  func.func @_edge_body(%arg0: i32, %arg1: i32, %arg2: memref<5120x64xi32, #tpu.memory_space<hbm>>, %arg3: memref<5120x64xi32, #tpu.memory_space<hbm>>, %arg4: memref<5120x64xf32, #tpu.memory_space<hbm>>, %arg5: memref<10000x128xf32, #tpu.memory_space<hbm>>, %arg6: memref<10000x128xf32, #tpu.memory_space<hbm>>, %arg7: memref<2x128x16xf32, #tpu.memory_space<hbm>>, %arg8: memref<10240x144xf32, #tpu.memory_space<hbm>>, %arg9: memref<20480x144xf32, #tpu.memory_space<hbm>>, %arg10: memref<8x64xi32, #tpu.memory_space<vmem>>, %arg11: memref<8x64xi32, #tpu.memory_space<vmem>>, %arg12: memref<8x64xf32, #tpu.memory_space<vmem>>, %arg13: memref<64x128xf32, #tpu.memory_space<vmem>>, %arg14: memref<64x128xf32, #tpu.memory_space<vmem>>, %arg15: memref<64x144xf32, #tpu.memory_space<vmem>>, %arg16: memref<2x128x16xf32, #tpu.memory_space<vmem>>, %arg17: memref<10240x144xf32, #tpu.memory_space<vmem_shared>>, %arg18: memref<!tpu.dma_semaphore, #tpu.memory_space<semaphore_mem>>, %arg19: memref<!tpu.dma_semaphore, #tpu.memory_space<semaphore_mem>>) attributes {dimension_semantics = [#tpu.dimension_semantics<core_parallel>, #tpu.dimension_semantics<subcore_parallel>], iteration_bounds = array<i64: 2, 16>, scalar_prefetch = 0 : i64, scratch_operands = 10 : i64, tpu.core_type = #tpu.core_type<sc_vector_subcore>, window_params = [{transform_indices = #map}, {transform_indices = #map}, {transform_indices = #map}, {transform_indices = #map}, {transform_indices = #map}, {transform_indices = #map1}, {transform_indices = #map}, {transform_indices = #map}]} {
    "tpu.region"() ({
      %run_scoped3A = tpu.sem_alloc : memref<!tpu.dma_semaphore, #tpu.memory_space<semaphore_mem>>
      tpu.enqueue_dma source(%arg7 : memref<2x128x16xf32, #tpu.memory_space<hbm>>) target(%arg16 : memref<2x128x16xf32, #tpu.memory_space<vmem>>) target_semaphore(%run_scoped3A : memref<!tpu.dma_semaphore, #tpu.memory_space<semaphore_mem>>)
      tpu.wait_dma2 semaphore(%run_scoped3A : memref<!tpu.dma_semaphore, #tpu.memory_space<semaphore_mem>>) src(%arg7 : memref<2x128x16xf32, #tpu.memory_space<hbm>>) dst(%arg16 : memref<2x128x16xf32, #tpu.memory_space<vmem>>)
      tpu.yield
    }) : () -> ()
    %mul3A = arith.constant 640 : i32
    %mul3A_0 = arith.muli %arg1, %mul3A : i32
    "tpu.region"() ({
      %run_scoped3A = tpu.sem_alloc : memref<!tpu.dma_semaphore, #tpu.memory_space<semaphore_mem>>
      %dma_start3A = arith.constant 0 : i32
      %dma_start3A_13 = tpu.memref_slice %arg17[%mul3A_0, %dma_start3A] : memref<10240x144xf32, #tpu.memory_space<vmem_shared>> -> memref<640x144xf32, #tpu.memory_space<vmem_shared>>
      %dma_start3A_14 = arith.constant 0 : i32
      %dma_start3A_15 = tpu.memref_slice %arg8[%mul3A_0, %dma_start3A_14] : memref<10240x144xf32, #tpu.memory_space<hbm>> -> memref<640x144xf32, #tpu.memory_space<hbm>>
      tpu.enqueue_dma source(%dma_start3A_15 : memref<640x144xf32, #tpu.memory_space<hbm>>) target(%dma_start3A_13 : memref<640x144xf32, #tpu.memory_space<vmem_shared>>) target_semaphore(%run_scoped3A : memref<!tpu.dma_semaphore, #tpu.memory_space<semaphore_mem>>)
      %dma_wait3A = arith.constant 0 : i32
      %dma_wait3A_16 = tpu.memref_slice %arg17[%mul3A_0, %dma_wait3A] : memref<10240x144xf32, #tpu.memory_space<vmem_shared>> -> memref<640x144xf32, #tpu.memory_space<vmem_shared>>
      %dma_wait3A_17 = arith.constant 0 : i32
      %dma_wait3A_18 = tpu.memref_slice %arg8[%mul3A_0, %dma_wait3A_17] : memref<10240x144xf32, #tpu.memory_space<hbm>> -> memref<640x144xf32, #tpu.memory_space<hbm>>
      tpu.wait_dma2 semaphore(%run_scoped3A : memref<!tpu.dma_semaphore, #tpu.memory_space<semaphore_mem>>) src(%dma_wait3A_18 : memref<640x144xf32, #tpu.memory_space<hbm>>) dst(%dma_wait3A_16 : memref<640x144xf32, #tpu.memory_space<vmem_shared>>)
      tpu.yield
    }) : () -> ()
    %barrier3A = arith.constant 0 : index
    tpu.barrier barrier_id(%barrier3A)
    %mul3A_1 = arith.constant 16 : i32
    %mul3A_2 = arith.muli %arg0, %mul3A_1 : i32
    %add3A = arith.addi %mul3A_2, %arg1 : i32
    %mul3A_3 = arith.constant 160 : i32
    %mul3A_4 = arith.muli %add3A, %mul3A_3 : i32
    %iota3A = tpu.iota {dimensions = array<i32: 0>} : vector<16xi32>
    %scan3A = arith.constant 0 : i32
    %scan3A_5 = arith.constant 20 : i32
    %scan3A_6 = arith.addi %scan3A, %scan3A_5 : i32
    %scan3A_7 = arith.constant 1 : i32
    scf.for %scan3A_13 = %scan3A to %scan3A_6 step %scan3A_7  : i32 {
      %mul3A_14 = arith.constant 8 : i32
      %mul3A_15 = arith.muli %scan3A_13, %mul3A_14 : i32
      %add3A_16 = arith.addi %mul3A_4, %mul3A_15 : i32
      %multiple_of3A = tpu.assume_multiple %add3A_16, 8 : i32
      "tpu.region"() ({
        %run_scoped3A = tpu.sem_alloc : memref<!tpu.dma_semaphore, #tpu.memory_space<semaphore_mem>>
        %dma_start3A = arith.constant 0 : i32
        %dma_start3A_22 = tpu.memref_slice %arg2[%multiple_of3A, %dma_start3A] : memref<5120x64xi32, #tpu.memory_space<hbm>> -> memref<8x64xi32, #tpu.memory_space<hbm>>
        %dma_start3A_23 = arith.constant 0 : i32
        %dma_start3A_24 = tpu.memref_slice %arg2[%multiple_of3A, %dma_start3A_23] : memref<5120x64xi32, #tpu.memory_space<hbm>> -> memref<8x64xi32, #tpu.memory_space<hbm>>
        tpu.enqueue_dma source(%dma_start3A_24 : memref<8x64xi32, #tpu.memory_space<hbm>>) target(%arg10 : memref<8x64xi32, #tpu.memory_space<vmem>>) target_semaphore(%run_scoped3A : memref<!tpu.dma_semaphore, #tpu.memory_space<semaphore_mem>>)
        %dma_wait3A = arith.constant 0 : i32
        %dma_wait3A_25 = tpu.memref_slice %arg2[%multiple_of3A, %dma_wait3A] : memref<5120x64xi32, #tpu.memory_space<hbm>> -> memref<8x64xi32, #tpu.memory_space<hbm>>
        %dma_wait3A_26 = arith.constant 0 : i32
        %dma_wait3A_27 = tpu.memref_slice %arg2[%multiple_of3A, %dma_wait3A_26] : memref<5120x64xi32, #tpu.memory_space<hbm>> -> memref<8x64xi32, #tpu.memory_space<hbm>>
        tpu.wait_dma2 semaphore(%run_scoped3A : memref<!tpu.dma_semaphore, #tpu.memory_space<semaphore_mem>>) src(%dma_wait3A_27 : memref<8x64xi32, #tpu.memory_space<hbm>>) dst(%arg10 : memref<8x64xi32, #tpu.memory_space<vmem>>)
        tpu.yield
      }) : () -> ()
      "tpu.region"() ({
        %run_scoped3A = tpu.sem_alloc : memref<!tpu.dma_semaphore, #tpu.memory_space<semaphore_mem>>
        %dma_start3A = arith.constant 0 : i32
        %dma_start3A_22 = tpu.memref_slice %arg3[%multiple_of3A, %dma_start3A] : memref<5120x64xi32, #tpu.memory_space<hbm>> -> memref<8x64xi32, #tpu.memory_space<hbm>>
        %dma_start3A_23 = arith.constant 0 : i32
        %dma_start3A_24 = tpu.memref_slice %arg3[%multiple_of3A, %dma_start3A_23] : memref<5120x64xi32, #tpu.memory_space<hbm>> -> memref<8x64xi32, #tpu.memory_space<hbm>>
        tpu.enqueue_dma source(%dma_start3A_24 : memref<8x64xi32, #tpu.memory_space<hbm>>) target(%arg11 : memref<8x64xi32, #tpu.memory_space<vmem>>) target_semaphore(%run_scoped3A : memref<!tpu.dma_semaphore, #tpu.memory_space<semaphore_mem>>)
        %dma_wait3A = arith.constant 0 : i32
        %dma_wait3A_25 = tpu.memref_slice %arg3[%multiple_of3A, %dma_wait3A] : memref<5120x64xi32, #tpu.memory_space<hbm>> -> memref<8x64xi32, #tpu.memory_space<hbm>>
        %dma_wait3A_26 = arith.constant 0 : i32
        %dma_wait3A_27 = tpu.memref_slice %arg3[%multiple_of3A, %dma_wait3A_26] : memref<5120x64xi32, #tpu.memory_space<hbm>> -> memref<8x64xi32, #tpu.memory_space<hbm>>
        tpu.wait_dma2 semaphore(%run_scoped3A : memref<!tpu.dma_semaphore, #tpu.memory_space<semaphore_mem>>) src(%dma_wait3A_27 : memref<8x64xi32, #tpu.memory_space<hbm>>) dst(%arg11 : memref<8x64xi32, #tpu.memory_space<vmem>>)
        tpu.yield
      }) : () -> ()
      "tpu.region"() ({
        %run_scoped3A = tpu.sem_alloc : memref<!tpu.dma_semaphore, #tpu.memory_space<semaphore_mem>>
        %dma_start3A = arith.constant 0 : i32
        %dma_start3A_22 = tpu.memref_slice %arg4[%multiple_of3A, %dma_start3A] : memref<5120x64xf32, #tpu.memory_space<hbm>> -> memref<8x64xf32, #tpu.memory_space<hbm>>
        %dma_start3A_23 = arith.constant 0 : i32
        %dma_start3A_24 = tpu.memref_slice %arg4[%multiple_of3A, %dma_start3A_23] : memref<5120x64xf32, #tpu.memory_space<hbm>> -> memref<8x64xf32, #tpu.memory_space<hbm>>
        tpu.enqueue_dma source(%dma_start3A_24 : memref<8x64xf32, #tpu.memory_space<hbm>>) target(%arg12 : memref<8x64xf32, #tpu.memory_space<vmem>>) target_semaphore(%run_scoped3A : memref<!tpu.dma_semaphore, #tpu.memory_space<semaphore_mem>>)
        %dma_wait3A = arith.constant 0 : i32
        %dma_wait3A_25 = tpu.memref_slice %arg4[%multiple_of3A, %dma_wait3A] : memref<5120x64xf32, #tpu.memory_space<hbm>> -> memref<8x64xf32, #tpu.memory_space<hbm>>
        %dma_wait3A_26 = arith.constant 0 : i32
        %dma_wait3A_27 = tpu.memref_slice %arg4[%multiple_of3A, %dma_wait3A_26] : memref<5120x64xf32, #tpu.memory_space<hbm>> -> memref<8x64xf32, #tpu.memory_space<hbm>>
        tpu.wait_dma2 semaphore(%run_scoped3A : memref<!tpu.dma_semaphore, #tpu.memory_space<semaphore_mem>>) src(%dma_wait3A_27 : memref<8x64xf32, #tpu.memory_space<hbm>>) dst(%arg12 : memref<8x64xf32, #tpu.memory_space<vmem>>)
        tpu.yield
      }) : () -> ()
      %scan3A_17 = arith.constant 0 : i32
      %scan3A_18 = arith.constant 8 : i32
      %scan3A_19 = arith.addi %scan3A_17, %scan3A_18 : i32
      %scan3A_20 = arith.constant 1 : i32
      scf.for %scan3A_22 = %scan3A_17 to %scan3A_19 step %scan3A_20  : i32 {
        %dma_start3A = arith.constant 0 : i32
        %dma_start3A_23 = tpu.memref_slice %arg10[%scan3A_22, %dma_start3A] : memref<8x64xi32, #tpu.memory_space<vmem>> -> memref<1x64xi32, #tpu.memory_space<vmem>>
        %dma_start3A_24 = tpu.memref_squeeze %dma_start3A_23 : memref<1x64xi32, #tpu.memory_space<vmem>> -> memref<64xi32, #tpu.memory_space<vmem>>
        %dma_start3A_25 = arith.constant 0 : i32
        %dma_start3A_26 = arith.constant 0 : i32
        %dma_start3A_27 = tpu.memref_slice %arg5[%dma_start3A_25, %dma_start3A_26] : memref<10000x128xf32, #tpu.memory_space<hbm>> -> memref<10000x128xf32, #tpu.memory_space<hbm>>
        tpu.enqueue_indirect_dma source(%dma_start3A_27 : memref<10000x128xf32, #tpu.memory_space<hbm>>) target(%arg13 : memref<64x128xf32, #tpu.memory_space<vmem>>) offsets(%dma_start3A_24 : memref<64xi32, #tpu.memory_space<vmem>>) semaphore(%arg18 : memref<!tpu.dma_semaphore, #tpu.memory_space<semaphore_mem>>)
        %dma_start3A_28 = arith.constant 0 : i32
        %dma_start3A_29 = tpu.memref_slice %arg11[%scan3A_22, %dma_start3A_28] : memref<8x64xi32, #tpu.memory_space<vmem>> -> memref<1x64xi32, #tpu.memory_space<vmem>>
        %dma_start3A_30 = tpu.memref_squeeze %dma_start3A_29 : memref<1x64xi32, #tpu.memory_space<vmem>> -> memref<64xi32, #tpu.memory_space<vmem>>
        %dma_start3A_31 = arith.constant 0 : i32
        %dma_start3A_32 = arith.constant 0 : i32
        %dma_start3A_33 = tpu.memref_slice %arg6[%dma_start3A_31, %dma_start3A_32] : memref<10000x128xf32, #tpu.memory_space<hbm>> -> memref<10000x128xf32, #tpu.memory_space<hbm>>
        tpu.enqueue_indirect_dma source(%dma_start3A_33 : memref<10000x128xf32, #tpu.memory_space<hbm>>) target(%arg14 : memref<64x128xf32, #tpu.memory_space<vmem>>) offsets(%dma_start3A_30 : memref<64xi32, #tpu.memory_space<vmem>>) semaphore(%arg19 : memref<!tpu.dma_semaphore, #tpu.memory_space<semaphore_mem>>)
        %dma_wait3A = arith.constant 0 : i32
        %dma_wait3A_34 = tpu.memref_slice %arg10[%scan3A_22, %dma_wait3A] : memref<8x64xi32, #tpu.memory_space<vmem>> -> memref<1x64xi32, #tpu.memory_space<vmem>>
        %dma_wait3A_35 = tpu.memref_squeeze %dma_wait3A_34 : memref<1x64xi32, #tpu.memory_space<vmem>> -> memref<64xi32, #tpu.memory_space<vmem>>
        %dma_wait3A_36 = arith.constant 0 : i32
        %dma_wait3A_37 = arith.constant 0 : i32
        %dma_wait3A_38 = tpu.memref_slice %arg5[%dma_wait3A_36, %dma_wait3A_37] : memref<10000x128xf32, #tpu.memory_space<hbm>> -> memref<10000x128xf32, #tpu.memory_space<hbm>>
        tpu.wait_indirect_dma semaphore(%arg18 : memref<!tpu.dma_semaphore, #tpu.memory_space<semaphore_mem>>) src(%dma_wait3A_38 : memref<10000x128xf32, #tpu.memory_space<hbm>>) dst(%arg13 : memref<64x128xf32, #tpu.memory_space<vmem>>)
        %dma_wait3A_39 = arith.constant 0 : i32
        %dma_wait3A_40 = tpu.memref_slice %arg11[%scan3A_22, %dma_wait3A_39] : memref<8x64xi32, #tpu.memory_space<vmem>> -> memref<1x64xi32, #tpu.memory_space<vmem>>
        %dma_wait3A_41 = tpu.memref_squeeze %dma_wait3A_40 : memref<1x64xi32, #tpu.memory_space<vmem>> -> memref<64xi32, #tpu.memory_space<vmem>>
        %dma_wait3A_42 = arith.constant 0 : i32
        %dma_wait3A_43 = arith.constant 0 : i32
        %dma_wait3A_44 = tpu.memref_slice %arg6[%dma_wait3A_42, %dma_wait3A_43] : memref<10000x128xf32, #tpu.memory_space<hbm>> -> memref<10000x128xf32, #tpu.memory_space<hbm>>
        tpu.wait_indirect_dma semaphore(%arg19 : memref<!tpu.dma_semaphore, #tpu.memory_space<semaphore_mem>>) src(%dma_wait3A_44 : memref<10000x128xf32, #tpu.memory_space<hbm>>) dst(%arg14 : memref<64x128xf32, #tpu.memory_space<vmem>>)
        %scan3A_45 = arith.constant 0 : i32
        %scan3A_46 = arith.constant 4 : i32
        %scan3A_47 = arith.addi %scan3A_45, %scan3A_46 : i32
        %scan3A_48 = arith.constant 1 : i32
        scf.for %scan3A_50 = %scan3A_45 to %scan3A_47 step %scan3A_48  : i32 {
          %mul3A_51 = arith.constant 16 : i32
          %mul3A_52 = arith.muli %scan3A_50, %mul3A_51 : i32
          %add3A_53 = vector.broadcast %mul3A_52 : i32 to vector<16xi32>
          %add3A_54 = arith.addi %add3A_53, %iota3A : vector<16xi32>
          %mul3A_55 = arith.constant 16 : i32
          %mul3A_56 = arith.muli %scan3A_50, %mul3A_55 : i32
          %get3A = arith.index_cast %scan3A_22 : i32 to index
          %get3A_57 = arith.index_cast %mul3A_56 : i32 to index
          %get3A_58 = tpu.vector_load %arg12[%get3A, %get3A_57] {strides = array<i32>} : memref<8x64xf32, #tpu.memory_space<vmem>>, vector<16xf32>,
          %broadcast_in_dim3A = arith.constant 0.000000e+00 : f32
          %broadcast_in_dim3A_59 = vector.broadcast %broadcast_in_dim3A : f32 to vector<16xf32>
          %parallel_loop3A = arith.constant 0 : i32
          %parallel_loop3A_60 = arith.constant 32 : i32
          %parallel_loop3A_61 = arith.constant 1 : i32
          %parallel_loop3A_62:2 = scf.for %parallel_loop3A_102 = %parallel_loop3A to %parallel_loop3A_60 step %parallel_loop3A_61 iter_args(%parallel_loop3A_103 = %broadcast_in_dim3A_59, %parallel_loop3A_104 = %broadcast_in_dim3A_59) -> (vector<16xf32>, vector<16xf32>)  : i32 {
            %parallel_loop3A_105 = vector.broadcast %parallel_loop3A_102 : i32 to vector<16xi32>
            %parallel_loop3A_106 = tpu.vector_load_idx %arg13[%add3A_54, %parallel_loop3A_105] : memref<64x128xf32, #tpu.memory_space<vmem>>[vector<16xi32>, vector<16xi32>], vector<16xf32>,
            %parallel_loop3A_107 = tpu.vector_load_idx %arg14[%add3A_54, %parallel_loop3A_105] : memref<64x128xf32, #tpu.memory_space<vmem>>[vector<16xi32>, vector<16xi32>], vector<16xf32>,
            %parallel_loop3A_108 = arith.constant 0 : i32
            %parallel_loop3A_109 = arith.index_cast %parallel_loop3A_108 : i32 to index
            %parallel_loop3A_110 = arith.index_cast %parallel_loop3A_102 : i32 to index
            %parallel_loop3A_111 = arith.constant 0 : index
            %parallel_loop3A_112 = tpu.vector_load %arg16[%parallel_loop3A_109, %parallel_loop3A_110, %parallel_loop3A_111] {strides = array<i32>} : memref<2x128x16xf32, #tpu.memory_space<vmem>>, vector<16xf32>,
            %parallel_loop3A_113 = arith.constant 1 : i32
            %parallel_loop3A_114 = arith.index_cast %parallel_loop3A_113 : i32 to index
            %parallel_loop3A_115 = arith.index_cast %parallel_loop3A_102 : i32 to index
            %parallel_loop3A_116 = arith.constant 0 : index
            %parallel_loop3A_117 = tpu.vector_load %arg16[%parallel_loop3A_114, %parallel_loop3A_115, %parallel_loop3A_116] {strides = array<i32>} : memref<2x128x16xf32, #tpu.memory_space<vmem>>, vector<16xf32>,
            %parallel_loop3A_118 = arith.addf %parallel_loop3A_106, %parallel_loop3A_107 : vector<16xf32>
            %parallel_loop3A_119 = arith.mulf %get3A_58, %parallel_loop3A_112 : vector<16xf32>
            %parallel_loop3A_120 = arith.addf %parallel_loop3A_118, %parallel_loop3A_119 : vector<16xf32>
            %parallel_loop3A_121 = arith.constant 2.000000e-01 : f32
            %parallel_loop3A_122 = vector.broadcast %parallel_loop3A_121 : f32 to vector<16xf32>
            %parallel_loop3A_123 = arith.mulf %parallel_loop3A_122, %parallel_loop3A_120 : vector<16xf32>
            %parallel_loop3A_124 = arith.maximumf %parallel_loop3A_120, %parallel_loop3A_123 : vector<16xf32>
            %parallel_loop3A_125 = arith.mulf %parallel_loop3A_124, %parallel_loop3A_117 : vector<16xf32>
            %parallel_loop3A_126 = arith.addf %parallel_loop3A_103, %parallel_loop3A_125 : vector<16xf32>
            scf.yield %parallel_loop3A_104, %parallel_loop3A_126 : vector<16xf32>, vector<16xf32>
          } {sc.loop_unroll_factor = 8 : i64, sc.parallel_access}
          %add3A_63 = arith.addf %parallel_loop3A_62#0, %parallel_loop3A_62#1 : vector<16xf32>
          %exp3A = math.exp %add3A_63 : vector<16xf32>
          %parallel_loop3A_64 = arith.constant 32 : i32
          %parallel_loop3A_65 = arith.constant 64 : i32
          %parallel_loop3A_66 = arith.constant 1 : i32
          %parallel_loop3A_67:2 = scf.for %parallel_loop3A_102 = %parallel_loop3A_64 to %parallel_loop3A_65 step %parallel_loop3A_66 iter_args(%parallel_loop3A_103 = %broadcast_in_dim3A_59, %parallel_loop3A_104 = %broadcast_in_dim3A_59) -> (vector<16xf32>, vector<16xf32>)  : i32 {
            %parallel_loop3A_105 = vector.broadcast %parallel_loop3A_102 : i32 to vector<16xi32>
            %parallel_loop3A_106 = tpu.vector_load_idx %arg13[%add3A_54, %parallel_loop3A_105] : memref<64x128xf32, #tpu.memory_space<vmem>>[vector<16xi32>, vector<16xi32>], vector<16xf32>,
            %parallel_loop3A_107 = tpu.vector_load_idx %arg14[%add3A_54, %parallel_loop3A_105] : memref<64x128xf32, #tpu.memory_space<vmem>>[vector<16xi32>, vector<16xi32>], vector<16xf32>,
            %parallel_loop3A_108 = arith.constant 0 : i32
            %parallel_loop3A_109 = arith.index_cast %parallel_loop3A_108 : i32 to index
            %parallel_loop3A_110 = arith.index_cast %parallel_loop3A_102 : i32 to index
            %parallel_loop3A_111 = arith.constant 0 : index
            %parallel_loop3A_112 = tpu.vector_load %arg16[%parallel_loop3A_109, %parallel_loop3A_110, %parallel_loop3A_111] {strides = array<i32>} : memref<2x128x16xf32, #tpu.memory_space<vmem>>, vector<16xf32>,
            %parallel_loop3A_113 = arith.constant 1 : i32
            %parallel_loop3A_114 = arith.index_cast %parallel_loop3A_113 : i32 to index
            %parallel_loop3A_115 = arith.index_cast %parallel_loop3A_102 : i32 to index
            %parallel_loop3A_116 = arith.constant 0 : index
            %parallel_loop3A_117 = tpu.vector_load %arg16[%parallel_loop3A_114, %parallel_loop3A_115, %parallel_loop3A_116] {strides = array<i32>} : memref<2x128x16xf32, #tpu.memory_space<vmem>>, vector<16xf32>,
            %parallel_loop3A_118 = arith.addf %parallel_loop3A_106, %parallel_loop3A_107 : vector<16xf32>
            %parallel_loop3A_119 = arith.mulf %get3A_58, %parallel_loop3A_112 : vector<16xf32>
            %parallel_loop3A_120 = arith.addf %parallel_loop3A_118, %parallel_loop3A_119 : vector<16xf32>
            %parallel_loop3A_121 = arith.constant 2.000000e-01 : f32
            %parallel_loop3A_122 = vector.broadcast %parallel_loop3A_121 : f32 to vector<16xf32>
            %parallel_loop3A_123 = arith.mulf %parallel_loop3A_122, %parallel_loop3A_120 : vector<16xf32>
            %parallel_loop3A_124 = arith.maximumf %parallel_loop3A_120, %parallel_loop3A_123 : vector<16xf32>
            %parallel_loop3A_125 = arith.mulf %parallel_loop3A_124, %parallel_loop3A_117 : vector<16xf32>
            %parallel_loop3A_126 = arith.addf %parallel_loop3A_103, %parallel_loop3A_125 : vector<16xf32>
            scf.yield %parallel_loop3A_104, %parallel_loop3A_126 : vector<16xf32>, vector<16xf32>
          } {sc.loop_unroll_factor = 8 : i64, sc.parallel_access}
          %add3A_68 = arith.addf %parallel_loop3A_67#0, %parallel_loop3A_67#1 : vector<16xf32>
          %exp3A_69 = math.exp %add3A_68 : vector<16xf32>
          %parallel_loop3A_70 = arith.constant 64 : i32
          %parallel_loop3A_71 = arith.constant 96 : i32
          %parallel_loop3A_72 = arith.constant 1 : i32
          %parallel_loop3A_73:2 = scf.for %parallel_loop3A_102 = %parallel_loop3A_70 to %parallel_loop3A_71 step %parallel_loop3A_72 iter_args(%parallel_loop3A_103 = %broadcast_in_dim3A_59, %parallel_loop3A_104 = %broadcast_in_dim3A_59) -> (vector<16xf32>, vector<16xf32>)  : i32 {
            %parallel_loop3A_105 = vector.broadcast %parallel_loop3A_102 : i32 to vector<16xi32>
            %parallel_loop3A_106 = tpu.vector_load_idx %arg13[%add3A_54, %parallel_loop3A_105] : memref<64x128xf32, #tpu.memory_space<vmem>>[vector<16xi32>, vector<16xi32>], vector<16xf32>,
            %parallel_loop3A_107 = tpu.vector_load_idx %arg14[%add3A_54, %parallel_loop3A_105] : memref<64x128xf32, #tpu.memory_space<vmem>>[vector<16xi32>, vector<16xi32>], vector<16xf32>,
            %parallel_loop3A_108 = arith.constant 0 : i32
            %parallel_loop3A_109 = arith.index_cast %parallel_loop3A_108 : i32 to index
            %parallel_loop3A_110 = arith.index_cast %parallel_loop3A_102 : i32 to index
            %parallel_loop3A_111 = arith.constant 0 : index
            %parallel_loop3A_112 = tpu.vector_load %arg16[%parallel_loop3A_109, %parallel_loop3A_110, %parallel_loop3A_111] {strides = array<i32>} : memref<2x128x16xf32, #tpu.memory_space<vmem>>, vector<16xf32>,
            %parallel_loop3A_113 = arith.constant 1 : i32
            %parallel_loop3A_114 = arith.index_cast %parallel_loop3A_113 : i32 to index
            %parallel_loop3A_115 = arith.index_cast %parallel_loop3A_102 : i32 to index
            %parallel_loop3A_116 = arith.constant 0 : index
            %parallel_loop3A_117 = tpu.vector_load %arg16[%parallel_loop3A_114, %parallel_loop3A_115, %parallel_loop3A_116] {strides = array<i32>} : memref<2x128x16xf32, #tpu.memory_space<vmem>>, vector<16xf32>,
            %parallel_loop3A_118 = arith.addf %parallel_loop3A_106, %parallel_loop3A_107 : vector<16xf32>
            %parallel_loop3A_119 = arith.mulf %get3A_58, %parallel_loop3A_112 : vector<16xf32>
            %parallel_loop3A_120 = arith.addf %parallel_loop3A_118, %parallel_loop3A_119 : vector<16xf32>
            %parallel_loop3A_121 = arith.constant 2.000000e-01 : f32
            %parallel_loop3A_122 = vector.broadcast %parallel_loop3A_121 : f32 to vector<16xf32>
            %parallel_loop3A_123 = arith.mulf %parallel_loop3A_122, %parallel_loop3A_120 : vector<16xf32>
            %parallel_loop3A_124 = arith.maximumf %parallel_loop3A_120, %parallel_loop3A_123 : vector<16xf32>
            %parallel_loop3A_125 = arith.mulf %parallel_loop3A_124, %parallel_loop3A_117 : vector<16xf32>
            %parallel_loop3A_126 = arith.addf %parallel_loop3A_103, %parallel_loop3A_125 : vector<16xf32>
            scf.yield %parallel_loop3A_104, %parallel_loop3A_126 : vector<16xf32>, vector<16xf32>
          } {sc.loop_unroll_factor = 8 : i64, sc.parallel_access}
          %add3A_74 = arith.addf %parallel_loop3A_73#0, %parallel_loop3A_73#1 : vector<16xf32>
          %exp3A_75 = math.exp %add3A_74 : vector<16xf32>
          %parallel_loop3A_76 = arith.constant 96 : i32
          %parallel_loop3A_77 = arith.constant 128 : i32
          %parallel_loop3A_78 = arith.constant 1 : i32
          %parallel_loop3A_79:2 = scf.for %parallel_loop3A_102 = %parallel_loop3A_76 to %parallel_loop3A_77 step %parallel_loop3A_78 iter_args(%parallel_loop3A_103 = %broadcast_in_dim3A_59, %parallel_loop3A_104 = %broadcast_in_dim3A_59) -> (vector<16xf32>, vector<16xf32>)  : i32 {
            %parallel_loop3A_105 = vector.broadcast %parallel_loop3A_102 : i32 to vector<16xi32>
            %parallel_loop3A_106 = tpu.vector_load_idx %arg13[%add3A_54, %parallel_loop3A_105] : memref<64x128xf32, #tpu.memory_space<vmem>>[vector<16xi32>, vector<16xi32>], vector<16xf32>,
            %parallel_loop3A_107 = tpu.vector_load_idx %arg14[%add3A_54, %parallel_loop3A_105] : memref<64x128xf32, #tpu.memory_space<vmem>>[vector<16xi32>, vector<16xi32>], vector<16xf32>,
            %parallel_loop3A_108 = arith.constant 0 : i32
            %parallel_loop3A_109 = arith.index_cast %parallel_loop3A_108 : i32 to index
            %parallel_loop3A_110 = arith.index_cast %parallel_loop3A_102 : i32 to index
            %parallel_loop3A_111 = arith.constant 0 : index
            %parallel_loop3A_112 = tpu.vector_load %arg16[%parallel_loop3A_109, %parallel_loop3A_110, %parallel_loop3A_111] {strides = array<i32>} : memref<2x128x16xf32, #tpu.memory_space<vmem>>, vector<16xf32>,
            %parallel_loop3A_113 = arith.constant 1 : i32
            %parallel_loop3A_114 = arith.index_cast %parallel_loop3A_113 : i32 to index
            %parallel_loop3A_115 = arith.index_cast %parallel_loop3A_102 : i32 to index
            %parallel_loop3A_116 = arith.constant 0 : index
            %parallel_loop3A_117 = tpu.vector_load %arg16[%parallel_loop3A_114, %parallel_loop3A_115, %parallel_loop3A_116] {strides = array<i32>} : memref<2x128x16xf32, #tpu.memory_space<vmem>>, vector<16xf32>,
            %parallel_loop3A_118 = arith.addf %parallel_loop3A_106, %parallel_loop3A_107 : vector<16xf32>
            %parallel_loop3A_119 = arith.mulf %get3A_58, %parallel_loop3A_112 : vector<16xf32>
            %parallel_loop3A_120 = arith.addf %parallel_loop3A_118, %parallel_loop3A_119 : vector<16xf32>
            %parallel_loop3A_121 = arith.constant 2.000000e-01 : f32
            %parallel_loop3A_122 = vector.broadcast %parallel_loop3A_121 : f32 to vector<16xf32>
            %parallel_loop3A_123 = arith.mulf %parallel_loop3A_122, %parallel_loop3A_120 : vector<16xf32>
            %parallel_loop3A_124 = arith.maximumf %parallel_loop3A_120, %parallel_loop3A_123 : vector<16xf32>
            %parallel_loop3A_125 = arith.mulf %parallel_loop3A_124, %parallel_loop3A_117 : vector<16xf32>
            %parallel_loop3A_126 = arith.addf %parallel_loop3A_103, %parallel_loop3A_125 : vector<16xf32>
            scf.yield %parallel_loop3A_104, %parallel_loop3A_126 : vector<16xf32>, vector<16xf32>
          } {sc.loop_unroll_factor = 8 : i64, sc.parallel_access}
          %add3A_80 = arith.addf %parallel_loop3A_79#0, %parallel_loop3A_79#1 : vector<16xf32>
          %exp3A_81 = math.exp %add3A_80 : vector<16xf32>
          %parallel_loop3A_82 = arith.constant 0 : i32
          %parallel_loop3A_83 = arith.constant 32 : i32
          %parallel_loop3A_84 = arith.constant 1 : i32
          scf.for %parallel_loop3A_102 = %parallel_loop3A_82 to %parallel_loop3A_83 step %parallel_loop3A_84  : i32 {
            %parallel_loop3A_103 = vector.broadcast %parallel_loop3A_102 : i32 to vector<16xi32>
            %parallel_loop3A_104 = tpu.vector_load_idx %arg13[%add3A_54, %parallel_loop3A_103] : memref<64x128xf32, #tpu.memory_space<vmem>>[vector<16xi32>, vector<16xi32>], vector<16xf32>,
            %parallel_loop3A_105 = arith.mulf %parallel_loop3A_104, %exp3A : vector<16xf32>
            tpu.vector_store_idx %arg15[%add3A_54, %parallel_loop3A_103], %parallel_loop3A_105 : memref<64x144xf32, #tpu.memory_space<vmem>>[vector<16xi32>, vector<16xi32>], vector<16xf32>,
          } {sc.loop_unroll_factor = 8 : i64, sc.parallel_access}
          %broadcast_in_dim3A_85 = arith.constant 128 : i32
          %broadcast_in_dim3A_86 = vector.broadcast %broadcast_in_dim3A_85 : i32 to vector<16xi32>
          tpu.vector_store_idx %arg15[%add3A_54, %broadcast_in_dim3A_86], %exp3A : memref<64x144xf32, #tpu.memory_space<vmem>>[vector<16xi32>, vector<16xi32>], vector<16xf32>,
          %parallel_loop3A_87 = arith.constant 32 : i32
          %parallel_loop3A_88 = arith.constant 64 : i32
          %parallel_loop3A_89 = arith.constant 1 : i32
          scf.for %parallel_loop3A_102 = %parallel_loop3A_87 to %parallel_loop3A_88 step %parallel_loop3A_89  : i32 {
            %parallel_loop3A_103 = vector.broadcast %parallel_loop3A_102 : i32 to vector<16xi32>
            %parallel_loop3A_104 = tpu.vector_load_idx %arg13[%add3A_54, %parallel_loop3A_103] : memref<64x128xf32, #tpu.memory_space<vmem>>[vector<16xi32>, vector<16xi32>], vector<16xf32>,
            %parallel_loop3A_105 = arith.mulf %parallel_loop3A_104, %exp3A_69 : vector<16xf32>
            tpu.vector_store_idx %arg15[%add3A_54, %parallel_loop3A_103], %parallel_loop3A_105 : memref<64x144xf32, #tpu.memory_space<vmem>>[vector<16xi32>, vector<16xi32>], vector<16xf32>,
          } {sc.loop_unroll_factor = 8 : i64, sc.parallel_access}
          %broadcast_in_dim3A_90 = arith.constant 129 : i32
          %broadcast_in_dim3A_91 = vector.broadcast %broadcast_in_dim3A_90 : i32 to vector<16xi32>
          tpu.vector_store_idx %arg15[%add3A_54, %broadcast_in_dim3A_91], %exp3A_69 : memref<64x144xf32, #tpu.memory_space<vmem>>[vector<16xi32>, vector<16xi32>], vector<16xf32>,
          %parallel_loop3A_92 = arith.constant 64 : i32
          %parallel_loop3A_93 = arith.constant 96 : i32
          %parallel_loop3A_94 = arith.constant 1 : i32
          scf.for %parallel_loop3A_102 = %parallel_loop3A_92 to %parallel_loop3A_93 step %parallel_loop3A_94  : i32 {
            %parallel_loop3A_103 = vector.broadcast %parallel_loop3A_102 : i32 to vector<16xi32>
            %parallel_loop3A_104 = tpu.vector_load_idx %arg13[%add3A_54, %parallel_loop3A_103] : memref<64x128xf32, #tpu.memory_space<vmem>>[vector<16xi32>, vector<16xi32>], vector<16xf32>,
            %parallel_loop3A_105 = arith.mulf %parallel_loop3A_104, %exp3A_75 : vector<16xf32>
            tpu.vector_store_idx %arg15[%add3A_54, %parallel_loop3A_103], %parallel_loop3A_105 : memref<64x144xf32, #tpu.memory_space<vmem>>[vector<16xi32>, vector<16xi32>], vector<16xf32>,
          } {sc.loop_unroll_factor = 8 : i64, sc.parallel_access}
          %broadcast_in_dim3A_95 = arith.constant 130 : i32
          %broadcast_in_dim3A_96 = vector.broadcast %broadcast_in_dim3A_95 : i32 to vector<16xi32>
          tpu.vector_store_idx %arg15[%add3A_54, %broadcast_in_dim3A_96], %exp3A_75 : memref<64x144xf32, #tpu.memory_space<vmem>>[vector<16xi32>, vector<16xi32>], vector<16xf32>,
          %parallel_loop3A_97 = arith.constant 96 : i32
          %parallel_loop3A_98 = arith.constant 128 : i32
          %parallel_loop3A_99 = arith.constant 1 : i32
          scf.for %parallel_loop3A_102 = %parallel_loop3A_97 to %parallel_loop3A_98 step %parallel_loop3A_99  : i32 {
            %parallel_loop3A_103 = vector.broadcast %parallel_loop3A_102 : i32 to vector<16xi32>
            %parallel_loop3A_104 = tpu.vector_load_idx %arg13[%add3A_54, %parallel_loop3A_103] : memref<64x128xf32, #tpu.memory_space<vmem>>[vector<16xi32>, vector<16xi32>], vector<16xf32>,
            %parallel_loop3A_105 = arith.mulf %parallel_loop3A_104, %exp3A_81 : vector<16xf32>
            tpu.vector_store_idx %arg15[%add3A_54, %parallel_loop3A_103], %parallel_loop3A_105 : memref<64x144xf32, #tpu.memory_space<vmem>>[vector<16xi32>, vector<16xi32>], vector<16xf32>,
          } {sc.loop_unroll_factor = 8 : i64, sc.parallel_access}
          %broadcast_in_dim3A_100 = arith.constant 131 : i32
          %broadcast_in_dim3A_101 = vector.broadcast %broadcast_in_dim3A_100 : i32 to vector<16xi32>
          tpu.vector_store_idx %arg15[%add3A_54, %broadcast_in_dim3A_101], %exp3A_81 : memref<64x144xf32, #tpu.memory_space<vmem>>[vector<16xi32>, vector<16xi32>], vector<16xf32>,
        }
        %scan3A_49 = arith.constant 4 : i32
        "tpu.region"() ({
          %run_scoped3A = tpu.sem_alloc : memref<!tpu.dma_semaphore, #tpu.memory_space<semaphore_mem>>
          %dma_start3A_50 = arith.constant 0 : i32
          %dma_start3A_51 = tpu.memref_slice %arg11[%scan3A_22, %dma_start3A_50] : memref<8x64xi32, #tpu.memory_space<vmem>> -> memref<1x64xi32, #tpu.memory_space<vmem>>
          %dma_start3A_52 = tpu.memref_squeeze %dma_start3A_51 : memref<1x64xi32, #tpu.memory_space<vmem>> -> memref<64xi32, #tpu.memory_space<vmem>>
          %dma_start3A_53 = arith.constant 0 : i32
          %dma_start3A_54 = arith.constant 0 : i32
          %dma_start3A_55 = tpu.memref_slice %arg17[%dma_start3A_53, %dma_start3A_54] : memref<10240x144xf32, #tpu.memory_space<vmem_shared>> -> memref<10240x144xf32, #tpu.memory_space<vmem_shared>>
          tpu.enqueue_indirect_dma source(%arg15 : memref<64x144xf32, #tpu.memory_space<vmem>>) target(%dma_start3A_55 : memref<10240x144xf32, #tpu.memory_space<vmem_shared>>) offsets(%dma_start3A_52 : memref<64xi32, #tpu.memory_space<vmem>>) semaphore(%run_scoped3A : memref<!tpu.dma_semaphore, #tpu.memory_space<semaphore_mem>>) {add = true}
          %dma_wait3A_56 = arith.constant 0 : i32
          %dma_wait3A_57 = tpu.memref_slice %arg11[%scan3A_22, %dma_wait3A_56] : memref<8x64xi32, #tpu.memory_space<vmem>> -> memref<1x64xi32, #tpu.memory_space<vmem>>
          %dma_wait3A_58 = tpu.memref_squeeze %dma_wait3A_57 : memref<1x64xi32, #tpu.memory_space<vmem>> -> memref<64xi32, #tpu.memory_space<vmem>>
          %dma_wait3A_59 = arith.constant 0 : i32
          %dma_wait3A_60 = arith.constant 0 : i32
          %dma_wait3A_61 = tpu.memref_slice %arg17[%dma_wait3A_59, %dma_wait3A_60] : memref<10240x144xf32, #tpu.memory_space<vmem_shared>> -> memref<10240x144xf32, #tpu.memory_space<vmem_shared>>
          tpu.wait_indirect_dma semaphore(%run_scoped3A : memref<!tpu.dma_semaphore, #tpu.memory_space<semaphore_mem>>) src(%arg15 : memref<64x144xf32, #tpu.memory_space<vmem>>) dst(%dma_wait3A_61 : memref<10240x144xf32, #tpu.memory_space<vmem_shared>>)
          tpu.yield
        }) : () -> ()
      }
      %scan3A_21 = arith.constant 8 : i32
    }
    %scan3A_8 = arith.constant 20 : i32
    %barrier3A_9 = arith.constant 0 : index
    tpu.barrier barrier_id(%barrier3A_9)
    %mul3A_10 = arith.constant 10240 : i32
    %mul3A_11 = arith.muli %arg0, %mul3A_10 : i32
    %add3A_12 = arith.addi %mul3A_11, %mul3A_0 : i32
    "tpu.region"() ({
      %run_scoped3A = tpu.sem_alloc : memref<!tpu.dma_semaphore, #tpu.memory_space<semaphore_mem>>
      %dma_start3A = arith.constant 0 : i32
      %dma_start3A_13 = tpu.memref_slice %arg9[%add3A_12, %dma_start3A] : memref<20480x144xf32, #tpu.memory_space<hbm>> -> memref<640x144xf32, #tpu.memory_space<hbm>>
      %dma_start3A_14 = arith.constant 0 : i32
      %dma_start3A_15 = tpu.memref_slice %arg17[%mul3A_0, %dma_start3A_14] : memref<10240x144xf32, #tpu.memory_space<vmem_shared>> -> memref<640x144xf32, #tpu.memory_space<vmem_shared>>
      tpu.enqueue_dma source(%dma_start3A_15 : memref<640x144xf32, #tpu.memory_space<vmem_shared>>) target(%dma_start3A_13 : memref<640x144xf32, #tpu.memory_space<hbm>>) target_semaphore(%run_scoped3A : memref<!tpu.dma_semaphore, #tpu.memory_space<semaphore_mem>>)
      %dma_wait3A = arith.constant 0 : i32
      %dma_wait3A_16 = tpu.memref_slice %arg9[%add3A_12, %dma_wait3A] : memref<20480x144xf32, #tpu.memory_space<hbm>> -> memref<640x144xf32, #tpu.memory_space<hbm>>
      %dma_wait3A_17 = arith.constant 0 : i32
      %dma_wait3A_18 = tpu.memref_slice %arg17[%mul3A_0, %dma_wait3A_17] : memref<10240x144xf32, #tpu.memory_space<vmem_shared>> -> memref<640x144xf32, #tpu.memory_space<vmem_shared>>
      tpu.wait_dma2 semaphore(%run_scoped3A : memref<!tpu.dma_semaphore, #tpu.memory_space<semaphore_mem>>) src(%dma_wait3A_18 : memref<640x144xf32, #tpu.memory_space<vmem_shared>>) dst(%dma_wait3A_16 : memref<640x144xf32, #tpu.memory_space<hbm>>)
      tpu.yield
    }) : () -> ()
    return
  }
}

#map = affine_map<(d0, d1) -> (0, 0)>
#map1 = affine_map<(d0, d1) -> (0, 0, 0)>
module attributes {stable_mosaic.version = 14 : i64} {
  func.func @_edge_body(%arg0: i32, %arg1: i32, %arg2: memref<5120x64xi32, #tpu.memory_space<hbm>>, %arg3: memref<5120x64xi32, #tpu.memory_space<hbm>>, %arg4: memref<5120x64xf32, #tpu.memory_space<hbm>>, %arg5: memref<10000x32xf32, #tpu.memory_space<hbm>>, %arg6: memref<10000x32xf32, #tpu.memory_space<hbm>>, %arg7: memref<2x32x16xf32, #tpu.memory_space<hbm>>, %arg8: memref<10240x48xf32, #tpu.memory_space<hbm>>, %arg9: memref<20480x48xf32, #tpu.memory_space<hbm>>, %arg10: memref<8x64xi32, #tpu.memory_space<vmem>>, %arg11: memref<8x64xi32, #tpu.memory_space<vmem>>, %arg12: memref<8x64xf32, #tpu.memory_space<vmem>>, %arg13: memref<64x32xf32, #tpu.memory_space<vmem>>, %arg14: memref<64x32xf32, #tpu.memory_space<vmem>>, %arg15: memref<64x48xf32, #tpu.memory_space<vmem>>, %arg16: memref<2x32x16xf32, #tpu.memory_space<vmem>>, %arg17: memref<10240x48xf32, #tpu.memory_space<vmem_shared>>, %arg18: memref<!tpu.dma_semaphore, #tpu.memory_space<semaphore_mem>>, %arg19: memref<!tpu.dma_semaphore, #tpu.memory_space<semaphore_mem>>) attributes {dimension_semantics = [#tpu.dimension_semantics<core_parallel>, #tpu.dimension_semantics<subcore_parallel>], iteration_bounds = array<i64: 2, 16>, scalar_prefetch = 0 : i64, scratch_operands = 10 : i64, tpu.core_type = #tpu.core_type<sc_vector_subcore>, window_params = [{transform_indices = #map}, {transform_indices = #map}, {transform_indices = #map}, {transform_indices = #map}, {transform_indices = #map}, {transform_indices = #map1}, {transform_indices = #map}, {transform_indices = #map}]} {
    "tpu.region"() ({
      %run_scoped3A = tpu.sem_alloc : memref<!tpu.dma_semaphore, #tpu.memory_space<semaphore_mem>>
      tpu.enqueue_dma source(%arg7 : memref<2x32x16xf32, #tpu.memory_space<hbm>>) target(%arg16 : memref<2x32x16xf32, #tpu.memory_space<vmem>>) target_semaphore(%run_scoped3A : memref<!tpu.dma_semaphore, #tpu.memory_space<semaphore_mem>>)
      tpu.wait_dma2 semaphore(%run_scoped3A : memref<!tpu.dma_semaphore, #tpu.memory_space<semaphore_mem>>) src(%arg7 : memref<2x32x16xf32, #tpu.memory_space<hbm>>) dst(%arg16 : memref<2x32x16xf32, #tpu.memory_space<vmem>>)
      tpu.yield
    }) : () -> ()
    %mul3A = arith.constant 640 : i32
    %mul3A_0 = arith.muli %arg1, %mul3A : i32
    "tpu.region"() ({
      %run_scoped3A = tpu.sem_alloc : memref<!tpu.dma_semaphore, #tpu.memory_space<semaphore_mem>>
      %dma_start3A = arith.constant 0 : i32
      %dma_start3A_13 = tpu.memref_slice %arg17[%mul3A_0, %dma_start3A] : memref<10240x48xf32, #tpu.memory_space<vmem_shared>> -> memref<640x48xf32, #tpu.memory_space<vmem_shared>>
      %dma_start3A_14 = arith.constant 0 : i32
      %dma_start3A_15 = tpu.memref_slice %arg8[%mul3A_0, %dma_start3A_14] : memref<10240x48xf32, #tpu.memory_space<hbm>> -> memref<640x48xf32, #tpu.memory_space<hbm>>
      tpu.enqueue_dma source(%dma_start3A_15 : memref<640x48xf32, #tpu.memory_space<hbm>>) target(%dma_start3A_13 : memref<640x48xf32, #tpu.memory_space<vmem_shared>>) target_semaphore(%run_scoped3A : memref<!tpu.dma_semaphore, #tpu.memory_space<semaphore_mem>>)
      %dma_wait3A = arith.constant 0 : i32
      %dma_wait3A_16 = tpu.memref_slice %arg17[%mul3A_0, %dma_wait3A] : memref<10240x48xf32, #tpu.memory_space<vmem_shared>> -> memref<640x48xf32, #tpu.memory_space<vmem_shared>>
      %dma_wait3A_17 = arith.constant 0 : i32
      %dma_wait3A_18 = tpu.memref_slice %arg8[%mul3A_0, %dma_wait3A_17] : memref<10240x48xf32, #tpu.memory_space<hbm>> -> memref<640x48xf32, #tpu.memory_space<hbm>>
      tpu.wait_dma2 semaphore(%run_scoped3A : memref<!tpu.dma_semaphore, #tpu.memory_space<semaphore_mem>>) src(%dma_wait3A_18 : memref<640x48xf32, #tpu.memory_space<hbm>>) dst(%dma_wait3A_16 : memref<640x48xf32, #tpu.memory_space<vmem_shared>>)
      tpu.yield
    }) : () -> ()
    %barrier3A = arith.constant 0 : index
    tpu.barrier barrier_id(%barrier3A)
    %mul3A_1 = arith.constant 16 : i32
    %mul3A_2 = arith.muli %arg0, %mul3A_1 : i32
    %add3A = arith.addi %mul3A_2, %arg1 : i32
    %mul3A_3 = arith.constant 160 : i32
    %mul3A_4 = arith.muli %add3A, %mul3A_3 : i32
    %iota3A = tpu.iota {dimensions = array<i32: 0>} : vector<16xi32>
    %scan3A = arith.constant 0 : i32
    %scan3A_5 = arith.constant 20 : i32
    %scan3A_6 = arith.addi %scan3A, %scan3A_5 : i32
    %scan3A_7 = arith.constant 1 : i32
    scf.for %scan3A_13 = %scan3A to %scan3A_6 step %scan3A_7  : i32 {
      %mul3A_14 = arith.constant 8 : i32
      %mul3A_15 = arith.muli %scan3A_13, %mul3A_14 : i32
      %add3A_16 = arith.addi %mul3A_4, %mul3A_15 : i32
      %multiple_of3A = tpu.assume_multiple %add3A_16, 8 : i32
      "tpu.region"() ({
        %run_scoped3A = tpu.sem_alloc : memref<!tpu.dma_semaphore, #tpu.memory_space<semaphore_mem>>
        %dma_start3A = arith.constant 0 : i32
        %dma_start3A_22 = tpu.memref_slice %arg2[%multiple_of3A, %dma_start3A] : memref<5120x64xi32, #tpu.memory_space<hbm>> -> memref<8x64xi32, #tpu.memory_space<hbm>>
        %dma_start3A_23 = arith.constant 0 : i32
        %dma_start3A_24 = tpu.memref_slice %arg2[%multiple_of3A, %dma_start3A_23] : memref<5120x64xi32, #tpu.memory_space<hbm>> -> memref<8x64xi32, #tpu.memory_space<hbm>>
        tpu.enqueue_dma source(%dma_start3A_24 : memref<8x64xi32, #tpu.memory_space<hbm>>) target(%arg10 : memref<8x64xi32, #tpu.memory_space<vmem>>) target_semaphore(%run_scoped3A : memref<!tpu.dma_semaphore, #tpu.memory_space<semaphore_mem>>)
        %dma_wait3A = arith.constant 0 : i32
        %dma_wait3A_25 = tpu.memref_slice %arg2[%multiple_of3A, %dma_wait3A] : memref<5120x64xi32, #tpu.memory_space<hbm>> -> memref<8x64xi32, #tpu.memory_space<hbm>>
        %dma_wait3A_26 = arith.constant 0 : i32
        %dma_wait3A_27 = tpu.memref_slice %arg2[%multiple_of3A, %dma_wait3A_26] : memref<5120x64xi32, #tpu.memory_space<hbm>> -> memref<8x64xi32, #tpu.memory_space<hbm>>
        tpu.wait_dma2 semaphore(%run_scoped3A : memref<!tpu.dma_semaphore, #tpu.memory_space<semaphore_mem>>) src(%dma_wait3A_27 : memref<8x64xi32, #tpu.memory_space<hbm>>) dst(%arg10 : memref<8x64xi32, #tpu.memory_space<vmem>>)
        tpu.yield
      }) : () -> ()
      "tpu.region"() ({
        %run_scoped3A = tpu.sem_alloc : memref<!tpu.dma_semaphore, #tpu.memory_space<semaphore_mem>>
        %dma_start3A = arith.constant 0 : i32
        %dma_start3A_22 = tpu.memref_slice %arg3[%multiple_of3A, %dma_start3A] : memref<5120x64xi32, #tpu.memory_space<hbm>> -> memref<8x64xi32, #tpu.memory_space<hbm>>
        %dma_start3A_23 = arith.constant 0 : i32
        %dma_start3A_24 = tpu.memref_slice %arg3[%multiple_of3A, %dma_start3A_23] : memref<5120x64xi32, #tpu.memory_space<hbm>> -> memref<8x64xi32, #tpu.memory_space<hbm>>
        tpu.enqueue_dma source(%dma_start3A_24 : memref<8x64xi32, #tpu.memory_space<hbm>>) target(%arg11 : memref<8x64xi32, #tpu.memory_space<vmem>>) target_semaphore(%run_scoped3A : memref<!tpu.dma_semaphore, #tpu.memory_space<semaphore_mem>>)
        %dma_wait3A = arith.constant 0 : i32
        %dma_wait3A_25 = tpu.memref_slice %arg3[%multiple_of3A, %dma_wait3A] : memref<5120x64xi32, #tpu.memory_space<hbm>> -> memref<8x64xi32, #tpu.memory_space<hbm>>
        %dma_wait3A_26 = arith.constant 0 : i32
        %dma_wait3A_27 = tpu.memref_slice %arg3[%multiple_of3A, %dma_wait3A_26] : memref<5120x64xi32, #tpu.memory_space<hbm>> -> memref<8x64xi32, #tpu.memory_space<hbm>>
        tpu.wait_dma2 semaphore(%run_scoped3A : memref<!tpu.dma_semaphore, #tpu.memory_space<semaphore_mem>>) src(%dma_wait3A_27 : memref<8x64xi32, #tpu.memory_space<hbm>>) dst(%arg11 : memref<8x64xi32, #tpu.memory_space<vmem>>)
        tpu.yield
      }) : () -> ()
      "tpu.region"() ({
        %run_scoped3A = tpu.sem_alloc : memref<!tpu.dma_semaphore, #tpu.memory_space<semaphore_mem>>
        %dma_start3A = arith.constant 0 : i32
        %dma_start3A_22 = tpu.memref_slice %arg4[%multiple_of3A, %dma_start3A] : memref<5120x64xf32, #tpu.memory_space<hbm>> -> memref<8x64xf32, #tpu.memory_space<hbm>>
        %dma_start3A_23 = arith.constant 0 : i32
        %dma_start3A_24 = tpu.memref_slice %arg4[%multiple_of3A, %dma_start3A_23] : memref<5120x64xf32, #tpu.memory_space<hbm>> -> memref<8x64xf32, #tpu.memory_space<hbm>>
        tpu.enqueue_dma source(%dma_start3A_24 : memref<8x64xf32, #tpu.memory_space<hbm>>) target(%arg12 : memref<8x64xf32, #tpu.memory_space<vmem>>) target_semaphore(%run_scoped3A : memref<!tpu.dma_semaphore, #tpu.memory_space<semaphore_mem>>)
        %dma_wait3A = arith.constant 0 : i32
        %dma_wait3A_25 = tpu.memref_slice %arg4[%multiple_of3A, %dma_wait3A] : memref<5120x64xf32, #tpu.memory_space<hbm>> -> memref<8x64xf32, #tpu.memory_space<hbm>>
        %dma_wait3A_26 = arith.constant 0 : i32
        %dma_wait3A_27 = tpu.memref_slice %arg4[%multiple_of3A, %dma_wait3A_26] : memref<5120x64xf32, #tpu.memory_space<hbm>> -> memref<8x64xf32, #tpu.memory_space<hbm>>
        tpu.wait_dma2 semaphore(%run_scoped3A : memref<!tpu.dma_semaphore, #tpu.memory_space<semaphore_mem>>) src(%dma_wait3A_27 : memref<8x64xf32, #tpu.memory_space<hbm>>) dst(%arg12 : memref<8x64xf32, #tpu.memory_space<vmem>>)
        tpu.yield
      }) : () -> ()
      %scan3A_17 = arith.constant 0 : i32
      %scan3A_18 = arith.constant 8 : i32
      %scan3A_19 = arith.addi %scan3A_17, %scan3A_18 : i32
      %scan3A_20 = arith.constant 1 : i32
      scf.for %scan3A_22 = %scan3A_17 to %scan3A_19 step %scan3A_20  : i32 {
        %dma_start3A = arith.constant 0 : i32
        %dma_start3A_23 = tpu.memref_slice %arg10[%scan3A_22, %dma_start3A] : memref<8x64xi32, #tpu.memory_space<vmem>> -> memref<1x64xi32, #tpu.memory_space<vmem>>
        %dma_start3A_24 = tpu.memref_squeeze %dma_start3A_23 : memref<1x64xi32, #tpu.memory_space<vmem>> -> memref<64xi32, #tpu.memory_space<vmem>>
        %dma_start3A_25 = arith.constant 0 : i32
        %dma_start3A_26 = arith.constant 0 : i32
        %dma_start3A_27 = tpu.memref_slice %arg5[%dma_start3A_25, %dma_start3A_26] : memref<10000x32xf32, #tpu.memory_space<hbm>> -> memref<10000x32xf32, #tpu.memory_space<hbm>>
        tpu.enqueue_indirect_dma source(%dma_start3A_27 : memref<10000x32xf32, #tpu.memory_space<hbm>>) target(%arg13 : memref<64x32xf32, #tpu.memory_space<vmem>>) offsets(%dma_start3A_24 : memref<64xi32, #tpu.memory_space<vmem>>) semaphore(%arg18 : memref<!tpu.dma_semaphore, #tpu.memory_space<semaphore_mem>>)
        %dma_start3A_28 = arith.constant 0 : i32
        %dma_start3A_29 = tpu.memref_slice %arg11[%scan3A_22, %dma_start3A_28] : memref<8x64xi32, #tpu.memory_space<vmem>> -> memref<1x64xi32, #tpu.memory_space<vmem>>
        %dma_start3A_30 = tpu.memref_squeeze %dma_start3A_29 : memref<1x64xi32, #tpu.memory_space<vmem>> -> memref<64xi32, #tpu.memory_space<vmem>>
        %dma_start3A_31 = arith.constant 0 : i32
        %dma_start3A_32 = arith.constant 0 : i32
        %dma_start3A_33 = tpu.memref_slice %arg6[%dma_start3A_31, %dma_start3A_32] : memref<10000x32xf32, #tpu.memory_space<hbm>> -> memref<10000x32xf32, #tpu.memory_space<hbm>>
        tpu.enqueue_indirect_dma source(%dma_start3A_33 : memref<10000x32xf32, #tpu.memory_space<hbm>>) target(%arg14 : memref<64x32xf32, #tpu.memory_space<vmem>>) offsets(%dma_start3A_30 : memref<64xi32, #tpu.memory_space<vmem>>) semaphore(%arg19 : memref<!tpu.dma_semaphore, #tpu.memory_space<semaphore_mem>>)
        %dma_wait3A = arith.constant 0 : i32
        %dma_wait3A_34 = tpu.memref_slice %arg10[%scan3A_22, %dma_wait3A] : memref<8x64xi32, #tpu.memory_space<vmem>> -> memref<1x64xi32, #tpu.memory_space<vmem>>
        %dma_wait3A_35 = tpu.memref_squeeze %dma_wait3A_34 : memref<1x64xi32, #tpu.memory_space<vmem>> -> memref<64xi32, #tpu.memory_space<vmem>>
        %dma_wait3A_36 = arith.constant 0 : i32
        %dma_wait3A_37 = arith.constant 0 : i32
        %dma_wait3A_38 = tpu.memref_slice %arg5[%dma_wait3A_36, %dma_wait3A_37] : memref<10000x32xf32, #tpu.memory_space<hbm>> -> memref<10000x32xf32, #tpu.memory_space<hbm>>
        tpu.wait_indirect_dma semaphore(%arg18 : memref<!tpu.dma_semaphore, #tpu.memory_space<semaphore_mem>>) src(%dma_wait3A_38 : memref<10000x32xf32, #tpu.memory_space<hbm>>) dst(%arg13 : memref<64x32xf32, #tpu.memory_space<vmem>>)
        %dma_wait3A_39 = arith.constant 0 : i32
        %dma_wait3A_40 = tpu.memref_slice %arg11[%scan3A_22, %dma_wait3A_39] : memref<8x64xi32, #tpu.memory_space<vmem>> -> memref<1x64xi32, #tpu.memory_space<vmem>>
        %dma_wait3A_41 = tpu.memref_squeeze %dma_wait3A_40 : memref<1x64xi32, #tpu.memory_space<vmem>> -> memref<64xi32, #tpu.memory_space<vmem>>
        %dma_wait3A_42 = arith.constant 0 : i32
        %dma_wait3A_43 = arith.constant 0 : i32
        %dma_wait3A_44 = tpu.memref_slice %arg6[%dma_wait3A_42, %dma_wait3A_43] : memref<10000x32xf32, #tpu.memory_space<hbm>> -> memref<10000x32xf32, #tpu.memory_space<hbm>>
        tpu.wait_indirect_dma semaphore(%arg19 : memref<!tpu.dma_semaphore, #tpu.memory_space<semaphore_mem>>) src(%dma_wait3A_44 : memref<10000x32xf32, #tpu.memory_space<hbm>>) dst(%arg14 : memref<64x32xf32, #tpu.memory_space<vmem>>)
        %scan3A_45 = arith.constant 0 : i32
        %scan3A_46 = arith.constant 4 : i32
        %scan3A_47 = arith.addi %scan3A_45, %scan3A_46 : i32
        %scan3A_48 = arith.constant 1 : i32
        scf.for %scan3A_50 = %scan3A_45 to %scan3A_47 step %scan3A_48  : i32 {
          %mul3A_51 = arith.constant 16 : i32
          %mul3A_52 = arith.muli %scan3A_50, %mul3A_51 : i32
          %add3A_53 = vector.broadcast %mul3A_52 : i32 to vector<16xi32>
          %add3A_54 = arith.addi %add3A_53, %iota3A : vector<16xi32>
          %mul3A_55 = arith.constant 16 : i32
          %mul3A_56 = arith.muli %scan3A_50, %mul3A_55 : i32
          %get3A = arith.index_cast %scan3A_22 : i32 to index
          %get3A_57 = arith.index_cast %mul3A_56 : i32 to index
          %get3A_58 = tpu.vector_load %arg12[%get3A, %get3A_57] {strides = array<i32>} : memref<8x64xf32, #tpu.memory_space<vmem>>, vector<16xf32>,
          %broadcast_in_dim3A = arith.constant 0.000000e+00 : f32
          %broadcast_in_dim3A_59 = vector.broadcast %broadcast_in_dim3A : f32 to vector<16xf32>
          %parallel_loop3A = arith.constant 0 : i32
          %parallel_loop3A_60 = arith.constant 32 : i32
          %parallel_loop3A_61 = arith.constant 1 : i32
          %parallel_loop3A_62:2 = scf.for %parallel_loop3A_69 = %parallel_loop3A to %parallel_loop3A_60 step %parallel_loop3A_61 iter_args(%parallel_loop3A_70 = %broadcast_in_dim3A_59, %parallel_loop3A_71 = %broadcast_in_dim3A_59) -> (vector<16xf32>, vector<16xf32>)  : i32 {
            %parallel_loop3A_72 = vector.broadcast %parallel_loop3A_69 : i32 to vector<16xi32>
            %parallel_loop3A_73 = tpu.vector_load_idx %arg13[%add3A_54, %parallel_loop3A_72] : memref<64x32xf32, #tpu.memory_space<vmem>>[vector<16xi32>, vector<16xi32>], vector<16xf32>,
            %parallel_loop3A_74 = tpu.vector_load_idx %arg14[%add3A_54, %parallel_loop3A_72] : memref<64x32xf32, #tpu.memory_space<vmem>>[vector<16xi32>, vector<16xi32>], vector<16xf32>,
            %parallel_loop3A_75 = arith.constant 0 : i32
            %parallel_loop3A_76 = arith.index_cast %parallel_loop3A_75 : i32 to index
            %parallel_loop3A_77 = arith.index_cast %parallel_loop3A_69 : i32 to index
            %parallel_loop3A_78 = arith.constant 0 : index
            %parallel_loop3A_79 = tpu.vector_load %arg16[%parallel_loop3A_76, %parallel_loop3A_77, %parallel_loop3A_78] {strides = array<i32>} : memref<2x32x16xf32, #tpu.memory_space<vmem>>, vector<16xf32>,
            %parallel_loop3A_80 = arith.constant 1 : i32
            %parallel_loop3A_81 = arith.index_cast %parallel_loop3A_80 : i32 to index
            %parallel_loop3A_82 = arith.index_cast %parallel_loop3A_69 : i32 to index
            %parallel_loop3A_83 = arith.constant 0 : index
            %parallel_loop3A_84 = tpu.vector_load %arg16[%parallel_loop3A_81, %parallel_loop3A_82, %parallel_loop3A_83] {strides = array<i32>} : memref<2x32x16xf32, #tpu.memory_space<vmem>>, vector<16xf32>,
            %parallel_loop3A_85 = arith.addf %parallel_loop3A_73, %parallel_loop3A_74 : vector<16xf32>
            %parallel_loop3A_86 = arith.mulf %get3A_58, %parallel_loop3A_79 : vector<16xf32>
            %parallel_loop3A_87 = arith.addf %parallel_loop3A_85, %parallel_loop3A_86 : vector<16xf32>
            %parallel_loop3A_88 = arith.constant 2.000000e-01 : f32
            %parallel_loop3A_89 = vector.broadcast %parallel_loop3A_88 : f32 to vector<16xf32>
            %parallel_loop3A_90 = arith.mulf %parallel_loop3A_89, %parallel_loop3A_87 : vector<16xf32>
            %parallel_loop3A_91 = arith.maximumf %parallel_loop3A_87, %parallel_loop3A_90 : vector<16xf32>
            %parallel_loop3A_92 = arith.mulf %parallel_loop3A_91, %parallel_loop3A_84 : vector<16xf32>
            %parallel_loop3A_93 = arith.addf %parallel_loop3A_70, %parallel_loop3A_92 : vector<16xf32>
            scf.yield %parallel_loop3A_71, %parallel_loop3A_93 : vector<16xf32>, vector<16xf32>
          } {sc.loop_unroll_factor = 8 : i64, sc.parallel_access}
          %add3A_63 = arith.addf %parallel_loop3A_62#0, %parallel_loop3A_62#1 : vector<16xf32>
          %exp3A = math.exp %add3A_63 : vector<16xf32>
          %parallel_loop3A_64 = arith.constant 0 : i32
          %parallel_loop3A_65 = arith.constant 32 : i32
          %parallel_loop3A_66 = arith.constant 1 : i32
          scf.for %parallel_loop3A_69 = %parallel_loop3A_64 to %parallel_loop3A_65 step %parallel_loop3A_66  : i32 {
            %parallel_loop3A_70 = vector.broadcast %parallel_loop3A_69 : i32 to vector<16xi32>
            %parallel_loop3A_71 = tpu.vector_load_idx %arg13[%add3A_54, %parallel_loop3A_70] : memref<64x32xf32, #tpu.memory_space<vmem>>[vector<16xi32>, vector<16xi32>], vector<16xf32>,
            %parallel_loop3A_72 = arith.mulf %parallel_loop3A_71, %exp3A : vector<16xf32>
            tpu.vector_store_idx %arg15[%add3A_54, %parallel_loop3A_70], %parallel_loop3A_72 : memref<64x48xf32, #tpu.memory_space<vmem>>[vector<16xi32>, vector<16xi32>], vector<16xf32>,
          } {sc.loop_unroll_factor = 8 : i64, sc.parallel_access}
          %broadcast_in_dim3A_67 = arith.constant 32 : i32
          %broadcast_in_dim3A_68 = vector.broadcast %broadcast_in_dim3A_67 : i32 to vector<16xi32>
          tpu.vector_store_idx %arg15[%add3A_54, %broadcast_in_dim3A_68], %exp3A : memref<64x48xf32, #tpu.memory_space<vmem>>[vector<16xi32>, vector<16xi32>], vector<16xf32>,
        }
        %scan3A_49 = arith.constant 4 : i32
        "tpu.region"() ({
          %run_scoped3A = tpu.sem_alloc : memref<!tpu.dma_semaphore, #tpu.memory_space<semaphore_mem>>
          %dma_start3A_50 = arith.constant 0 : i32
          %dma_start3A_51 = tpu.memref_slice %arg11[%scan3A_22, %dma_start3A_50] : memref<8x64xi32, #tpu.memory_space<vmem>> -> memref<1x64xi32, #tpu.memory_space<vmem>>
          %dma_start3A_52 = tpu.memref_squeeze %dma_start3A_51 : memref<1x64xi32, #tpu.memory_space<vmem>> -> memref<64xi32, #tpu.memory_space<vmem>>
          %dma_start3A_53 = arith.constant 0 : i32
          %dma_start3A_54 = arith.constant 0 : i32
          %dma_start3A_55 = tpu.memref_slice %arg17[%dma_start3A_53, %dma_start3A_54] : memref<10240x48xf32, #tpu.memory_space<vmem_shared>> -> memref<10240x48xf32, #tpu.memory_space<vmem_shared>>
          tpu.enqueue_indirect_dma source(%arg15 : memref<64x48xf32, #tpu.memory_space<vmem>>) target(%dma_start3A_55 : memref<10240x48xf32, #tpu.memory_space<vmem_shared>>) offsets(%dma_start3A_52 : memref<64xi32, #tpu.memory_space<vmem>>) semaphore(%run_scoped3A : memref<!tpu.dma_semaphore, #tpu.memory_space<semaphore_mem>>) {add = true}
          %dma_wait3A_56 = arith.constant 0 : i32
          %dma_wait3A_57 = tpu.memref_slice %arg11[%scan3A_22, %dma_wait3A_56] : memref<8x64xi32, #tpu.memory_space<vmem>> -> memref<1x64xi32, #tpu.memory_space<vmem>>
          %dma_wait3A_58 = tpu.memref_squeeze %dma_wait3A_57 : memref<1x64xi32, #tpu.memory_space<vmem>> -> memref<64xi32, #tpu.memory_space<vmem>>
          %dma_wait3A_59 = arith.constant 0 : i32
          %dma_wait3A_60 = arith.constant 0 : i32
          %dma_wait3A_61 = tpu.memref_slice %arg17[%dma_wait3A_59, %dma_wait3A_60] : memref<10240x48xf32, #tpu.memory_space<vmem_shared>> -> memref<10240x48xf32, #tpu.memory_space<vmem_shared>>
          tpu.wait_indirect_dma semaphore(%run_scoped3A : memref<!tpu.dma_semaphore, #tpu.memory_space<semaphore_mem>>) src(%arg15 : memref<64x48xf32, #tpu.memory_space<vmem>>) dst(%dma_wait3A_61 : memref<10240x48xf32, #tpu.memory_space<vmem_shared>>)
          tpu.yield
        }) : () -> ()
      }
      %scan3A_21 = arith.constant 8 : i32
    }
    %scan3A_8 = arith.constant 20 : i32
    %barrier3A_9 = arith.constant 0 : index
    tpu.barrier barrier_id(%barrier3A_9)
    %mul3A_10 = arith.constant 10240 : i32
    %mul3A_11 = arith.muli %arg0, %mul3A_10 : i32
    %add3A_12 = arith.addi %mul3A_11, %mul3A_0 : i32
    "tpu.region"() ({
      %run_scoped3A = tpu.sem_alloc : memref<!tpu.dma_semaphore, #tpu.memory_space<semaphore_mem>>
      %dma_start3A = arith.constant 0 : i32
      %dma_start3A_13 = tpu.memref_slice %arg9[%add3A_12, %dma_start3A] : memref<20480x48xf32, #tpu.memory_space<hbm>> -> memref<640x48xf32, #tpu.memory_space<hbm>>
      %dma_start3A_14 = arith.constant 0 : i32
      %dma_start3A_15 = tpu.memref_slice %arg17[%mul3A_0, %dma_start3A_14] : memref<10240x48xf32, #tpu.memory_space<vmem_shared>> -> memref<640x48xf32, #tpu.memory_space<vmem_shared>>
      tpu.enqueue_dma source(%dma_start3A_15 : memref<640x48xf32, #tpu.memory_space<vmem_shared>>) target(%dma_start3A_13 : memref<640x48xf32, #tpu.memory_space<hbm>>) target_semaphore(%run_scoped3A : memref<!tpu.dma_semaphore, #tpu.memory_space<semaphore_mem>>)
      %dma_wait3A = arith.constant 0 : i32
      %dma_wait3A_16 = tpu.memref_slice %arg9[%add3A_12, %dma_wait3A] : memref<20480x48xf32, #tpu.memory_space<hbm>> -> memref<640x48xf32, #tpu.memory_space<hbm>>
      %dma_wait3A_17 = arith.constant 0 : i32
      %dma_wait3A_18 = tpu.memref_slice %arg17[%mul3A_0, %dma_wait3A_17] : memref<10240x48xf32, #tpu.memory_space<vmem_shared>> -> memref<640x48xf32, #tpu.memory_space<vmem_shared>>
      tpu.wait_dma2 semaphore(%run_scoped3A : memref<!tpu.dma_semaphore, #tpu.memory_space<semaphore_mem>>) src(%dma_wait3A_18 : memref<640x48xf32, #tpu.memory_space<vmem_shared>>) dst(%dma_wait3A_16 : memref<640x48xf32, #tpu.memory_space<hbm>>)
      tpu.yield
    }) : () -> ()
    return
  }
}

module attributes {stable_mosaic.version = 14 : i64} {
  func.func @_dense_proj_kernel(%arg0: memref<10000x128xf32, #tpu.memory_space<vmem>>, %arg1: memref<128x128xf32, #tpu.memory_space<vmem>>, %arg2: memref<1x128xf32, #tpu.memory_space<vmem>>, %arg3: memref<128x128xf32, #tpu.memory_space<vmem>>, %arg4: memref<1x128xf32, #tpu.memory_space<vmem>>, %arg5: memref<10000x128xf32, #tpu.memory_space<vmem>>, %arg6: memref<10000x128xf32, #tpu.memory_space<vmem>>) attributes {dimension_semantics = [], scalar_prefetch = 0 : i64, scratch_operands = 0 : i64, tpu.core_type = #tpu.core_type<tc>} {
    %get3A = arith.constant 0 : index
    %get3A_0 = arith.constant 0 : index
    %get3A_1 = vector.load %arg0[%get3A, %get3A_0] : memref<10000x128xf32, #tpu.memory_space<vmem>>, vector<10000x128xf32>
    %get3A_2 = arith.constant 0 : index
    %get3A_3 = arith.constant 0 : index
    %get3A_4 = vector.load %arg1[%get3A_2, %get3A_3] : memref<128x128xf32, #tpu.memory_space<vmem>>, vector<128x128xf32>
    %dot_general3A = arith.constant dense<0.000000e+00> : vector<10000x128xf32>
    %dot_general3A_5 = tpu.matmul %get3A_1, %get3A_4, %dot_general3A {dimension_numbers = #tpu.dot_dimension_numbers<[1], [0], [0], [1], [0, 0, 1, 1], [], []>, transpose_lhs_hint = false} : vector<10000x128xf32>, vector<128x128xf32>, vector<10000x128xf32> -> vector<10000x128xf32>
    %get3A_6 = arith.constant 0 : index
    %get3A_7 = arith.constant 0 : index
    %get3A_8 = vector.load %arg2[%get3A_6, %get3A_7] : memref<1x128xf32, #tpu.memory_space<vmem>>, vector<1x128xf32>
    %add3A = vector.broadcast %get3A_8 : vector<1x128xf32> to vector<10000x128xf32>
    %add3A_9 = arith.addf %dot_general3A_5, %add3A : vector<10000x128xf32>
    %swap3A = arith.constant 0 : index
    %swap3A_10 = arith.constant 0 : index
    %swap3A_11 = vector.load %arg5[%swap3A, %swap3A_10] : memref<10000x128xf32, #tpu.memory_space<vmem>>, vector<10000x128xf32>
    tpu.vector_store %arg5[%swap3A, %swap3A_10], %add3A_9 {strides = array<i32>} : memref<10000x128xf32, #tpu.memory_space<vmem>>, vector<10000x128xf32>,
    %get3A_12 = arith.constant 0 : index
    %get3A_13 = arith.constant 0 : index
    %get3A_14 = vector.load %arg3[%get3A_12, %get3A_13] : memref<128x128xf32, #tpu.memory_space<vmem>>, vector<128x128xf32>
    %dot_general3A_15 = arith.constant dense<0.000000e+00> : vector<10000x128xf32>
    %dot_general3A_16 = tpu.matmul %get3A_1, %get3A_14, %dot_general3A_15 {dimension_numbers = #tpu.dot_dimension_numbers<[1], [0], [0], [1], [0, 0, 1, 1], [], []>, transpose_lhs_hint = false} : vector<10000x128xf32>, vector<128x128xf32>, vector<10000x128xf32> -> vector<10000x128xf32>
    %get3A_17 = arith.constant 0 : index
    %get3A_18 = arith.constant 0 : index
    %get3A_19 = vector.load %arg4[%get3A_17, %get3A_18] : memref<1x128xf32, #tpu.memory_space<vmem>>, vector<1x128xf32>
    %add3A_20 = vector.broadcast %get3A_19 : vector<1x128xf32> to vector<10000x128xf32>
    %add3A_21 = arith.addf %dot_general3A_16, %add3A_20 : vector<10000x128xf32>
    %swap3A_22 = arith.constant 0 : index
    %swap3A_23 = arith.constant 0 : index
    %swap3A_24 = vector.load %arg6[%swap3A_22, %swap3A_23] : memref<10000x128xf32, #tpu.memory_space<vmem>>, vector<10000x128xf32>
    tpu.vector_store %arg6[%swap3A_22, %swap3A_23], %add3A_21 {strides = array<i32>} : memref<10000x128xf32, #tpu.memory_space<vmem>>, vector<10000x128xf32>,
    return
  }
}

module attributes {stable_mosaic.version = 14 : i64} {
  func.func @_post_kernel(%arg0: memref<20480x144xf32, #tpu.memory_space<vmem>>, %arg1: memref<1x128xf32, #tpu.memory_space<vmem>>, %arg2: memref<1x128xf32, #tpu.memory_space<vmem>>, %arg3: memref<1x128xf32, #tpu.memory_space<vmem>>, %arg4: memref<10000x128xf32, #tpu.memory_space<vmem>>, %arg5: memref<10000x128xf32, #tpu.memory_space<vmem>>) attributes {dimension_semantics = [], scalar_prefetch = 0 : i64, scratch_operands = 0 : i64, tpu.core_type = #tpu.core_type<tc>} {
    %get3A = arith.constant 0 : index
    %get3A_0 = arith.constant 0 : index
    %get3A_1 = vector.load %arg0[%get3A, %get3A_0] : memref<20480x144xf32, #tpu.memory_space<vmem>>, vector<10000x144xf32>
    %get3A_2 = arith.constant 10240 : index
    %get3A_3 = arith.constant 0 : index
    %get3A_4 = vector.load %arg0[%get3A_2, %get3A_3] : memref<20480x144xf32, #tpu.memory_space<vmem>>, vector<10000x144xf32>
    %add3A = arith.addf %get3A_1, %get3A_4 : vector<10000x144xf32>
    %slice3A = vector.extract_strided_slice %add3A {offsets = [0, 0], sizes = [10000, 32], strides = [1, 1]} : vector<10000x144xf32> to vector<10000x32xf32>
    %slice3A_5 = vector.extract_strided_slice %add3A {offsets = [0, 128], sizes = [10000, 1], strides = [1, 1]} : vector<10000x144xf32> to vector<10000x1xf32>
    %add3A_6 = arith.constant 1.000000e-16 : f32
    %add3A_7 = vector.broadcast %add3A_6 : f32 to vector<10000x1xf32>
    %add3A_8 = arith.addf %slice3A_5, %add3A_7 : vector<10000x1xf32>
    %div3A = vector.broadcast %add3A_8 : vector<10000x1xf32> to vector<10000x32xf32>
    %div3A_9 = arith.divf %slice3A, %div3A : vector<10000x32xf32>
    %slice3A_10 = vector.extract_strided_slice %add3A {offsets = [0, 32], sizes = [10000, 32], strides = [1, 1]} : vector<10000x144xf32> to vector<10000x32xf32>
    %slice3A_11 = vector.extract_strided_slice %add3A {offsets = [0, 129], sizes = [10000, 1], strides = [1, 1]} : vector<10000x144xf32> to vector<10000x1xf32>
    %add3A_12 = arith.constant 1.000000e-16 : f32
    %add3A_13 = vector.broadcast %add3A_12 : f32 to vector<10000x1xf32>
    %add3A_14 = arith.addf %slice3A_11, %add3A_13 : vector<10000x1xf32>
    %div3A_15 = vector.broadcast %add3A_14 : vector<10000x1xf32> to vector<10000x32xf32>
    %div3A_16 = arith.divf %slice3A_10, %div3A_15 : vector<10000x32xf32>
    %slice3A_17 = vector.extract_strided_slice %add3A {offsets = [0, 64], sizes = [10000, 32], strides = [1, 1]} : vector<10000x144xf32> to vector<10000x32xf32>
    %slice3A_18 = vector.extract_strided_slice %add3A {offsets = [0, 130], sizes = [10000, 1], strides = [1, 1]} : vector<10000x144xf32> to vector<10000x1xf32>
    %add3A_19 = arith.constant 1.000000e-16 : f32
    %add3A_20 = vector.broadcast %add3A_19 : f32 to vector<10000x1xf32>
    %add3A_21 = arith.addf %slice3A_18, %add3A_20 : vector<10000x1xf32>
    %div3A_22 = vector.broadcast %add3A_21 : vector<10000x1xf32> to vector<10000x32xf32>
    %div3A_23 = arith.divf %slice3A_17, %div3A_22 : vector<10000x32xf32>
    %slice3A_24 = vector.extract_strided_slice %add3A {offsets = [0, 96], sizes = [10000, 32], strides = [1, 1]} : vector<10000x144xf32> to vector<10000x32xf32>
    %slice3A_25 = vector.extract_strided_slice %add3A {offsets = [0, 131], sizes = [10000, 1], strides = [1, 1]} : vector<10000x144xf32> to vector<10000x1xf32>
    %add3A_26 = arith.constant 1.000000e-16 : f32
    %add3A_27 = vector.broadcast %add3A_26 : f32 to vector<10000x1xf32>
    %add3A_28 = arith.addf %slice3A_25, %add3A_27 : vector<10000x1xf32>
    %div3A_29 = vector.broadcast %add3A_28 : vector<10000x1xf32> to vector<10000x32xf32>
    %div3A_30 = arith.divf %slice3A_24, %div3A_29 : vector<10000x32xf32>
    %concatenate3A = tpu.concatenate %div3A_9, %div3A_16, %div3A_23, %div3A_30 in 1 : vector<10000x32xf32>, vector<10000x32xf32>, vector<10000x32xf32>, vector<10000x32xf32> -> vector<10000x128xf32>
    %get3A_31 = arith.constant 0 : index
    %get3A_32 = arith.constant 0 : index
    %get3A_33 = vector.load %arg1[%get3A_31, %get3A_32] : memref<1x128xf32, #tpu.memory_space<vmem>>, vector<1x128xf32>
    %add3A_34 = vector.broadcast %get3A_33 : vector<1x128xf32> to vector<10000x128xf32>
    %add3A_35 = arith.addf %concatenate3A, %add3A_34 : vector<10000x128xf32>
    %gt3A = arith.constant 0.000000e+00 : f32
    %gt3A_36 = vector.broadcast %gt3A : f32 to vector<10000x128xf32>
    %gt3A_37 = arith.cmpf ogt, %add3A_35, %gt3A_36 : vector<10000x128xf32>
    %exp3A = math.exp %add3A_35 : vector<10000x128xf32>
    %sub3A = arith.constant 1.000000e+00 : f32
    %sub3A_38 = vector.broadcast %sub3A : f32 to vector<10000x128xf32>
    %sub3A_39 = arith.subf %exp3A, %sub3A_38 : vector<10000x128xf32>
    %select_n3A = arith.select %gt3A_37, %add3A_35, %sub3A_39 : vector<10000x128xi1>, vector<10000x128xf32>
    %reduce_sum3A = arith.constant dense<0.000000e+00> : vector<10000xf32>
    %reduce_sum3A_40 = vector.multi_reduction <add>, %select_n3A, %reduce_sum3A [1] : vector<10000x128xf32> to vector<10000xf32>
    %broadcast_in_dim3A = vector.shape_cast %reduce_sum3A_40 : vector<10000xf32> to vector<10000x1xf32>
    %div3A_41 = arith.constant 1.280000e+02 : f32
    %div3A_42 = vector.broadcast %div3A_41 : f32 to vector<10000x1xf32>
    %div3A_43 = arith.divf %broadcast_in_dim3A, %div3A_42 : vector<10000x1xf32>
    %sub3A_44 = vector.broadcast %div3A_43 : vector<10000x1xf32> to vector<10000x128xf32>
    %sub3A_45 = arith.subf %select_n3A, %sub3A_44 : vector<10000x128xf32>
    %integer_pow3A = arith.mulf %sub3A_45, %sub3A_45 : vector<10000x128xf32>
    %reduce_sum3A_46 = arith.constant dense<0.000000e+00> : vector<10000xf32>
    %reduce_sum3A_47 = vector.multi_reduction <add>, %integer_pow3A, %reduce_sum3A_46 [1] : vector<10000x128xf32> to vector<10000xf32>
    %broadcast_in_dim3A_48 = vector.shape_cast %reduce_sum3A_47 : vector<10000xf32> to vector<10000x1xf32>
    %div3A_49 = arith.constant 1.280000e+02 : f32
    %div3A_50 = vector.broadcast %div3A_49 : f32 to vector<10000x1xf32>
    %div3A_51 = arith.divf %broadcast_in_dim3A_48, %div3A_50 : vector<10000x1xf32>
    %sub3A_52 = vector.broadcast %div3A_43 : vector<10000x1xf32> to vector<10000x128xf32>
    %sub3A_53 = arith.subf %select_n3A, %sub3A_52 : vector<10000x128xf32>
    %add3A_54 = arith.constant 9.99999974E-6 : f32
    %add3A_55 = vector.broadcast %add3A_54 : f32 to vector<10000x1xf32>
    %add3A_56 = arith.addf %div3A_51, %add3A_55 : vector<10000x1xf32>
    %sqrt3A = math.sqrt %add3A_56 : vector<10000x1xf32>
    %div3A_57 = vector.broadcast %sqrt3A : vector<10000x1xf32> to vector<10000x128xf32>
    %div3A_58 = arith.divf %sub3A_53, %div3A_57 : vector<10000x128xf32>
    %get3A_59 = arith.constant 0 : index
    %get3A_60 = arith.constant 0 : index
    %get3A_61 = vector.load %arg2[%get3A_59, %get3A_60] : memref<1x128xf32, #tpu.memory_space<vmem>>, vector<1x128xf32>
    %mul3A = vector.broadcast %get3A_61 : vector<1x128xf32> to vector<10000x128xf32>
    %mul3A_62 = arith.mulf %div3A_58, %mul3A : vector<10000x128xf32>
    %get3A_63 = arith.constant 0 : index
    %get3A_64 = arith.constant 0 : index
    %get3A_65 = vector.load %arg3[%get3A_63, %get3A_64] : memref<1x128xf32, #tpu.memory_space<vmem>>, vector<1x128xf32>
    %add3A_66 = vector.broadcast %get3A_65 : vector<1x128xf32> to vector<10000x128xf32>
    %add3A_67 = arith.addf %mul3A_62, %add3A_66 : vector<10000x128xf32>
    %get3A_68 = arith.constant 0 : index
    %get3A_69 = arith.constant 0 : index
    %get3A_70 = vector.load %arg4[%get3A_68, %get3A_69] : memref<10000x128xf32, #tpu.memory_space<vmem>>, vector<10000x128xf32>
    %add3A_71 = arith.addf %add3A_67, %get3A_70 : vector<10000x128xf32>
    %swap3A = arith.constant 0 : index
    %swap3A_72 = arith.constant 0 : index
    %swap3A_73 = vector.load %arg5[%swap3A, %swap3A_72] : memref<10000x128xf32, #tpu.memory_space<vmem>>, vector<10000x128xf32>
    tpu.vector_store %arg5[%swap3A, %swap3A_72], %add3A_71 {strides = array<i32>} : memref<10000x128xf32, #tpu.memory_space<vmem>>, vector<10000x128xf32>,
    return
  }
}

module attributes {stable_mosaic.version = 14 : i64} {
  func.func @_dense_proj3_kernel(%arg0: memref<10000x128xf32, #tpu.memory_space<vmem>>, %arg1: memref<128x32xf32, #tpu.memory_space<vmem>>, %arg2: memref<1x32xf32, #tpu.memory_space<vmem>>, %arg3: memref<128x32xf32, #tpu.memory_space<vmem>>, %arg4: memref<1x32xf32, #tpu.memory_space<vmem>>, %arg5: memref<128x32xf32, #tpu.memory_space<vmem>>, %arg6: memref<1x32xf32, #tpu.memory_space<vmem>>, %arg7: memref<10000x32xf32, #tpu.memory_space<vmem>>, %arg8: memref<10000x32xf32, #tpu.memory_space<vmem>>, %arg9: memref<10000x32xf32, #tpu.memory_space<vmem>>) attributes {dimension_semantics = [], scalar_prefetch = 0 : i64, scratch_operands = 0 : i64, tpu.core_type = #tpu.core_type<tc>} {
    %get3A = arith.constant 0 : index
    %get3A_0 = arith.constant 0 : index
    %get3A_1 = vector.load %arg0[%get3A, %get3A_0] : memref<10000x128xf32, #tpu.memory_space<vmem>>, vector<10000x128xf32>
    %get3A_2 = arith.constant 0 : index
    %get3A_3 = arith.constant 0 : index
    %get3A_4 = vector.load %arg1[%get3A_2, %get3A_3] : memref<128x32xf32, #tpu.memory_space<vmem>>, vector<128x32xf32>
    %dot_general3A = arith.constant dense<0.000000e+00> : vector<10000x32xf32>
    %dot_general3A_5 = tpu.matmul %get3A_1, %get3A_4, %dot_general3A {dimension_numbers = #tpu.dot_dimension_numbers<[1], [0], [0], [1], [0, 0, 1, 1], [], []>, transpose_lhs_hint = false} : vector<10000x128xf32>, vector<128x32xf32>, vector<10000x32xf32> -> vector<10000x32xf32>
    %get3A_6 = arith.constant 0 : index
    %get3A_7 = arith.constant 0 : index
    %get3A_8 = vector.load %arg2[%get3A_6, %get3A_7] : memref<1x32xf32, #tpu.memory_space<vmem>>, vector<1x32xf32>
    %add3A = vector.broadcast %get3A_8 : vector<1x32xf32> to vector<10000x32xf32>
    %add3A_9 = arith.addf %dot_general3A_5, %add3A : vector<10000x32xf32>
    %swap3A = arith.constant 0 : index
    %swap3A_10 = arith.constant 0 : index
    %swap3A_11 = vector.load %arg7[%swap3A, %swap3A_10] : memref<10000x32xf32, #tpu.memory_space<vmem>>, vector<10000x32xf32>
    tpu.vector_store %arg7[%swap3A, %swap3A_10], %add3A_9 {strides = array<i32>} : memref<10000x32xf32, #tpu.memory_space<vmem>>, vector<10000x32xf32>,
    %get3A_12 = arith.constant 0 : index
    %get3A_13 = arith.constant 0 : index
    %get3A_14 = vector.load %arg3[%get3A_12, %get3A_13] : memref<128x32xf32, #tpu.memory_space<vmem>>, vector<128x32xf32>
    %dot_general3A_15 = arith.constant dense<0.000000e+00> : vector<10000x32xf32>
    %dot_general3A_16 = tpu.matmul %get3A_1, %get3A_14, %dot_general3A_15 {dimension_numbers = #tpu.dot_dimension_numbers<[1], [0], [0], [1], [0, 0, 1, 1], [], []>, transpose_lhs_hint = false} : vector<10000x128xf32>, vector<128x32xf32>, vector<10000x32xf32> -> vector<10000x32xf32>
    %get3A_17 = arith.constant 0 : index
    %get3A_18 = arith.constant 0 : index
    %get3A_19 = vector.load %arg4[%get3A_17, %get3A_18] : memref<1x32xf32, #tpu.memory_space<vmem>>, vector<1x32xf32>
    %add3A_20 = vector.broadcast %get3A_19 : vector<1x32xf32> to vector<10000x32xf32>
    %add3A_21 = arith.addf %dot_general3A_16, %add3A_20 : vector<10000x32xf32>
    %swap3A_22 = arith.constant 0 : index
    %swap3A_23 = arith.constant 0 : index
    %swap3A_24 = vector.load %arg8[%swap3A_22, %swap3A_23] : memref<10000x32xf32, #tpu.memory_space<vmem>>, vector<10000x32xf32>
    tpu.vector_store %arg8[%swap3A_22, %swap3A_23], %add3A_21 {strides = array<i32>} : memref<10000x32xf32, #tpu.memory_space<vmem>>, vector<10000x32xf32>,
    %get3A_25 = arith.constant 0 : index
    %get3A_26 = arith.constant 0 : index
    %get3A_27 = vector.load %arg5[%get3A_25, %get3A_26] : memref<128x32xf32, #tpu.memory_space<vmem>>, vector<128x32xf32>
    %dot_general3A_28 = arith.constant dense<0.000000e+00> : vector<10000x32xf32>
    %dot_general3A_29 = tpu.matmul %get3A_1, %get3A_27, %dot_general3A_28 {dimension_numbers = #tpu.dot_dimension_numbers<[1], [0], [0], [1], [0, 0, 1, 1], [], []>, transpose_lhs_hint = false} : vector<10000x128xf32>, vector<128x32xf32>, vector<10000x32xf32> -> vector<10000x32xf32>
    %get3A_30 = arith.constant 0 : index
    %get3A_31 = arith.constant 0 : index
    %get3A_32 = vector.load %arg6[%get3A_30, %get3A_31] : memref<1x32xf32, #tpu.memory_space<vmem>>, vector<1x32xf32>
    %add3A_33 = vector.broadcast %get3A_32 : vector<1x32xf32> to vector<10000x32xf32>
    %add3A_34 = arith.addf %dot_general3A_29, %add3A_33 : vector<10000x32xf32>
    %swap3A_35 = arith.constant 0 : index
    %swap3A_36 = arith.constant 0 : index
    %swap3A_37 = vector.load %arg9[%swap3A_35, %swap3A_36] : memref<10000x32xf32, #tpu.memory_space<vmem>>, vector<10000x32xf32>
    tpu.vector_store %arg9[%swap3A_35, %swap3A_36], %add3A_34 {strides = array<i32>} : memref<10000x32xf32, #tpu.memory_space<vmem>>, vector<10000x32xf32>,
    return
  }
}

module attributes {stable_mosaic.version = 14 : i64} {
  func.func @_post_kernel(%arg0: memref<20480x48xf32, #tpu.memory_space<vmem>>, %arg1: memref<1x32xf32, #tpu.memory_space<vmem>>, %arg2: memref<1x32xf32, #tpu.memory_space<vmem>>, %arg3: memref<1x32xf32, #tpu.memory_space<vmem>>, %arg4: memref<10000x32xf32, #tpu.memory_space<vmem>>, %arg5: memref<10000x32xf32, #tpu.memory_space<vmem>>) attributes {dimension_semantics = [], scalar_prefetch = 0 : i64, scratch_operands = 0 : i64, tpu.core_type = #tpu.core_type<tc>} {
    %get3A = arith.constant 0 : index
    %get3A_0 = arith.constant 0 : index
    %get3A_1 = vector.load %arg0[%get3A, %get3A_0] : memref<20480x48xf32, #tpu.memory_space<vmem>>, vector<10000x48xf32>
    %get3A_2 = arith.constant 10240 : index
    %get3A_3 = arith.constant 0 : index
    %get3A_4 = vector.load %arg0[%get3A_2, %get3A_3] : memref<20480x48xf32, #tpu.memory_space<vmem>>, vector<10000x48xf32>
    %add3A = arith.addf %get3A_1, %get3A_4 : vector<10000x48xf32>
    %slice3A = vector.extract_strided_slice %add3A {offsets = [0, 0], sizes = [10000, 32], strides = [1, 1]} : vector<10000x48xf32> to vector<10000x32xf32>
    %slice3A_5 = vector.extract_strided_slice %add3A {offsets = [0, 32], sizes = [10000, 1], strides = [1, 1]} : vector<10000x48xf32> to vector<10000x1xf32>
    %add3A_6 = arith.constant 1.000000e-16 : f32
    %add3A_7 = vector.broadcast %add3A_6 : f32 to vector<10000x1xf32>
    %add3A_8 = arith.addf %slice3A_5, %add3A_7 : vector<10000x1xf32>
    %div3A = vector.broadcast %add3A_8 : vector<10000x1xf32> to vector<10000x32xf32>
    %div3A_9 = arith.divf %slice3A, %div3A : vector<10000x32xf32>
    %get3A_10 = arith.constant 0 : index
    %get3A_11 = arith.constant 0 : index
    %get3A_12 = vector.load %arg1[%get3A_10, %get3A_11] : memref<1x32xf32, #tpu.memory_space<vmem>>, vector<1x32xf32>
    %add3A_13 = vector.broadcast %get3A_12 : vector<1x32xf32> to vector<10000x32xf32>
    %add3A_14 = arith.addf %div3A_9, %add3A_13 : vector<10000x32xf32>
    %gt3A = arith.constant 0.000000e+00 : f32
    %gt3A_15 = vector.broadcast %gt3A : f32 to vector<10000x32xf32>
    %gt3A_16 = arith.cmpf ogt, %add3A_14, %gt3A_15 : vector<10000x32xf32>
    %exp3A = math.exp %add3A_14 : vector<10000x32xf32>
    %sub3A = arith.constant 1.000000e+00 : f32
    %sub3A_17 = vector.broadcast %sub3A : f32 to vector<10000x32xf32>
    %sub3A_18 = arith.subf %exp3A, %sub3A_17 : vector<10000x32xf32>
    %select_n3A = arith.select %gt3A_16, %add3A_14, %sub3A_18 : vector<10000x32xi1>, vector<10000x32xf32>
    %reduce_sum3A = arith.constant dense<0.000000e+00> : vector<10000xf32>
    %reduce_sum3A_19 = vector.multi_reduction <add>, %select_n3A, %reduce_sum3A [1] : vector<10000x32xf32> to vector<10000xf32>
    %broadcast_in_dim3A = vector.shape_cast %reduce_sum3A_19 : vector<10000xf32> to vector<10000x1xf32>
    %div3A_20 = arith.constant 3.200000e+01 : f32
    %div3A_21 = vector.broadcast %div3A_20 : f32 to vector<10000x1xf32>
    %div3A_22 = arith.divf %broadcast_in_dim3A, %div3A_21 : vector<10000x1xf32>
    %sub3A_23 = vector.broadcast %div3A_22 : vector<10000x1xf32> to vector<10000x32xf32>
    %sub3A_24 = arith.subf %select_n3A, %sub3A_23 : vector<10000x32xf32>
    %integer_pow3A = arith.mulf %sub3A_24, %sub3A_24 : vector<10000x32xf32>
    %reduce_sum3A_25 = arith.constant dense<0.000000e+00> : vector<10000xf32>
    %reduce_sum3A_26 = vector.multi_reduction <add>, %integer_pow3A, %reduce_sum3A_25 [1] : vector<10000x32xf32> to vector<10000xf32>
    %broadcast_in_dim3A_27 = vector.shape_cast %reduce_sum3A_26 : vector<10000xf32> to vector<10000x1xf32>
    %div3A_28 = arith.constant 3.200000e+01 : f32
    %div3A_29 = vector.broadcast %div3A_28 : f32 to vector<10000x1xf32>
    %div3A_30 = arith.divf %broadcast_in_dim3A_27, %div3A_29 : vector<10000x1xf32>
    %sub3A_31 = vector.broadcast %div3A_22 : vector<10000x1xf32> to vector<10000x32xf32>
    %sub3A_32 = arith.subf %select_n3A, %sub3A_31 : vector<10000x32xf32>
    %add3A_33 = arith.constant 9.99999974E-6 : f32
    %add3A_34 = vector.broadcast %add3A_33 : f32 to vector<10000x1xf32>
    %add3A_35 = arith.addf %div3A_30, %add3A_34 : vector<10000x1xf32>
    %sqrt3A = math.sqrt %add3A_35 : vector<10000x1xf32>
    %div3A_36 = vector.broadcast %sqrt3A : vector<10000x1xf32> to vector<10000x32xf32>
    %div3A_37 = arith.divf %sub3A_32, %div3A_36 : vector<10000x32xf32>
    %get3A_38 = arith.constant 0 : index
    %get3A_39 = arith.constant 0 : index
    %get3A_40 = vector.load %arg2[%get3A_38, %get3A_39] : memref<1x32xf32, #tpu.memory_space<vmem>>, vector<1x32xf32>
    %mul3A = vector.broadcast %get3A_40 : vector<1x32xf32> to vector<10000x32xf32>
    %mul3A_41 = arith.mulf %div3A_37, %mul3A : vector<10000x32xf32>
    %get3A_42 = arith.constant 0 : index
    %get3A_43 = arith.constant 0 : index
    %get3A_44 = vector.load %arg3[%get3A_42, %get3A_43] : memref<1x32xf32, #tpu.memory_space<vmem>>, vector<1x32xf32>
    %add3A_45 = vector.broadcast %get3A_44 : vector<1x32xf32> to vector<10000x32xf32>
    %add3A_46 = arith.addf %mul3A_41, %add3A_45 : vector<10000x32xf32>
    %get3A_47 = arith.constant 0 : index
    %get3A_48 = arith.constant 0 : index
    %get3A_49 = vector.load %arg4[%get3A_47, %get3A_48] : memref<10000x32xf32, #tpu.memory_space<vmem>>, vector<10000x32xf32>
    %add3A_50 = arith.addf %add3A_46, %get3A_49 : vector<10000x32xf32>
    %swap3A = arith.constant 0 : index
    %swap3A_51 = arith.constant 0 : index
    %swap3A_52 = vector.load %arg5[%swap3A, %swap3A_51] : memref<10000x32xf32, #tpu.memory_space<vmem>>, vector<10000x32xf32>
    tpu.vector_store %arg5[%swap3A, %swap3A_51], %add3A_50 {strides = array<i32>} : memref<10000x32xf32, #tpu.memory_space<vmem>>, vector<10000x32xf32>,
    return
  }
}

</mosaic_0001>

<sc_bundles>
// kernel: kernel.11.cloned.1.call-start
scs
__scs_entry_jumppad:
0x0: {  	(pc) =	sbr.rel $0x88, $3  }
0x1: {  	(tag) =	ssettag $0x0;
	lr =	simm.s32 $0x1  }
0x2: {  	[smem:$0x3F81] =	sst lr;
	_ =	strace $0xD0000000  }
0x3: {  	_ = 	snop  }
0x4: {  	_ = 	snop  }
0x5: {  	_ = 	snop  }
0x6: {  	_ = 	snop  }
0x7: {  	_ = 	snop  }
__scs_overlays_trampoline_lowered:
0x8: {  	[smem:$0x3F90] =	sst s0  }
0x9: {  	[smem:$0x3F91] =	sst s1  }
0xa: {  	[smem:$0x3F92] =	sst s2  }
0xb: {  	[smem:$0x3F93] =	sst s3  }
0xc: {  	[smem:$0x3F94] =	sst s4  }
0xd: {  	[smem:$0x3F95] =	sst s5  }
0xe: {  	[smem:$0x3F96] =	sst s6  }
0xf: {  	[smem:$0x3F97] =	sst s7  }
0x10: {  	[smem:$0x3F98] =	sst s8  }
0x11: {  	[smem:$0x3F99] =	sst s9;
	s0 =	simm.s32 @!p0 $0x0  }
0x12: {  	s1 =	sld [smem:$0x3F7F];
	s0 =	simm.s32 @p0 $0x1  }
0x13: {  	[smem:$0x3F9A] =	sst s0;
	s0 =	simm.s32 @!p1 $0x0  }
0x14: {  	s2 =	sld [smem:$0x3F7E];
	s0 =	simm.s32 @p1 $0x1  }
0x15: {  	[smem:$0x3F9B] =	sst s0;
	s0 =	simm.s32 @!p2 $0x0  }
0x16: {  	s3 =	sld [smem:$0x3FDB];
	s0 =	simm.s32 @p2 $0x1  }
0x17: {  	s4 =	simm.s32 $0x1BF5;
	[smem:$0x3F9D] =	sst s0  }
0x18: {  	s0 =	sld [smem:$0x3F80];
	_ =	swait.ge [sflag:s4], $0x0  }
0x19: {  	s7 =	sld [smem:$0x3F81]  }
0x1a: {  	s8 =	sadd.s32 $0xFFFFE003, lr  }
0x1b: {  	s9 =	sadd.s32 $0xFFFFFEF7, lr;
	s5 =	simm.s32 $0xFFFFFFFF;
	p2 =	slt.u32 s8, $0xFFFFF086  }
0x1c: {  	p1 =	slt.u32 s9, $0xF7A;
	s5 =	simm.s32 @!p2 $0x0  }
0x1d: {  	s5 =	simm.s32 @p1 $0x1;
	p0 =	seq.s32 s7, s2  }
0x1e: {  	s7 =	smul.u32 @!p0 $0xF7A, s2;
	p2 =	seq.s32 @!p0 s5, $0x0  }
0x1f: {  	s9 =	smul.u32 $0xF7A, s1;
	s8 =	simm.s32 @!p0 $0x1BF5;
	p2 =	por !p2, p0  }
0x20: {  	[sflag:s8] =	ssyncset.s32 @!p0 $0xFFFFF086;
	s6 =	sadd.s32 @!p0 s3, s7;
	s7 =	simm.s32 @!p0 $0x108  }
0x21: {  	s3 =	sadd.s32 s3, s9;
	s6 =	sadd.s32 @!p0 $0x88, s6;
	s7 =	simm.s32 @p2 $0x1082  }
0x22: {  	[simem:s7], [sflag:s8] =	dma.local @!p0 [hbm:s6], $0xF7A  }
0x23: {  	s9 =	sor.u32 $0xD0000000, s2;
	s6 =	simm.s32 $0x108;
	_ =	swait.ge @!p0 [sflag:s8], $0x0  }
0x24: {  	s3 =	sadd.s32 $0x88, s3;
	s6 =	simm.s32 @!p1 $0x1082;
	[sflag:s4] =	ssyncset.s32 $0xFFFFF086  }
0x25: {  	[simem:s6], [sflag:s4] =	dma.local [hbm:s3], $0xF7A  }
0x26: {  	[smem:$0x3F81] =	sst s1;
	(tag) =	ssettag s2;
	_ =	strace s9  }
0x27: {  	s1 =	sld [smem:$0x3F91]  }
0x28: {  	s2 =	sld [smem:$0x3F92]  }
0x29: {  	s4 =	sld [smem:$0x3F94]  }
0x2a: {  	p0 =	seq.s32 s5, $0x0;
	s5 =	sld [smem:$0x3F95]  }
0x2b: {  	s6 =	sld [smem:$0x3F96]  }
0x2c: {  	s7 =	sld [smem:$0x3F97]  }
0x2d: {  	s3 =	simm.s32 $0x108;
	s8 =	sld [smem:$0x3F98]  }
0x2e: {  	s3 =	simm.s32 @!p0 $0x1082;
	s9 =	sld [smem:$0x3F99]  }
0x2f: {  	lr =	sadd.s32 s0, s3;
	s0 =	sld [smem:$0x3F90]  }
0x30: {  	s3 =	sld [smem:$0x3F93]  }
0x31: {  	[smem:$0x3F9C] =	sst s10  }
0x32: {  	s10 =	sld [smem:$0x3F9A];
	_ =	sdelay $0x3  }
0x33: {  	p0 =	seq.s32 s10, $0x1;
	s10 =	sld [smem:$0x3F9C];
	_ =	sdelay $0x3  }
0x34: {  	[smem:$0x3F9C] =	sst s10  }
0x35: {  	s10 =	sld [smem:$0x3F9B];
	_ =	sdelay $0x3  }
0x36: {  	p1 =	seq.s32 s10, $0x1;
	s10 =	sld [smem:$0x3F9C];
	_ =	sdelay $0x3  }
0x37: {  	[smem:$0x3F9C] =	sst s10  }
0x38: {  	s10 =	sld [smem:$0x3F9D]  }
0x39: {  	_ = 	snop;
	(pc) =	sbr.ind lr, $3  }
0x3a: {  	_ = 	snop  }
0x3b: {  	_ = 	snop  }
0x3c: {  	p2 =	seq.s32 s10, $0x1;
	s10 =	sld [smem:$0x3F9C]  }
0x3d: {  	_ =	shalt  }
0x3e: {  	_ =	shalt  }
0x3f: {  	_ =	shalt  }
0x40: {  	_ =	shalt  }
0x41: {  	_ =	shalt  }
0x42: {  	_ =	shalt  }
0x43: {  	_ =	shalt  }
0x44: {  	_ =	shalt  }
0x45: {  	_ =	shalt  }
0x46: {  	_ =	shalt  }
0x47: {  	_ =	shalt  }
0x48: {  	_ =	shalt  }
0x49: {  	_ =	shalt  }
0x4a: {  	_ =	shalt  }
0x4b: {  	_ =	shalt  }
0x4c: {  	_ =	shalt  }
0x4d: {  	_ =	shalt  }
0x4e: {  	_ =	shalt  }
0x4f: {  	_ =	shalt  }
0x50: {  	_ =	shalt  }
0x51: {  	_ =	shalt  }
0x52: {  	_ =	shalt  }
0x53: {  	_ =	shalt  }
0x54: {  	_ =	shalt  }
0x55: {  	_ =	shalt  }
0x56: {  	_ =	shalt  }
0x57: {  	_ =	shalt  }
0x58: {  	_ =	shalt  }
0x59: {  	_ =	shalt  }
0x5a: {  	_ =	shalt  }
0x5b: {  	_ =	shalt  }
0x5c: {  	_ =	shalt  }
0x5d: {  	_ =	shalt  }
0x5e: {  	_ =	shalt  }
0x5f: {  	_ =	shalt  }
0x60: {  	_ =	shalt  }
0x61: {  	_ =	shalt  }
0x62: {  	_ =	shalt  }
0x63: {  	_ =	shalt  }
0x64: {  	_ =	shalt  }
0x65: {  	_ =	shalt  }
0x66: {  	_ =	shalt  }
0x67: {  	_ =	shalt  }
0x68: {  	_ =	shalt  }
0x69: {  	_ =	shalt  }
0x6a: {  	_ =	shalt  }
0x6b: {  	_ =	shalt  }
0x6c: {  	_ =	shalt  }
0x6d: {  	_ =	shalt  }
0x6e: {  	_ =	shalt  }
0x6f: {  	_ =	shalt  }
0x70: {  	_ =	shalt  }
0x71: {  	_ =	shalt  }
0x72: {  	_ =	shalt  }
0x73: {  	_ =	shalt  }
0x74: {  	_ =	shalt  }
0x75: {  	_ =	shalt  }
0x76: {  	_ =	shalt  }
0x77: {  	_ =	shalt  }
0x78: {  	_ =	shalt  }
0x79: {  	_ =	shalt  }
0x7a: {  	_ =	shalt  }
0x7b: {  	_ =	shalt  }
0x7c: {  	_ =	shalt  }
0x7d: {  	_ =	shalt  }
0x7e: {  	_ =	shalt  }
0x7f: {  	_ =	shalt  }
0x80: {  	_ =	shalt  }
0x81: {  	_ =	shalt  }
0x82: {  	_ =	shalt  }
0x83: {  	_ =	shalt  }
0x84: {  	_ =	shalt  }
0x85: {  	_ =	shalt  }
0x86: {  	_ =	shalt  }
0x87: {  	_ =	shalt  }
.Lfunc_end0:
.L_simem_size_0:
called_computation_lowered:
.L_overlay_start_0:
0x88: {  	s2 =	sld [smem:$0x3FD9]  }
0x89: {  	s3 =	sld [smem:$0x3FFE];
	_ =	sdelay $0x1  }
0x8a: {  	s1 =	srdreg.scid  }
0x8b: {  	s0 =	sand.u32 $0x1, s1  }
0x8c: {  	s17 =	sshll.u32 s0, $0xA;
	s2 =	sadd.s32 s3, s2  }
0x8d: {  	s2 =	sadd.s32 s2, s17  }
0x8e: {  	[smem:$0x3FA8] =	sst s2  }
0x8f: {  	_ = 	snop  }
0x90: {  	s2 =	sld [smem:$0x3FD0];
	(tm) =	ssettm $0x1  }
0x91: {  	s18 =	sld [smem:$0x3FFB];
	_ =	sdelay $0x3  }
0x92: {  	_ =	strace s18  }
0x93: {  	s3 =	sld [smem:$0x3FFC];
	_ =	sdelay $0x3  }
0x94: {  	_ =	strace s3  }
0x95: {  	s3 =	sld [smem:$0x3FFD];
	_ =	sdelay $0x3  }
0x96: {  	_ =	strace s3  }
0x97: {  	_ =	strace $0x8FFFFFFF  }
0x98: {  	s19 =	sld [smem:$0x3FDB];
	_ =	sdelay $0x1  }
0x99: {  	s4 =	simm.s32 $_scs_section_size  }
0x9a: {  	s5 =	simm.s32 $_size__tile_overlayer_lowered;
	s6 =	simm.s32 $_tile_overlayer_lowered  }
0x9b: {  	s22 =	simm.s32 $0x1BFF;
	s21 =	sshll.u32 s6, $0x1;
	s3 =	sadd.s32 s4, s19  }
0x9c: {  	s7 =	simm.s32 $0x0;
	s20 =	sshll.u32 s5, $0x1;
	s5 =	sadd.s32 s21, s3  }
0x9d: {  	[timem:s7], [sflag:s22] =	dma.local [hbm:s5], s20  }
0x9e: {  	_ =	swait.ge [sflag:s22], s20  }
0x9f: {  	s4 =	ssub.s32 $0x0, s20;
	[sflag:s22] =	ssyncset.done $0x0  }
0xa0: {  	[sflag:s22] =	ssyncadd.s32 s4;
	_ =	sdelay $0x1  }
0xa1: {  	s23 =	simm.s32 $0x1B8B  }
0xa2: {  	_ =	swait.ge [sflag:s23], $0x1  }
0xa3: {  	[sflag:s23] =	ssyncset.done $0x0  }
0xa4: {  	s25 =	simm.s32 $0x1B8E;
	s24 =	sld [smem:$0x3FFE];
	[sflag:s23] =	ssyncadd.s32 $0xFFFFFFFF  }
0xa5: {  	s26 =	simm.s32 $execute0_lowered;
	[smem:$0x3FD2] =	sst s25  }
0xa6: {  	s5 =	sshll.u32 s26, $0x1;
	_ =	strace $0x80000046;
	[dreg:$0x1] =	wrdreg $0xFFFFFFFF  }
0xa7: {  	s28 =	simm.s32 $_size_execute0_lowered;
	s3 =	sadd.s32 s3, s5;
	[dreg:$0x0] =	wrdreg $0x0  }
0xa8: {  	s5 =	sshll.u32 s28, $0x1;
	[dreg:$0x2] =	wrdreg s3  }
0xa9: {  	[dreg:$0x3] =	wrdreg s5  }
0xaa: {  	[dreg:$0x4] =	wrdreg $0xC0  }
0xab: {  	_ =	task [dreg:s7], $0x5FFFF  }
0xac: {  	[dreg:$0x1] =	wrdreg $0xFFFFFFFF  }
0xad: {  	[dreg:$0x0] =	wrdreg $0x60  }
0xae: {  	[dreg:$0x2] =	wrdreg s24  }
0xaf: {  	[dreg:$0x3] =	wrdreg s2  }
0xb0: {  	[dreg:$0x4] =	wrdreg $0x7A000  }
0xb1: {  	[dreg:$0x5] =	wrdreg $0x9  }
0xb2: {  	_ =	task.clear_ibuf [dreg:s7], $0x6FFFF;
	_ =	strace $0x90000046  }
0xb3: {  	s29 =	simm.s32 $0x9;
	_ =	strace $0x80000048  }
0xb4: {  	_ =	swait.ge [sflag:s29], $0x1  }
0xb5: {  	[sflag:s29] =	ssyncadd.s32 $0xFFFFFFFF  }
0xb6: {  	_ =	strace $0x90000048  }
0xb7: {  	_ =	sfence  }
0xb8: {  	s30 =	sld [smem:$0x0];
	_ =	sdelay $0x2  }
0xb9: {  	s31 =	sshll.u32 s1, $0xD;
	s1 =	sshrl.u32 s1, $0x2  }
0xba: {  	s3 =	sand.u32 $0x4000, s31;
	s1 =	sadd.s32 s1, s30  }
0xbb: {  	s0 =	sor.u32 s3, s0;
	s1 =	sshll.u32 s1, $0x11  }
0xbc: {  	s0 =	sor.u32 s1, s0  }
0xbd: {  	s0 =	sadd.s32 $0x8F2B, s0  }
0xbe: {  	[sflag:s0] =	ssyncadd.remote.s32 $0x1  }
0xbf: {  	_ =	sfence.sel $0xFFFF  }
0xc0: {  	[dreg:$0x0] =	wrdreg $0xFFFFFFFF;
	(pc) =	sbr.abs _section_cstart, $3  }
0xc1: {  	[dreg:$0x1] =	wrdreg $0xFFFFFFFF  }
0xc2: {  	_ =	task.clear_ibuf [dreg:s7], $0x2FFFF;
	_ =	strace $0x9FFFFFFF  }
0xc3: {  	(tm) =	ssettm $0x7FFFFFFF  }
tec
execute0_lowered:
.L_overlay_start_1:
0x0: {  	(tag) =	ssettag $0x1  }
0x1: {  	s0 =	rddreg [dreg:$0x0]  }
0x2: {  	s3 =	rddreg [dreg:$0x2];
	s1 =	simm.s32 $0x0;
	s4 =	stileid.u32  }
0x3: {  	s2 =	srdreg.scid;
	s15 =	simm.s32 $0x3;
	s18 =	simm.s32 $0x200  }
0x4: {  	s19 =	simm.s32 $0x400;
	s20 =	simm.s32 $0x40;
	s21 =	simm.s32 $0x600  }
0x5: {  	s22 =	simm.s32 $0x2600;
	s23 =	simm.s32 $0x1;
	s24 =	simm.s32 $0x2  }
0x6: {  	s25 =	simm.s32 $0x4600;
	s26 =	simm.s32 $0x0;
	[smem:$0x7FF] =	sst s1  }
0x7: {  	s28 =	smul.u32 $0x16800, s4;
	s5 =	sadd.s32 $0xBA00, s0;
	s2 =	sand.u32 $0x1, s2  }
0x8: {  	s10 =	smul.u32 $0x2D00, s4;
	s6 =	sadd.s32 $0x1A00, s0;
	s7 =	sadd.s32 $0x15A00, s0  }
0x9: {  	s8 =	sadd.s32 $0x1FA00, s0;
	s9 =	sadd.s32 $0x46C00, s0;
	s31 =	sshll.u32 s4, $0x6  }
0xa: {  	_ =	strace $0x80000047;
	s11 =	smul.u32 $0x2D000, s2;
	s29 =	ssub.s32 $0x2, s2  }
0xb: {  	s2 =	sshll.u32 s2, $0x4;
	s16 =	sor.u32 $0x1C03, s31;
	s12 =	sshrl.u32 s28, $0x3  }
0xc: {  	s30 =	sshrl.u32 s29, $0x1;
	s1 =	sadd.s32 s28, s3;
	s2 =	sor.u32 s4, s2  }
0xd: {  	s12 =	sadd.s32 s12, s0;
	s10 =	sadd.s32 s10, s11;
	s13 =	ssub.s32 s29, s30  }
0xe: {  	v1 =	vimm.s32 $0x0;
	vm0 =	vcmask $0x300;
	s11 =	smul.u32 $0x2800, s2;
	s17 =	sshrl.u32 s1, $0x3;
	s0 =	sadd.s32 s10, s0  }
0xf: {  	v0 =	vlaneseq.u32;
	v1 =	vsel vm0, $0x3, v1;
	s10 =	sadd.s32 $0x6DE00, s12;
	s13 =	smax.u32 s13, $0x1;
	s12 =	sadd.s32 $0x9AE00, s0  }
.LBB2_1:
0x10: {  	s0 =	rddreg [dreg:$0x1];
	s1 =	simm.s32 $0x0;
	s2 =	simm.s32 $0x6A00  }
0x11: {  	[tilespmem:s2], [sflag:$0x3] =	stream.linear.gather [hbm4b:s0+s1], $0x1000, $0x38;
	[tilespmem:$0x1E200] =	vst v63  }
0x12: {  	_ =	swait.ge [sflag:s15], $0x1000  }
0x13: {  	[sflag:s15] =	ssyncset.done $0x0  }
0x14: {  	[sflag:s15] =	ssyncadd.s32 $0xFFFFF000  }
0x15: {  	[spmem:s17], [sflag:s16] =	dma.local [hbm:s10], $0x2D00  }
0x16: {  	_ =	swait.ge [sflag:s15], $0x2D00  }
0x17: {  	[sflag:s15] =	ssyncset.done $0x0  }
0x18: {  	[sflag:s15] =	ssyncadd.s32 $0xFFFFD300  }
0x19: {  	s28 =	simm.s32 $0x0;
	[bflag:$0x0] =	sbarrier.arrive $0xFFFF  }
.LBB2_2:
0x1a: {  	s0 =	sshll.u32 s28, $0x9  }
0x1b: {  	s0 =	sadd.s32 s11, s0  }
0x1c: {  	s0 =	sshrl.u32 s0, $0x3  }
0x1d: {  	s29 =	simm.s32 $0x0;
	s1 =	sadd.s32 s5, s0  }
0x1e: {  	[tilespmem:s29], [sflag:$0x3] =	stream.linear.gather [hbm4b:s1+s29], $0x200, $0x38;
	[tilespmem:$0x1E200] =	vst v63  }
0x1f: {  	_ =	swait.ge [sflag:s15], $0x200  }
0x20: {  	[sflag:s15] =	ssyncset.done $0x0  }
0x21: {  	s31 =	sadd.s32 s6, s0;
	[sflag:s15] =	ssyncadd.s32 $0xFFFFFE00  }
0x22: {  	[tilespmem:s18], [sflag:$0x3] =	stream.linear.gather [hbm4b:s31+s29], $0x200, $0x38;
	[tilespmem:$0x1E200] =	vst v63  }
0x23: {  	_ =	swait.ge [sflag:s15], $0x200  }
0x24: {  	[sflag:s15] =	ssyncset.done $0x0  }
0x25: {  	s0 =	sadd.s32 s7, s0;
	[sflag:s15] =	ssyncadd.s32 $0xFFFFFE00  }
0x26: {  	[tilespmem:s19], [sflag:$0x3] =	stream.linear.gather [hbm4b:s0+s29], $0x200, $0x38;
	[tilespmem:$0x1E200] =	vst v63  }
0x27: {  	_ =	swait.ge [sflag:s15], $0x200  }
0x28: {  	[sflag:s15] =	ssyncset.done $0x0  }
0x29: {  	[sflag:s15] =	ssyncadd.s32 $0xFFFFFE00  }
.LBB2_3:
0x2a: {  	s0 =	sshll.u32 s29, $0x6  }
0x2b: {  	[tilespmem:s21], [sflag:$0x1] =	stream.indirect.gather [hbm4b:s8+s20], $0x80, s0, s20, $0xb8;
	[tilespmem:$0x1E200] =	vst v63  }
0x2c: {  	s30 =	sadd.s32 $0x200, s0  }
0x2d: {  	[tilespmem:s22], [sflag:$0x2] =	stream.indirect.gather [hbm4b:s9+s20], $0x80, s30, s20, $0xb8;
	[tilespmem:$0x1E200] =	vst v63  }
0x2e: {  	_ =	swait.ge [sflag:s23], $0x2000  }
0x2f: {  	[sflag:s23] =	ssyncset.done $0x0  }
0x30: {  	[sflag:s23] =	ssyncadd.s32 $0xFFFFE000  }
0x31: {  	_ =	swait.ge [sflag:s24], $0x2000  }
0x32: {  	s0 =	sadd.s32 $0x400, s0;
	[sflag:s24] =	ssyncset.done $0x0  }
0x33: {  	s31 =	simm.s32 $0x0;
	v2 =	vmov s0;
	[sflag:s24] =	ssyncadd.s32 $0xFFFFE000  }
.LBB2_4:
0x34: {  	_ = 	snop  }
0x35: {  	s0 =	sshll.u32 s31, $0x4;
	s1 =	simm.s32 $0x0  }
0x36: {  	v8 =	vimm.f32 $0.0e+00;
	s2 =	simm.s32 $0x7;
	s14 =	simm.s32 $0x4;
	s4 =	simm.s32 $0x6;
	v4 =	vor.u32 s0, v0;
	v6 =	vmov s1  }
0x37: {  	v7 =	vmov s2;
	v10 =	vmov s14;
	v11 =	vmov s4  }
0x38: {  	v5 =	vld.idx.msk [tilespmem:v2+s0+$0x0 ss:$0x1], $0xffff;
	s0 =	simm.s32 $0x7200;
	s2 =	simm.s32 $0x5;
	s14 =	simm.s32 $0x2;
	v3 =	vshll.u32 v4, $0x7;
	v6 =	vshrl.u32 v6, $0x3;
	v7 =	vor.u32 $0x7, v7  }
0x39: {  	v14 =	vmov s2;
	v15 =	vmov s14;
	v9 =	vld [tilespmem:s0+$0xFFFFF860];
	v7 =	vbroadcast v7, $0x0  }
0x3a: {  	v11 =	vshrl.u32 v11, $0x3;
	v12 =	vld [tilespmem:s0+$0xFFFFF870];
	v17 =	vshrl.u32 v10, $0x3;
	v6 =	vshll.u32 v6, v1  }
0x3b: {  	v13 =	vld [tilespmem:s0+$0xFFFFF840];
	v11 =	vshll.u32 v11, v1;
	v6 =	vbroadcast v6, $0x0;
	v7 =	vor.u32 v3, v7  }
0x3c: {  	v10 =	vld [tilespmem:s0+$0xFFFFF850];
	v14 =	vshrl.u32 v14, $0x3;
	v18 =	vshll.u32 v17, v1;
	v11 =	vor.u32 $0x6, v11  }
0x3d: {  	s4 =	simm.s32 $0x3;
	v14 =	vshll.u32 v14, v1;
	v19 =	vbroadcast v11, $0x0;
	v11 =	vld [tilespmem:s0+$0xFFFFF820];
	v17 =	vor.u32 v3, v6  }
0x3e: {  	v16 =	vmov s4;
	v18 =	vor.u32 $0x4, v18;
	v20 =	vor.u32 $0x5, v14;
	v14 =	vld [tilespmem:s0+$0xFFFFF810]  }
0x3f: {  	s14 =	simm.s32 $0x1;
	v22 =	vbroadcast v18, $0x0;
	v6 =	vshrl.u32 v15, $0x3;
	v15 =	vld [tilespmem:s0+$0xFFFFF800];
	v21 =	vor.u32 v3, v19  }
0x40: {  	v16 =	vshrl.u32 v16, $0x3;
	v23 =	vbroadcast v20, $0x0;
	v19 =	vmov s14;
	v18 =	vld.idx.msk [tilespmem:v7+s21+$0x0], $0xffff  }
0x41: {  	v6 =	vshll.u32 v6, v1;
	v22 =	vor.u32 v3, v22;
	v24 =	vshrl.u32 v19, $0x3;
	v20 =	vld.idx.msk [tilespmem:v7+s22+$0x0], $0xffff  }
0x42: {  	s1 =	simm.s32 $0x8;
	v25 =	vor.u32 $0x2, v6;
	v6 =	vimm.f32 $0.0e+00;
	v7 =	vimm.f32 $0.0e+00;
	v19 =	vld.idx.msk [tilespmem:v17+s21+$0x0], $0xffff  }
.LBB2_5:
0x43: {  	p0 =	slt.u32 s1, $0x18;
	v26 =	vld.idx.msk [tilespmem:v17+s22+$0x0], $0xffff;
	v17 =	vbroadcast v25, $0x0;
	v16 =	vshll.u32 v16, v1;
	v23 =	vor.u32 v3, v23  }
0x44: {  	v24 =	vshll.u32 v24, v1;
	v16 =	vor.u32 $0x3, v16;
	v25 =	vld.idx.msk [tilespmem:v21+s21+$0x0], $0xffff  }
0x45: {  	s2 =	sadd.s32 $0x7, s1;
	v24 =	vor.u32 $0x1, v24;
	v17 =	vor.u32 v3, v17;
	v16 =	vbroadcast v16, $0x0;
	v21 =	vld.idx.msk [tilespmem:v21+s22+$0x0], $0xffff  }
0x46: {  	v27 =	vmov s1;
	s14 =	sadd.s32 $0x4, s1;
	s4 =	sadd.s32 $0x6, s1;
	v28 =	vmov s2;
	v24 =	vbroadcast v24, $0x0;
	v29 =	vld.idx.msk [tilespmem:v22+s21+$0x0], $0xffff  }
0x47: {  	v30 =	vmov s14;
	s2 =	sadd.s32 $0x5, s1;
	v31 =	vmov s4;
	v32 =	vor.u32 v3, v16;
	v22 =	vld.idx.msk [tilespmem:v22+s22+$0x0], $0xffff  }
0x48: {  	v27 =	vshrl.u32 v27, $0x3;
	s4 =	sadd.s32 $0x2, s1;
	s14 =	sadd.s32 $0x3, s1;
	v33 =	vmov s2;
	v24 =	vor.u32 v3, v24;
	v34 =	vld.idx.msk [tilespmem:v23+s21+$0x0], $0xffff  }
0x49: {  	v35 =	vmov s4;
	v28 =	vor.u32 $0x7, v28;
	v16 =	vmov s14;
	v23 =	vld.idx.msk [tilespmem:v23+s22+$0x0], $0xffff  }
0x4a: {  	v30 =	vshrl.u32 v30, $0x3;
	v31 =	vshrl.u32 v31, $0x3;
	v33 =	vshrl.u32 v33, $0x3;
	v36 =	vld.idx.msk [tilespmem:v17+s21+$0x0], $0xffff  }
0x4b: {  	v27 =	vshll.u32 v27, v1;
	v35 =	vshrl.u32 v35, $0x3;
	v28 =	vbroadcast v28, $0x0;
	v37 =	vld.idx.msk [tilespmem:v17+s22+$0x0], $0xffff  }
0x4c: {  	v31 =	vshll.u32 v31, v1;
	v17 =	vshll.u32 v30, v1;
	v30 =	vshll.u32 v33, v1;
	v33 =	vld.idx.msk [tilespmem:v32+s21+$0x0], $0xffff  }
0x4d: {  	v27 =	vbroadcast v27, $0x0;
	v31 =	vor.u32 $0x6, v31;
	v17 =	vor.u32 $0x4, v17;
	v38 =	vld.idx.msk [tilespmem:v24+s21+$0x0], $0xffff  }
0x4e: {  	v31 =	vbroadcast v31, $0x0;
	v28 =	vor.u32 v3, v28;
	v30 =	vor.u32 $0x5, v30;
	v24 =	vld.idx.msk [tilespmem:v24+s22+$0x0], $0xffff  }
0x4f: {  	v12 =	vmul.f32 v12, v5;
	v18 =	vadd.f32 v20, v18;
	v39 =	vbroadcast v17, $0x0;
	v32 =	vld.idx.msk [tilespmem:v32+s22+$0x0], $0xffff  }
0x50: {  	v13 =	vmul.f32 v13, v5;
	v9 =	vmul.f32 v9, v5;
	v17 =	vor.u32 v3, v27;
	v20 =	vld [tilespmem:s0+$0xFFFFF830]  }
0x51: {  	v15 =	vmul.f32 v15, v5;
	v19 =	vadd.f32 v26, v19;
	v12 =	vadd.f32 v12, v18  }
0x52: {  	v10 =	vmul.f32 v10, v5;
	v21 =	vadd.f32 v21, v25;
	v18 =	vadd.f32 v22, v29  }
0x53: {  	v11 =	vmul.f32 v11, v5;
	v15 =	vadd.f32 v15, v19;
	v19 =	vadd.f32 v23, v34;
	v22 =	vld [tilespmem:s0+$0x60]  }
0x54: {  	v14 =	vmul.f32 v14, v5;
	v23 =	vadd.f32 v24, v38;
	v24 =	vadd.f32 v37, v36;
	v25 =	vld [tilespmem:s0+$0x70]  }
0x55: {  	v29 =	vadd.f32 v9, v21;
	v27 =	vadd.f32 v32, v33;
	v26 =	vld [tilespmem:s0+$0x0];
	v20 =	vmul.f32 v20, v5  }
0x56: {  	v13 =	vadd.f32 v13, v18;
	v9 =	vadd.f32 v14, v23;
	v14 =	vmul.f32 $2.000000030e-01, v12;
	v21 =	vld [tilespmem:s0+$0x10]  }
0x57: {  	v18 =	vmul.f32 $2.000000030e-01, v15;
	v19 =	vadd.f32 v10, v19;
	v11 =	vadd.f32 v11, v24;
	v23 =	vld [tilespmem:s0+$0x20]  }
0x58: {  	v10 =	vmul.f32 $2.000000030e-01, v9;
	v20 =	vadd.f32 v20, v27;
	v27 =	vmul.f32 $2.000000030e-01, v13;
	v24 =	vld [tilespmem:s0+$0x30]  }
0x59: {  	v34 =	vmul.f32 $2.000000030e-01, v19;
	v32 =	vmul.f32 $2.000000030e-01, v11;
	v14 =	vmax.f32 v12, v14;
	v33 =	vld [tilespmem:s0+$0x40]  }
0x5a: {  	v12 =	vmax.f32 v15, v18;
	v10 =	vmax.f32 v9, v10;
	v15 =	vmul.f32 $2.000000030e-01, v20;
	v18 =	vld [tilespmem:s0+$0x50];
	s0 =	sadd.s32 $0x80, s0  }
0x5b: {  	v11 =	vmax.f32 v11, v32;
	v26 =	vmul.f32 v12, v26;
	v9 =	vld [tilespmem:s0+$0xFFFFF860];
	v10 =	vmul.f32 v10, v21  }
0x5c: {  	v12 =	vld [tilespmem:s0+$0xFFFFF870];
	v21 =	vmul.f32 v11, v23;
	v11 =	vmax.f32 v20, v15;
	v15 =	vmax.f32 v13, v27  }
0x5d: {  	v6 =	vadd.f32 v26, v6;
	v13 =	vld [tilespmem:s0+$0xFFFFF840];
	v7 =	vadd.f32 v10, v7;
	v20 =	vmul.f32 v11, v24  }
0x5e: {  	v10 =	vld [tilespmem:s0+$0xFFFFF850];
	v23 =	vmul.f32 v15, v33;
	v15 =	vmax.f32 v19, v34;
	v19 =	vmul.f32 $2.000000030e-01, v29  }
0x5f: {  	v6 =	vadd.f32 v21, v6;
	v11 =	vld [tilespmem:s0+$0xFFFFF820];
	v7 =	vadd.f32 v20, v7;
	v18 =	vmul.f32 v15, v18  }
.Ltmp0:
0x60: {  	v24 =	vmul.f32 v14, v25;
	v21 =	vor.u32 v3, v31;
	v15 =	vld [tilespmem:s0+$0xFFFFF800];
	v19 =	vmax.f32 v29, v19;
	(pc) =	sbr.rel @p0 .LBB2_5-.Ltmp0, $4  }
0x61: {  	s2 =	sadd.s32 $0x1, s1;
	v6 =	vadd.f32 v23, v6;
	v14 =	vld [tilespmem:s0+$0xFFFFF810];
	v7 =	vadd.f32 v18, v7;
	v19 =	vmul.f32 v19, v22  }
0x62: {  	v26 =	vshll.u32 v35, v1;
	v25 =	vmov s2;
	v23 =	vbroadcast v30, $0x0;
	v18 =	vld.idx.msk [tilespmem:v28+s21+$0x0], $0xffff  }
0x63: {  	s14 =	simm.s32 $0x20;
	s2 =	simm.s32 $0x7400;
	v22 =	vor.u32 v3, v39;
	v20 =	vld.idx.msk [tilespmem:v28+s22+$0x0], $0xffff;
	v6 =	vadd.f32 v19, v6;
	v7 =	vadd.f32 v24, v7  }
0x64: {  	s1 =	sadd.s32 $0x8, s1;
	v16 =	vshrl.u32 v16, $0x3;
	v24 =	vshrl.u32 v25, $0x3;
	v25 =	vor.u32 $0x2, v26;
	v19 =	vld.idx.msk [tilespmem:v17+s21+$0x0], $0xffff  }
0x65: {  	_ =	sdelay $0x3  }
0x66: {  	v17 =	vld.idx.msk [tilespmem:v17+s22+$0x0], $0xffff  }
0x67: {  	v25 =	vbroadcast v25, $0x0;
	v16 =	vshll.u32 v16, v1;
	v23 =	vor.u32 v3, v23;
	v26 =	vld.idx.msk [tilespmem:v21+s21+$0x0], $0xffff  }
0x68: {  	v24 =	vshll.u32 v24, v1;
	v21 =	vld.idx.msk [tilespmem:v21+s22+$0x0], $0xffff;
	v16 =	vor.u32 $0x3, v16  }
0x69: {  	v27 =	vld.idx.msk [tilespmem:v22+s21+$0x0], $0xffff;
	v24 =	vor.u32 $0x1, v24;
	v25 =	vor.u32 v3, v25;
	v16 =	vbroadcast v16, $0x0  }
0x6a: {  	v22 =	vld.idx.msk [tilespmem:v22+s22+$0x0], $0xffff;
	v24 =	vbroadcast v24, $0x0  }
0x6b: {  	v18 =	vadd.f32 v20, v18;
	v20 =	vld [tilespmem:s0+$0xFFFFF830];
	v16 =	vor.u32 v3, v16  }
0x6c: {  	v24 =	vor.u32 v3, v24;
	v28 =	vld.idx.msk [tilespmem:v23+s21+$0x0], $0xffff  }
0x6d: {  	v23 =	vld.idx.msk [tilespmem:v23+s22+$0x0], $0xffff  }
0x6e: {  	v29 =	vld.idx.msk [tilespmem:v25+s21+$0x0], $0xffff  }
0x6f: {  	v25 =	vld.idx.msk [tilespmem:v25+s22+$0x0], $0xffff  }
0x70: {  	v30 =	vld.idx.msk [tilespmem:v16+s21+$0x0], $0xffff  }
0x71: {  	v12 =	vmul.f32 v12, v5;
	v31 =	vld.idx.msk [tilespmem:v24+s21+$0x0], $0xffff  }
0x72: {  	v13 =	vmul.f32 v13, v5;
	v17 =	vadd.f32 v17, v19;
	v24 =	vld.idx.msk [tilespmem:v24+s22+$0x0], $0xffff  }
0x73: {  	v15 =	vmul.f32 v15, v5;
	v12 =	vadd.f32 v12, v18;
	v18 =	vadd.f32 v22, v27;
	v16 =	vld.idx.msk [tilespmem:v16+s22+$0x0], $0xffff  }
0x74: {  	v10 =	vmul.f32 v10, v5;
	v19 =	vadd.f32 v21, v26;
	v21 =	vadd.f32 v23, v28  }
0x75: {  	v11 =	vmul.f32 v11, v5;
	v15 =	vadd.f32 v15, v17;
	v22 =	vadd.f32 v25, v29  }
0x76: {  	v9 =	vmul.f32 v9, v5;
	v13 =	vadd.f32 v13, v18;
	v23 =	vld [tilespmem:s0+$0x0];
	v10 =	vadd.f32 v10, v21  }
0x77: {  	v14 =	vmul.f32 v14, v5;
	v18 =	vld [tilespmem:s0+$0x20];
	v17 =	vadd.f32 v24, v31;
	v11 =	vadd.f32 v11, v22  }
0x78: {  	v20 =	vmul.f32 v20, v5;
	v16 =	vadd.f32 v16, v30;
	v22 =	vmul.f32 $2.000000030e-01, v15  }
0x79: {  	v24 =	vld [tilespmem:s0+$0x10];
	v63 =	vmul.f32 $2.000000030e-01, v10;
	v14 =	vadd.f32 v14, v17;
	v26 =	vmul.f32 $2.000000030e-01, v11  }
0x7a: {  	v27 =	vld [tilespmem:s0+$0x40];
	v17 =	vmul.f32 $2.000000030e-01, v12;
	v16 =	vadd.f32 v20, v16;
	v15 =	vmax.f32 v15, v22  }
0x7b: {  	v25 =	vld [tilespmem:s0+$0x30];
	v15 =	vmul.f32 v15, v23;
	v21 =	vmul.f32 $2.000000030e-01, v14;
	v11 =	vmax.f32 v11, v26  }
0x7c: {  	v9 =	vadd.f32 v9, v19;
	v20 =	vmul.f32 $2.000000030e-01, v13;
	v23 =	vld [tilespmem:s0+$0x60];
	v11 =	vmul.f32 v11, v18  }
0x7d: {  	v22 =	vld [tilespmem:s0+$0x50];
	v6 =	vadd.f32 v15, v6;
	v14 =	vmax.f32 v14, v21;
	v21 =	vmul.f32 $2.000000030e-01, v16  }
0x7e: {  	v13 =	vmax.f32 v13, v20;
	v18 =	vld [tilespmem:s0+$0x70];
	v15 =	vmul.f32 $2.000000030e-01, v9;
	v14 =	vmul.f32 v14, v24  }
0x7f: {  	v13 =	vmul.f32 v13, v27;
	v6 =	vadd.f32 v11, v6;
	v16 =	vmax.f32 v16, v21  }
0x80: {  	v9 =	vmax.f32 v9, v15;
	v7 =	vadd.f32 v14, v7;
	v14 =	vmul.f32 v16, v25  }
0x81: {  	v10 =	vmax.f32 v10, v63;
	v9 =	vmul.f32 v9, v23;
	v6 =	vadd.f32 v13, v6  }
0x82: {  	s4 =	simm.s32 $0x26;
	v10 =	vmul.f32 v10, v22;
	v11 =	vmax.f32 v12, v17;
	v7 =	vadd.f32 v14, v7  }
0x83: {  	s0 =	simm.s32 $0x27;
	v13 =	vmov s4;
	v11 =	vmul.f32 v11, v18;
	v6 =	vadd.f32 v9, v6  }
0x84: {  	v9 =	vmov s14;
	v7 =	vadd.f32 v10, v7;
	v10 =	vmov s0  }
0x85: {  	v13 =	vshrl.u32 v13, $0x3;
	v9 =	vshrl.u32 v9, $0x3;
	v10 =	vor.u32 $0x7, v10  }
0x86: {  	v12 =	vld [tilespmem:s2+$0xFFFFF870];
	s4 =	simm.s32 $0x22;
	v13 =	vshll.u32 v13, v1;
	v9 =	vshll.u32 v9, v1;
	v14 =	vbroadcast v10, $0x0  }
0x87: {  	s1 =	simm.s32 $0x24;
	v17 =	vmov s4;
	v19 =	vor.u32 $0x6, v13;
	v13 =	vld [tilespmem:s2+$0xFFFFF820];
	v9 =	vbroadcast v9, $0x0  }
0x88: {  	v7 =	vadd.f32 v11, v7;
	v11 =	vmov s1;
	s1 =	simm.s32 $0x25;
	v10 =	vld [tilespmem:s2+$0xFFFFF860];
	v20 =	vor.u32 v3, v14  }
0x89: {  	v19 =	vbroadcast v19, $0x0;
	v15 =	vmov s1;
	v16 =	vshrl.u32 v11, $0x3;
	v11 =	vld [tilespmem:s2+$0xFFFFF850]  }
0x8a: {  	v18 =	vor.u32 v3, v9;
	v14 =	vld [tilespmem:s2+$0xFFFFF840];
	v15 =	vshrl.u32 v15, $0x3;
	v16 =	vshll.u32 v16, v1  }
0x8b: {  	s14 =	simm.s32 $0x23;
	v17 =	vshrl.u32 v17, $0x3;
	v9 =	vshll.u32 v15, v1;
	v15 =	vor.u32 $0x4, v16;
	v16 =	vld [tilespmem:s2+$0xFFFFF800]  }
0x8c: {  	v27 =	vmov s14;
	s14 =	simm.s32 $0x21;
	v22 =	vor.u32 v3, v19;
	v21 =	vbroadcast v15, $0x0;
	v15 =	vld [tilespmem:s2+$0xFFFFF810]  }
0x8d: {  	v17 =	vshll.u32 v17, v1;
	v25 =	vmov s14;
	v9 =	vor.u32 $0x5, v9;
	v19 =	vld.idx.msk [tilespmem:v20+s21+$0x0], $0xffff  }
0x8e: {  	v26 =	vor.u32 $0x2, v17;
	v24 =	vbroadcast v9, $0x0;
	v23 =	vor.u32 v3, v21;
	v21 =	vld.idx.msk [tilespmem:v20+s22+$0x0], $0xffff  }
0x8f: {  	v17 =	vshrl.u32 v27, $0x3;
	v25 =	vshrl.u32 v25, $0x3;
	s1 =	simm.s32 $0x28;
	v9 =	vimm.f32 $0.0e+00;
	v20 =	vld.idx.msk [tilespmem:v18+s21+$0x0], $0xffff  }
.LBB2_7:
0x90: {  	p0 =	slt.u32 s1, $0x38;
	v27 =	vld.idx.msk [tilespmem:v18+s22+$0x0], $0xffff;
	v18 =	vbroadcast v26, $0x0;
	v17 =	vshll.u32 v17, v1;
	v24 =	vor.u32 v3, v24  }
0x91: {  	v25 =	vshll.u32 v25, v1;
	v17 =	vor.u32 $0x3, v17;
	v26 =	vld.idx.msk [tilespmem:v22+s21+$0x0], $0xffff  }
0x92: {  	s0 =	sadd.s32 $0x7, s1;
	v25 =	vor.u32 $0x1, v25;
	v18 =	vor.u32 v3, v18;
	v17 =	vbroadcast v17, $0x0;
	v22 =	vld.idx.msk [tilespmem:v22+s22+$0x0], $0xffff  }
0x93: {  	v28 =	vmov s1;
	s4 =	sadd.s32 $0x4, s1;
	s14 =	sadd.s32 $0x6, s1;
	v29 =	vmov s0;
	v25 =	vbroadcast v25, $0x0;
	v30 =	vld.idx.msk [tilespmem:v23+s21+$0x0], $0xffff  }
0x94: {  	v31 =	vmov s4;
	s0 =	sadd.s32 $0x5, s1;
	v32 =	vmov s14;
	v33 =	vor.u32 v3, v17;
	v23 =	vld.idx.msk [tilespmem:v23+s22+$0x0], $0xffff  }
0x95: {  	v28 =	vshrl.u32 v28, $0x3;
	s4 =	sadd.s32 $0x2, s1;
	s14 =	sadd.s32 $0x3, s1;
	v34 =	vmov s0;
	v25 =	vor.u32 v3, v25;
	v35 =	vld.idx.msk [tilespmem:v24+s21+$0x0], $0xffff  }
0x96: {  	v36 =	vmov s4;
	v29 =	vor.u32 $0x7, v29;
	v17 =	vmov s14;
	v24 =	vld.idx.msk [tilespmem:v24+s22+$0x0], $0xffff  }
0x97: {  	v31 =	vshrl.u32 v31, $0x3;
	v32 =	vshrl.u32 v32, $0x3;
	v34 =	vshrl.u32 v34, $0x3;
	v37 =	vld.idx.msk [tilespmem:v18+s21+$0x0], $0xffff  }
0x98: {  	v28 =	vshll.u32 v28, v1;
	v36 =	vshrl.u32 v36, $0x3;
	v29 =	vbroadcast v29, $0x0;
	v38 =	vld.idx.msk [tilespmem:v18+s22+$0x0], $0xffff  }
0x99: {  	v32 =	vshll.u32 v32, v1;
	v18 =	vshll.u32 v31, v1;
	v31 =	vshll.u32 v34, v1;
	v34 =	vld.idx.msk [tilespmem:v33+s21+$0x0], $0xffff  }
0x9a: {  	v28 =	vbroadcast v28, $0x0;
	v32 =	vor.u32 $0x6, v32;
	v18 =	vor.u32 $0x4, v18;
	v39 =	vld.idx.msk [tilespmem:v25+s21+$0x0], $0xffff  }
0x9b: {  	v32 =	vbroadcast v32, $0x0;
	v29 =	vor.u32 v3, v29;
	v31 =	vor.u32 $0x5, v31;
	v25 =	vld.idx.msk [tilespmem:v25+s22+$0x0], $0xffff  }
0x9c: {  	v12 =	vmul.f32 v12, v5;
	v19 =	vadd.f32 v21, v19;
	v40 =	vbroadcast v18, $0x0;
	v33 =	vld.idx.msk [tilespmem:v33+s22+$0x0], $0xffff  }
0x9d: {  	v14 =	vmul.f32 v14, v5;
	v10 =	vmul.f32 v10, v5;
	v18 =	vor.u32 v3, v28;
	v21 =	vld [tilespmem:s2+$0xFFFFF830]  }
0x9e: {  	v16 =	vmul.f32 v16, v5;
	v20 =	vadd.f32 v27, v20;
	v12 =	vadd.f32 v12, v19  }
0x9f: {  	v11 =	vmul.f32 v11, v5;
	v22 =	vadd.f32 v22, v26;
	v19 =	vadd.f32 v23, v30  }
0xa0: {  	v13 =	vmul.f32 v13, v5;
	v16 =	vadd.f32 v16, v20;
	v20 =	vadd.f32 v24, v35;
	v23 =	vld [tilespmem:s2+$0x60]  }
0xa1: {  	v15 =	vmul.f32 v15, v5;
	v24 =	vadd.f32 v25, v39;
	v25 =	vadd.f32 v38, v37;
	v26 =	vld [tilespmem:s2+$0x70]  }
0xa2: {  	v30 =	vadd.f32 v10, v22;
	v28 =	vadd.f32 v33, v34;
	v27 =	vld [tilespmem:s2+$0x0];
	v21 =	vmul.f32 v21, v5  }
0xa3: {  	v14 =	vadd.f32 v14, v19;
	v10 =	vadd.f32 v15, v24;
	v15 =	vmul.f32 $2.000000030e-01, v12;
	v22 =	vld [tilespmem:s2+$0x10]  }
0xa4: {  	v19 =	vmul.f32 $2.000000030e-01, v16;
	v20 =	vadd.f32 v11, v20;
	v13 =	vadd.f32 v13, v25;
	v24 =	vld [tilespmem:s2+$0x20]  }
0xa5: {  	v11 =	vmul.f32 $2.000000030e-01, v10;
	v21 =	vadd.f32 v21, v28;
	v28 =	vmul.f32 $2.000000030e-01, v14;
	v25 =	vld [tilespmem:s2+$0x30]  }
0xa6: {  	v35 =	vmul.f32 $2.000000030e-01, v20;
	v33 =	vmul.f32 $2.000000030e-01, v13;
	v15 =	vmax.f32 v12, v15;
	v34 =	vld [tilespmem:s2+$0x40]  }
0xa7: {  	v12 =	vmax.f32 v16, v19;
	v11 =	vmax.f32 v10, v11;
	v16 =	vmul.f32 $2.000000030e-01, v21;
	v19 =	vld [tilespmem:s2+$0x50];
	s2 =	sadd.s32 $0x80, s2  }
0xa8: {  	v13 =	vmax.f32 v13, v33;
	v27 =	vmul.f32 v12, v27;
	v10 =	vld [tilespmem:s2+$0xFFFFF860];
	v11 =	vmul.f32 v11, v22  }
0xa9: {  	v12 =	vld [tilespmem:s2+$0xFFFFF870];
	v22 =	vmul.f32 v13, v24;
	v13 =	vmax.f32 v21, v16;
	v16 =	vmax.f32 v14, v28  }
0xaa: {  	v8 =	vadd.f32 v27, v8;
	v14 =	vld [tilespmem:s2+$0xFFFFF840];
	v9 =	vadd.f32 v11, v9;
	v21 =	vmul.f32 v13, v25  }
0xab: {  	v11 =	vld [tilespmem:s2+$0xFFFFF850];
	v24 =	vmul.f32 v16, v34;
	v16 =	vmax.f32 v20, v35;
	v20 =	vmul.f32 $2.000000030e-01, v30  }
0xac: {  	v8 =	vadd.f32 v22, v8;
	v13 =	vld [tilespmem:s2+$0xFFFFF820];
	v9 =	vadd.f32 v21, v9;
	v19 =	vmul.f32 v16, v19  }
.Ltmp1:
0xad: {  	v25 =	vmul.f32 v15, v26;
	v22 =	vor.u32 v3, v32;
	v16 =	vld [tilespmem:s2+$0xFFFFF800];
	v20 =	vmax.f32 v30, v20;
	(pc) =	sbr.rel @p0 .LBB2_7-.Ltmp1, $4  }
0xae: {  	s0 =	sadd.s32 $0x1, s1;
	v8 =	vadd.f32 v24, v8;
	v15 =	vld [tilespmem:s2+$0xFFFFF810];
	v9 =	vadd.f32 v19, v9;
	v20 =	vmul.f32 v20, v23  }
0xaf: {  	v27 =	vshll.u32 v36, v1;
	v26 =	vmov s0;
	v24 =	vbroadcast v31, $0x0;
	v19 =	vld.idx.msk [tilespmem:v29+s21+$0x0], $0xffff  }
0xb0: {  	s0 =	simm.s32 $0x7600;
	v23 =	vor.u32 v3, v40;
	v21 =	vld.idx.msk [tilespmem:v29+s22+$0x0], $0xffff;
	v8 =	vadd.f32 v20, v8;
	v9 =	vadd.f32 v25, v9  }
0xb1: {  	s1 =	sadd.s32 $0x8, s1;
	v17 =	vshrl.u32 v17, $0x3;
	v25 =	vshrl.u32 v26, $0x3;
	v26 =	vor.u32 $0x2, v27;
	v20 =	vld.idx.msk [tilespmem:v18+s21+$0x0], $0xffff  }
0xb2: {  	_ =	sdelay $0x3  }
0xb3: {  	v18 =	vld.idx.msk [tilespmem:v18+s22+$0x0], $0xffff  }
0xb4: {  	v26 =	vbroadcast v26, $0x0;
	v17 =	vshll.u32 v17, v1;
	v24 =	vor.u32 v3, v24;
	v27 =	vld.idx.msk [tilespmem:v22+s21+$0x0], $0xffff  }
0xb5: {  	v25 =	vshll.u32 v25, v1;
	v22 =	vld.idx.msk [tilespmem:v22+s22+$0x0], $0xffff;
	v17 =	vor.u32 $0x3, v17  }
0xb6: {  	v28 =	vld.idx.msk [tilespmem:v23+s21+$0x0], $0xffff;
	v25 =	vor.u32 $0x1, v25;
	v26 =	vor.u32 v3, v26;
	v17 =	vbroadcast v17, $0x0  }
0xb7: {  	v23 =	vld.idx.msk [tilespmem:v23+s22+$0x0], $0xffff;
	v25 =	vbroadcast v25, $0x0  }
0xb8: {  	v19 =	vadd.f32 v21, v19;
	v21 =	vld [tilespmem:s2+$0xFFFFF830];
	v17 =	vor.u32 v3, v17  }
0xb9: {  	v25 =	vor.u32 v3, v25;
	v29 =	vld.idx.msk [tilespmem:v24+s21+$0x0], $0xffff  }
0xba: {  	v24 =	vld.idx.msk [tilespmem:v24+s22+$0x0], $0xffff  }
0xbb: {  	v30 =	vld.idx.msk [tilespmem:v26+s21+$0x0], $0xffff  }
0xbc: {  	v26 =	vld.idx.msk [tilespmem:v26+s22+$0x0], $0xffff  }
0xbd: {  	v12 =	vmul.f32 v12, v5;
	v31 =	vld.idx.msk [tilespmem:v17+s21+$0x0], $0xffff  }
0xbe: {  	v14 =	vmul.f32 v14, v5;
	v32 =	vld.idx.msk [tilespmem:v25+s21+$0x0], $0xffff  }
0xbf: {  	v10 =	vmul.f32 v10, v5;
	v12 =	vadd.f32 v12, v19;
	v19 =	vadd.f32 v23, v28;
	v25 =	vld.idx.msk [tilespmem:v25+s22+$0x0], $0xffff  }
0xc0: {  	v16 =	vmul.f32 v16, v5;
	v11 =	vmul.f32 v11, v5;
	v18 =	vadd.f32 v18, v20;
	v17 =	vld.idx.msk [tilespmem:v17+s22+$0x0], $0xffff  }
0xc1: {  	v20 =	vadd.f32 v22, v27;
	v14 =	vadd.f32 v14, v19;
	v19 =	vmul.f32 $2.000000030e-01, v12  }
0xc2: {  	v13 =	vmul.f32 v13, v5;
	v16 =	vadd.f32 v16, v18;
	v18 =	vadd.f32 v24, v29  }
0xc3: {  	v10 =	vadd.f32 v10, v20;
	v12 =	vmax.f32 v12, v19;
	v19 =	vld [tilespmem:s2+$0x50];
	v23 =	vadd.f32 v26, v30  }
0xc4: {  	v15 =	vmul.f32 v15, v5;
	v24 =	vld [tilespmem:s2+$0x0];
	v11 =	vadd.f32 v11, v18;
	v22 =	vadd.f32 v25, v32  }
0xc5: {  	v20 =	vld [tilespmem:s2+$0x10];
	v21 =	vmul.f32 v21, v5;
	v17 =	vadd.f32 v17, v31;
	v13 =	vadd.f32 v13, v23  }
0xc6: {  	v25 =	vld [tilespmem:s2+$0x20];
	v28 =	vmul.f32 $2.000000030e-01, v11;
	v15 =	vadd.f32 v15, v22;
	v22 =	vmul.f32 $2.000000030e-01, v16  }
0xc7: {  	v27 =	vld [tilespmem:s2+$0x40];
	v17 =	vadd.f32 v21, v17;
	v21 =	vmul.f32 $2.000000030e-01, v14;
	v26 =	vmul.f32 $2.000000030e-01, v13  }
0xc8: {  	v23 =	vld [tilespmem:s2+$0x30];
	v11 =	vmax.f32 v11, v28;
	v18 =	vmul.f32 $2.000000030e-01, v15;
	v16 =	vmax.f32 v16, v22  }
0xc9: {  	v11 =	vmul.f32 v11, v19;
	v22 =	vld [tilespmem:s2+$0x70];
	v13 =	vmax.f32 v13, v26;
	v16 =	vmul.f32 v16, v24  }
0xca: {  	v14 =	vmax.f32 v14, v21;
	v15 =	vmax.f32 v15, v18;
	v18 =	vmul.f32 $2.000000030e-01, v17  }
0xcb: {  	v13 =	vmul.f32 v13, v25;
	v15 =	vmul.f32 v15, v20;
	v20 =	vld [tilespmem:s2+$0x60];
	v8 =	vadd.f32 v16, v8  }
0xcc: {  	v14 =	vmul.f32 v14, v27;
	v16 =	vmul.f32 $2.000000030e-01, v10;
	v17 =	vmax.f32 v17, v18  }
0xcd: {  	v9 =	vadd.f32 v15, v9;
	v15 =	vmul.f32 v17, v23;
	v8 =	vadd.f32 v13, v8  }
0xce: {  	s14 =	simm.s32 $0x46;
	v10 =	vmax.f32 v10, v16;
	v13 =	vmul.f32 v12, v22;
	v12 =	vimm.f32 $0.0e+00  }
0xcf: {  	s4 =	simm.s32 $0x44;
	v9 =	vadd.f32 v15, v9;
	v8 =	vadd.f32 v14, v8;
	v15 =	vmov s14  }
0xd0: {  	s2 =	simm.s32 $0x47;
	v14 =	vmov s4;
	v10 =	vmul.f32 v10, v20;
	v15 =	vshrl.u32 v15, $0x3  }
0xd1: {  	s1 =	simm.s32 $0x40;
	v21 =	vshrl.u32 v14, $0x3;
	v9 =	vadd.f32 v11, v9;
	v11 =	vmov s2  }
0xd2: {  	v8 =	vadd.f32 v10, v8;
	v10 =	vmov s1;
	v11 =	vor.u32 $0x7, v11  }
0xd3: {  	v16 =	vld [tilespmem:s0+$0xFFFFF870];
	s2 =	simm.s32 $0x45;
	v15 =	vshll.u32 v15, v1;
	v10 =	vshrl.u32 v10, $0x3;
	v11 =	vbroadcast v11, $0x0  }
0xd4: {  	v17 =	vld [tilespmem:s0+$0xFFFFF840];
	v22 =	vshll.u32 v21, v1;
	v18 =	vmov s2;
	v10 =	vshll.u32 v10, v1  }
0xd5: {  	v14 =	vld [tilespmem:s0+$0xFFFFF850];
	v15 =	vor.u32 $0x6, v15;
	v10 =	vbroadcast v10, $0x0;
	v11 =	vor.u32 v3, v11  }
0xd6: {  	v22 =	vor.u32 $0x4, v22;
	v9 =	vadd.f32 v13, v9;
	v13 =	vld [tilespmem:s0+$0xFFFFF860];
	v18 =	vshrl.u32 v18, $0x3  }
0xd7: {  	s4 =	simm.s32 $0x42;
	v23 =	vbroadcast v15, $0x0;
	v15 =	vld [tilespmem:s0+$0xFFFFF820];
	v18 =	vshll.u32 v18, v1;
	v21 =	vor.u32 v3, v10  }
0xd8: {  	s14 =	simm.s32 $0x43;
	v19 =	vmov s4;
	v26 =	vbroadcast v22, $0x0;
	v24 =	vor.u32 $0x5, v18;
	v18 =	vld [tilespmem:s0+$0xFFFFF810]  }
0xd9: {  	v20 =	vmov s14;
	s14 =	simm.s32 $0x41;
	v25 =	vor.u32 v3, v23;
	v10 =	vshrl.u32 v19, $0x3;
	v19 =	vld [tilespmem:s0+$0xFFFFF800]  }
0xda: {  	v20 =	vshrl.u32 v20, $0x3;
	v23 =	vmov s14;
	v26 =	vor.u32 v3, v26;
	v22 =	vld.idx.msk [tilespmem:v11+s21+$0x0], $0xffff  }
0xdb: {  	v27 =	vbroadcast v24, $0x0;
	v28 =	vshrl.u32 v23, $0x3;
	v10 =	vshll.u32 v10, v1;
	v24 =	vld.idx.msk [tilespmem:v11+s22+$0x0], $0xffff  }
0xdc: {  	s1 =	simm.s32 $0x48;
	v29 =	vor.u32 $0x2, v10;
	v10 =	vimm.f32 $0.0e+00;
	v11 =	vimm.f32 $0.0e+00;
	v23 =	vld.idx.msk [tilespmem:v21+s21+$0x0], $0xffff  }
.LBB2_9:
0xdd: {  	p0 =	slt.u32 s1, $0x58;
	v30 =	vld.idx.msk [tilespmem:v21+s22+$0x0], $0xffff;
	v21 =	vbroadcast v29, $0x0;
	v20 =	vshll.u32 v20, v1;
	v27 =	vor.u32 v3, v27  }
0xde: {  	v28 =	vshll.u32 v28, v1;
	v20 =	vor.u32 $0x3, v20;
	v29 =	vld.idx.msk [tilespmem:v25+s21+$0x0], $0xffff  }
0xdf: {  	s2 =	sadd.s32 $0x7, s1;
	v28 =	vor.u32 $0x1, v28;
	v21 =	vor.u32 v3, v21;
	v20 =	vbroadcast v20, $0x0;
	v25 =	vld.idx.msk [tilespmem:v25+s22+$0x0], $0xffff  }
0xe0: {  	v31 =	vmov s1;
	s4 =	sadd.s32 $0x4, s1;
	s14 =	sadd.s32 $0x6, s1;
	v32 =	vmov s2;
	v28 =	vbroadcast v28, $0x0;
	v33 =	vld.idx.msk [tilespmem:v26+s21+$0x0], $0xffff  }
0xe1: {  	v34 =	vmov s4;
	s2 =	sadd.s32 $0x5, s1;
	v35 =	vmov s14;
	v36 =	vor.u32 v3, v20;
	v26 =	vld.idx.msk [tilespmem:v26+s22+$0x0], $0xffff  }
0xe2: {  	v31 =	vshrl.u32 v31, $0x3;
	s4 =	sadd.s32 $0x2, s1;
	s14 =	sadd.s32 $0x3, s1;
	v37 =	vmov s2;
	v28 =	vor.u32 v3, v28;
	v38 =	vld.idx.msk [tilespmem:v27+s21+$0x0], $0xffff  }
0xe3: {  	v39 =	vmov s4;
	v32 =	vor.u32 $0x7, v32;
	v20 =	vmov s14;
	v27 =	vld.idx.msk [tilespmem:v27+s22+$0x0], $0xffff  }
0xe4: {  	v34 =	vshrl.u32 v34, $0x3;
	v35 =	vshrl.u32 v35, $0x3;
	v37 =	vshrl.u32 v37, $0x3;
	v40 =	vld.idx.msk [tilespmem:v21+s21+$0x0], $0xffff  }
0xe5: {  	v31 =	vshll.u32 v31, v1;
	v39 =	vshrl.u32 v39, $0x3;
	v32 =	vbroadcast v32, $0x0;
	v41 =	vld.idx.msk [tilespmem:v21+s22+$0x0], $0xffff  }
0xe6: {  	v35 =	vshll.u32 v35, v1;
	v21 =	vshll.u32 v34, v1;
	v34 =	vshll.u32 v37, v1;
	v37 =	vld.idx.msk [tilespmem:v36+s21+$0x0], $0xffff  }
0xe7: {  	v31 =	vbroadcast v31, $0x0;
	v35 =	vor.u32 $0x6, v35;
	v21 =	vor.u32 $0x4, v21;
	v42 =	vld.idx.msk [tilespmem:v28+s21+$0x0], $0xffff  }
0xe8: {  	v35 =	vbroadcast v35, $0x0;
	v32 =	vor.u32 v3, v32;
	v34 =	vor.u32 $0x5, v34;
	v28 =	vld.idx.msk [tilespmem:v28+s22+$0x0], $0xffff  }
0xe9: {  	v16 =	vmul.f32 v16, v5;
	v22 =	vadd.f32 v24, v22;
	v43 =	vbroadcast v21, $0x0;
	v36 =	vld.idx.msk [tilespmem:v36+s22+$0x0], $0xffff  }
0xea: {  	v17 =	vmul.f32 v17, v5;
	v13 =	vmul.f32 v13, v5;
	v21 =	vor.u32 v3, v31;
	v24 =	vld [tilespmem:s0+$0xFFFFF830]  }
0xeb: {  	v19 =	vmul.f32 v19, v5;
	v23 =	vadd.f32 v30, v23;
	v16 =	vadd.f32 v16, v22  }
0xec: {  	v14 =	vmul.f32 v14, v5;
	v25 =	vadd.f32 v25, v29;
	v22 =	vadd.f32 v26, v33  }
0xed: {  	v15 =	vmul.f32 v15, v5;
	v19 =	vadd.f32 v19, v23;
	v23 =	vadd.f32 v27, v38;
	v26 =	vld [tilespmem:s0+$0x60]  }
0xee: {  	v18 =	vmul.f32 v18, v5;
	v27 =	vadd.f32 v28, v42;
	v28 =	vadd.f32 v41, v40;
	v29 =	vld [tilespmem:s0+$0x70]  }
0xef: {  	v33 =	vadd.f32 v13, v25;
	v31 =	vadd.f32 v36, v37;
	v30 =	vld [tilespmem:s0+$0x0];
	v24 =	vmul.f32 v24, v5  }
0xf0: {  	v17 =	vadd.f32 v17, v22;
	v13 =	vadd.f32 v18, v27;
	v18 =	vmul.f32 $2.000000030e-01, v16;
	v25 =	vld [tilespmem:s0+$0x10]  }
0xf1: {  	v22 =	vmul.f32 $2.000000030e-01, v19;
	v23 =	vadd.f32 v14, v23;
	v15 =	vadd.f32 v15, v28;
	v27 =	vld [tilespmem:s0+$0x20]  }
0xf2: {  	v14 =	vmul.f32 $2.000000030e-01, v13;
	v24 =	vadd.f32 v24, v31;
	v31 =	vmul.f32 $2.000000030e-01, v17;
	v28 =	vld [tilespmem:s0+$0x30]  }
0xf3: {  	v38 =	vmul.f32 $2.000000030e-01, v23;
	v36 =	vmul.f32 $2.000000030e-01, v15;
	v18 =	vmax.f32 v16, v18;
	v37 =	vld [tilespmem:s0+$0x40]  }
0xf4: {  	v16 =	vmax.f32 v19, v22;
	v14 =	vmax.f32 v13, v14;
	v19 =	vmul.f32 $2.000000030e-01, v24;
	v22 =	vld [tilespmem:s0+$0x50];
	s0 =	sadd.s32 $0x80, s0  }
0xf5: {  	v15 =	vmax.f32 v15, v36;
	v30 =	vmul.f32 v16, v30;
	v13 =	vld [tilespmem:s0+$0xFFFFF860];
	v14 =	vmul.f32 v14, v25  }
0xf6: {  	v16 =	vld [tilespmem:s0+$0xFFFFF870];
	v25 =	vmul.f32 v15, v27;
	v15 =	vmax.f32 v24, v19;
	v19 =	vmax.f32 v17, v31  }
0xf7: {  	v10 =	vadd.f32 v30, v10;
	v17 =	vld [tilespmem:s0+$0xFFFFF840];
	v11 =	vadd.f32 v14, v11;
	v24 =	vmul.f32 v15, v28  }
0xf8: {  	v14 =	vld [tilespmem:s0+$0xFFFFF850];
	v27 =	vmul.f32 v19, v37;
	v19 =	vmax.f32 v23, v38;
	v23 =	vmul.f32 $2.000000030e-01, v33  }
0xf9: {  	v10 =	vadd.f32 v25, v10;
	v15 =	vld [tilespmem:s0+$0xFFFFF820];
	v11 =	vadd.f32 v24, v11;
	v22 =	vmul.f32 v19, v22  }
.Ltmp2:
0xfa: {  	v28 =	vmul.f32 v18, v29;
	v25 =	vor.u32 v3, v35;
	v19 =	vld [tilespmem:s0+$0xFFFFF800];
	v23 =	vmax.f32 v33, v23;
	(pc) =	sbr.rel @p0 .LBB2_9-.Ltmp2, $4  }
0xfb: {  	s2 =	sadd.s32 $0x1, s1;
	v10 =	vadd.f32 v27, v10;
	v18 =	vld [tilespmem:s0+$0xFFFFF810];
	v11 =	vadd.f32 v22, v11;
	v23 =	vmul.f32 v23, v26  }
0xfc: {  	v30 =	vshll.u32 v39, v1;
	v29 =	vmov s2;
	v27 =	vbroadcast v34, $0x0;
	v22 =	vld.idx.msk [tilespmem:v32+s21+$0x0], $0xffff  }
0xfd: {  	s14 =	simm.s32 $0x60;
	s2 =	simm.s32 $0x7800;
	v26 =	vor.u32 v3, v43;
	v24 =	vld.idx.msk [tilespmem:v32+s22+$0x0], $0xffff;
	v10 =	vadd.f32 v23, v10;
	v11 =	vadd.f32 v28, v11  }
0xfe: {  	s1 =	sadd.s32 $0x8, s1;
	v20 =	vshrl.u32 v20, $0x3;
	v28 =	vshrl.u32 v29, $0x3;
	v29 =	vor.u32 $0x2, v30;
	v23 =	vld.idx.msk [tilespmem:v21+s21+$0x0], $0xffff  }
0xff: {  	_ =	sdelay $0x3  }
0x100: {  	v21 =	vld.idx.msk [tilespmem:v21+s22+$0x0], $0xffff  }
0x101: {  	v29 =	vbroadcast v29, $0x0;
	v20 =	vshll.u32 v20, v1;
	v27 =	vor.u32 v3, v27;
	v30 =	vld.idx.msk [tilespmem:v25+s21+$0x0], $0xffff  }
0x102: {  	v28 =	vshll.u32 v28, v1;
	v25 =	vld.idx.msk [tilespmem:v25+s22+$0x0], $0xffff;
	v20 =	vor.u32 $0x3, v20  }
0x103: {  	v31 =	vld.idx.msk [tilespmem:v26+s21+$0x0], $0xffff;
	v28 =	vor.u32 $0x1, v28;
	v29 =	vor.u32 v3, v29;
	v20 =	vbroadcast v20, $0x0  }
0x104: {  	v26 =	vld.idx.msk [tilespmem:v26+s22+$0x0], $0xffff;
	v28 =	vbroadcast v28, $0x0  }
0x105: {  	v22 =	vadd.f32 v24, v22;
	v24 =	vld [tilespmem:s0+$0xFFFFF830];
	v20 =	vor.u32 v3, v20  }
0x106: {  	v28 =	vor.u32 v3, v28;
	v32 =	vld.idx.msk [tilespmem:v27+s21+$0x0], $0xffff  }
0x107: {  	v27 =	vld.idx.msk [tilespmem:v27+s22+$0x0], $0xffff  }
0x108: {  	v33 =	vld.idx.msk [tilespmem:v29+s21+$0x0], $0xffff  }
0x109: {  	v29 =	vld.idx.msk [tilespmem:v29+s22+$0x0], $0xffff  }
0x10a: {  	v16 =	vmul.f32 v16, v5;
	v34 =	vld.idx.msk [tilespmem:v20+s21+$0x0], $0xffff  }
0x10b: {  	v17 =	vmul.f32 v17, v5;
	v35 =	vld.idx.msk [tilespmem:v28+s21+$0x0], $0xffff  }
0x10c: {  	v19 =	vmul.f32 v19, v5;
	v21 =	vadd.f32 v21, v23;
	v16 =	vadd.f32 v16, v22;
	v28 =	vld.idx.msk [tilespmem:v28+s22+$0x0], $0xffff  }
0x10d: {  	v13 =	vmul.f32 v13, v5;
	v22 =	vadd.f32 v26, v31;
	v23 =	vadd.f32 v25, v30;
	v20 =	vld.idx.msk [tilespmem:v20+s22+$0x0], $0xffff  }
0x10e: {  	v14 =	vmul.f32 v14, v5;
	v19 =	vadd.f32 v19, v21;
	v25 =	vadd.f32 v27, v32  }
0x10f: {  	v15 =	vmul.f32 v15, v5;
	v17 =	vadd.f32 v17, v22;
	v27 =	vld [tilespmem:s0+$0x0];
	v26 =	vadd.f32 v29, v33  }
0x110: {  	v18 =	vmul.f32 v18, v5;
	v13 =	vadd.f32 v13, v23;
	v14 =	vadd.f32 v14, v25  }
0x111: {  	v22 =	vld [tilespmem:s0+$0x20];
	v21 =	vadd.f32 v28, v35;
	v15 =	vadd.f32 v15, v26;
	v26 =	vmul.f32 $2.000000030e-01, v19  }
0x112: {  	v31 =	vld [tilespmem:s0+$0x40];
	v24 =	vmul.f32 v24, v5;
	v20 =	vadd.f32 v20, v34;
	v63 =	vmul.f32 $2.000000030e-01, v14  }
0x113: {  	v28 =	vld [tilespmem:s0+$0x10];
	v18 =	vadd.f32 v18, v21;
	v30 =	vmul.f32 $2.000000030e-01, v15;
	v19 =	vmax.f32 v19, v26  }
0x114: {  	v20 =	vadd.f32 v24, v20;
	v24 =	vmul.f32 $2.000000030e-01, v17;
	v19 =	vmul.f32 v19, v27  }
0x115: {  	v29 =	vld [tilespmem:s0+$0x30];
	v21 =	vmul.f32 $2.000000030e-01, v16;
	v25 =	vmul.f32 $2.000000030e-01, v18;
	v15 =	vmax.f32 v15, v30  }
0x116: {  	v27 =	vld [tilespmem:s0+$0x60];
	v17 =	vmax.f32 v17, v24;
	v15 =	vmul.f32 v15, v22;
	v10 =	vadd.f32 v19, v10  }
0x117: {  	v26 =	vld [tilespmem:s0+$0x50];
	v19 =	vmul.f32 $2.000000030e-01, v13;
	v18 =	vmax.f32 v18, v25;
	v25 =	vmul.f32 $2.000000030e-01, v20  }
0x118: {  	v14 =	vmax.f32 v14, v63;
	v17 =	vmul.f32 v17, v31;
	v18 =	vmul.f32 v18, v28  }
0x119: {  	v10 =	vadd.f32 v15, v10;
	v13 =	vmax.f32 v13, v19;
	v20 =	vmax.f32 v20, v25  }
0x11a: {  	s4 =	simm.s32 $0x66;
	v22 =	vld [tilespmem:s0+$0x70];
	v15 =	vmax.f32 v16, v21;
	v11 =	vadd.f32 v18, v11;
	v18 =	vmul.f32 v20, v29  }
0x11b: {  	v16 =	vmov s4;
	v13 =	vmul.f32 v13, v27;
	v10 =	vadd.f32 v17, v10  }
0x11c: {  	v14 =	vmul.f32 v14, v26;
	s4 =	simm.s32 $0x62;
	v16 =	vshrl.u32 v16, $0x3;
	v11 =	vadd.f32 v18, v11  }
0x11d: {  	s0 =	simm.s32 $0x67;
	v21 =	vmov s4;
	v20 =	vshll.u32 v16, v1;
	v10 =	vadd.f32 v13, v10  }
0x11e: {  	v13 =	vmov s14;
	v11 =	vadd.f32 v14, v11;
	v14 =	vmov s0  }
0x11f: {  	v15 =	vmul.f32 v15, v22;
	v13 =	vshrl.u32 v13, $0x3;
	v14 =	vor.u32 $0x7, v14  }
0x120: {  	s1 =	simm.s32 $0x64;
	v17 =	vld [tilespmem:s2+$0xFFFFF870];
	v20 =	vor.u32 $0x6, v20;
	v13 =	vshll.u32 v13, v1;
	v18 =	vbroadcast v14, $0x0  }
0x121: {  	v16 =	vld [tilespmem:s2+$0xFFFFF850];
	v13 =	vbroadcast v13, $0x0;
	v11 =	vadd.f32 v15, v11;
	v15 =	vmov s1;
	s1 =	simm.s32 $0x65  }
0x122: {  	v14 =	vld [tilespmem:s2+$0xFFFFF860];
	v19 =	vmov s1;
	v15 =	vshrl.u32 v15, $0x3;
	v24 =	vor.u32 v3, v18  }
0x123: {  	v22 =	vor.u32 v3, v13;
	v18 =	vld [tilespmem:s2+$0xFFFFF840];
	v19 =	vshrl.u32 v19, $0x3;
	v23 =	vshll.u32 v15, v1  }
0x124: {  	v15 =	vld [tilespmem:s2+$0xFFFFF820];
	v13 =	vshll.u32 v19, v1;
	v19 =	vor.u32 $0x4, v23;
	v23 =	vbroadcast v20, $0x0  }
0x125: {  	v21 =	vshrl.u32 v21, $0x3;
	v20 =	vld [tilespmem:s2+$0xFFFFF800]  }
0x126: {  	v21 =	vshll.u32 v21, v1;
	s14 =	simm.s32 $0x63;
	v25 =	vbroadcast v19, $0x0;
	v19 =	vld [tilespmem:s2+$0xFFFFF810];
	v26 =	vor.u32 v3, v23  }
0x127: {  	v30 =	vor.u32 $0x2, v21;
	v31 =	vmov s14;
	s14 =	simm.s32 $0x61;
	v13 =	vor.u32 $0x5, v13;
	v23 =	vld.idx.msk [tilespmem:v24+s21+$0x0], $0xffff  }
0x128: {  	v29 =	vmov s14;
	v28 =	vbroadcast v13, $0x0;
	v27 =	vor.u32 v3, v25;
	v25 =	vld.idx.msk [tilespmem:v24+s22+$0x0], $0xffff  }
0x129: {  	v21 =	vshrl.u32 v31, $0x3;
	s0 =	simm.s32 $0x68;
	v29 =	vshrl.u32 v29, $0x3;
	v13 =	vimm.f32 $0.0e+00;
	v24 =	vld.idx.msk [tilespmem:v22+s21+$0x0], $0xffff  }
.LBB2_11:
0x12a: {  	p0 =	slt.u32 s0, $0x78;
	v31 =	vld.idx.msk [tilespmem:v22+s22+$0x0], $0xffff;
	v22 =	vbroadcast v30, $0x0;
	v21 =	vshll.u32 v21, v1;
	v28 =	vor.u32 v3, v28  }
0x12b: {  	v29 =	vshll.u32 v29, v1;
	v21 =	vor.u32 $0x3, v21;
	v30 =	vld.idx.msk [tilespmem:v26+s21+$0x0], $0xffff  }
0x12c: {  	s1 =	sadd.s32 $0x7, s0;
	v29 =	vor.u32 $0x1, v29;
	v22 =	vor.u32 v3, v22;
	v21 =	vbroadcast v21, $0x0;
	v26 =	vld.idx.msk [tilespmem:v26+s22+$0x0], $0xffff  }
0x12d: {  	v32 =	vmov s0;
	s4 =	sadd.s32 $0x4, s0;
	s14 =	sadd.s32 $0x6, s0;
	v33 =	vmov s1;
	v29 =	vbroadcast v29, $0x0;
	v34 =	vld.idx.msk [tilespmem:v27+s21+$0x0], $0xffff  }
0x12e: {  	v35 =	vmov s4;
	s1 =	sadd.s32 $0x5, s0;
	v36 =	vmov s14;
	v37 =	vor.u32 v3, v21;
	v27 =	vld.idx.msk [tilespmem:v27+s22+$0x0], $0xffff  }
0x12f: {  	v32 =	vshrl.u32 v32, $0x3;
	s4 =	sadd.s32 $0x2, s0;
	s14 =	sadd.s32 $0x3, s0;
	v38 =	vmov s1;
	v29 =	vor.u32 v3, v29;
	v39 =	vld.idx.msk [tilespmem:v28+s21+$0x0], $0xffff  }
0x130: {  	v40 =	vmov s4;
	v33 =	vor.u32 $0x7, v33;
	v21 =	vmov s14;
	v28 =	vld.idx.msk [tilespmem:v28+s22+$0x0], $0xffff  }
0x131: {  	v35 =	vshrl.u32 v35, $0x3;
	v36 =	vshrl.u32 v36, $0x3;
	v38 =	vshrl.u32 v38, $0x3;
	v41 =	vld.idx.msk [tilespmem:v22+s21+$0x0], $0xffff  }
0x132: {  	v32 =	vshll.u32 v32, v1;
	v40 =	vshrl.u32 v40, $0x3;
	v33 =	vbroadcast v33, $0x0;
	v42 =	vld.idx.msk [tilespmem:v22+s22+$0x0], $0xffff  }
0x133: {  	v36 =	vshll.u32 v36, v1;
	v22 =	vshll.u32 v35, v1;
	v35 =	vshll.u32 v38, v1;
	v38 =	vld.idx.msk [tilespmem:v37+s21+$0x0], $0xffff  }
0x134: {  	v32 =	vbroadcast v32, $0x0;
	v36 =	vor.u32 $0x6, v36;
	v22 =	vor.u32 $0x4, v22;
	v43 =	vld.idx.msk [tilespmem:v29+s21+$0x0], $0xffff  }
0x135: {  	v36 =	vbroadcast v36, $0x0;
	v33 =	vor.u32 v3, v33;
	v35 =	vor.u32 $0x5, v35;
	v29 =	vld.idx.msk [tilespmem:v29+s22+$0x0], $0xffff  }
0x136: {  	v17 =	vmul.f32 v17, v5;
	v23 =	vadd.f32 v25, v23;
	v44 =	vbroadcast v22, $0x0;
	v37 =	vld.idx.msk [tilespmem:v37+s22+$0x0], $0xffff  }
0x137: {  	v18 =	vmul.f32 v18, v5;
	v14 =	vmul.f32 v14, v5;
	v22 =	vor.u32 v3, v32;
	v25 =	vld [tilespmem:s2+$0xFFFFF830]  }
0x138: {  	v20 =	vmul.f32 v20, v5;
	v24 =	vadd.f32 v31, v24;
	v17 =	vadd.f32 v17, v23  }
0x139: {  	v16 =	vmul.f32 v16, v5;
	v26 =	vadd.f32 v26, v30;
	v23 =	vadd.f32 v27, v34  }
0x13a: {  	v15 =	vmul.f32 v15, v5;
	v20 =	vadd.f32 v20, v24;
	v24 =	vadd.f32 v28, v39;
	v27 =	vld [tilespmem:s2+$0x60]  }
0x13b: {  	v19 =	vmul.f32 v19, v5;
	v28 =	vadd.f32 v29, v43;
	v29 =	vadd.f32 v42, v41;
	v30 =	vld [tilespmem:s2+$0x70]  }
0x13c: {  	v34 =	vadd.f32 v14, v26;
	v32 =	vadd.f32 v37, v38;
	v31 =	vld [tilespmem:s2+$0x0];
	v25 =	vmul.f32 v25, v5  }
0x13d: {  	v18 =	vadd.f32 v18, v23;
	v14 =	vadd.f32 v19, v28;
	v19 =	vmul.f32 $2.000000030e-01, v17;
	v26 =	vld [tilespmem:s2+$0x10]  }
0x13e: {  	v23 =	vmul.f32 $2.000000030e-01, v20;
	v24 =	vadd.f32 v16, v24;
	v15 =	vadd.f32 v15, v29;
	v28 =	vld [tilespmem:s2+$0x20]  }
0x13f: {  	v16 =	vmul.f32 $2.000000030e-01, v14;
	v25 =	vadd.f32 v25, v32;
	v32 =	vmul.f32 $2.000000030e-01, v18;
	v29 =	vld [tilespmem:s2+$0x30]  }
0x140: {  	v39 =	vmul.f32 $2.000000030e-01, v24;
	v37 =	vmul.f32 $2.000000030e-01, v15;
	v19 =	vmax.f32 v17, v19;
	v38 =	vld [tilespmem:s2+$0x40]  }
0x141: {  	v17 =	vmax.f32 v20, v23;
	v16 =	vmax.f32 v14, v16;
	v20 =	vmul.f32 $2.000000030e-01, v25;
	v23 =	vld [tilespmem:s2+$0x50];
	s2 =	sadd.s32 $0x80, s2  }
0x142: {  	v15 =	vmax.f32 v15, v37;
	v31 =	vmul.f32 v17, v31;
	v14 =	vld [tilespmem:s2+$0xFFFFF860];
	v16 =	vmul.f32 v16, v26  }
0x143: {  	v17 =	vld [tilespmem:s2+$0xFFFFF870];
	v26 =	vmul.f32 v15, v28;
	v15 =	vmax.f32 v25, v20;
	v20 =	vmax.f32 v18, v32  }
0x144: {  	v12 =	vadd.f32 v31, v12;
	v18 =	vld [tilespmem:s2+$0xFFFFF840];
	v13 =	vadd.f32 v16, v13;
	v25 =	vmul.f32 v15, v29  }
0x145: {  	v16 =	vld [tilespmem:s2+$0xFFFFF850];
	v28 =	vmul.f32 v20, v38;
	v20 =	vmax.f32 v24, v39;
	v24 =	vmul.f32 $2.000000030e-01, v34  }
0x146: {  	v12 =	vadd.f32 v26, v12;
	v15 =	vld [tilespmem:s2+$0xFFFFF820];
	v13 =	vadd.f32 v25, v13;
	v23 =	vmul.f32 v20, v23  }
.Ltmp3:
0x147: {  	v29 =	vmul.f32 v19, v30;
	v26 =	vor.u32 v3, v36;
	v20 =	vld [tilespmem:s2+$0xFFFFF800];
	v24 =	vmax.f32 v34, v24;
	(pc) =	sbr.rel @p0 .LBB2_11-.Ltmp3, $4  }
0x148: {  	s1 =	sadd.s32 $0x1, s0;
	v12 =	vadd.f32 v28, v12;
	v19 =	vld [tilespmem:s2+$0xFFFFF810];
	v13 =	vadd.f32 v23, v13;
	v24 =	vmul.f32 v24, v27  }
0x149: {  	v31 =	vshll.u32 v40, v1;
	v30 =	vmov s1;
	v28 =	vbroadcast v35, $0x0;
	v23 =	vld.idx.msk [tilespmem:v33+s21+$0x0], $0xffff  }
0x14a: {  	v27 =	vor.u32 v3, v44;
	v25 =	vld.idx.msk [tilespmem:v33+s22+$0x0], $0xffff;
	v12 =	vadd.f32 v24, v12;
	v13 =	vadd.f32 v29, v13  }
0x14b: {  	s0 =	sadd.s32 $0x8, s0;
	v21 =	vshrl.u32 v21, $0x3;
	v29 =	vshrl.u32 v30, $0x3;
	v30 =	vor.u32 $0x2, v31;
	v24 =	vld.idx.msk [tilespmem:v22+s21+$0x0], $0xffff  }
0x14c: {  	_ =	sdelay $0x3  }
0x14d: {  	v22 =	vld.idx.msk [tilespmem:v22+s22+$0x0], $0xffff  }
0x14e: {  	v30 =	vbroadcast v30, $0x0;
	v21 =	vshll.u32 v21, v1;
	v28 =	vor.u32 v3, v28;
	v31 =	vld.idx.msk [tilespmem:v26+s21+$0x0], $0xffff  }
0x14f: {  	v29 =	vshll.u32 v29, v1;
	v26 =	vld.idx.msk [tilespmem:v26+s22+$0x0], $0xffff;
	v21 =	vor.u32 $0x3, v21  }
0x150: {  	v32 =	vld.idx.msk [tilespmem:v27+s21+$0x0], $0xffff;
	v29 =	vor.u32 $0x1, v29;
	v30 =	vor.u32 v3, v30;
	v21 =	vbroadcast v21, $0x0  }
0x151: {  	v27 =	vld.idx.msk [tilespmem:v27+s22+$0x0], $0xffff;
	v29 =	vbroadcast v29, $0x0  }
0x152: {  	v23 =	vadd.f32 v25, v23;
	v25 =	vld [tilespmem:s2+$0xFFFFF830];
	v21 =	vor.u32 v3, v21  }
0x153: {  	v29 =	vor.u32 v3, v29;
	v33 =	vld.idx.msk [tilespmem:v28+s21+$0x0], $0xffff  }
0x154: {  	v28 =	vld.idx.msk [tilespmem:v28+s22+$0x0], $0xffff  }
0x155: {  	v17 =	vmul.f32 v17, v5;
	v18 =	vmul.f32 v18, v5;
	v34 =	vld.idx.msk [tilespmem:v30+s21+$0x0], $0xffff  }
0x156: {  	v20 =	vmul.f32 v20, v5;
	v14 =	vmul.f32 v14, v5;
	v30 =	vld.idx.msk [tilespmem:v30+s22+$0x0], $0xffff  }
0x157: {  	v16 =	vmul.f32 v16, v5;
	v15 =	vmul.f32 v15, v5;
	s0 =	simm.s32 $0x0;
	v6 =	vadd.f32 v7, v6;
	v35 =	vld.idx.msk [tilespmem:v21+s21+$0x0], $0xffff  }
0x158: {  	v4 =	vmul.u32 $0x90, v4;
	v19 =	vmul.f32 v19, v5;
	v7 =	vmov s0;
	v36 =	vld.idx.msk [tilespmem:v29+s21+$0x0], $0xffff  }
0x159: {  	v7 =	vshrl.u32 v7, $0x3;
	v6 =	vmul.f32 $1.442695020e+00, v6;
	v22 =	vadd.f32 v22, v24;
	v29 =	vld.idx.msk [tilespmem:v29+s22+$0x0], $0xffff  }
0x15a: {  	v7 =	vshll.u32 v7, $0x3;
	v17 =	vadd.f32 v17, v23;
	v24 =	vadd.f32 v26, v31;
	v21 =	vld.idx.msk [tilespmem:v21+s22+$0x0], $0xffff  }
0x15b: {  	(erf) = vpow2.f32 v6;
	v23 =	vadd.f32 v27, v32;
	v20 =	vadd.f32 v20, v22  }
0x15c: {  	v6 =	vor.u32 $0x5, v4;
	v14 =	vadd.f32 v14, v24;
	v22 =	vadd.f32 v28, v33  }
0x15d: {  	v24 =	vld [tilespmem:s2+$0x10];
	v18 =	vadd.f32 v18, v23;
	v23 =	vmul.f32 $2.000000030e-01, v17;
	v27 =	vadd.f32 v30, v34  }
0x15e: {  	v5 =	vmul.f32 v25, v5;
	v28 =	vld [tilespmem:s2+$0x0];
	v16 =	vadd.f32 v16, v22;
	v26 =	vadd.f32 v29, v36  }
0x15f: {  	v25 =	vld [tilespmem:s2+$0x20];
	v17 =	vmax.f32 v17, v23;
	v21 =	vadd.f32 v21, v35;
	v15 =	vadd.f32 v15, v27  }
0x160: {  	v30 =	vld [tilespmem:s2+$0x40];
	v31 =	vmul.f32 $2.000000030e-01, v16;
	v19 =	vadd.f32 v19, v26;
	v26 =	vmul.f32 $2.000000030e-01, v20  }
0x161: {  	v5 =	vadd.f32 v5, v21;
	v21 =	vmul.f32 $2.000000030e-01, v18;
	v29 =	vmul.f32 $2.000000030e-01, v15  }
0x162: {  	v27 =	vld [tilespmem:s2+$0x30];
	v16 =	vmax.f32 v16, v31;
	v22 =	vmul.f32 $2.000000030e-01, v19;
	v20 =	vmax.f32 v20, v26  }
0x163: {  	v15 =	vmax.f32 v15, v29;
	v18 =	vmax.f32 v18, v21;
	v20 =	vmul.f32 v20, v28  }
0x164: {  	v26 =	vld [tilespmem:s2+$0x50];
	v15 =	vmul.f32 v15, v25;
	v19 =	vmax.f32 v19, v22;
	v22 =	vmul.f32 $2.000000030e-01, v5  }
0x165: {  	v23 =	vld [tilespmem:s2+$0x60];
	v21 =	vor.u32 $0x5, v3;
	v18 =	vmul.f32 v18, v30;
	v19 =	vmul.f32 v19, v24  }
0x166: {  	v30 =	vbroadcast v7, $0x0;
	v12 =	vadd.f32 v20, v12;
	v5 =	vmax.f32 v5, v22  }
0x167: {  	v13 =	vadd.f32 v19, v13;
	v5 =	vmul.f32 v5, v27;
	v19 =	vmul.f32 $2.000000030e-01, v14  }
0x168: {  	v7 =	vor.u32 $0x3, v4;
	v20 =	vor.u32 $0x7, v3;
	v12 =	vadd.f32 v15, v12  }
0x169: {  	v28 =	vld [tilespmem:s2+$0x70];
	v5 =	vadd.f32 v5, v13;
	v13 =	vmul.f32 v16, v26;
	v14 =	vmax.f32 v14, v19  }
0x16a: {  	v12 =	vadd.f32 v18, v12;
	v16 =	vor.u32 $0x1, v3;
	v14 =	vmul.f32 v14, v23  }
0x16b: {  	v37 =	vor.u32 v30, v21;
	v39 =	vadd.s32 v4, v30;
	v25 =	vor.u32 v30, v16  }
0x16c: {  	v34 =	vadd.s32 v7, v30;
	v23 =	vadd.f32 v14, v12;
	v14 =	vor.u32 v3, v30  }
0x16d: {  	v22 =	vor.u32 $0x6, v3;
	v31 =	vor.u32 v30, v20;
	v18 =	vor.u32 $0x4, v3  }
0x16e: {  	v15 =	vmul.f32 v17, v28;
	v17 =	vor.u32 $0x2, v3;
	v27 =	vor.u32 v30, v18  }
0x16f: {  	v59 =	vor.u32 v30, v22;
	v19 =	vor.u32 $0x3, v3;
	v61 =	vor.u32 v30, v17  }
0x170: {  	s0 =	simm.s32 $0x8;
	v26 =	vadd.s32 v6, v30;
	v29 =	vor.u32 v30, v19;
	v5 =	vadd.f32 v13, v5;
	v62 =	vld.idx.msk [tilespmem:v25+s21+$0x0], $0xffff  }
0x171: {  	v13 =	vor.u32 $0x6, v4;
	v12 =	vor.u32 $0x1, v4;
	v25 =	vmov s0;
	v60 =	vld.idx.msk [tilespmem:v14+s21+$0x0], $0xffff  }
0x172: {  	v44 =	vld.idx.msk [tilespmem:v31+s21+$0x0], $0xffff;
	v24 =	vadd.f32 v15, v5;
	v5 =	vor.u32 $0x2, v4;
	v25 =	vshrl.u32 v25, $0x3  }
0x173: {  	v15 =	vor.u32 $0x4, v4;
	v43 =	vadd.s32 v12, v30;
	v38 =	vld.idx.msk [tilespmem:v27+s21+$0x0], $0xffff;
	v27 =	vshll.u32 v25, $0x3  }
0x174: {  	v45 =	vld.idx.msk [tilespmem:v59+s21+$0x0], $0xffff;
	v31 =	vadd.s32 v5, v30;
	v14 =	vor.u32 $0x7, v4;
	v27 =	vbroadcast v27, $0x0  }
0x175: {  	v47 =	vadd.s32 v15, v30;
	v42 =	vld.idx.msk [tilespmem:v29+s21+$0x0], $0xffff;
	v29 =	vadd.s32 v13, v30;
	v28 =	vadd.s32 v14, v30;
	v25 =	vpop (erf)  }
0x176: {  	v46 =	vld.idx.msk [tilespmem:v61+s21+$0x0], $0xffff;
	v48 =	vor.u32 v3, v27;
	v40 =	vor.u32 v27, v16;
	v63 =	vmul.f32 v60, v25  }
0x177: {  	v30 =	vmul.f32 v62, v25;
	v35 =	vor.u32 v27, v19;
	v41 =	vor.u32 v27, v18  }
0x178: {  	v32 =	vor.u32 v27, v22;
	v33 =	vor.u32 v27, v20;
	[tilespmem:v39+s25+$0x0] =	vst.idx.msk $0xffff, v63;
	v39 =	vld.idx.msk [tilespmem:v37+s21+$0x0], $0xffff  }
0x179: {  	v49 =	vmul.f32 v38, v25;
	v38 =	vmul.f32 v44, v25;
	v36 =	vor.u32 v27, v17  }
0x17a: {  	v44 =	vmul.f32 v42, v25;
	v42 =	vmul.f32 v45, v25;
	[tilespmem:v43+s25+$0x0] =	vst.idx.msk $0xffff, v30  }
0x17b: {  	v30 =	vor.u32 v27, v21;
	v43 =	vmul.f32 v46, v25;
	[tilespmem:v47+s25+$0x0] =	vst.idx.msk $0xffff, v49;
	v37 =	vld.idx.msk [tilespmem:v48+s21+$0x0], $0xffff  }
.LBB2_13:
0x17c: {  	s0 =	sadd.s32 $0x8, s0;
	v45 =	vld.idx.msk [tilespmem:v40+s21+$0x0], $0xffff;
	v40 =	vadd.s32 v6, v27;
	v46 =	vadd.s32 v14, v27;
	[tilespmem:v34+s25+$0x0] =	vst.idx.msk $0xffff, v44  }
0x17d: {  	v39 =	vmul.f32 v39, v25;
	v34 =	vmov s0;
	p0 =	slt.u32 s0, $0x18;
	v44 =	vld.idx.msk [tilespmem:v41+s21+$0x0], $0xffff;
	v41 =	vadd.s32 v13, v27;
	[tilespmem:v31+s25+$0x0] =	vst.idx.msk $0xffff, v43  }
0x17e: {  	v43 =	vadd.s32 v4, v27;
	v31 =	vshrl.u32 v34, $0x3;
	v47 =	vld.idx.msk [tilespmem:v35+s21+$0x0], $0xffff;
	[tilespmem:v29+s25+$0x0] =	vst.idx.msk $0xffff, v42;
	v29 =	vmov v41  }
0x17f: {  	v42 =	vadd.s32 v12, v27;
	v31 =	vshll.u32 v31, $0x3;
	v48 =	vld.idx.msk [tilespmem:v33+s21+$0x0], $0xffff;
	[tilespmem:v28+s25+$0x0] =	vst.idx.msk $0xffff, v38;
	v28 =	vmov v46  }
0x180: {  	v33 =	vbroadcast v31, $0x0;
	v31 =	vadd.s32 v5, v27;
	v46 =	vld.idx.msk [tilespmem:v32+s21+$0x0], $0xffff;
	[tilespmem:v26+s25+$0x0] =	vst.idx.msk $0xffff, v39;
	v26 =	vmov v40  }
0x181: {  	v50 =	vadd.s32 v15, v27;
	v34 =	vadd.s32 v7, v27;
	v32 =	vmul.f32 v37, v25;
	v49 =	vld.idx.msk [tilespmem:v36+s21+$0x0], $0xffff  }
0x182: {  	v36 =	vmul.f32 v45, v25;
	v37 =	vor.u32 v3, v33;
	v40 =	vor.u32 v33, v16;
	v39 =	vld.idx.msk [tilespmem:v30+s21+$0x0], $0xffff  }
.Ltmp4:
0x183: {  	v35 =	vor.u32 v33, v19;
	v41 =	vor.u32 v33, v18;
	v27 =	vmov v33;
	[tilespmem:v43+s25+$0x0] =	vst.idx.msk $0xffff, v32;
	(pc) =	sbr.rel @p0 .LBB2_13-.Ltmp4, $4  }
0x184: {  	v32 =	vor.u32 v27, v22;
	v33 =	vor.u32 v27, v20;
	[tilespmem:v42+s25+$0x0] =	vst.idx.msk $0xffff, v36  }
0x185: {  	v45 =	vmul.f32 v44, v25;
	v30 =	vor.u32 v27, v21;
	v38 =	vmul.f32 v48, v25  }
0x186: {  	v44 =	vmul.f32 v47, v25;
	v36 =	vor.u32 v27, v17;
	v42 =	vmul.f32 v46, v25  }
0x187: {  	v43 =	vmul.f32 v49, v25;
	v37 =	vld.idx.msk [tilespmem:v37+s21+$0x0], $0xffff;
	[tilespmem:v50+s25+$0x0] =	vst.idx.msk $0xffff, v45  }
0x188: {  	_ =	sdelay $0x3  }
0x189: {  	v40 =	vld.idx.msk [tilespmem:v40+s21+$0x0], $0xffff  }
0x18a: {  	v41 =	vld.idx.msk [tilespmem:v41+s21+$0x0], $0xffff;
	[tilespmem:v34+s25+$0x0] =	vst.idx.msk $0xffff, v44  }
0x18b: {  	v45 =	vadd.s32 v14, v27;
	v48 =	vadd.s32 v4, v27;
	v35 =	vld.idx.msk [tilespmem:v35+s21+$0x0], $0xffff;
	[tilespmem:v29+s25+$0x0] =	vst.idx.msk $0xffff, v42  }
0x18c: {  	v49 =	vadd.s32 v13, v27;
	v36 =	vld.idx.msk [tilespmem:v36+s21+$0x0], $0xffff;
	[tilespmem:v31+s25+$0x0] =	vst.idx.msk $0xffff, v43;
	v31 =	vadd.s32 v12, v27  }
0x18d: {  	v39 =	vmul.f32 v39, v25;
	v50 =	vadd.s32 v15, v27;
	[tilespmem:v28+s25+$0x0] =	vst.idx.msk $0xffff, v38;
	v28 =	vld.idx.msk [tilespmem:v32+s21+$0x0], $0xffff  }
0x18e: {  	v29 =	vld.idx.msk [tilespmem:v33+s21+$0x0], $0xffff;
	v52 =	vadd.s32 v7, v27;
	s0 =	simm.s32 $0x20;
	v53 =	vadd.s32 v5, v27;
	v51 =	vmul.f32 v37, v25  }
0x18f: {  	v30 =	vld.idx.msk [tilespmem:v30+s21+$0x0], $0xffff;
	v8 =	vadd.f32 v9, v8;
	v54 =	vmov s0;
	[tilespmem:v26+s25+$0x0] =	vst.idx.msk $0xffff, v39;
	v26 =	vmul.f32 v40, v25  }
0x190: {  	v27 =	vadd.s32 v6, v27;
	v9 =	vshrl.u32 v54, $0x3;
	v55 =	vmul.f32 v41, v25;
	[tilespmem:v48+s25+$0x0] =	vst.idx.msk $0xffff, v51  }
0x191: {  	v8 =	vmul.f32 $1.442695020e+00, v8;
	v9 =	vshll.u32 v9, $0x3;
	[tilespmem:v31+s25+$0x0] =	vst.idx.msk $0xffff, v26;
	v26 =	vmul.f32 v35, v25  }
0x192: {  	v56 =	vbroadcast v9, $0x0;
	v9 =	vmul.f32 v28, v25;
	[tilespmem:v50+s25+$0x0] =	vst.idx.msk $0xffff, v55  }
0x193: {  	v28 =	vmul.f32 v29, v25;
	[tilespmem:v52+s25+$0x0] =	vst.idx.msk $0xffff, v26;
	v26 =	vadd.s32 $0x80, v4  }
0x194: {  	(erf) = vpow2.f32 v8;
	v29 =	vmul.f32 v30, v25;
	v8 =	vor.u32 v3, v56;
	[tilespmem:v49+s25+$0x0] =	vst.idx.msk $0xffff, v9  }
0x195: {  	v31 =	vmul.f32 v36, v25;
	v9 =	vor.u32 v56, v16;
	[tilespmem:v45+s25+$0x0] =	vst.idx.msk $0xffff, v28  }
0x196: {  	v28 =	vor.u32 v56, v18;
	[tilespmem:v27+s25+$0x0] =	vst.idx.msk $0xffff, v29  }
0x197: {  	v30 =	vor.u32 v56, v22;
	[tilespmem:v53+s25+$0x0] =	vst.idx.msk $0xffff, v31  }
0x198: {  	v57 =	vor.u32 v56, v17;
	[tilespmem:v26+s25+$0x0] =	vst.idx.msk $0xffff, v25  }
0x199: {  	v25 =	vor.u32 v56, v20;
	v31 =	vld.idx.msk [tilespmem:v8+s21+$0x0], $0xffff  }
0x19a: {  	s0 =	simm.s32 $0x28;
	v27 =	vor.u32 v56, v19;
	v58 =	vld.idx.msk [tilespmem:v9+s21+$0x0], $0xffff  }
0x19b: {  	v8 =	vmov s0;
	v37 =	vld.idx.msk [tilespmem:v28+s21+$0x0], $0xffff  }
0x19c: {  	v59 =	vor.u32 v56, v21;
	v61 =	vadd.s32 v12, v56;
	v43 =	vld.idx.msk [tilespmem:v30+s21+$0x0], $0xffff;
	v8 =	vshrl.u32 v8, $0x3  }
0x19d: {  	v32 =	vadd.s32 v7, v56;
	v62 =	vadd.s32 v15, v56;
	v44 =	vld.idx.msk [tilespmem:v57+s21+$0x0], $0xffff;
	v29 =	vshll.u32 v8, $0x3  }
0x19e: {  	v26 =	vadd.s32 v14, v56;
	v28 =	vadd.s32 v4, v56;
	v42 =	vld.idx.msk [tilespmem:v25+s21+$0x0], $0xffff;
	v25 =	vbroadcast v29, $0x0  }
0x19f: {  	v9 =	vadd.s32 v6, v56;
	v60 =	vld.idx.msk [tilespmem:v27+s21+$0x0], $0xffff;
	v27 =	vadd.s32 v13, v56;
	v8 =	vpop (erf);
	v29 =	vadd.s32 v5, v56  }
0x1a0: {  	v30 =	vmul.f32 v31, v8;
	v63 =	vmul.f32 v58, v8;
	v46 =	vor.u32 v3, v25  }
0x1a1: {  	v47 =	vmul.f32 v37, v8;
	v40 =	vmul.f32 v43, v8;
	v38 =	vor.u32 v25, v16  }
0x1a2: {  	v37 =	vld.idx.msk [tilespmem:v59+s21+$0x0], $0xffff;
	v41 =	vmul.f32 v44, v8;
	v33 =	vor.u32 v25, v19;
	v39 =	vor.u32 v25, v18  }
0x1a3: {  	v31 =	vor.u32 v25, v20;
	v34 =	vor.u32 v25, v17;
	[tilespmem:v28+s25+$0x0] =	vst.idx.msk $0xffff, v30  }
0x1a4: {  	[tilespmem:v61+s25+$0x0] =	vst.idx.msk $0xffff, v63;
	v36 =	vmul.f32 v42, v8;
	v42 =	vmul.f32 v60, v8  }
0x1a5: {  	v30 =	vor.u32 v25, v22;
	v28 =	vor.u32 v25, v21;
	[tilespmem:v62+s25+$0x0] =	vst.idx.msk $0xffff, v47;
	v35 =	vld.idx.msk [tilespmem:v46+s21+$0x0], $0xffff  }
.LBB2_15:
0x1a6: {  	s0 =	sadd.s32 $0x8, s0;
	v43 =	vld.idx.msk [tilespmem:v38+s21+$0x0], $0xffff;
	v38 =	vadd.s32 v6, v25;
	v44 =	vadd.s32 v14, v25;
	[tilespmem:v32+s25+$0x0] =	vst.idx.msk $0xffff, v42  }
0x1a7: {  	v37 =	vmul.f32 v37, v8;
	v32 =	vmov s0;
	p0 =	slt.u32 s0, $0x38;
	v42 =	vld.idx.msk [tilespmem:v39+s21+$0x0], $0xffff;
	v39 =	vadd.s32 v13, v25;
	[tilespmem:v29+s25+$0x0] =	vst.idx.msk $0xffff, v41  }
0x1a8: {  	v41 =	vadd.s32 v4, v25;
	v29 =	vshrl.u32 v32, $0x3;
	v45 =	vld.idx.msk [tilespmem:v33+s21+$0x0], $0xffff;
	[tilespmem:v27+s25+$0x0] =	vst.idx.msk $0xffff, v40;
	v27 =	vmov v39  }
0x1a9: {  	v40 =	vadd.s32 v12, v25;
	v29 =	vshll.u32 v29, $0x3;
	v46 =	vld.idx.msk [tilespmem:v31+s21+$0x0], $0xffff;
	[tilespmem:v26+s25+$0x0] =	vst.idx.msk $0xffff, v36;
	v26 =	vmov v44  }
0x1aa: {  	v31 =	vbroadcast v29, $0x0;
	v29 =	vadd.s32 v5, v25;
	v44 =	vld.idx.msk [tilespmem:v30+s21+$0x0], $0xffff;
	[tilespmem:v9+s25+$0x0] =	vst.idx.msk $0xffff, v37;
	v9 =	vmov v38  }
0x1ab: {  	v48 =	vadd.s32 v15, v25;
	v32 =	vadd.s32 v7, v25;
	v30 =	vmul.f32 v35, v8;
	v47 =	vld.idx.msk [tilespmem:v34+s21+$0x0], $0xffff  }
0x1ac: {  	v34 =	vmul.f32 v43, v8;
	v35 =	vor.u32 v3, v31;
	v38 =	vor.u32 v31, v16;
	v37 =	vld.idx.msk [tilespmem:v28+s21+$0x0], $0xffff  }
.Ltmp5:
0x1ad: {  	v33 =	vor.u32 v31, v19;
	v39 =	vor.u32 v31, v18;
	v25 =	vmov v31;
	[tilespmem:v41+s25+$0x0] =	vst.idx.msk $0xffff, v30;
	(pc) =	sbr.rel @p0 .LBB2_15-.Ltmp5, $4  }
0x1ae: {  	v30 =	vor.u32 v25, v22;
	v31 =	vor.u32 v25, v20;
	[tilespmem:v40+s25+$0x0] =	vst.idx.msk $0xffff, v34  }
0x1af: {  	v43 =	vmul.f32 v42, v8;
	v28 =	vor.u32 v25, v21;
	v36 =	vmul.f32 v46, v8  }
0x1b0: {  	v42 =	vmul.f32 v45, v8;
	v34 =	vor.u32 v25, v17;
	v40 =	vmul.f32 v44, v8  }
0x1b1: {  	v41 =	vmul.f32 v47, v8;
	v35 =	vld.idx.msk [tilespmem:v35+s21+$0x0], $0xffff;
	[tilespmem:v48+s25+$0x0] =	vst.idx.msk $0xffff, v43  }
0x1b2: {  	_ =	sdelay $0x3  }
0x1b3: {  	v38 =	vld.idx.msk [tilespmem:v38+s21+$0x0], $0xffff  }
0x1b4: {  	v39 =	vld.idx.msk [tilespmem:v39+s21+$0x0], $0xffff;
	[tilespmem:v32+s25+$0x0] =	vst.idx.msk $0xffff, v42  }
0x1b5: {  	v43 =	vadd.s32 v14, v25;
	v52 =	vadd.s32 v4, v25;
	v33 =	vld.idx.msk [tilespmem:v33+s21+$0x0], $0xffff;
	[tilespmem:v27+s25+$0x0] =	vst.idx.msk $0xffff, v40  }
0x1b6: {  	v53 =	vadd.s32 v13, v25;
	v34 =	vld.idx.msk [tilespmem:v34+s21+$0x0], $0xffff;
	[tilespmem:v29+s25+$0x0] =	vst.idx.msk $0xffff, v41;
	v29 =	vadd.s32 v12, v25  }
0x1b7: {  	v37 =	vmul.f32 v37, v8;
	v27 =	vld.idx.msk [tilespmem:v31+s21+$0x0], $0xffff;
	v31 =	vadd.s32 v15, v25;
	[tilespmem:v26+s25+$0x0] =	vst.idx.msk $0xffff, v36  }
0x1b8: {  	v26 =	vld.idx.msk [tilespmem:v30+s21+$0x0], $0xffff;
	v54 =	vadd.s32 v7, v25;
	s0 =	simm.s32 $0x40;
	v55 =	vadd.s32 v5, v25;
	v30 =	vmul.f32 v35, v8  }
0x1b9: {  	v10 =	vadd.f32 v11, v10;
	v56 =	vmov s0;
	[tilespmem:v9+s25+$0x0] =	vst.idx.msk $0xffff, v37;
	v9 =	vmul.f32 v38, v8  }
0x1ba: {  	v28 =	vld.idx.msk [tilespmem:v28+s21+$0x0], $0xffff;
	v11 =	vshrl.u32 v56, $0x3;
	[tilespmem:v52+s25+$0x0] =	vst.idx.msk $0xffff, v30;
	v30 =	vmul.f32 v39, v8  }
0x1bb: {  	v10 =	vmul.f32 $1.442695020e+00, v10;
	v11 =	vshll.u32 v11, $0x3;
	[tilespmem:v29+s25+$0x0] =	vst.idx.msk $0xffff, v9;
	v9 =	vmul.f32 v33, v8  }
0x1bc: {  	v25 =	vadd.s32 v6, v25;
	v29 =	vmul.f32 v34, v8;
	[tilespmem:v31+s25+$0x0] =	vst.idx.msk $0xffff, v30;
	v31 =	vbroadcast v11, $0x0  }
0x1bd: {  	v11 =	vmul.f32 v26, v8;
	[tilespmem:v54+s25+$0x0] =	vst.idx.msk $0xffff, v9;
	v9 =	vadd.s32 $0x81, v4  }
0x1be: {  	(erf) = vpow2.f32 v10;
	v26 =	vmul.f32 v27, v8;
	[tilespmem:v55+s25+$0x0] =	vst.idx.msk $0xffff, v29;
	v10 =	vor.u32 v3, v31  }
0x1bf: {  	v27 =	vmul.f32 v28, v8;
	[tilespmem:v53+s25+$0x0] =	vst.idx.msk $0xffff, v11;
	v11 =	vor.u32 v31, v16  }
0x1c0: {  	[tilespmem:v43+s25+$0x0] =	vst.idx.msk $0xffff, v26;
	v26 =	vor.u32 v31, v18  }
0x1c1: {  	[tilespmem:v25+s25+$0x0] =	vst.idx.msk $0xffff, v27;
	v25 =	vor.u32 v31, v19  }
0x1c2: {  	v27 =	vor.u32 v31, v20;
	[tilespmem:v9+s25+$0x0] =	vst.idx.msk $0xffff, v8  }
0x1c3: {  	v28 =	vor.u32 v31, v22;
	v29 =	vld.idx.msk [tilespmem:v10+s21+$0x0], $0xffff  }
0x1c4: {  	s0 =	simm.s32 $0x48;
	v57 =	vor.u32 v31, v17;
	v58 =	vld.idx.msk [tilespmem:v11+s21+$0x0], $0xffff  }
0x1c5: {  	v8 =	vmov s0;
	v35 =	vld.idx.msk [tilespmem:v26+s21+$0x0], $0xffff  }
0x1c6: {  	v59 =	vor.u32 v31, v21;
	v61 =	vadd.s32 v12, v31;
	v8 =	vshrl.u32 v8, $0x3;
	v60 =	vld.idx.msk [tilespmem:v25+s21+$0x0], $0xffff  }
0x1c7: {  	v30 =	vadd.s32 v7, v31;
	v62 =	vadd.s32 v15, v31;
	v40 =	vld.idx.msk [tilespmem:v27+s21+$0x0], $0xffff;
	v10 =	vshll.u32 v8, $0x3  }
0x1c8: {  	v9 =	vadd.s32 v6, v31;
	v26 =	vadd.s32 v4, v31;
	v41 =	vld.idx.msk [tilespmem:v28+s21+$0x0], $0xffff;
	v10 =	vbroadcast v10, $0x0  }
0x1c9: {  	v11 =	vadd.s32 v14, v31;
	v25 =	vadd.s32 v13, v31;
	v27 =	vadd.s32 v5, v31;
	v42 =	vld.idx.msk [tilespmem:v57+s21+$0x0], $0xffff  }
0x1ca: {  	v8 =	vpop (erf);
	v44 =	vor.u32 v3, v10;
	v36 =	vor.u32 v10, v16;
	v31 =	vor.u32 v10, v19  }
0x1cb: {  	v37 =	vor.u32 v10, v18;
	v32 =	vor.u32 v10, v17;
	v28 =	vmul.f32 v29, v8  }
0x1cc: {  	v63 =	vmul.f32 v58, v8;
	v29 =	vor.u32 v10, v20;
	v45 =	vmul.f32 v35, v8;
	v35 =	vld.idx.msk [tilespmem:v59+s21+$0x0], $0xffff  }
0x1cd: {  	v34 =	vmul.f32 v40, v8;
	v40 =	vmul.f32 v60, v8;
	[tilespmem:v26+s25+$0x0] =	vst.idx.msk $0xffff, v28  }
0x1ce: {  	v38 =	vmul.f32 v41, v8;
	v39 =	vmul.f32 v42, v8;
	[tilespmem:v61+s25+$0x0] =	vst.idx.msk $0xffff, v63  }
0x1cf: {  	v28 =	vor.u32 v10, v22;
	v26 =	vor.u32 v10, v21;
	[tilespmem:v62+s25+$0x0] =	vst.idx.msk $0xffff, v45;
	v33 =	vld.idx.msk [tilespmem:v44+s21+$0x0], $0xffff  }
.LBB2_17:
0x1d0: {  	s0 =	sadd.s32 $0x8, s0;
	v41 =	vld.idx.msk [tilespmem:v36+s21+$0x0], $0xffff;
	v36 =	vadd.s32 v6, v10;
	v42 =	vadd.s32 v14, v10;
	[tilespmem:v30+s25+$0x0] =	vst.idx.msk $0xffff, v40  }
0x1d1: {  	v35 =	vmul.f32 v35, v8;
	v30 =	vmov s0;
	p0 =	slt.u32 s0, $0x58;
	v40 =	vld.idx.msk [tilespmem:v37+s21+$0x0], $0xffff;
	v37 =	vadd.s32 v13, v10;
	[tilespmem:v27+s25+$0x0] =	vst.idx.msk $0xffff, v39  }
0x1d2: {  	v39 =	vadd.s32 v4, v10;
	v27 =	vshrl.u32 v30, $0x3;
	v43 =	vld.idx.msk [tilespmem:v31+s21+$0x0], $0xffff;
	[tilespmem:v25+s25+$0x0] =	vst.idx.msk $0xffff, v38;
	v25 =	vmov v37  }
0x1d3: {  	v38 =	vadd.s32 v12, v10;
	v27 =	vshll.u32 v27, $0x3;
	v44 =	vld.idx.msk [tilespmem:v29+s21+$0x0], $0xffff;
	[tilespmem:v11+s25+$0x0] =	vst.idx.msk $0xffff, v34;
	v11 =	vmov v42  }
0x1d4: {  	v29 =	vbroadcast v27, $0x0;
	v27 =	vadd.s32 v5, v10;
	v42 =	vld.idx.msk [tilespmem:v28+s21+$0x0], $0xffff;
	[tilespmem:v9+s25+$0x0] =	vst.idx.msk $0xffff, v35;
	v9 =	vmov v36  }
0x1d5: {  	v46 =	vadd.s32 v15, v10;
	v30 =	vadd.s32 v7, v10;
	v28 =	vmul.f32 v33, v8;
	v45 =	vld.idx.msk [tilespmem:v32+s21+$0x0], $0xffff  }
0x1d6: {  	v32 =	vmul.f32 v41, v8;
	v33 =	vor.u32 v3, v29;
	v36 =	vor.u32 v29, v16;
	v35 =	vld.idx.msk [tilespmem:v26+s21+$0x0], $0xffff  }
.Ltmp6:
0x1d7: {  	v31 =	vor.u32 v29, v19;
	v37 =	vor.u32 v29, v18;
	v10 =	vmov v29;
	[tilespmem:v39+s25+$0x0] =	vst.idx.msk $0xffff, v28;
	(pc) =	sbr.rel @p0 .LBB2_17-.Ltmp6, $4  }
0x1d8: {  	v28 =	vor.u32 v10, v22;
	v29 =	vor.u32 v10, v20;
	[tilespmem:v38+s25+$0x0] =	vst.idx.msk $0xffff, v32  }
0x1d9: {  	v41 =	vmul.f32 v40, v8;
	v26 =	vor.u32 v10, v21;
	v34 =	vmul.f32 v44, v8  }
0x1da: {  	v40 =	vmul.f32 v43, v8;
	v32 =	vor.u32 v10, v17;
	v38 =	vmul.f32 v42, v8  }
0x1db: {  	v39 =	vmul.f32 v45, v8;
	v33 =	vld.idx.msk [tilespmem:v33+s21+$0x0], $0xffff;
	[tilespmem:v46+s25+$0x0] =	vst.idx.msk $0xffff, v41  }
0x1dc: {  	_ =	sdelay $0x3  }
0x1dd: {  	v36 =	vld.idx.msk [tilespmem:v36+s21+$0x0], $0xffff  }
0x1de: {  	v37 =	vld.idx.msk [tilespmem:v37+s21+$0x0], $0xffff;
	[tilespmem:v30+s25+$0x0] =	vst.idx.msk $0xffff, v40  }
0x1df: {  	v41 =	vadd.s32 v14, v10;
	v30 =	vadd.s32 v4, v10;
	[tilespmem:v11+s25+$0x0] =	vst.idx.msk $0xffff, v34;
	v11 =	vld.idx.msk [tilespmem:v28+s21+$0x0], $0xffff  }
0x1e0: {  	v31 =	vld.idx.msk [tilespmem:v31+s21+$0x0], $0xffff;
	v56 =	vadd.s32 v13, v10;
	[tilespmem:v27+s25+$0x0] =	vst.idx.msk $0xffff, v39;
	v27 =	vadd.s32 v12, v10  }
0x1e1: {  	v35 =	vmul.f32 v35, v8;
	[tilespmem:v25+s25+$0x0] =	vst.idx.msk $0xffff, v38;
	v25 =	vld.idx.msk [tilespmem:v29+s21+$0x0], $0xffff;
	v29 =	vadd.s32 v15, v10  }
0x1e2: {  	v57 =	vadd.s32 v7, v10;
	s0 =	simm.s32 $0x60;
	v58 =	vadd.s32 v5, v10;
	v26 =	vld.idx.msk [tilespmem:v26+s21+$0x0], $0xffff;
	v28 =	vmul.f32 v33, v8  }
0x1e3: {  	v32 =	vld.idx.msk [tilespmem:v32+s21+$0x0], $0xffff;
	v23 =	vadd.f32 v24, v23;
	v59 =	vmov s0;
	[tilespmem:v9+s25+$0x0] =	vst.idx.msk $0xffff, v35;
	v9 =	vmul.f32 v36, v8  }
0x1e4: {  	v10 =	vadd.s32 v6, v10;
	v24 =	vshrl.u32 v59, $0x3;
	v11 =	vmul.f32 v11, v8;
	[tilespmem:v30+s25+$0x0] =	vst.idx.msk $0xffff, v28  }
0x1e5: {  	v23 =	vmul.f32 $1.442695020e+00, v23;
	v24 =	vshll.u32 v24, $0x3;
	[tilespmem:v27+s25+$0x0] =	vst.idx.msk $0xffff, v9;
	v9 =	vmul.f32 v31, v8  }
0x1e6: {  	v24 =	vbroadcast v24, $0x0;
	v25 =	vmul.f32 v25, v8;
	[tilespmem:v56+s25+$0x0] =	vst.idx.msk $0xffff, v11  }
0x1e7: {  	v26 =	vmul.f32 v26, v8;
	[tilespmem:v57+s25+$0x0] =	vst.idx.msk $0xffff, v9;
	v9 =	vadd.s32 $0x82, v4  }
0x1e8: {  	(erf) = vpow2.f32 v23;
	v28 =	vmul.f32 v37, v8;
	v23 =	vor.u32 v3, v24;
	[tilespmem:v41+s25+$0x0] =	vst.idx.msk $0xffff, v25  }
0x1e9: {  	v27 =	vmul.f32 v32, v8;
	v11 =	vor.u32 v24, v16;
	[tilespmem:v10+s25+$0x0] =	vst.idx.msk $0xffff, v26  }
0x1ea: {  	v25 =	vor.u32 v24, v18;
	[tilespmem:v29+s25+$0x0] =	vst.idx.msk $0xffff, v28  }
0x1eb: {  	v26 =	vor.u32 v24, v19;
	[tilespmem:v58+s25+$0x0] =	vst.idx.msk $0xffff, v27  }
0x1ec: {  	v27 =	vor.u32 v24, v20;
	[tilespmem:v9+s25+$0x0] =	vst.idx.msk $0xffff, v8  }
0x1ed: {  	s0 =	simm.s32 $0x68;
	v28 =	vor.u32 v24, v22;
	v29 =	vld.idx.msk [tilespmem:v23+s21+$0x0], $0xffff  }
0x1ee: {  	v30 =	vor.u32 v24, v17;
	v8 =	vmov s0;
	v31 =	vld.idx.msk [tilespmem:v11+s21+$0x0], $0xffff  }
0x1ef: {  	v33 =	vld.idx.msk [tilespmem:v25+s21+$0x0], $0xffff;
	v8 =	vshrl.u32 v8, $0x3  }
0x1f0: {  	v60 =	vor.u32 v24, v21;
	v62 =	vld.idx.msk [tilespmem:v26+s21+$0x0], $0xffff;
	v11 =	vshll.u32 v8, $0x3  }
0x1f1: {  	v61 =	vadd.s32 v4, v24;
	v63 =	vadd.s32 v12, v24;
	v39 =	vld.idx.msk [tilespmem:v27+s21+$0x0], $0xffff;
	v11 =	vbroadcast v11, $0x0  }
0x1f2: {  	v42 =	vadd.s32 v15, v24;
	v10 =	vadd.s32 v14, v24;
	v9 =	vadd.s32 v6, v24;
	v40 =	vld.idx.msk [tilespmem:v28+s21+$0x0], $0xffff  }
0x1f3: {  	v23 =	vadd.s32 v13, v24;
	v25 =	vadd.s32 v5, v24;
	v41 =	vld.idx.msk [tilespmem:v30+s21+$0x0], $0xffff;
	v43 =	vor.u32 v3, v11  }
0x1f4: {  	v8 =	vpop (erf);
	v35 =	vor.u32 v11, v16;
	v28 =	vor.u32 v11, v19;
	v34 =	vor.u32 v11, v18  }
0x1f5: {  	v27 =	vor.u32 v11, v20;
	v26 =	vmul.f32 v29, v8;
	v29 =	vadd.s32 v7, v24  }
0x1f6: {  	v30 =	vor.u32 v11, v17;
	v24 =	vmul.f32 v31, v8;
	v44 =	vmul.f32 v33, v8;
	v33 =	vld.idx.msk [tilespmem:v60+s21+$0x0], $0xffff  }
0x1f7: {  	v32 =	vmul.f32 v39, v8;
	v38 =	vmul.f32 v62, v8;
	[tilespmem:v61+s25+$0x0] =	vst.idx.msk $0xffff, v26  }
0x1f8: {  	v36 =	vmul.f32 v40, v8;
	v37 =	vmul.f32 v41, v8;
	[tilespmem:v63+s25+$0x0] =	vst.idx.msk $0xffff, v24  }
0x1f9: {  	v26 =	vor.u32 v11, v22;
	v24 =	vor.u32 v11, v21;
	[tilespmem:v42+s25+$0x0] =	vst.idx.msk $0xffff, v44;
	v31 =	vld.idx.msk [tilespmem:v43+s21+$0x0], $0xffff  }
.LBB2_19:
0x1fa: {  	s0 =	sadd.s32 $0x8, s0;
	v39 =	vld.idx.msk [tilespmem:v35+s21+$0x0], $0xffff;
	v35 =	vadd.s32 v6, v11;
	v40 =	vadd.s32 v14, v11;
	[tilespmem:v29+s25+$0x0] =	vst.idx.msk $0xffff, v38  }
0x1fb: {  	v33 =	vmul.f32 v33, v8;
	v29 =	vmov s0;
	p0 =	slt.u32 s0, $0x78;
	v38 =	vld.idx.msk [tilespmem:v34+s21+$0x0], $0xffff;
	v34 =	vadd.s32 v13, v11;
	[tilespmem:v25+s25+$0x0] =	vst.idx.msk $0xffff, v37  }
0x1fc: {  	v37 =	vadd.s32 v4, v11;
	v25 =	vshrl.u32 v29, $0x3;
	v41 =	vld.idx.msk [tilespmem:v28+s21+$0x0], $0xffff;
	[tilespmem:v23+s25+$0x0] =	vst.idx.msk $0xffff, v36;
	v23 =	vmov v34  }
0x1fd: {  	v36 =	vadd.s32 v12, v11;
	v25 =	vshll.u32 v25, $0x3;
	v42 =	vld.idx.msk [tilespmem:v27+s21+$0x0], $0xffff;
	[tilespmem:v10+s25+$0x0] =	vst.idx.msk $0xffff, v32;
	v10 =	vmov v40  }
0x1fe: {  	v27 =	vbroadcast v25, $0x0;
	v25 =	vadd.s32 v5, v11;
	v40 =	vld.idx.msk [tilespmem:v26+s21+$0x0], $0xffff;
	[tilespmem:v9+s25+$0x0] =	vst.idx.msk $0xffff, v33;
	v9 =	vmov v35  }
0x1ff: {  	v44 =	vadd.s32 v15, v11;
	v29 =	vadd.s32 v7, v11;
	v26 =	vmul.f32 v31, v8;
	v43 =	vld.idx.msk [tilespmem:v30+s21+$0x0], $0xffff  }
0x200: {  	v30 =	vmul.f32 v39, v8;
	v31 =	vor.u32 v3, v27;
	v35 =	vor.u32 v27, v16;
	v33 =	vld.idx.msk [tilespmem:v24+s21+$0x0], $0xffff  }
.Ltmp7:
0x201: {  	v28 =	vor.u32 v27, v19;
	v34 =	vor.u32 v27, v18;
	v11 =	vmov v27;
	[tilespmem:v37+s25+$0x0] =	vst.idx.msk $0xffff, v26;
	(pc) =	sbr.rel @p0 .LBB2_19-.Ltmp7, $4  }
0x202: {  	v26 =	vor.u32 v11, v22;
	v27 =	vor.u32 v11, v20;
	[tilespmem:v36+s25+$0x0] =	vst.idx.msk $0xffff, v30  }
0x203: {  	v39 =	vmul.f32 v38, v8;
	v24 =	vor.u32 v11, v21;
	v32 =	vmul.f32 v42, v8  }
0x204: {  	v38 =	vmul.f32 v41, v8;
	v30 =	vor.u32 v11, v17;
	v36 =	vmul.f32 v40, v8  }
0x205: {  	v37 =	vmul.f32 v43, v8;
	v31 =	vld.idx.msk [tilespmem:v31+s21+$0x0], $0xffff;
	[tilespmem:v44+s25+$0x0] =	vst.idx.msk $0xffff, v39  }
0x206: {  	_ =	sdelay $0x3  }
0x207: {  	v3 =	vld.idx.msk [tilespmem:v35+s21+$0x0], $0xffff  }
0x208: {  	[tilespmem:v29+s25+$0x0] =	vst.idx.msk $0xffff, v38;
	v16 =	vld.idx.msk [tilespmem:v34+s21+$0x0], $0xffff;
	v17 =	vadd.s32 v4, v11  }
0x209: {  	v18 =	vld.idx.msk [tilespmem:v28+s21+$0x0], $0xffff;
	v12 =	vadd.s32 v12, v11;
	[tilespmem:v23+s25+$0x0] =	vst.idx.msk $0xffff, v36  }
0x20a: {  	v19 =	vmul.f32 v33, v8;
	v20 =	vld.idx.msk [tilespmem:v30+s21+$0x0], $0xffff;
	v15 =	vadd.s32 v15, v11;
	[tilespmem:v10+s25+$0x0] =	vst.idx.msk $0xffff, v32  }
0x20b: {  	v58 =	vld.idx.msk [tilespmem:v26+s21+$0x0], $0xffff;
	v7 =	vadd.s32 v7, v11;
	[tilespmem:v25+s25+$0x0] =	vst.idx.msk $0xffff, v37;
	v21 =	vmul.f32 v31, v8  }
0x20c: {  	v22 =	vld.idx.msk [tilespmem:v27+s21+$0x0], $0xffff;
	v5 =	vadd.s32 v5, v11;
	[tilespmem:v9+s25+$0x0] =	vst.idx.msk $0xffff, v19;
	v3 =	vmul.f32 v3, v8  }
0x20d: {  	v59 =	vadd.s32 v13, v11;
	v60 =	vld.idx.msk [tilespmem:v24+s21+$0x0], $0xffff;
	v16 =	vmul.f32 v16, v8;
	[tilespmem:v17+s25+$0x0] =	vst.idx.msk $0xffff, v21  }
0x20e: {  	v14 =	vadd.s32 v14, v11;
	[tilespmem:v12+s25+$0x0] =	vst.idx.msk $0xffff, v3;
	v3 =	vmul.f32 v18, v8  }
0x20f: {  	v6 =	vadd.s32 v6, v11;
	s31 =	sadd.s32 $0x1, s31;
	v61 =	vmul.f32 v20, v8;
	[tilespmem:v15+s25+$0x0] =	vst.idx.msk $0xffff, v16  }
0x210: {  	p0 =	sne.s32 s31, $0x4;
	v10 =	vmul.f32 v58, v8;
	[tilespmem:v7+s25+$0x0] =	vst.idx.msk $0xffff, v3;
	v3 =	vadd.s32 $0x83, v4  }
.Ltmp8:
0x211: {  	v62 =	vmul.f32 v22, v8;
	[tilespmem:v5+s25+$0x0] =	vst.idx.msk $0xffff, v61;
	(pc) =	sbr.rel @p0 .LBB2_4-.Ltmp8, $4  }
0x212: {  	v63 =	vmul.f32 v60, v8;
	[tilespmem:v59+s25+$0x0] =	vst.idx.msk $0xffff, v10  }
0x213: {  	[tilespmem:v14+s25+$0x0] =	vst.idx.msk $0xffff, v62  }
0x214: {  	[tilespmem:v6+s25+$0x0] =	vst.idx.msk $0xffff, v63  }
0x215: {  	[tilespmem:v3+s25+$0x0] =	vst.idx.msk $0xffff, v8  }
0x216: {  	s29 =	sadd.s32 $0x1, s29  }
0x217: {  	p0 =	sne.s32 s29, $0x8  }
.Ltmp9:
0x218: {  	_ = 	snop;
	(pc) =	sbr.rel @p0 .LBB2_3-.Ltmp9, $4  }
0x219: {  	[spmem:s3] =	stream.indirect.scatter.add.f32 [tilespmem:s25], [sflag:$0x3], $0x90, s30, s20, $0xb8;
	[tilespmem:$0x1E200] =	vst v63  }
0x21a: {  	_ =	swait.ge [sflag:s15], $0x2400  }
0x21b: {  	[sflag:s15] =	ssyncset.done $0x0  }
0x21c: {  	[sflag:s15] =	ssyncadd.s32 $0xFFFFDC00  }
0x21d: {  	s28 =	sadd.s32 $0x1, s28  }
0x21e: {  	p0 =	sne.s32 s28, $0x14  }
.Ltmp10:
0x21f: {  	_ = 	snop;
	(pc) =	sbr.rel @p0 .LBB2_2-.Ltmp10, $1  }
0x220: {  	_ =	sdelay $0x3  }
0x221: {  	s26 =	sadd.s32 $0x1, s26  }
0x222: {  	p0 =	sne.s32 s26, s13  }
.Ltmp11:
0x223: {  	[bflag:$0x0] =	sbarrier.arrive $0xFFFF;
	(pc) =	sbr.rel @p0 .LBB2_1-.Ltmp11, $4  }
0x224: {  	[hbm:s12], [sflag:s16] =	dma.local [spmem:s17], $0x2D00  }
0x225: {  	_ =	swait.ge [sflag:s15], $0x2D00  }
0x226: {  	[sflag:s15] =	ssyncset.done $0x0  }
0x227: {  	[sflag:s15] =	ssyncadd.s32 $0xFFFFD300  }
0x228: {  	_ =	sfence.sel $0x180000  }
0x229: {  	[bflag:$0x0] =	sbarrier.arrive $0xFFFF  }
0x22a: {  	_ =	strace $0x90000047  }
0x22b: {  	s0 =	stileid.u32;
	[bflag:$0x2] =	sbarrier.arrive $0xFFFF  }
0x22c: {  	p0 =	sne.s32 s0, $0x0;
	s0 =	rddreg [dreg:$0x3]  }
0x22d: {  	s0 =	sadd.s32 @!p0 $0x100000, s0  }
0x22e: {  	[sflag:s0] =	ssyncadd.tile.s32 @!p0 $0x1;
	_ =	shalt  }
.Lfunc_end2:
_tile_overlayer_lowered:
.L_overlay_start_2:
0x22f: {  	(tag) =	ssettag $0x2  }
0x230: {  	s0 =	rddreg [dreg:$0x0];
	s2 =	stileid.u32  }
0x231: {  	s1 =	rddreg [dreg:$0x1];
	p0 =	sne.s32 s2, $0x0  }
0x232: {  	s3 =	rddreg [dreg:$0x2];
	[bflag:$0x3] =	sbarrier.arrive $0xFFFF;
	s2 =	simm.s32 @!p0 $0x1C03  }
0x233: {  	[timem:s3], [sflag:s2] =	dma.local @!p0 [hbm:s0], s1  }
0x234: {  	s0 =	simm.s32 @!p0 $0x3  }
0x235: {  	_ =	swait.ge @!p0 [sflag:s0], s1  }
0x236: {  	s1 =	ssub.s32 @!p0 $0x0, s1;
	[sflag:s0] =	ssyncset.done @!p0 $0x0  }
0x237: {  	[sflag:s0] =	ssyncadd.s32 @!p0 s1  }
0x238: {  	[bflag:$0x3] =	sbarrier.arrive $0xFFFF  }
0x239: {  	_ =	shalt  }

// kernel: kernel.14.cloned.1.call-start
scs
__scs_entry_jumppad:
0x0: {  	(pc) =	sbr.rel $0x88, $3  }
0x1: {  	(tag) =	ssettag $0x0;
	lr =	simm.s32 $0x1  }
0x2: {  	[smem:$0x3F81] =	sst lr;
	_ =	strace $0xD0000000  }
0x3: {  	_ = 	snop  }
0x4: {  	_ = 	snop  }
0x5: {  	_ = 	snop  }
0x6: {  	_ = 	snop  }
0x7: {  	_ = 	snop  }
__scs_overlays_trampoline_lowered:
0x8: {  	[smem:$0x3F90] =	sst s0  }
0x9: {  	[smem:$0x3F91] =	sst s1  }
0xa: {  	[smem:$0x3F92] =	sst s2  }
0xb: {  	[smem:$0x3F93] =	sst s3  }
0xc: {  	[smem:$0x3F94] =	sst s4  }
0xd: {  	[smem:$0x3F95] =	sst s5  }
0xe: {  	[smem:$0x3F96] =	sst s6  }
0xf: {  	[smem:$0x3F97] =	sst s7  }
0x10: {  	[smem:$0x3F98] =	sst s8  }
0x11: {  	[smem:$0x3F99] =	sst s9;
	s0 =	simm.s32 @!p0 $0x0  }
0x12: {  	s1 =	sld [smem:$0x3F7F];
	s0 =	simm.s32 @p0 $0x1  }
0x13: {  	[smem:$0x3F9A] =	sst s0;
	s0 =	simm.s32 @!p1 $0x0  }
0x14: {  	s2 =	sld [smem:$0x3F7E];
	s0 =	simm.s32 @p1 $0x1  }
0x15: {  	[smem:$0x3F9B] =	sst s0;
	s0 =	simm.s32 @!p2 $0x0  }
0x16: {  	s3 =	sld [smem:$0x3FDB];
	s0 =	simm.s32 @p2 $0x1  }
0x17: {  	s4 =	simm.s32 $0x1BF5;
	[smem:$0x3F9D] =	sst s0  }
0x18: {  	s0 =	sld [smem:$0x3F80];
	_ =	swait.ge [sflag:s4], $0x0  }
0x19: {  	s7 =	sld [smem:$0x3F81]  }
0x1a: {  	s8 =	sadd.s32 $0xFFFFE003, lr  }
0x1b: {  	s9 =	sadd.s32 $0xFFFFFEF7, lr;
	s5 =	simm.s32 $0xFFFFFFFF;
	p2 =	slt.u32 s8, $0xFFFFF086  }
0x1c: {  	p1 =	slt.u32 s9, $0xF7A;
	s5 =	simm.s32 @!p2 $0x0  }
0x1d: {  	s5 =	simm.s32 @p1 $0x1;
	p0 =	seq.s32 s7, s2  }
0x1e: {  	s7 =	smul.u32 @!p0 $0xF7A, s2;
	p2 =	seq.s32 @!p0 s5, $0x0  }
0x1f: {  	s9 =	smul.u32 $0xF7A, s1;
	s8 =	simm.s32 @!p0 $0x1BF5;
	p2 =	por !p2, p0  }
0x20: {  	[sflag:s8] =	ssyncset.s32 @!p0 $0xFFFFF086;
	s6 =	sadd.s32 @!p0 s3, s7;
	s7 =	simm.s32 @!p0 $0x108  }
0x21: {  	s3 =	sadd.s32 s3, s9;
	s6 =	sadd.s32 @!p0 $0x88, s6;
	s7 =	simm.s32 @p2 $0x1082  }
0x22: {  	[simem:s7], [sflag:s8] =	dma.local @!p0 [hbm:s6], $0xF7A  }
0x23: {  	s9 =	sor.u32 $0xD0000000, s2;
	s6 =	simm.s32 $0x108;
	_ =	swait.ge @!p0 [sflag:s8], $0x0  }
0x24: {  	s3 =	sadd.s32 $0x88, s3;
	s6 =	simm.s32 @!p1 $0x1082;
	[sflag:s4] =	ssyncset.s32 $0xFFFFF086  }
0x25: {  	[simem:s6], [sflag:s4] =	dma.local [hbm:s3], $0xF7A  }
0x26: {  	[smem:$0x3F81] =	sst s1;
	(tag) =	ssettag s2;
	_ =	strace s9  }
0x27: {  	s1 =	sld [smem:$0x3F91]  }
0x28: {  	s2 =	sld [smem:$0x3F92]  }
0x29: {  	s4 =	sld [smem:$0x3F94]  }
0x2a: {  	p0 =	seq.s32 s5, $0x0;
	s5 =	sld [smem:$0x3F95]  }
0x2b: {  	s6 =	sld [smem:$0x3F96]  }
0x2c: {  	s7 =	sld [smem:$0x3F97]  }
0x2d: {  	s3 =	simm.s32 $0x108;
	s8 =	sld [smem:$0x3F98]  }
0x2e: {  	s3 =	simm.s32 @!p0 $0x1082;
	s9 =	sld [smem:$0x3F99]  }
0x2f: {  	lr =	sadd.s32 s0, s3;
	s0 =	sld [smem:$0x3F90]  }
0x30: {  	s3 =	sld [smem:$0x3F93]  }
0x31: {  	[smem:$0x3F9C] =	sst s10  }
0x32: {  	s10 =	sld [smem:$0x3F9A];
	_ =	sdelay $0x3  }
0x33: {  	p0 =	seq.s32 s10, $0x1;
	s10 =	sld [smem:$0x3F9C];
	_ =	sdelay $0x3  }
0x34: {  	[smem:$0x3F9C] =	sst s10  }
0x35: {  	s10 =	sld [smem:$0x3F9B];
	_ =	sdelay $0x3  }
0x36: {  	p1 =	seq.s32 s10, $0x1;
	s10 =	sld [smem:$0x3F9C];
	_ =	sdelay $0x3  }
0x37: {  	[smem:$0x3F9C] =	sst s10  }
0x38: {  	s10 =	sld [smem:$0x3F9D]  }
0x39: {  	_ = 	snop;
	(pc) =	sbr.ind lr, $3  }
0x3a: {  	_ = 	snop  }
0x3b: {  	_ = 	snop  }
0x3c: {  	p2 =	seq.s32 s10, $0x1;
	s10 =	sld [smem:$0x3F9C]  }
0x3d: {  	_ =	shalt  }
0x3e: {  	_ =	shalt  }
0x3f: {  	_ =	shalt  }
0x40: {  	_ =	shalt  }
0x41: {  	_ =	shalt  }
0x42: {  	_ =	shalt  }
0x43: {  	_ =	shalt  }
0x44: {  	_ =	shalt  }
0x45: {  	_ =	shalt  }
0x46: {  	_ =	shalt  }
0x47: {  	_ =	shalt  }
0x48: {  	_ =	shalt  }
0x49: {  	_ =	shalt  }
0x4a: {  	_ =	shalt  }
0x4b: {  	_ =	shalt  }
0x4c: {  	_ =	shalt  }
0x4d: {  	_ =	shalt  }
0x4e: {  	_ =	shalt  }
0x4f: {  	_ =	shalt  }
0x50: {  	_ =	shalt  }
0x51: {  	_ =	shalt  }
0x52: {  	_ =	shalt  }
0x53: {  	_ =	shalt  }
0x54: {  	_ =	shalt  }
0x55: {  	_ =	shalt  }
0x56: {  	_ =	shalt  }
0x57: {  	_ =	shalt  }
0x58: {  	_ =	shalt  }
0x59: {  	_ =	shalt  }
0x5a: {  	_ =	shalt  }
0x5b: {  	_ =	shalt  }
0x5c: {  	_ =	shalt  }
0x5d: {  	_ =	shalt  }
0x5e: {  	_ =	shalt  }
0x5f: {  	_ =	shalt  }
0x60: {  	_ =	shalt  }
0x61: {  	_ =	shalt  }
0x62: {  	_ =	shalt  }
0x63: {  	_ =	shalt  }
0x64: {  	_ =	shalt  }
0x65: {  	_ =	shalt  }
0x66: {  	_ =	shalt  }
0x67: {  	_ =	shalt  }
0x68: {  	_ =	shalt  }
0x69: {  	_ =	shalt  }
0x6a: {  	_ =	shalt  }
0x6b: {  	_ =	shalt  }
0x6c: {  	_ =	shalt  }
0x6d: {  	_ =	shalt  }
0x6e: {  	_ =	shalt  }
0x6f: {  	_ =	shalt  }
0x70: {  	_ =	shalt  }
0x71: {  	_ =	shalt  }
0x72: {  	_ =	shalt  }
0x73: {  	_ =	shalt  }
0x74: {  	_ =	shalt  }
0x75: {  	_ =	shalt  }
0x76: {  	_ =	shalt  }
0x77: {  	_ =	shalt  }
0x78: {  	_ =	shalt  }
0x79: {  	_ =	shalt  }
0x7a: {  	_ =	shalt  }
0x7b: {  	_ =	shalt  }
0x7c: {  	_ =	shalt  }
0x7d: {  	_ =	shalt  }
0x7e: {  	_ =	shalt  }
0x7f: {  	_ =	shalt  }
0x80: {  	_ =	shalt  }
0x81: {  	_ =	shalt  }
0x82: {  	_ =	shalt  }
0x83: {  	_ =	shalt  }
0x84: {  	_ =	shalt  }
0x85: {  	_ =	shalt  }
0x86: {  	_ =	shalt  }
0x87: {  	_ =	shalt  }
.Lfunc_end0:
.L_simem_size_0:
called_computation.1_lowered:
.L_overlay_start_0:
0x88: {  	s2 =	sld [smem:$0x3FD9]  }
0x89: {  	s3 =	sld [smem:$0x3FFE];
	_ =	sdelay $0x1  }
0x8a: {  	s1 =	srdreg.scid  }
0x8b: {  	s0 =	sand.u32 $0x1, s1  }
0x8c: {  	s16 =	sshll.u32 s0, $0xA;
	s2 =	sadd.s32 s3, s2  }
0x8d: {  	s2 =	sadd.s32 s2, s16  }
0x8e: {  	[smem:$0x3FA8] =	sst s2  }
0x8f: {  	_ = 	snop  }
0x90: {  	(tm) =	ssettm $0x1  }
0x91: {  	s17 =	sld [smem:$0x3FFB];
	_ =	sdelay $0x3  }
0x92: {  	_ =	strace s17  }
0x93: {  	s2 =	sld [smem:$0x3FFC];
	_ =	sdelay $0x3  }
0x94: {  	_ =	strace s2  }
0x95: {  	s2 =	sld [smem:$0x3FFD];
	_ =	sdelay $0x3  }
0x96: {  	_ =	strace s2  }
0x97: {  	_ =	strace $0x8FFFFFFF  }
0x98: {  	s18 =	sld [smem:$0x3FDB];
	_ =	sdelay $0x1  }
0x99: {  	s19 =	simm.s32 $_scs_section_size  }
0x9a: {  	s4 =	simm.s32 $_size__tile_overlayer_lowered;
	s5 =	simm.s32 $_tile_overlayer_lowered  }
0x9b: {  	s22 =	simm.s32 $0x1BFF;
	s21 =	sshll.u32 s5, $0x1;
	s2 =	sadd.s32 s19, s18  }
0x9c: {  	s6 =	simm.s32 $0x0;
	s20 =	sshll.u32 s4, $0x1;
	s4 =	sadd.s32 s21, s2  }
0x9d: {  	[timem:s6], [sflag:s22] =	dma.local [hbm:s4], s20  }
0x9e: {  	_ =	swait.ge [sflag:s22], s20  }
0x9f: {  	s3 =	ssub.s32 $0x0, s20;
	[sflag:s22] =	ssyncset.done $0x0  }
0xa0: {  	[sflag:s22] =	ssyncadd.s32 s3;
	_ =	sdelay $0x1  }
0xa1: {  	s23 =	simm.s32 $0x1B8B  }
0xa2: {  	_ =	swait.ge [sflag:s23], $0x1  }
0xa3: {  	[sflag:s23] =	ssyncset.done $0x0  }
0xa4: {  	s25 =	simm.s32 $0x1B8E;
	s24 =	sld [smem:$0x3FFE];
	[sflag:s23] =	ssyncadd.s32 $0xFFFFFFFF  }
0xa5: {  	s26 =	simm.s32 $execute0_lowered;
	[smem:$0x3FD2] =	sst s25  }
0xa6: {  	s4 =	sshll.u32 s26, $0x1;
	_ =	strace $0x80000049;
	[dreg:$0x1] =	wrdreg $0xFFFFFFFF  }
0xa7: {  	s28 =	simm.s32 $_size_execute0_lowered;
	s2 =	sadd.s32 s2, s4;
	[dreg:$0x0] =	wrdreg $0x0  }
0xa8: {  	s4 =	sshll.u32 s28, $0x1;
	[dreg:$0x2] =	wrdreg s2  }
0xa9: {  	[dreg:$0x3] =	wrdreg s4  }
0xaa: {  	[dreg:$0x4] =	wrdreg $0xC0  }
0xab: {  	_ =	task [dreg:s6], $0x5FFFF  }
0xac: {  	[dreg:$0x1] =	wrdreg $0xFFFFFFFF  }
0xad: {  	[dreg:$0x0] =	wrdreg $0x60  }
0xae: {  	[dreg:$0x2] =	wrdreg s24  }
0xaf: {  	[dreg:$0x3] =	wrdreg $0x7A000  }
0xb0: {  	[dreg:$0x4] =	wrdreg $0x9  }
0xb1: {  	_ =	task.clear_ibuf [dreg:s6], $0x5FFFF;
	_ =	strace $0x90000049  }
0xb2: {  	s29 =	simm.s32 $0x9;
	_ =	strace $0x8000004B  }
0xb3: {  	_ =	swait.ge [sflag:s29], $0x1  }
0xb4: {  	[sflag:s29] =	ssyncadd.s32 $0xFFFFFFFF  }
0xb5: {  	_ =	strace $0x9000004B  }
0xb6: {  	_ =	sfence  }
0xb7: {  	s30 =	sld [smem:$0x0];
	_ =	sdelay $0x2  }
0xb8: {  	s31 =	sshll.u32 s1, $0xD;
	s1 =	sshrl.u32 s1, $0x2  }
0xb9: {  	s3 =	sand.u32 $0x4000, s31;
	s1 =	sadd.s32 s1, s30  }
0xba: {  	s0 =	sor.u32 s3, s0;
	s1 =	sshll.u32 s1, $0x11  }
0xbb: {  	s0 =	sor.u32 s1, s0  }
0xbc: {  	s0 =	sadd.s32 $0x8F2B, s0  }
0xbd: {  	[sflag:s0] =	ssyncadd.remote.s32 $0x1  }
0xbe: {  	_ =	sfence.sel $0xFFFF  }
0xbf: {  	[dreg:$0x0] =	wrdreg $0xFFFFFFFF;
	(pc) =	sbr.abs _section_cstart, $3  }
0xc0: {  	[dreg:$0x1] =	wrdreg $0xFFFFFFFF  }
0xc1: {  	_ =	task.clear_ibuf [dreg:s6], $0x2FFFF;
	_ =	strace $0x9FFFFFFF  }
0xc2: {  	(tm) =	ssettm $0x7FFFFFFF  }
0xc3: {  	_ =	shalt  }
tec
execute0_lowered:
.L_overlay_start_1:
0x0: {  	(tag) =	ssettag $0x1  }
0x1: {  	s0 =	rddreg [dreg:$0x0]  }
0x2: {  	s1 =	rddreg [dreg:$0x1];
	s2 =	simm.s32 $0x0  }
0x3: {  	s9 =	stileid.u32;
	s3 =	srdreg.scid;
	s15 =	simm.s32 $0x3  }
0x4: {  	s18 =	simm.s32 $0x200;
	s19 =	simm.s32 $0x400;
	s20 =	simm.s32 $0x40  }
0x5: {  	s21 =	simm.s32 $0x600;
	s22 =	simm.s32 $0x2600;
	s23 =	simm.s32 $0x1  }
0x6: {  	s24 =	simm.s32 $0x2;
	s25 =	simm.s32 $0x4600;
	[smem:$0x7FF] =	sst s2  }
0x7: {  	s4 =	sadd.s32 $0xBA00, s0;
	s26 =	smul.u32 $0x16800, s9;
	s5 =	sadd.s32 $0x1A00, s0  }
0x8: {  	s3 =	sand.u32 $0x1, s3;
	s10 =	smul.u32 $0x2D00, s9;
	s6 =	sadd.s32 $0x15A00, s0  }
0x9: {  	s7 =	sadd.s32 $0x46C00, s0;
	s8 =	sadd.s32 $0x9AE00, s0;
	s12 =	sadd.s32 $0xF4E00, s0  }
0xa: {  	s31 =	sshll.u32 s9, $0x6;
	_ =	strace $0x8000004A;
	s11 =	smul.u32 $0x2D000, s3  }
0xb: {  	[dreg:$0x3] =	wrdreg s12;
	s29 =	ssub.s32 $0x2, s3;
	s3 =	sshll.u32 s3, $0x4  }
0xc: {  	s16 =	sor.u32 $0x1C03, s31;
	s28 =	sshrl.u32 s26, $0x3;
	s30 =	sshrl.u32 s29, $0x1  }
0xd: {  	s2 =	sadd.s32 s26, s1;
	s3 =	sor.u32 s9, s3;
	s26 =	simm.s32 $0x0  }
0xe: {  	s12 =	sadd.s32 s28, s0;
	s10 =	sadd.s32 s10, s11;
	s13 =	ssub.s32 s29, s30  }
0xf: {  	v1 =	vimm.s32 $0x0;
	vm0 =	vcmask $0x300;
	s11 =	smul.u32 $0x2800, s3;
	s17 =	sshrl.u32 s2, $0x3;
	s0 =	sadd.s32 s10, s0  }
0x10: {  	v0 =	vlaneseq.u32;
	v1 =	vsel vm0, $0x3, v1;
	s10 =	sadd.s32 $0x6DE00, s12;
	s13 =	smax.u32 s13, $0x1;
	s12 =	sadd.s32 $0xF5000, s0  }
.LBB2_1:
0x11: {  	s0 =	simm.s32 $0x0;
	s2 =	rddreg [dreg:$0x3];
	s3 =	simm.s32 $0x6A00  }
0x12: {  	[tilespmem:s3], [sflag:$0x3] =	stream.linear.gather [hbm4b:s2+s0], $0x1000, $0x38;
	[tilespmem:$0x1E200] =	vst v63  }
0x13: {  	_ =	swait.ge [sflag:s15], $0x1000  }
0x14: {  	[sflag:s15] =	ssyncset.done $0x0  }
0x15: {  	[sflag:s15] =	ssyncadd.s32 $0xFFFFF000  }
0x16: {  	[spmem:s17], [sflag:s16] =	dma.local [hbm:s10], $0x2D00  }
0x17: {  	_ =	swait.ge [sflag:s15], $0x2D00  }
0x18: {  	[sflag:s15] =	ssyncset.done $0x0  }
0x19: {  	[sflag:s15] =	ssyncadd.s32 $0xFFFFD300  }
0x1a: {  	s28 =	simm.s32 $0x0;
	[bflag:$0x0] =	sbarrier.arrive $0xFFFF  }
.LBB2_2:
0x1b: {  	s0 =	sshll.u32 s28, $0x9  }
0x1c: {  	s0 =	sadd.s32 s11, s0  }
0x1d: {  	s0 =	sshrl.u32 s0, $0x3  }
0x1e: {  	s29 =	simm.s32 $0x0;
	s2 =	sadd.s32 s4, s0  }
0x1f: {  	[tilespmem:s29], [sflag:$0x3] =	stream.linear.gather [hbm4b:s2+s29], $0x200, $0x38;
	[tilespmem:$0x1E200] =	vst v63  }
0x20: {  	_ =	swait.ge [sflag:s15], $0x200  }
0x21: {  	[sflag:s15] =	ssyncset.done $0x0  }
0x22: {  	s31 =	sadd.s32 s5, s0;
	[sflag:s15] =	ssyncadd.s32 $0xFFFFFE00  }
0x23: {  	[tilespmem:s18], [sflag:$0x3] =	stream.linear.gather [hbm4b:s31+s29], $0x200, $0x38;
	[tilespmem:$0x1E200] =	vst v63  }
0x24: {  	_ =	swait.ge [sflag:s15], $0x200  }
0x25: {  	[sflag:s15] =	ssyncset.done $0x0  }
0x26: {  	s0 =	sadd.s32 s6, s0;
	[sflag:s15] =	ssyncadd.s32 $0xFFFFFE00  }
0x27: {  	[tilespmem:s19], [sflag:$0x3] =	stream.linear.gather [hbm4b:s0+s29], $0x200, $0x38;
	[tilespmem:$0x1E200] =	vst v63  }
0x28: {  	_ =	swait.ge [sflag:s15], $0x200  }
0x29: {  	[sflag:s15] =	ssyncset.done $0x0  }
0x2a: {  	[sflag:s15] =	ssyncadd.s32 $0xFFFFFE00  }
.LBB2_3:
0x2b: {  	s0 =	sshll.u32 s29, $0x6  }
0x2c: {  	[tilespmem:s21], [sflag:$0x1] =	stream.indirect.gather [hbm4b:s7+s20], $0x80, s0, s20, $0xb8;
	[tilespmem:$0x1E200] =	vst v63  }
0x2d: {  	s30 =	sadd.s32 $0x200, s0  }
0x2e: {  	[tilespmem:s22], [sflag:$0x2] =	stream.indirect.gather [hbm4b:s8+s20], $0x80, s30, s20, $0xb8;
	[tilespmem:$0x1E200] =	vst v63  }
0x2f: {  	_ =	swait.ge [sflag:s23], $0x2000  }
0x30: {  	[sflag:s23] =	ssyncset.done $0x0  }
0x31: {  	[sflag:s23] =	ssyncadd.s32 $0xFFFFE000  }
0x32: {  	_ =	swait.ge [sflag:s24], $0x2000  }
0x33: {  	s0 =	sadd.s32 $0x400, s0;
	[sflag:s24] =	ssyncset.done $0x0  }
0x34: {  	s31 =	simm.s32 $0x0;
	v2 =	vmov s0;
	[sflag:s24] =	ssyncadd.s32 $0xFFFFE000  }
.LBB2_4:
0x35: {  	_ = 	snop  }
0x36: {  	s0 =	sshll.u32 s31, $0x4;
	s2 =	simm.s32 $0x0  }
0x37: {  	v8 =	vimm.f32 $0.0e+00;
	s3 =	simm.s32 $0x7;
	s14 =	simm.s32 $0x4;
	s9 =	simm.s32 $0x6;
	v4 =	vor.u32 s0, v0;
	v6 =	vmov s2  }
0x38: {  	v7 =	vmov s3;
	v10 =	vmov s14;
	v11 =	vmov s9  }
0x39: {  	v5 =	vld.idx.msk [tilespmem:v2+s0+$0x0 ss:$0x1], $0xffff;
	s0 =	simm.s32 $0x7200;
	s3 =	simm.s32 $0x5;
	s14 =	simm.s32 $0x2;
	v3 =	vshll.u32 v4, $0x7;
	v6 =	vshrl.u32 v6, $0x3;
	v7 =	vor.u32 $0x7, v7  }
0x3a: {  	v14 =	vmov s3;
	v15 =	vmov s14;
	v9 =	vld [tilespmem:s0+$0xFFFFF860];
	v7 =	vbroadcast v7, $0x0  }
0x3b: {  	v11 =	vshrl.u32 v11, $0x3;
	v12 =	vld [tilespmem:s0+$0xFFFFF870];
	v17 =	vshrl.u32 v10, $0x3;
	v6 =	vshll.u32 v6, v1  }
0x3c: {  	v13 =	vld [tilespmem:s0+$0xFFFFF840];
	v11 =	vshll.u32 v11, v1;
	v6 =	vbroadcast v6, $0x0;
	v7 =	vor.u32 v3, v7  }
0x3d: {  	v10 =	vld [tilespmem:s0+$0xFFFFF850];
	v14 =	vshrl.u32 v14, $0x3;
	v18 =	vshll.u32 v17, v1;
	v11 =	vor.u32 $0x6, v11  }
0x3e: {  	s9 =	simm.s32 $0x3;
	v14 =	vshll.u32 v14, v1;
	v19 =	vbroadcast v11, $0x0;
	v11 =	vld [tilespmem:s0+$0xFFFFF820];
	v17 =	vor.u32 v3, v6  }
0x3f: {  	v16 =	vmov s9;
	v18 =	vor.u32 $0x4, v18;
	v20 =	vor.u32 $0x5, v14;
	v14 =	vld [tilespmem:s0+$0xFFFFF810]  }
0x40: {  	s14 =	simm.s32 $0x1;
	v22 =	vbroadcast v18, $0x0;
	v6 =	vshrl.u32 v15, $0x3;
	v15 =	vld [tilespmem:s0+$0xFFFFF800];
	v21 =	vor.u32 v3, v19  }
0x41: {  	v16 =	vshrl.u32 v16, $0x3;
	v23 =	vbroadcast v20, $0x0;
	v19 =	vmov s14;
	v18 =	vld.idx.msk [tilespmem:v7+s21+$0x0], $0xffff  }
0x42: {  	v6 =	vshll.u32 v6, v1;
	v22 =	vor.u32 v3, v22;
	v24 =	vshrl.u32 v19, $0x3;
	v20 =	vld.idx.msk [tilespmem:v7+s22+$0x0], $0xffff  }
0x43: {  	s14 =	simm.s32 $0x8;
	v25 =	vor.u32 $0x2, v6;
	v6 =	vimm.f32 $0.0e+00;
	v7 =	vimm.f32 $0.0e+00;
	v19 =	vld.idx.msk [tilespmem:v17+s21+$0x0], $0xffff  }
.LBB2_5:
0x44: {  	p0 =	slt.u32 s14, $0x18;
	v26 =	vld.idx.msk [tilespmem:v17+s22+$0x0], $0xffff;
	v17 =	vbroadcast v25, $0x0;
	v16 =	vshll.u32 v16, v1;
	v23 =	vor.u32 v3, v23  }
0x45: {  	v24 =	vshll.u32 v24, v1;
	v16 =	vor.u32 $0x3, v16;
	v25 =	vld.idx.msk [tilespmem:v21+s21+$0x0], $0xffff  }
0x46: {  	s2 =	sadd.s32 $0x7, s14;
	v24 =	vor.u32 $0x1, v24;
	v17 =	vor.u32 v3, v17;
	v16 =	vbroadcast v16, $0x0;
	v21 =	vld.idx.msk [tilespmem:v21+s22+$0x0], $0xffff  }
0x47: {  	v27 =	vmov s14;
	s3 =	sadd.s32 $0x4, s14;
	s9 =	sadd.s32 $0x6, s14;
	v28 =	vmov s2;
	v24 =	vbroadcast v24, $0x0;
	v29 =	vld.idx.msk [tilespmem:v22+s21+$0x0], $0xffff  }
0x48: {  	v30 =	vmov s3;
	s2 =	sadd.s32 $0x5, s14;
	v31 =	vmov s9;
	v32 =	vor.u32 v3, v16;
	v22 =	vld.idx.msk [tilespmem:v22+s22+$0x0], $0xffff  }
0x49: {  	v27 =	vshrl.u32 v27, $0x3;
	s3 =	sadd.s32 $0x2, s14;
	s9 =	sadd.s32 $0x3, s14;
	v33 =	vmov s2;
	v24 =	vor.u32 v3, v24;
	v34 =	vld.idx.msk [tilespmem:v23+s21+$0x0], $0xffff  }
0x4a: {  	v35 =	vmov s3;
	v28 =	vor.u32 $0x7, v28;
	v16 =	vmov s9;
	v23 =	vld.idx.msk [tilespmem:v23+s22+$0x0], $0xffff  }
0x4b: {  	v30 =	vshrl.u32 v30, $0x3;
	v31 =	vshrl.u32 v31, $0x3;
	v33 =	vshrl.u32 v33, $0x3;
	v36 =	vld.idx.msk [tilespmem:v17+s21+$0x0], $0xffff  }
0x4c: {  	v27 =	vshll.u32 v27, v1;
	v35 =	vshrl.u32 v35, $0x3;
	v28 =	vbroadcast v28, $0x0;
	v37 =	vld.idx.msk [tilespmem:v17+s22+$0x0], $0xffff  }
0x4d: {  	v31 =	vshll.u32 v31, v1;
	v17 =	vshll.u32 v30, v1;
	v30 =	vshll.u32 v33, v1;
	v33 =	vld.idx.msk [tilespmem:v32+s21+$0x0], $0xffff  }
0x4e: {  	v27 =	vbroadcast v27, $0x0;
	v31 =	vor.u32 $0x6, v31;
	v17 =	vor.u32 $0x4, v17;
	v38 =	vld.idx.msk [tilespmem:v24+s21+$0x0], $0xffff  }
0x4f: {  	v31 =	vbroadcast v31, $0x0;
	v28 =	vor.u32 v3, v28;
	v30 =	vor.u32 $0x5, v30;
	v24 =	vld.idx.msk [tilespmem:v24+s22+$0x0], $0xffff  }
0x50: {  	v12 =	vmul.f32 v12, v5;
	v18 =	vadd.f32 v20, v18;
	v39 =	vbroadcast v17, $0x0;
	v32 =	vld.idx.msk [tilespmem:v32+s22+$0x0], $0xffff  }
0x51: {  	v13 =	vmul.f32 v13, v5;
	v9 =	vmul.f32 v9, v5;
	v17 =	vor.u32 v3, v27;
	v20 =	vld [tilespmem:s0+$0xFFFFF830]  }
0x52: {  	v15 =	vmul.f32 v15, v5;
	v19 =	vadd.f32 v26, v19;
	v12 =	vadd.f32 v12, v18  }
0x53: {  	v10 =	vmul.f32 v10, v5;
	v21 =	vadd.f32 v21, v25;
	v18 =	vadd.f32 v22, v29  }
0x54: {  	v11 =	vmul.f32 v11, v5;
	v15 =	vadd.f32 v15, v19;
	v19 =	vadd.f32 v23, v34;
	v22 =	vld [tilespmem:s0+$0x60]  }
0x55: {  	v14 =	vmul.f32 v14, v5;
	v23 =	vadd.f32 v24, v38;
	v24 =	vadd.f32 v37, v36;
	v25 =	vld [tilespmem:s0+$0x70]  }
0x56: {  	v29 =	vadd.f32 v9, v21;
	v27 =	vadd.f32 v32, v33;
	v26 =	vld [tilespmem:s0+$0x0];
	v20 =	vmul.f32 v20, v5  }
0x57: {  	v13 =	vadd.f32 v13, v18;
	v9 =	vadd.f32 v14, v23;
	v14 =	vmul.f32 $2.000000030e-01, v12;
	v21 =	vld [tilespmem:s0+$0x10]  }
0x58: {  	v18 =	vmul.f32 $2.000000030e-01, v15;
	v19 =	vadd.f32 v10, v19;
	v11 =	vadd.f32 v11, v24;
	v23 =	vld [tilespmem:s0+$0x20]  }
0x59: {  	v10 =	vmul.f32 $2.000000030e-01, v9;
	v20 =	vadd.f32 v20, v27;
	v27 =	vmul.f32 $2.000000030e-01, v13;
	v24 =	vld [tilespmem:s0+$0x30]  }
0x5a: {  	v34 =	vmul.f32 $2.000000030e-01, v19;
	v32 =	vmul.f32 $2.000000030e-01, v11;
	v14 =	vmax.f32 v12, v14;
	v33 =	vld [tilespmem:s0+$0x40]  }
0x5b: {  	v12 =	vmax.f32 v15, v18;
	v10 =	vmax.f32 v9, v10;
	v15 =	vmul.f32 $2.000000030e-01, v20;
	v18 =	vld [tilespmem:s0+$0x50];
	s0 =	sadd.s32 $0x80, s0  }
0x5c: {  	v11 =	vmax.f32 v11, v32;
	v26 =	vmul.f32 v12, v26;
	v9 =	vld [tilespmem:s0+$0xFFFFF860];
	v10 =	vmul.f32 v10, v21  }
0x5d: {  	v12 =	vld [tilespmem:s0+$0xFFFFF870];
	v21 =	vmul.f32 v11, v23;
	v11 =	vmax.f32 v20, v15;
	v15 =	vmax.f32 v13, v27  }
0x5e: {  	v6 =	vadd.f32 v26, v6;
	v13 =	vld [tilespmem:s0+$0xFFFFF840];
	v7 =	vadd.f32 v10, v7;
	v20 =	vmul.f32 v11, v24  }
0x5f: {  	v10 =	vld [tilespmem:s0+$0xFFFFF850];
	v23 =	vmul.f32 v15, v33;
	v15 =	vmax.f32 v19, v34;
	v19 =	vmul.f32 $2.000000030e-01, v29  }
0x60: {  	v6 =	vadd.f32 v21, v6;
	v11 =	vld [tilespmem:s0+$0xFFFFF820];
	v7 =	vadd.f32 v20, v7;
	v18 =	vmul.f32 v15, v18  }
.Ltmp0:
0x61: {  	v24 =	vmul.f32 v14, v25;
	v21 =	vor.u32 v3, v31;
	v15 =	vld [tilespmem:s0+$0xFFFFF800];
	v19 =	vmax.f32 v29, v19;
	(pc) =	sbr.rel @p0 .LBB2_5-.Ltmp0, $4  }
0x62: {  	s2 =	sadd.s32 $0x1, s14;
	v6 =	vadd.f32 v23, v6;
	v14 =	vld [tilespmem:s0+$0xFFFFF810];
	v7 =	vadd.f32 v18, v7;
	v19 =	vmul.f32 v19, v22  }
0x63: {  	v26 =	vshll.u32 v35, v1;
	v25 =	vmov s2;
	v23 =	vbroadcast v30, $0x0;
	v18 =	vld.idx.msk [tilespmem:v28+s21+$0x0], $0xffff  }
0x64: {  	s3 =	simm.s32 $0x20;
	s2 =	simm.s32 $0x7400;
	v22 =	vor.u32 v3, v39;
	v20 =	vld.idx.msk [tilespmem:v28+s22+$0x0], $0xffff;
	v6 =	vadd.f32 v19, v6;
	v7 =	vadd.f32 v24, v7  }
0x65: {  	s14 =	sadd.s32 $0x8, s14;
	v16 =	vshrl.u32 v16, $0x3;
	v24 =	vshrl.u32 v25, $0x3;
	v25 =	vor.u32 $0x2, v26;
	v19 =	vld.idx.msk [tilespmem:v17+s21+$0x0], $0xffff  }
0x66: {  	_ =	sdelay $0x3  }
0x67: {  	v17 =	vld.idx.msk [tilespmem:v17+s22+$0x0], $0xffff  }
0x68: {  	v25 =	vbroadcast v25, $0x0;
	v16 =	vshll.u32 v16, v1;
	v23 =	vor.u32 v3, v23;
	v26 =	vld.idx.msk [tilespmem:v21+s21+$0x0], $0xffff  }
0x69: {  	v24 =	vshll.u32 v24, v1;
	v21 =	vld.idx.msk [tilespmem:v21+s22+$0x0], $0xffff;
	v16 =	vor.u32 $0x3, v16  }
0x6a: {  	v27 =	vld.idx.msk [tilespmem:v22+s21+$0x0], $0xffff;
	v24 =	vor.u32 $0x1, v24;
	v25 =	vor.u32 v3, v25;
	v16 =	vbroadcast v16, $0x0  }
0x6b: {  	v22 =	vld.idx.msk [tilespmem:v22+s22+$0x0], $0xffff;
	v24 =	vbroadcast v24, $0x0  }
0x6c: {  	v18 =	vadd.f32 v20, v18;
	v20 =	vld [tilespmem:s0+$0xFFFFF830];
	v16 =	vor.u32 v3, v16  }
0x6d: {  	v24 =	vor.u32 v3, v24;
	v28 =	vld.idx.msk [tilespmem:v23+s21+$0x0], $0xffff  }
0x6e: {  	v23 =	vld.idx.msk [tilespmem:v23+s22+$0x0], $0xffff  }
0x6f: {  	v29 =	vld.idx.msk [tilespmem:v25+s21+$0x0], $0xffff  }
0x70: {  	v25 =	vld.idx.msk [tilespmem:v25+s22+$0x0], $0xffff  }
0x71: {  	v30 =	vld.idx.msk [tilespmem:v16+s21+$0x0], $0xffff  }
0x72: {  	v12 =	vmul.f32 v12, v5;
	v31 =	vld.idx.msk [tilespmem:v24+s21+$0x0], $0xffff  }
0x73: {  	v13 =	vmul.f32 v13, v5;
	v17 =	vadd.f32 v17, v19;
	v24 =	vld.idx.msk [tilespmem:v24+s22+$0x0], $0xffff  }
0x74: {  	v15 =	vmul.f32 v15, v5;
	v12 =	vadd.f32 v12, v18;
	v18 =	vadd.f32 v22, v27;
	v16 =	vld.idx.msk [tilespmem:v16+s22+$0x0], $0xffff  }
0x75: {  	v10 =	vmul.f32 v10, v5;
	v19 =	vadd.f32 v21, v26;
	v21 =	vadd.f32 v23, v28  }
0x76: {  	v11 =	vmul.f32 v11, v5;
	v15 =	vadd.f32 v15, v17;
	v22 =	vadd.f32 v25, v29  }
0x77: {  	v9 =	vmul.f32 v9, v5;
	v13 =	vadd.f32 v13, v18;
	v23 =	vld [tilespmem:s0+$0x0];
	v10 =	vadd.f32 v10, v21  }
0x78: {  	v14 =	vmul.f32 v14, v5;
	v18 =	vld [tilespmem:s0+$0x20];
	v17 =	vadd.f32 v24, v31;
	v11 =	vadd.f32 v11, v22  }
0x79: {  	v20 =	vmul.f32 v20, v5;
	v16 =	vadd.f32 v16, v30;
	v22 =	vmul.f32 $2.000000030e-01, v15  }
0x7a: {  	v24 =	vld [tilespmem:s0+$0x10];
	v63 =	vmul.f32 $2.000000030e-01, v10;
	v14 =	vadd.f32 v14, v17;
	v26 =	vmul.f32 $2.000000030e-01, v11  }
0x7b: {  	v27 =	vld [tilespmem:s0+$0x40];
	v17 =	vmul.f32 $2.000000030e-01, v12;
	v16 =	vadd.f32 v20, v16;
	v15 =	vmax.f32 v15, v22  }
0x7c: {  	v25 =	vld [tilespmem:s0+$0x30];
	v15 =	vmul.f32 v15, v23;
	v21 =	vmul.f32 $2.000000030e-01, v14;
	v11 =	vmax.f32 v11, v26  }
0x7d: {  	v9 =	vadd.f32 v9, v19;
	v20 =	vmul.f32 $2.000000030e-01, v13;
	v23 =	vld [tilespmem:s0+$0x60];
	v11 =	vmul.f32 v11, v18  }
0x7e: {  	v22 =	vld [tilespmem:s0+$0x50];
	v6 =	vadd.f32 v15, v6;
	v14 =	vmax.f32 v14, v21;
	v21 =	vmul.f32 $2.000000030e-01, v16  }
0x7f: {  	v13 =	vmax.f32 v13, v20;
	v18 =	vld [tilespmem:s0+$0x70];
	v15 =	vmul.f32 $2.000000030e-01, v9;
	v14 =	vmul.f32 v14, v24  }
0x80: {  	v13 =	vmul.f32 v13, v27;
	v6 =	vadd.f32 v11, v6;
	v16 =	vmax.f32 v16, v21  }
0x81: {  	v9 =	vmax.f32 v9, v15;
	v7 =	vadd.f32 v14, v7;
	v14 =	vmul.f32 v16, v25  }
0x82: {  	v10 =	vmax.f32 v10, v63;
	v9 =	vmul.f32 v9, v23;
	v6 =	vadd.f32 v13, v6  }
0x83: {  	s9 =	simm.s32 $0x26;
	v10 =	vmul.f32 v10, v22;
	v11 =	vmax.f32 v12, v17;
	v7 =	vadd.f32 v14, v7  }
0x84: {  	s0 =	simm.s32 $0x27;
	v13 =	vmov s9;
	v11 =	vmul.f32 v11, v18;
	v6 =	vadd.f32 v9, v6  }
0x85: {  	v9 =	vmov s3;
	v7 =	vadd.f32 v10, v7;
	v10 =	vmov s0  }
0x86: {  	v13 =	vshrl.u32 v13, $0x3;
	v9 =	vshrl.u32 v9, $0x3;
	v10 =	vor.u32 $0x7, v10  }
0x87: {  	v12 =	vld [tilespmem:s2+$0xFFFFF870];
	s3 =	simm.s32 $0x25;
	v13 =	vshll.u32 v13, v1;
	v9 =	vshll.u32 v9, v1;
	v14 =	vbroadcast v10, $0x0  }
0x88: {  	s14 =	simm.s32 $0x24;
	v15 =	vmov s3;
	v19 =	vor.u32 $0x6, v13;
	v13 =	vld [tilespmem:s2+$0xFFFFF820];
	v9 =	vbroadcast v9, $0x0  }
0x89: {  	s9 =	simm.s32 $0x22;
	v7 =	vadd.f32 v11, v7;
	v11 =	vmov s14;
	v10 =	vld [tilespmem:s2+$0xFFFFF860];
	v20 =	vor.u32 v3, v14  }
0x8a: {  	v17 =	vmov s9;
	v15 =	vshrl.u32 v15, $0x3;
	v16 =	vshrl.u32 v11, $0x3;
	v11 =	vld [tilespmem:s2+$0xFFFFF850]  }
0x8b: {  	v19 =	vbroadcast v19, $0x0;
	v18 =	vor.u32 v3, v9;
	v14 =	vld [tilespmem:s2+$0xFFFFF840];
	v16 =	vshll.u32 v16, v1  }
0x8c: {  	v17 =	vshrl.u32 v17, $0x3;
	v9 =	vshll.u32 v15, v1;
	v15 =	vor.u32 $0x4, v16;
	v16 =	vld [tilespmem:s2+$0xFFFFF800]  }
0x8d: {  	v17 =	vshll.u32 v17, v1;
	s14 =	simm.s32 $0x23;
	v22 =	vor.u32 v3, v19;
	v21 =	vbroadcast v15, $0x0;
	v15 =	vld [tilespmem:s2+$0xFFFFF810]  }
0x8e: {  	v26 =	vor.u32 $0x2, v17;
	v27 =	vmov s14;
	s14 =	simm.s32 $0x21;
	v9 =	vor.u32 $0x5, v9;
	v19 =	vld.idx.msk [tilespmem:v20+s21+$0x0], $0xffff  }
0x8f: {  	v25 =	vmov s14;
	v24 =	vbroadcast v9, $0x0;
	v23 =	vor.u32 v3, v21;
	v21 =	vld.idx.msk [tilespmem:v20+s22+$0x0], $0xffff  }
0x90: {  	v17 =	vshrl.u32 v27, $0x3;
	s14 =	simm.s32 $0x28;
	v25 =	vshrl.u32 v25, $0x3;
	v9 =	vimm.f32 $0.0e+00;
	v20 =	vld.idx.msk [tilespmem:v18+s21+$0x0], $0xffff  }
.LBB2_7:
0x91: {  	p0 =	slt.u32 s14, $0x38;
	v27 =	vld.idx.msk [tilespmem:v18+s22+$0x0], $0xffff;
	v18 =	vbroadcast v26, $0x0;
	v17 =	vshll.u32 v17, v1;
	v24 =	vor.u32 v3, v24  }
0x92: {  	v25 =	vshll.u32 v25, v1;
	v17 =	vor.u32 $0x3, v17;
	v26 =	vld.idx.msk [tilespmem:v22+s21+$0x0], $0xffff  }
0x93: {  	s0 =	sadd.s32 $0x7, s14;
	v25 =	vor.u32 $0x1, v25;
	v18 =	vor.u32 v3, v18;
	v17 =	vbroadcast v17, $0x0;
	v22 =	vld.idx.msk [tilespmem:v22+s22+$0x0], $0xffff  }
0x94: {  	v28 =	vmov s14;
	s3 =	sadd.s32 $0x4, s14;
	s9 =	sadd.s32 $0x6, s14;
	v29 =	vmov s0;
	v25 =	vbroadcast v25, $0x0;
	v30 =	vld.idx.msk [tilespmem:v23+s21+$0x0], $0xffff  }
0x95: {  	v31 =	vmov s3;
	s0 =	sadd.s32 $0x5, s14;
	v32 =	vmov s9;
	v33 =	vor.u32 v3, v17;
	v23 =	vld.idx.msk [tilespmem:v23+s22+$0x0], $0xffff  }
0x96: {  	v28 =	vshrl.u32 v28, $0x3;
	s3 =	sadd.s32 $0x2, s14;
	s9 =	sadd.s32 $0x3, s14;
	v34 =	vmov s0;
	v25 =	vor.u32 v3, v25;
	v35 =	vld.idx.msk [tilespmem:v24+s21+$0x0], $0xffff  }
0x97: {  	v36 =	vmov s3;
	v29 =	vor.u32 $0x7, v29;
	v17 =	vmov s9;
	v24 =	vld.idx.msk [tilespmem:v24+s22+$0x0], $0xffff  }
0x98: {  	v31 =	vshrl.u32 v31, $0x3;
	v32 =	vshrl.u32 v32, $0x3;
	v34 =	vshrl.u32 v34, $0x3;
	v37 =	vld.idx.msk [tilespmem:v18+s21+$0x0], $0xffff  }
0x99: {  	v28 =	vshll.u32 v28, v1;
	v36 =	vshrl.u32 v36, $0x3;
	v29 =	vbroadcast v29, $0x0;
	v38 =	vld.idx.msk [tilespmem:v18+s22+$0x0], $0xffff  }
0x9a: {  	v32 =	vshll.u32 v32, v1;
	v18 =	vshll.u32 v31, v1;
	v31 =	vshll.u32 v34, v1;
	v34 =	vld.idx.msk [tilespmem:v33+s21+$0x0], $0xffff  }
0x9b: {  	v28 =	vbroadcast v28, $0x0;
	v32 =	vor.u32 $0x6, v32;
	v18 =	vor.u32 $0x4, v18;
	v39 =	vld.idx.msk [tilespmem:v25+s21+$0x0], $0xffff  }
0x9c: {  	v32 =	vbroadcast v32, $0x0;
	v29 =	vor.u32 v3, v29;
	v31 =	vor.u32 $0x5, v31;
	v25 =	vld.idx.msk [tilespmem:v25+s22+$0x0], $0xffff  }
0x9d: {  	v12 =	vmul.f32 v12, v5;
	v19 =	vadd.f32 v21, v19;
	v40 =	vbroadcast v18, $0x0;
	v33 =	vld.idx.msk [tilespmem:v33+s22+$0x0], $0xffff  }
0x9e: {  	v14 =	vmul.f32 v14, v5;
	v10 =	vmul.f32 v10, v5;
	v18 =	vor.u32 v3, v28;
	v21 =	vld [tilespmem:s2+$0xFFFFF830]  }
0x9f: {  	v16 =	vmul.f32 v16, v5;
	v20 =	vadd.f32 v27, v20;
	v12 =	vadd.f32 v12, v19  }
0xa0: {  	v11 =	vmul.f32 v11, v5;
	v22 =	vadd.f32 v22, v26;
	v19 =	vadd.f32 v23, v30  }
0xa1: {  	v13 =	vmul.f32 v13, v5;
	v16 =	vadd.f32 v16, v20;
	v20 =	vadd.f32 v24, v35;
	v23 =	vld [tilespmem:s2+$0x60]  }
0xa2: {  	v15 =	vmul.f32 v15, v5;
	v24 =	vadd.f32 v25, v39;
	v25 =	vadd.f32 v38, v37;
	v26 =	vld [tilespmem:s2+$0x70]  }
0xa3: {  	v30 =	vadd.f32 v10, v22;
	v28 =	vadd.f32 v33, v34;
	v27 =	vld [tilespmem:s2+$0x0];
	v21 =	vmul.f32 v21, v5  }
0xa4: {  	v14 =	vadd.f32 v14, v19;
	v10 =	vadd.f32 v15, v24;
	v15 =	vmul.f32 $2.000000030e-01, v12;
	v22 =	vld [tilespmem:s2+$0x10]  }
0xa5: {  	v19 =	vmul.f32 $2.000000030e-01, v16;
	v20 =	vadd.f32 v11, v20;
	v13 =	vadd.f32 v13, v25;
	v24 =	vld [tilespmem:s2+$0x20]  }
0xa6: {  	v11 =	vmul.f32 $2.000000030e-01, v10;
	v21 =	vadd.f32 v21, v28;
	v28 =	vmul.f32 $2.000000030e-01, v14;
	v25 =	vld [tilespmem:s2+$0x30]  }
0xa7: {  	v35 =	vmul.f32 $2.000000030e-01, v20;
	v33 =	vmul.f32 $2.000000030e-01, v13;
	v15 =	vmax.f32 v12, v15;
	v34 =	vld [tilespmem:s2+$0x40]  }
0xa8: {  	v12 =	vmax.f32 v16, v19;
	v11 =	vmax.f32 v10, v11;
	v16 =	vmul.f32 $2.000000030e-01, v21;
	v19 =	vld [tilespmem:s2+$0x50];
	s2 =	sadd.s32 $0x80, s2  }
0xa9: {  	v13 =	vmax.f32 v13, v33;
	v27 =	vmul.f32 v12, v27;
	v10 =	vld [tilespmem:s2+$0xFFFFF860];
	v11 =	vmul.f32 v11, v22  }
0xaa: {  	v12 =	vld [tilespmem:s2+$0xFFFFF870];
	v22 =	vmul.f32 v13, v24;
	v13 =	vmax.f32 v21, v16;
	v16 =	vmax.f32 v14, v28  }
0xab: {  	v8 =	vadd.f32 v27, v8;
	v14 =	vld [tilespmem:s2+$0xFFFFF840];
	v9 =	vadd.f32 v11, v9;
	v21 =	vmul.f32 v13, v25  }
0xac: {  	v11 =	vld [tilespmem:s2+$0xFFFFF850];
	v24 =	vmul.f32 v16, v34;
	v16 =	vmax.f32 v20, v35;
	v20 =	vmul.f32 $2.000000030e-01, v30  }
0xad: {  	v8 =	vadd.f32 v22, v8;
	v13 =	vld [tilespmem:s2+$0xFFFFF820];
	v9 =	vadd.f32 v21, v9;
	v19 =	vmul.f32 v16, v19  }
.Ltmp1:
0xae: {  	v25 =	vmul.f32 v15, v26;
	v22 =	vor.u32 v3, v32;
	v16 =	vld [tilespmem:s2+$0xFFFFF800];
	v20 =	vmax.f32 v30, v20;
	(pc) =	sbr.rel @p0 .LBB2_7-.Ltmp1, $4  }
0xaf: {  	s0 =	sadd.s32 $0x1, s14;
	v8 =	vadd.f32 v24, v8;
	v15 =	vld [tilespmem:s2+$0xFFFFF810];
	v9 =	vadd.f32 v19, v9;
	v20 =	vmul.f32 v20, v23  }
0xb0: {  	v27 =	vshll.u32 v36, v1;
	v26 =	vmov s0;
	v24 =	vbroadcast v31, $0x0;
	v19 =	vld.idx.msk [tilespmem:v29+s21+$0x0], $0xffff  }
0xb1: {  	s0 =	simm.s32 $0x7600;
	v23 =	vor.u32 v3, v40;
	v21 =	vld.idx.msk [tilespmem:v29+s22+$0x0], $0xffff;
	v8 =	vadd.f32 v20, v8;
	v9 =	vadd.f32 v25, v9  }
0xb2: {  	s14 =	sadd.s32 $0x8, s14;
	v17 =	vshrl.u32 v17, $0x3;
	v25 =	vshrl.u32 v26, $0x3;
	v26 =	vor.u32 $0x2, v27;
	v20 =	vld.idx.msk [tilespmem:v18+s21+$0x0], $0xffff  }
0xb3: {  	_ =	sdelay $0x3  }
0xb4: {  	v18 =	vld.idx.msk [tilespmem:v18+s22+$0x0], $0xffff  }
0xb5: {  	v26 =	vbroadcast v26, $0x0;
	v24 =	vor.u32 v3, v24;
	v25 =	vshll.u32 v25, v1;
	v27 =	vld.idx.msk [tilespmem:v22+s21+$0x0], $0xffff  }
0xb6: {  	v22 =	vld.idx.msk [tilespmem:v22+s22+$0x0], $0xffff;
	v25 =	vor.u32 $0x1, v25  }
0xb7: {  	v17 =	vshll.u32 v17, v1;
	v28 =	vld.idx.msk [tilespmem:v23+s21+$0x0], $0xffff;
	v26 =	vor.u32 v3, v26;
	v25 =	vbroadcast v25, $0x0  }
0xb8: {  	v23 =	vld.idx.msk [tilespmem:v23+s22+$0x0], $0xffff;
	v17 =	vor.u32 $0x3, v17  }
0xb9: {  	v17 =	vbroadcast v17, $0x0;
	v19 =	vadd.f32 v21, v19;
	v21 =	vld [tilespmem:s2+$0xFFFFF830];
	v25 =	vor.u32 v3, v25  }
0xba: {  	v29 =	vld.idx.msk [tilespmem:v24+s21+$0x0], $0xffff  }
0xbb: {  	v17 =	vor.u32 v3, v17;
	v24 =	vld.idx.msk [tilespmem:v24+s22+$0x0], $0xffff  }
0xbc: {  	v30 =	vld.idx.msk [tilespmem:v26+s21+$0x0], $0xffff  }
0xbd: {  	v26 =	vld.idx.msk [tilespmem:v26+s22+$0x0], $0xffff  }
0xbe: {  	v32 =	vld.idx.msk [tilespmem:v25+s21+$0x0], $0xffff  }
0xbf: {  	v12 =	vmul.f32 v12, v5;
	v14 =	vmul.f32 v14, v5;
	v25 =	vld.idx.msk [tilespmem:v25+s22+$0x0], $0xffff  }
0xc0: {  	v10 =	vmul.f32 v10, v5;
	v16 =	vmul.f32 v16, v5;
	v18 =	vadd.f32 v18, v20;
	v31 =	vld.idx.msk [tilespmem:v17+s21+$0x0], $0xffff  }
0xc1: {  	v11 =	vmul.f32 v11, v5;
	v12 =	vadd.f32 v12, v19;
	v20 =	vadd.f32 v22, v27;
	v17 =	vld.idx.msk [tilespmem:v17+s22+$0x0], $0xffff  }
0xc2: {  	v13 =	vmul.f32 v13, v5;
	v19 =	vadd.f32 v23, v28;
	v16 =	vadd.f32 v16, v18  }
0xc3: {  	v15 =	vmul.f32 v15, v5;
	v10 =	vadd.f32 v10, v20;
	v18 =	vadd.f32 v24, v29  }
0xc4: {  	v27 =	vld [tilespmem:s2+$0x40];
	v14 =	vadd.f32 v14, v19;
	v19 =	vmul.f32 $2.000000030e-01, v12;
	v22 =	vadd.f32 v25, v32  }
0xc5: {  	v21 =	vmul.f32 v21, v5;
	v24 =	vld [tilespmem:s2+$0x0];
	v23 =	vadd.f32 v26, v30;
	v11 =	vadd.f32 v11, v18  }
0xc6: {  	v20 =	vld [tilespmem:s2+$0x10];
	v12 =	vmax.f32 v12, v19;
	v17 =	vadd.f32 v17, v31;
	v15 =	vadd.f32 v15, v22  }
0xc7: {  	v25 =	vld [tilespmem:s2+$0x20];
	v13 =	vadd.f32 v13, v23;
	v28 =	vmul.f32 $2.000000030e-01, v11;
	v22 =	vmul.f32 $2.000000030e-01, v16  }
0xc8: {  	v23 =	vld [tilespmem:s2+$0x30];
	v17 =	vadd.f32 v21, v17;
	v21 =	vmul.f32 $2.000000030e-01, v14;
	v18 =	vmul.f32 $2.000000030e-01, v15  }
0xc9: {  	v19 =	vld [tilespmem:s2+$0x50];
	v26 =	vmul.f32 $2.000000030e-01, v13;
	v11 =	vmax.f32 v11, v28;
	v16 =	vmax.f32 v16, v22  }
0xca: {  	v22 =	vld [tilespmem:s2+$0x70];
	v16 =	vmul.f32 v16, v24;
	v15 =	vmax.f32 v15, v18;
	v18 =	vmul.f32 $2.000000030e-01, v17  }
0xcb: {  	v13 =	vmax.f32 v13, v26;
	v14 =	vmax.f32 v14, v21;
	v15 =	vmul.f32 v15, v20;
	v20 =	vld [tilespmem:s2+$0x60]  }
0xcc: {  	v13 =	vmul.f32 v13, v25;
	v8 =	vadd.f32 v16, v8;
	v17 =	vmax.f32 v17, v18  }
0xcd: {  	v16 =	vmul.f32 $2.000000030e-01, v10;
	v9 =	vadd.f32 v15, v9;
	v15 =	vmul.f32 v17, v23  }
0xce: {  	v11 =	vmul.f32 v11, v19;
	v14 =	vmul.f32 v14, v27;
	v8 =	vadd.f32 v13, v8  }
0xcf: {  	s9 =	simm.s32 $0x44;
	v10 =	vmax.f32 v10, v16;
	v13 =	vmul.f32 v12, v22;
	v9 =	vadd.f32 v15, v9  }
0xd0: {  	s3 =	simm.s32 $0x47;
	v8 =	vadd.f32 v14, v8;
	v14 =	vmov s9;
	v10 =	vmul.f32 v10, v20  }
0xd1: {  	s14 =	simm.s32 $0x40;
	v21 =	vshrl.u32 v14, $0x3;
	v9 =	vadd.f32 v11, v9;
	v11 =	vmov s3  }
0xd2: {  	s3 =	simm.s32 $0x45;
	v22 =	vshll.u32 v21, v1;
	v8 =	vadd.f32 v10, v8;
	v10 =	vmov s14  }
0xd3: {  	s14 =	simm.s32 $0x46;
	v11 =	vor.u32 $0x7, v11;
	v18 =	vmov s3;
	v22 =	vor.u32 $0x4, v22  }
0xd4: {  	v16 =	vld [tilespmem:s0+$0xFFFFF870];
	v15 =	vmov s14;
	v10 =	vshrl.u32 v10, $0x3;
	v11 =	vbroadcast v11, $0x0  }
0xd5: {  	v17 =	vld [tilespmem:s0+$0xFFFFF840];
	v18 =	vshrl.u32 v18, $0x3;
	v15 =	vshrl.u32 v15, $0x3;
	v10 =	vshll.u32 v10, v1  }
0xd6: {  	v14 =	vld [tilespmem:s0+$0xFFFFF850];
	v15 =	vshll.u32 v15, v1;
	v10 =	vbroadcast v10, $0x0;
	v11 =	vor.u32 v3, v11  }
0xd7: {  	v9 =	vadd.f32 v13, v9;
	v13 =	vld [tilespmem:s0+$0xFFFFF860];
	v18 =	vshll.u32 v18, v1;
	v15 =	vor.u32 $0x6, v15  }
0xd8: {  	s9 =	simm.s32 $0x42;
	v24 =	vor.u32 $0x5, v18;
	v18 =	vld [tilespmem:s0+$0xFFFFF810];
	v23 =	vbroadcast v15, $0x0;
	v21 =	vor.u32 v3, v10  }
0xd9: {  	v12 =	vimm.f32 $0.0e+00;
	v19 =	vmov s9;
	s14 =	simm.s32 $0x43;
	v26 =	vbroadcast v22, $0x0;
	v15 =	vld [tilespmem:s0+$0xFFFFF820]  }
0xda: {  	v20 =	vmov s14;
	v10 =	vshrl.u32 v19, $0x3;
	v19 =	vld [tilespmem:s0+$0xFFFFF800];
	v25 =	vor.u32 v3, v23  }
0xdb: {  	s14 =	simm.s32 $0x41;
	v26 =	vor.u32 v3, v26;
	v20 =	vshrl.u32 v20, $0x3;
	v10 =	vshll.u32 v10, v1;
	v22 =	vld.idx.msk [tilespmem:v11+s21+$0x0], $0xffff  }
0xdc: {  	v27 =	vbroadcast v24, $0x0;
	v23 =	vmov s14;
	v29 =	vor.u32 $0x2, v10;
	v24 =	vld.idx.msk [tilespmem:v11+s22+$0x0], $0xffff  }
0xdd: {  	s14 =	simm.s32 $0x48;
	v10 =	vimm.f32 $0.0e+00;
	v28 =	vshrl.u32 v23, $0x3;
	v11 =	vimm.f32 $0.0e+00;
	v23 =	vld.idx.msk [tilespmem:v21+s21+$0x0], $0xffff  }
.LBB2_9:
0xde: {  	p0 =	slt.u32 s14, $0x58;
	v30 =	vld.idx.msk [tilespmem:v21+s22+$0x0], $0xffff;
	v21 =	vbroadcast v29, $0x0;
	v20 =	vshll.u32 v20, v1;
	v27 =	vor.u32 v3, v27  }
0xdf: {  	v28 =	vshll.u32 v28, v1;
	v20 =	vor.u32 $0x3, v20;
	v29 =	vld.idx.msk [tilespmem:v25+s21+$0x0], $0xffff  }
0xe0: {  	s2 =	sadd.s32 $0x7, s14;
	v28 =	vor.u32 $0x1, v28;
	v21 =	vor.u32 v3, v21;
	v20 =	vbroadcast v20, $0x0;
	v25 =	vld.idx.msk [tilespmem:v25+s22+$0x0], $0xffff  }
0xe1: {  	v31 =	vmov s14;
	s3 =	sadd.s32 $0x4, s14;
	s9 =	sadd.s32 $0x6, s14;
	v32 =	vmov s2;
	v28 =	vbroadcast v28, $0x0;
	v33 =	vld.idx.msk [tilespmem:v26+s21+$0x0], $0xffff  }
0xe2: {  	v34 =	vmov s3;
	s2 =	sadd.s32 $0x5, s14;
	v35 =	vmov s9;
	v36 =	vor.u32 v3, v20;
	v26 =	vld.idx.msk [tilespmem:v26+s22+$0x0], $0xffff  }
0xe3: {  	v31 =	vshrl.u32 v31, $0x3;
	s3 =	sadd.s32 $0x2, s14;
	s9 =	sadd.s32 $0x3, s14;
	v37 =	vmov s2;
	v28 =	vor.u32 v3, v28;
	v38 =	vld.idx.msk [tilespmem:v27+s21+$0x0], $0xffff  }
0xe4: {  	v39 =	vmov s3;
	v32 =	vor.u32 $0x7, v32;
	v20 =	vmov s9;
	v27 =	vld.idx.msk [tilespmem:v27+s22+$0x0], $0xffff  }
0xe5: {  	v34 =	vshrl.u32 v34, $0x3;
	v35 =	vshrl.u32 v35, $0x3;
	v37 =	vshrl.u32 v37, $0x3;
	v40 =	vld.idx.msk [tilespmem:v21+s21+$0x0], $0xffff  }
0xe6: {  	v31 =	vshll.u32 v31, v1;
	v39 =	vshrl.u32 v39, $0x3;
	v32 =	vbroadcast v32, $0x0;
	v41 =	vld.idx.msk [tilespmem:v21+s22+$0x0], $0xffff  }
0xe7: {  	v35 =	vshll.u32 v35, v1;
	v21 =	vshll.u32 v34, v1;
	v34 =	vshll.u32 v37, v1;
	v37 =	vld.idx.msk [tilespmem:v36+s21+$0x0], $0xffff  }
0xe8: {  	v31 =	vbroadcast v31, $0x0;
	v35 =	vor.u32 $0x6, v35;
	v21 =	vor.u32 $0x4, v21;
	v42 =	vld.idx.msk [tilespmem:v28+s21+$0x0], $0xffff  }
0xe9: {  	v35 =	vbroadcast v35, $0x0;
	v32 =	vor.u32 v3, v32;
	v34 =	vor.u32 $0x5, v34;
	v28 =	vld.idx.msk [tilespmem:v28+s22+$0x0], $0xffff  }
0xea: {  	v16 =	vmul.f32 v16, v5;
	v22 =	vadd.f32 v24, v22;
	v43 =	vbroadcast v21, $0x0;
	v36 =	vld.idx.msk [tilespmem:v36+s22+$0x0], $0xffff  }
0xeb: {  	v17 =	vmul.f32 v17, v5;
	v13 =	vmul.f32 v13, v5;
	v21 =	vor.u32 v3, v31;
	v24 =	vld [tilespmem:s0+$0xFFFFF830]  }
0xec: {  	v19 =	vmul.f32 v19, v5;
	v23 =	vadd.f32 v30, v23;
	v16 =	vadd.f32 v16, v22  }
0xed: {  	v14 =	vmul.f32 v14, v5;
	v25 =	vadd.f32 v25, v29;
	v22 =	vadd.f32 v26, v33  }
0xee: {  	v15 =	vmul.f32 v15, v5;
	v19 =	vadd.f32 v19, v23;
	v23 =	vadd.f32 v27, v38;
	v26 =	vld [tilespmem:s0+$0x60]  }
0xef: {  	v18 =	vmul.f32 v18, v5;
	v27 =	vadd.f32 v28, v42;
	v28 =	vadd.f32 v41, v40;
	v29 =	vld [tilespmem:s0+$0x70]  }
0xf0: {  	v33 =	vadd.f32 v13, v25;
	v31 =	vadd.f32 v36, v37;
	v30 =	vld [tilespmem:s0+$0x0];
	v24 =	vmul.f32 v24, v5  }
0xf1: {  	v17 =	vadd.f32 v17, v22;
	v13 =	vadd.f32 v18, v27;
	v18 =	vmul.f32 $2.000000030e-01, v16;
	v25 =	vld [tilespmem:s0+$0x10]  }
0xf2: {  	v22 =	vmul.f32 $2.000000030e-01, v19;
	v23 =	vadd.f32 v14, v23;
	v15 =	vadd.f32 v15, v28;
	v27 =	vld [tilespmem:s0+$0x20]  }
0xf3: {  	v14 =	vmul.f32 $2.000000030e-01, v13;
	v24 =	vadd.f32 v24, v31;
	v31 =	vmul.f32 $2.000000030e-01, v17;
	v28 =	vld [tilespmem:s0+$0x30]  }
0xf4: {  	v38 =	vmul.f32 $2.000000030e-01, v23;
	v36 =	vmul.f32 $2.000000030e-01, v15;
	v18 =	vmax.f32 v16, v18;
	v37 =	vld [tilespmem:s0+$0x40]  }
0xf5: {  	v16 =	vmax.f32 v19, v22;
	v14 =	vmax.f32 v13, v14;
	v19 =	vmul.f32 $2.000000030e-01, v24;
	v22 =	vld [tilespmem:s0+$0x50];
	s0 =	sadd.s32 $0x80, s0  }
0xf6: {  	v15 =	vmax.f32 v15, v36;
	v30 =	vmul.f32 v16, v30;
	v13 =	vld [tilespmem:s0+$0xFFFFF860];
	v14 =	vmul.f32 v14, v25  }
0xf7: {  	v16 =	vld [tilespmem:s0+$0xFFFFF870];
	v25 =	vmul.f32 v15, v27;
	v15 =	vmax.f32 v24, v19;
	v19 =	vmax.f32 v17, v31  }
0xf8: {  	v10 =	vadd.f32 v30, v10;
	v17 =	vld [tilespmem:s0+$0xFFFFF840];
	v11 =	vadd.f32 v14, v11;
	v24 =	vmul.f32 v15, v28  }
0xf9: {  	v14 =	vld [tilespmem:s0+$0xFFFFF850];
	v27 =	vmul.f32 v19, v37;
	v19 =	vmax.f32 v23, v38;
	v23 =	vmul.f32 $2.000000030e-01, v33  }
0xfa: {  	v10 =	vadd.f32 v25, v10;
	v15 =	vld [tilespmem:s0+$0xFFFFF820];
	v11 =	vadd.f32 v24, v11;
	v22 =	vmul.f32 v19, v22  }
.Ltmp2:
0xfb: {  	v28 =	vmul.f32 v18, v29;
	v25 =	vor.u32 v3, v35;
	v19 =	vld [tilespmem:s0+$0xFFFFF800];
	v23 =	vmax.f32 v33, v23;
	(pc) =	sbr.rel @p0 .LBB2_9-.Ltmp2, $4  }
0xfc: {  	s2 =	sadd.s32 $0x1, s14;
	v10 =	vadd.f32 v27, v10;
	v18 =	vld [tilespmem:s0+$0xFFFFF810];
	v11 =	vadd.f32 v22, v11;
	v23 =	vmul.f32 v23, v26  }
0xfd: {  	v30 =	vshll.u32 v39, v1;
	v29 =	vmov s2;
	v27 =	vbroadcast v34, $0x0;
	v22 =	vld.idx.msk [tilespmem:v32+s21+$0x0], $0xffff  }
0xfe: {  	s3 =	simm.s32 $0x60;
	s2 =	simm.s32 $0x7800;
	v26 =	vor.u32 v3, v43;
	v24 =	vld.idx.msk [tilespmem:v32+s22+$0x0], $0xffff;
	v10 =	vadd.f32 v23, v10;
	v11 =	vadd.f32 v28, v11  }
0xff: {  	s14 =	sadd.s32 $0x8, s14;
	v20 =	vshrl.u32 v20, $0x3;
	v28 =	vshrl.u32 v29, $0x3;
	v29 =	vor.u32 $0x2, v30;
	v23 =	vld.idx.msk [tilespmem:v21+s21+$0x0], $0xffff  }
0x100: {  	_ =	sdelay $0x3  }
0x101: {  	v21 =	vld.idx.msk [tilespmem:v21+s22+$0x0], $0xffff  }
0x102: {  	v29 =	vbroadcast v29, $0x0;
	v20 =	vshll.u32 v20, v1;
	v27 =	vor.u32 v3, v27;
	v30 =	vld.idx.msk [tilespmem:v25+s21+$0x0], $0xffff  }
0x103: {  	v28 =	vshll.u32 v28, v1;
	v25 =	vld.idx.msk [tilespmem:v25+s22+$0x0], $0xffff;
	v20 =	vor.u32 $0x3, v20  }
0x104: {  	v31 =	vld.idx.msk [tilespmem:v26+s21+$0x0], $0xffff;
	v28 =	vor.u32 $0x1, v28;
	v29 =	vor.u32 v3, v29;
	v20 =	vbroadcast v20, $0x0  }
0x105: {  	v26 =	vld.idx.msk [tilespmem:v26+s22+$0x0], $0xffff;
	v28 =	vbroadcast v28, $0x0  }
0x106: {  	v22 =	vadd.f32 v24, v22;
	v24 =	vld [tilespmem:s0+$0xFFFFF830];
	v20 =	vor.u32 v3, v20  }
0x107: {  	v28 =	vor.u32 v3, v28;
	v32 =	vld.idx.msk [tilespmem:v27+s21+$0x0], $0xffff  }
0x108: {  	v27 =	vld.idx.msk [tilespmem:v27+s22+$0x0], $0xffff  }
0x109: {  	v33 =	vld.idx.msk [tilespmem:v29+s21+$0x0], $0xffff  }
0x10a: {  	v29 =	vld.idx.msk [tilespmem:v29+s22+$0x0], $0xffff  }
0x10b: {  	v16 =	vmul.f32 v16, v5;
	v34 =	vld.idx.msk [tilespmem:v20+s21+$0x0], $0xffff  }
0x10c: {  	v17 =	vmul.f32 v17, v5;
	v35 =	vld.idx.msk [tilespmem:v28+s21+$0x0], $0xffff  }
0x10d: {  	v19 =	vmul.f32 v19, v5;
	v21 =	vadd.f32 v21, v23;
	v16 =	vadd.f32 v16, v22;
	v28 =	vld.idx.msk [tilespmem:v28+s22+$0x0], $0xffff  }
0x10e: {  	v13 =	vmul.f32 v13, v5;
	v22 =	vadd.f32 v26, v31;
	v23 =	vadd.f32 v25, v30;
	v20 =	vld.idx.msk [tilespmem:v20+s22+$0x0], $0xffff  }
0x10f: {  	v14 =	vmul.f32 v14, v5;
	v19 =	vadd.f32 v19, v21;
	v25 =	vadd.f32 v27, v32  }
0x110: {  	v15 =	vmul.f32 v15, v5;
	v17 =	vadd.f32 v17, v22;
	v27 =	vld [tilespmem:s0+$0x0];
	v26 =	vadd.f32 v29, v33  }
0x111: {  	v18 =	vmul.f32 v18, v5;
	v13 =	vadd.f32 v13, v23;
	v14 =	vadd.f32 v14, v25  }
0x112: {  	v22 =	vld [tilespmem:s0+$0x20];
	v21 =	vadd.f32 v28, v35;
	v15 =	vadd.f32 v15, v26;
	v26 =	vmul.f32 $2.000000030e-01, v19  }
0x113: {  	v31 =	vld [tilespmem:s0+$0x40];
	v24 =	vmul.f32 v24, v5;
	v20 =	vadd.f32 v20, v34;
	v63 =	vmul.f32 $2.000000030e-01, v14  }
0x114: {  	v28 =	vld [tilespmem:s0+$0x10];
	v18 =	vadd.f32 v18, v21;
	v30 =	vmul.f32 $2.000000030e-01, v15;
	v19 =	vmax.f32 v19, v26  }
0x115: {  	v20 =	vadd.f32 v24, v20;
	v24 =	vmul.f32 $2.000000030e-01, v17;
	v19 =	vmul.f32 v19, v27  }
0x116: {  	v29 =	vld [tilespmem:s0+$0x30];
	v21 =	vmul.f32 $2.000000030e-01, v16;
	v25 =	vmul.f32 $2.000000030e-01, v18;
	v15 =	vmax.f32 v15, v30  }
0x117: {  	v27 =	vld [tilespmem:s0+$0x60];
	v17 =	vmax.f32 v17, v24;
	v15 =	vmul.f32 v15, v22;
	v10 =	vadd.f32 v19, v10  }
0x118: {  	v26 =	vld [tilespmem:s0+$0x50];
	v19 =	vmul.f32 $2.000000030e-01, v13;
	v18 =	vmax.f32 v18, v25;
	v25 =	vmul.f32 $2.000000030e-01, v20  }
0x119: {  	v14 =	vmax.f32 v14, v63;
	v17 =	vmul.f32 v17, v31;
	v18 =	vmul.f32 v18, v28  }
0x11a: {  	v10 =	vadd.f32 v15, v10;
	v13 =	vmax.f32 v13, v19;
	v20 =	vmax.f32 v20, v25  }
0x11b: {  	s9 =	simm.s32 $0x66;
	v22 =	vld [tilespmem:s0+$0x70];
	v15 =	vmax.f32 v16, v21;
	v11 =	vadd.f32 v18, v11;
	v18 =	vmul.f32 v20, v29  }
0x11c: {  	v16 =	vmov s9;
	v13 =	vmul.f32 v13, v27;
	v10 =	vadd.f32 v17, v10  }
0x11d: {  	v14 =	vmul.f32 v14, v26;
	s9 =	simm.s32 $0x62;
	v16 =	vshrl.u32 v16, $0x3;
	v11 =	vadd.f32 v18, v11  }
0x11e: {  	s0 =	simm.s32 $0x67;
	v21 =	vmov s9;
	v20 =	vshll.u32 v16, v1;
	v10 =	vadd.f32 v13, v10  }
0x11f: {  	v13 =	vmov s3;
	v11 =	vadd.f32 v14, v11;
	v14 =	vmov s0  }
0x120: {  	v15 =	vmul.f32 v15, v22;
	v13 =	vshrl.u32 v13, $0x3;
	v14 =	vor.u32 $0x7, v14  }
0x121: {  	s14 =	simm.s32 $0x64;
	v17 =	vld [tilespmem:s2+$0xFFFFF870];
	v20 =	vor.u32 $0x6, v20;
	v13 =	vshll.u32 v13, v1;
	v18 =	vbroadcast v14, $0x0  }
0x122: {  	v16 =	vld [tilespmem:s2+$0xFFFFF850];
	s3 =	simm.s32 $0x65;
	v13 =	vbroadcast v13, $0x0;
	v11 =	vadd.f32 v15, v11;
	v15 =	vmov s14  }
0x123: {  	v19 =	vmov s3;
	v14 =	vld [tilespmem:s2+$0xFFFFF860];
	v15 =	vshrl.u32 v15, $0x3;
	v24 =	vor.u32 v3, v18  }
0x124: {  	v19 =	vshrl.u32 v19, $0x3;
	v22 =	vor.u32 v3, v13;
	v18 =	vld [tilespmem:s2+$0xFFFFF840];
	v23 =	vshll.u32 v15, v1  }
0x125: {  	v13 =	vshll.u32 v19, v1;
	v15 =	vld [tilespmem:s2+$0xFFFFF820];
	v19 =	vor.u32 $0x4, v23;
	v23 =	vbroadcast v20, $0x0  }
0x126: {  	v21 =	vshrl.u32 v21, $0x3;
	v20 =	vld [tilespmem:s2+$0xFFFFF800]  }
0x127: {  	v21 =	vshll.u32 v21, v1;
	s14 =	simm.s32 $0x63;
	v25 =	vbroadcast v19, $0x0;
	v19 =	vld [tilespmem:s2+$0xFFFFF810];
	v26 =	vor.u32 v3, v23  }
0x128: {  	v30 =	vor.u32 $0x2, v21;
	v31 =	vmov s14;
	s14 =	simm.s32 $0x61;
	v13 =	vor.u32 $0x5, v13;
	v23 =	vld.idx.msk [tilespmem:v24+s21+$0x0], $0xffff  }
0x129: {  	v29 =	vmov s14;
	v28 =	vbroadcast v13, $0x0;
	v27 =	vor.u32 v3, v25;
	v25 =	vld.idx.msk [tilespmem:v24+s22+$0x0], $0xffff  }
0x12a: {  	s0 =	simm.s32 $0x68;
	v21 =	vshrl.u32 v31, $0x3;
	v29 =	vshrl.u32 v29, $0x3;
	v13 =	vimm.f32 $0.0e+00;
	v24 =	vld.idx.msk [tilespmem:v22+s21+$0x0], $0xffff  }
.LBB2_11:
0x12b: {  	p0 =	slt.u32 s0, $0x78;
	v31 =	vld.idx.msk [tilespmem:v22+s22+$0x0], $0xffff;
	v22 =	vbroadcast v30, $0x0;
	v21 =	vshll.u32 v21, v1;
	v28 =	vor.u32 v3, v28  }
0x12c: {  	v29 =	vshll.u32 v29, v1;
	v21 =	vor.u32 $0x3, v21;
	v30 =	vld.idx.msk [tilespmem:v26+s21+$0x0], $0xffff  }
0x12d: {  	s3 =	sadd.s32 $0x7, s0;
	v29 =	vor.u32 $0x1, v29;
	v22 =	vor.u32 v3, v22;
	v21 =	vbroadcast v21, $0x0;
	v26 =	vld.idx.msk [tilespmem:v26+s22+$0x0], $0xffff  }
0x12e: {  	v32 =	vmov s0;
	s9 =	sadd.s32 $0x4, s0;
	s14 =	sadd.s32 $0x6, s0;
	v33 =	vmov s3;
	v29 =	vbroadcast v29, $0x0;
	v34 =	vld.idx.msk [tilespmem:v27+s21+$0x0], $0xffff  }
0x12f: {  	v35 =	vmov s9;
	s3 =	sadd.s32 $0x5, s0;
	v36 =	vmov s14;
	v37 =	vor.u32 v3, v21;
	v27 =	vld.idx.msk [tilespmem:v27+s22+$0x0], $0xffff  }
0x130: {  	v32 =	vshrl.u32 v32, $0x3;
	s9 =	sadd.s32 $0x2, s0;
	s14 =	sadd.s32 $0x3, s0;
	v38 =	vmov s3;
	v29 =	vor.u32 v3, v29;
	v39 =	vld.idx.msk [tilespmem:v28+s21+$0x0], $0xffff  }
0x131: {  	v40 =	vmov s9;
	v33 =	vor.u32 $0x7, v33;
	v21 =	vmov s14;
	v28 =	vld.idx.msk [tilespmem:v28+s22+$0x0], $0xffff  }
0x132: {  	v35 =	vshrl.u32 v35, $0x3;
	v36 =	vshrl.u32 v36, $0x3;
	v38 =	vshrl.u32 v38, $0x3;
	v41 =	vld.idx.msk [tilespmem:v22+s21+$0x0], $0xffff  }
0x133: {  	v32 =	vshll.u32 v32, v1;
	v40 =	vshrl.u32 v40, $0x3;
	v33 =	vbroadcast v33, $0x0;
	v42 =	vld.idx.msk [tilespmem:v22+s22+$0x0], $0xffff  }
0x134: {  	v36 =	vshll.u32 v36, v1;
	v22 =	vshll.u32 v35, v1;
	v35 =	vshll.u32 v38, v1;
	v38 =	vld.idx.msk [tilespmem:v37+s21+$0x0], $0xffff  }
0x135: {  	v32 =	vbroadcast v32, $0x0;
	v36 =	vor.u32 $0x6, v36;
	v22 =	vor.u32 $0x4, v22;
	v43 =	vld.idx.msk [tilespmem:v29+s21+$0x0], $0xffff  }
0x136: {  	v36 =	vbroadcast v36, $0x0;
	v33 =	vor.u32 v3, v33;
	v35 =	vor.u32 $0x5, v35;
	v29 =	vld.idx.msk [tilespmem:v29+s22+$0x0], $0xffff  }
0x137: {  	v17 =	vmul.f32 v17, v5;
	v23 =	vadd.f32 v25, v23;
	v44 =	vbroadcast v22, $0x0;
	v37 =	vld.idx.msk [tilespmem:v37+s22+$0x0], $0xffff  }
0x138: {  	v18 =	vmul.f32 v18, v5;
	v14 =	vmul.f32 v14, v5;
	v22 =	vor.u32 v3, v32;
	v25 =	vld [tilespmem:s2+$0xFFFFF830]  }
0x139: {  	v20 =	vmul.f32 v20, v5;
	v24 =	vadd.f32 v31, v24;
	v17 =	vadd.f32 v17, v23  }
0x13a: {  	v16 =	vmul.f32 v16, v5;
	v26 =	vadd.f32 v26, v30;
	v23 =	vadd.f32 v27, v34  }
0x13b: {  	v15 =	vmul.f32 v15, v5;
	v20 =	vadd.f32 v20, v24;
	v24 =	vadd.f32 v28, v39;
	v27 =	vld [tilespmem:s2+$0x60]  }
0x13c: {  	v19 =	vmul.f32 v19, v5;
	v28 =	vadd.f32 v29, v43;
	v29 =	vadd.f32 v42, v41;
	v30 =	vld [tilespmem:s2+$0x70]  }
0x13d: {  	v34 =	vadd.f32 v14, v26;
	v32 =	vadd.f32 v37, v38;
	v31 =	vld [tilespmem:s2+$0x0];
	v25 =	vmul.f32 v25, v5  }
0x13e: {  	v18 =	vadd.f32 v18, v23;
	v14 =	vadd.f32 v19, v28;
	v19 =	vmul.f32 $2.000000030e-01, v17;
	v26 =	vld [tilespmem:s2+$0x10]  }
0x13f: {  	v23 =	vmul.f32 $2.000000030e-01, v20;
	v24 =	vadd.f32 v16, v24;
	v15 =	vadd.f32 v15, v29;
	v28 =	vld [tilespmem:s2+$0x20]  }
0x140: {  	v16 =	vmul.f32 $2.000000030e-01, v14;
	v25 =	vadd.f32 v25, v32;
	v32 =	vmul.f32 $2.000000030e-01, v18;
	v29 =	vld [tilespmem:s2+$0x30]  }
0x141: {  	v39 =	vmul.f32 $2.000000030e-01, v24;
	v37 =	vmul.f32 $2.000000030e-01, v15;
	v19 =	vmax.f32 v17, v19;
	v38 =	vld [tilespmem:s2+$0x40]  }
0x142: {  	v17 =	vmax.f32 v20, v23;
	v16 =	vmax.f32 v14, v16;
	v20 =	vmul.f32 $2.000000030e-01, v25;
	v23 =	vld [tilespmem:s2+$0x50];
	s2 =	sadd.s32 $0x80, s2  }
0x143: {  	v15 =	vmax.f32 v15, v37;
	v31 =	vmul.f32 v17, v31;
	v14 =	vld [tilespmem:s2+$0xFFFFF860];
	v16 =	vmul.f32 v16, v26  }
0x144: {  	v17 =	vld [tilespmem:s2+$0xFFFFF870];
	v26 =	vmul.f32 v15, v28;
	v15 =	vmax.f32 v25, v20;
	v20 =	vmax.f32 v18, v32  }
0x145: {  	v12 =	vadd.f32 v31, v12;
	v18 =	vld [tilespmem:s2+$0xFFFFF840];
	v13 =	vadd.f32 v16, v13;
	v25 =	vmul.f32 v15, v29  }
0x146: {  	v16 =	vld [tilespmem:s2+$0xFFFFF850];
	v28 =	vmul.f32 v20, v38;
	v20 =	vmax.f32 v24, v39;
	v24 =	vmul.f32 $2.000000030e-01, v34  }
0x147: {  	v12 =	vadd.f32 v26, v12;
	v15 =	vld [tilespmem:s2+$0xFFFFF820];
	v13 =	vadd.f32 v25, v13;
	v23 =	vmul.f32 v20, v23  }
.Ltmp3:
0x148: {  	v29 =	vmul.f32 v19, v30;
	v26 =	vor.u32 v3, v36;
	v20 =	vld [tilespmem:s2+$0xFFFFF800];
	v24 =	vmax.f32 v34, v24;
	(pc) =	sbr.rel @p0 .LBB2_11-.Ltmp3, $4  }
0x149: {  	s3 =	sadd.s32 $0x1, s0;
	v12 =	vadd.f32 v28, v12;
	v19 =	vld [tilespmem:s2+$0xFFFFF810];
	v13 =	vadd.f32 v23, v13;
	v24 =	vmul.f32 v24, v27  }
0x14a: {  	v31 =	vshll.u32 v40, v1;
	v30 =	vmov s3;
	v28 =	vbroadcast v35, $0x0;
	v23 =	vld.idx.msk [tilespmem:v33+s21+$0x0], $0xffff  }
0x14b: {  	v27 =	vor.u32 v3, v44;
	v25 =	vld.idx.msk [tilespmem:v33+s22+$0x0], $0xffff;
	v12 =	vadd.f32 v24, v12;
	v13 =	vadd.f32 v29, v13  }
0x14c: {  	s0 =	sadd.s32 $0x8, s0;
	v21 =	vshrl.u32 v21, $0x3;
	v29 =	vshrl.u32 v30, $0x3;
	v30 =	vor.u32 $0x2, v31;
	v24 =	vld.idx.msk [tilespmem:v22+s21+$0x0], $0xffff  }
0x14d: {  	_ =	sdelay $0x3  }
0x14e: {  	v22 =	vld.idx.msk [tilespmem:v22+s22+$0x0], $0xffff  }
0x14f: {  	v30 =	vbroadcast v30, $0x0;
	v21 =	vshll.u32 v21, v1;
	v28 =	vor.u32 v3, v28;
	v31 =	vld.idx.msk [tilespmem:v26+s21+$0x0], $0xffff  }
0x150: {  	v29 =	vshll.u32 v29, v1;
	v26 =	vld.idx.msk [tilespmem:v26+s22+$0x0], $0xffff;
	v21 =	vor.u32 $0x3, v21  }
0x151: {  	v32 =	vld.idx.msk [tilespmem:v27+s21+$0x0], $0xffff;
	v29 =	vor.u32 $0x1, v29;
	v30 =	vor.u32 v3, v30;
	v21 =	vbroadcast v21, $0x0  }
0x152: {  	v27 =	vld.idx.msk [tilespmem:v27+s22+$0x0], $0xffff;
	v29 =	vbroadcast v29, $0x0  }
0x153: {  	v23 =	vadd.f32 v25, v23;
	v25 =	vld [tilespmem:s2+$0xFFFFF830];
	v21 =	vor.u32 v3, v21  }
0x154: {  	v29 =	vor.u32 v3, v29;
	v33 =	vld.idx.msk [tilespmem:v28+s21+$0x0], $0xffff  }
0x155: {  	v28 =	vld.idx.msk [tilespmem:v28+s22+$0x0], $0xffff  }
0x156: {  	v17 =	vmul.f32 v17, v5;
	v18 =	vmul.f32 v18, v5;
	v34 =	vld.idx.msk [tilespmem:v30+s21+$0x0], $0xffff  }
0x157: {  	v20 =	vmul.f32 v20, v5;
	v14 =	vmul.f32 v14, v5;
	v30 =	vld.idx.msk [tilespmem:v30+s22+$0x0], $0xffff  }
0x158: {  	v16 =	vmul.f32 v16, v5;
	v15 =	vmul.f32 v15, v5;
	s0 =	simm.s32 $0x0;
	v6 =	vadd.f32 v7, v6;
	v35 =	vld.idx.msk [tilespmem:v21+s21+$0x0], $0xffff  }
0x159: {  	v4 =	vmul.u32 $0x90, v4;
	v19 =	vmul.f32 v19, v5;
	v7 =	vmov s0;
	v36 =	vld.idx.msk [tilespmem:v29+s21+$0x0], $0xffff  }
0x15a: {  	v7 =	vshrl.u32 v7, $0x3;
	v6 =	vmul.f32 $1.442695020e+00, v6;
	v22 =	vadd.f32 v22, v24;
	v29 =	vld.idx.msk [tilespmem:v29+s22+$0x0], $0xffff  }
0x15b: {  	v7 =	vshll.u32 v7, $0x3;
	v17 =	vadd.f32 v17, v23;
	v24 =	vadd.f32 v26, v31;
	v21 =	vld.idx.msk [tilespmem:v21+s22+$0x0], $0xffff  }
0x15c: {  	(erf) = vpow2.f32 v6;
	v23 =	vadd.f32 v27, v32;
	v20 =	vadd.f32 v20, v22  }
0x15d: {  	v6 =	vor.u32 $0x5, v4;
	v14 =	vadd.f32 v14, v24;
	v22 =	vadd.f32 v28, v33  }
0x15e: {  	v24 =	vld [tilespmem:s2+$0x10];
	v18 =	vadd.f32 v18, v23;
	v23 =	vmul.f32 $2.000000030e-01, v17;
	v27 =	vadd.f32 v30, v34  }
0x15f: {  	v5 =	vmul.f32 v25, v5;
	v28 =	vld [tilespmem:s2+$0x0];
	v16 =	vadd.f32 v16, v22;
	v26 =	vadd.f32 v29, v36  }
0x160: {  	v25 =	vld [tilespmem:s2+$0x20];
	v17 =	vmax.f32 v17, v23;
	v21 =	vadd.f32 v21, v35;
	v15 =	vadd.f32 v15, v27  }
0x161: {  	v30 =	vld [tilespmem:s2+$0x40];
	v31 =	vmul.f32 $2.000000030e-01, v16;
	v19 =	vadd.f32 v19, v26;
	v26 =	vmul.f32 $2.000000030e-01, v20  }
0x162: {  	v5 =	vadd.f32 v5, v21;
	v21 =	vmul.f32 $2.000000030e-01, v18;
	v29 =	vmul.f32 $2.000000030e-01, v15  }
0x163: {  	v27 =	vld [tilespmem:s2+$0x30];
	v16 =	vmax.f32 v16, v31;
	v22 =	vmul.f32 $2.000000030e-01, v19;
	v20 =	vmax.f32 v20, v26  }
0x164: {  	v15 =	vmax.f32 v15, v29;
	v18 =	vmax.f32 v18, v21;
	v20 =	vmul.f32 v20, v28  }
0x165: {  	v26 =	vld [tilespmem:s2+$0x50];
	v15 =	vmul.f32 v15, v25;
	v19 =	vmax.f32 v19, v22;
	v22 =	vmul.f32 $2.000000030e-01, v5  }
0x166: {  	v23 =	vld [tilespmem:s2+$0x60];
	v21 =	vor.u32 $0x5, v3;
	v18 =	vmul.f32 v18, v30;
	v19 =	vmul.f32 v19, v24  }
0x167: {  	v30 =	vbroadcast v7, $0x0;
	v12 =	vadd.f32 v20, v12;
	v5 =	vmax.f32 v5, v22  }
0x168: {  	v13 =	vadd.f32 v19, v13;
	v5 =	vmul.f32 v5, v27;
	v19 =	vmul.f32 $2.000000030e-01, v14  }
0x169: {  	v7 =	vor.u32 $0x3, v4;
	v20 =	vor.u32 $0x7, v3;
	v12 =	vadd.f32 v15, v12  }
0x16a: {  	v28 =	vld [tilespmem:s2+$0x70];
	v5 =	vadd.f32 v5, v13;
	v13 =	vmul.f32 v16, v26;
	v14 =	vmax.f32 v14, v19  }
0x16b: {  	v12 =	vadd.f32 v18, v12;
	v16 =	vor.u32 $0x1, v3;
	v14 =	vmul.f32 v14, v23  }
0x16c: {  	v37 =	vor.u32 v30, v21;
	v39 =	vadd.s32 v4, v30;
	v25 =	vor.u32 v30, v16  }
0x16d: {  	v34 =	vadd.s32 v7, v30;
	v23 =	vadd.f32 v14, v12;
	v14 =	vor.u32 v3, v30  }
0x16e: {  	v22 =	vor.u32 $0x6, v3;
	v31 =	vor.u32 v30, v20;
	v18 =	vor.u32 $0x4, v3  }
0x16f: {  	v15 =	vmul.f32 v17, v28;
	v17 =	vor.u32 $0x2, v3;
	v27 =	vor.u32 v30, v18  }
0x170: {  	v59 =	vor.u32 v30, v22;
	v19 =	vor.u32 $0x3, v3;
	v61 =	vor.u32 v30, v17  }
0x171: {  	s0 =	simm.s32 $0x8;
	v26 =	vadd.s32 v6, v30;
	v29 =	vor.u32 v30, v19;
	v5 =	vadd.f32 v13, v5;
	v62 =	vld.idx.msk [tilespmem:v25+s21+$0x0], $0xffff  }
0x172: {  	v13 =	vor.u32 $0x6, v4;
	v12 =	vor.u32 $0x1, v4;
	v25 =	vmov s0;
	v60 =	vld.idx.msk [tilespmem:v14+s21+$0x0], $0xffff  }
0x173: {  	v44 =	vld.idx.msk [tilespmem:v31+s21+$0x0], $0xffff;
	v24 =	vadd.f32 v15, v5;
	v5 =	vor.u32 $0x2, v4;
	v25 =	vshrl.u32 v25, $0x3  }
0x174: {  	v15 =	vor.u32 $0x4, v4;
	v43 =	vadd.s32 v12, v30;
	v38 =	vld.idx.msk [tilespmem:v27+s21+$0x0], $0xffff;
	v27 =	vshll.u32 v25, $0x3  }
0x175: {  	v45 =	vld.idx.msk [tilespmem:v59+s21+$0x0], $0xffff;
	v31 =	vadd.s32 v5, v30;
	v14 =	vor.u32 $0x7, v4;
	v27 =	vbroadcast v27, $0x0  }
0x176: {  	v47 =	vadd.s32 v15, v30;
	v42 =	vld.idx.msk [tilespmem:v29+s21+$0x0], $0xffff;
	v29 =	vadd.s32 v13, v30;
	v28 =	vadd.s32 v14, v30;
	v25 =	vpop (erf)  }
0x177: {  	v46 =	vld.idx.msk [tilespmem:v61+s21+$0x0], $0xffff;
	v48 =	vor.u32 v3, v27;
	v40 =	vor.u32 v27, v16;
	v63 =	vmul.f32 v60, v25  }
0x178: {  	v30 =	vmul.f32 v62, v25;
	v35 =	vor.u32 v27, v19;
	v41 =	vor.u32 v27, v18  }
0x179: {  	v32 =	vor.u32 v27, v22;
	v33 =	vor.u32 v27, v20;
	[tilespmem:v39+s25+$0x0] =	vst.idx.msk $0xffff, v63;
	v39 =	vld.idx.msk [tilespmem:v37+s21+$0x0], $0xffff  }
0x17a: {  	v49 =	vmul.f32 v38, v25;
	v38 =	vmul.f32 v44, v25;
	v36 =	vor.u32 v27, v17  }
0x17b: {  	v44 =	vmul.f32 v42, v25;
	v42 =	vmul.f32 v45, v25;
	[tilespmem:v43+s25+$0x0] =	vst.idx.msk $0xffff, v30  }
0x17c: {  	v30 =	vor.u32 v27, v21;
	v43 =	vmul.f32 v46, v25;
	[tilespmem:v47+s25+$0x0] =	vst.idx.msk $0xffff, v49;
	v37 =	vld.idx.msk [tilespmem:v48+s21+$0x0], $0xffff  }
.LBB2_13:
0x17d: {  	s0 =	sadd.s32 $0x8, s0;
	v45 =	vld.idx.msk [tilespmem:v40+s21+$0x0], $0xffff;
	v40 =	vadd.s32 v6, v27;
	v46 =	vadd.s32 v14, v27;
	[tilespmem:v34+s25+$0x0] =	vst.idx.msk $0xffff, v44  }
0x17e: {  	v39 =	vmul.f32 v39, v25;
	v34 =	vmov s0;
	p0 =	slt.u32 s0, $0x18;
	v44 =	vld.idx.msk [tilespmem:v41+s21+$0x0], $0xffff;
	v41 =	vadd.s32 v13, v27;
	[tilespmem:v31+s25+$0x0] =	vst.idx.msk $0xffff, v43  }
0x17f: {  	v43 =	vadd.s32 v4, v27;
	v31 =	vshrl.u32 v34, $0x3;
	v47 =	vld.idx.msk [tilespmem:v35+s21+$0x0], $0xffff;
	[tilespmem:v29+s25+$0x0] =	vst.idx.msk $0xffff, v42;
	v29 =	vmov v41  }
0x180: {  	v42 =	vadd.s32 v12, v27;
	v31 =	vshll.u32 v31, $0x3;
	v48 =	vld.idx.msk [tilespmem:v33+s21+$0x0], $0xffff;
	[tilespmem:v28+s25+$0x0] =	vst.idx.msk $0xffff, v38;
	v28 =	vmov v46  }
0x181: {  	v33 =	vbroadcast v31, $0x0;
	v31 =	vadd.s32 v5, v27;
	v46 =	vld.idx.msk [tilespmem:v32+s21+$0x0], $0xffff;
	[tilespmem:v26+s25+$0x0] =	vst.idx.msk $0xffff, v39;
	v26 =	vmov v40  }
0x182: {  	v50 =	vadd.s32 v15, v27;
	v34 =	vadd.s32 v7, v27;
	v32 =	vmul.f32 v37, v25;
	v49 =	vld.idx.msk [tilespmem:v36+s21+$0x0], $0xffff  }
0x183: {  	v36 =	vmul.f32 v45, v25;
	v37 =	vor.u32 v3, v33;
	v40 =	vor.u32 v33, v16;
	v39 =	vld.idx.msk [tilespmem:v30+s21+$0x0], $0xffff  }
.Ltmp4:
0x184: {  	v35 =	vor.u32 v33, v19;
	v41 =	vor.u32 v33, v18;
	v27 =	vmov v33;
	[tilespmem:v43+s25+$0x0] =	vst.idx.msk $0xffff, v32;
	(pc) =	sbr.rel @p0 .LBB2_13-.Ltmp4, $4  }
0x185: {  	v32 =	vor.u32 v27, v22;
	v33 =	vor.u32 v27, v20;
	[tilespmem:v42+s25+$0x0] =	vst.idx.msk $0xffff, v36  }
0x186: {  	v45 =	vmul.f32 v44, v25;
	v30 =	vor.u32 v27, v21;
	v38 =	vmul.f32 v48, v25  }
0x187: {  	v44 =	vmul.f32 v47, v25;
	v36 =	vor.u32 v27, v17;
	v42 =	vmul.f32 v46, v25  }
0x188: {  	v43 =	vmul.f32 v49, v25;
	v37 =	vld.idx.msk [tilespmem:v37+s21+$0x0], $0xffff;
	[tilespmem:v50+s25+$0x0] =	vst.idx.msk $0xffff, v45  }
0x189: {  	_ =	sdelay $0x3  }
0x18a: {  	v40 =	vld.idx.msk [tilespmem:v40+s21+$0x0], $0xffff  }
0x18b: {  	v41 =	vld.idx.msk [tilespmem:v41+s21+$0x0], $0xffff;
	[tilespmem:v34+s25+$0x0] =	vst.idx.msk $0xffff, v44  }
0x18c: {  	v45 =	vadd.s32 v14, v27;
	v48 =	vadd.s32 v4, v27;
	v35 =	vld.idx.msk [tilespmem:v35+s21+$0x0], $0xffff;
	[tilespmem:v29+s25+$0x0] =	vst.idx.msk $0xffff, v42  }
0x18d: {  	v49 =	vadd.s32 v13, v27;
	v36 =	vld.idx.msk [tilespmem:v36+s21+$0x0], $0xffff;
	[tilespmem:v31+s25+$0x0] =	vst.idx.msk $0xffff, v43;
	v31 =	vadd.s32 v12, v27  }
0x18e: {  	v39 =	vmul.f32 v39, v25;
	v50 =	vadd.s32 v15, v27;
	[tilespmem:v28+s25+$0x0] =	vst.idx.msk $0xffff, v38;
	v28 =	vld.idx.msk [tilespmem:v32+s21+$0x0], $0xffff  }
0x18f: {  	v29 =	vld.idx.msk [tilespmem:v33+s21+$0x0], $0xffff;
	v52 =	vadd.s32 v7, v27;
	s0 =	simm.s32 $0x20;
	v53 =	vadd.s32 v5, v27;
	v51 =	vmul.f32 v37, v25  }
0x190: {  	v30 =	vld.idx.msk [tilespmem:v30+s21+$0x0], $0xffff;
	v8 =	vadd.f32 v9, v8;
	v54 =	vmov s0;
	[tilespmem:v26+s25+$0x0] =	vst.idx.msk $0xffff, v39;
	v26 =	vmul.f32 v40, v25  }
0x191: {  	v27 =	vadd.s32 v6, v27;
	v9 =	vshrl.u32 v54, $0x3;
	v55 =	vmul.f32 v41, v25;
	[tilespmem:v48+s25+$0x0] =	vst.idx.msk $0xffff, v51  }
0x192: {  	v8 =	vmul.f32 $1.442695020e+00, v8;
	v9 =	vshll.u32 v9, $0x3;
	[tilespmem:v31+s25+$0x0] =	vst.idx.msk $0xffff, v26;
	v26 =	vmul.f32 v35, v25  }
0x193: {  	v56 =	vbroadcast v9, $0x0;
	v9 =	vmul.f32 v28, v25;
	[tilespmem:v50+s25+$0x0] =	vst.idx.msk $0xffff, v55  }
0x194: {  	v28 =	vmul.f32 v29, v25;
	[tilespmem:v52+s25+$0x0] =	vst.idx.msk $0xffff, v26;
	v26 =	vadd.s32 $0x80, v4  }
0x195: {  	(erf) = vpow2.f32 v8;
	v29 =	vmul.f32 v30, v25;
	v8 =	vor.u32 v3, v56;
	[tilespmem:v49+s25+$0x0] =	vst.idx.msk $0xffff, v9  }
0x196: {  	v31 =	vmul.f32 v36, v25;
	v9 =	vor.u32 v56, v16;
	[tilespmem:v45+s25+$0x0] =	vst.idx.msk $0xffff, v28  }
0x197: {  	v28 =	vor.u32 v56, v18;
	[tilespmem:v27+s25+$0x0] =	vst.idx.msk $0xffff, v29  }
0x198: {  	v30 =	vor.u32 v56, v22;
	[tilespmem:v53+s25+$0x0] =	vst.idx.msk $0xffff, v31  }
0x199: {  	v57 =	vor.u32 v56, v17;
	[tilespmem:v26+s25+$0x0] =	vst.idx.msk $0xffff, v25  }
0x19a: {  	v25 =	vor.u32 v56, v20;
	v31 =	vld.idx.msk [tilespmem:v8+s21+$0x0], $0xffff  }
0x19b: {  	s0 =	simm.s32 $0x28;
	v27 =	vor.u32 v56, v19;
	v58 =	vld.idx.msk [tilespmem:v9+s21+$0x0], $0xffff  }
0x19c: {  	v8 =	vmov s0;
	v37 =	vld.idx.msk [tilespmem:v28+s21+$0x0], $0xffff  }
0x19d: {  	v59 =	vor.u32 v56, v21;
	v61 =	vadd.s32 v12, v56;
	v43 =	vld.idx.msk [tilespmem:v30+s21+$0x0], $0xffff;
	v8 =	vshrl.u32 v8, $0x3  }
0x19e: {  	v32 =	vadd.s32 v7, v56;
	v62 =	vadd.s32 v15, v56;
	v44 =	vld.idx.msk [tilespmem:v57+s21+$0x0], $0xffff;
	v29 =	vshll.u32 v8, $0x3  }
0x19f: {  	v26 =	vadd.s32 v14, v56;
	v28 =	vadd.s32 v4, v56;
	v42 =	vld.idx.msk [tilespmem:v25+s21+$0x0], $0xffff;
	v25 =	vbroadcast v29, $0x0  }
0x1a0: {  	v9 =	vadd.s32 v6, v56;
	v60 =	vld.idx.msk [tilespmem:v27+s21+$0x0], $0xffff;
	v27 =	vadd.s32 v13, v56;
	v8 =	vpop (erf);
	v29 =	vadd.s32 v5, v56  }
0x1a1: {  	v30 =	vmul.f32 v31, v8;
	v63 =	vmul.f32 v58, v8;
	v46 =	vor.u32 v3, v25  }
0x1a2: {  	v47 =	vmul.f32 v37, v8;
	v40 =	vmul.f32 v43, v8;
	v38 =	vor.u32 v25, v16  }
0x1a3: {  	v37 =	vld.idx.msk [tilespmem:v59+s21+$0x0], $0xffff;
	v41 =	vmul.f32 v44, v8;
	v33 =	vor.u32 v25, v19;
	v39 =	vor.u32 v25, v18  }
0x1a4: {  	v31 =	vor.u32 v25, v20;
	v34 =	vor.u32 v25, v17;
	[tilespmem:v28+s25+$0x0] =	vst.idx.msk $0xffff, v30  }
0x1a5: {  	[tilespmem:v61+s25+$0x0] =	vst.idx.msk $0xffff, v63;
	v36 =	vmul.f32 v42, v8;
	v42 =	vmul.f32 v60, v8  }
0x1a6: {  	v30 =	vor.u32 v25, v22;
	v28 =	vor.u32 v25, v21;
	[tilespmem:v62+s25+$0x0] =	vst.idx.msk $0xffff, v47;
	v35 =	vld.idx.msk [tilespmem:v46+s21+$0x0], $0xffff  }
.LBB2_15:
0x1a7: {  	s0 =	sadd.s32 $0x8, s0;
	v43 =	vld.idx.msk [tilespmem:v38+s21+$0x0], $0xffff;
	v38 =	vadd.s32 v6, v25;
	v44 =	vadd.s32 v14, v25;
	[tilespmem:v32+s25+$0x0] =	vst.idx.msk $0xffff, v42  }
0x1a8: {  	v37 =	vmul.f32 v37, v8;
	v32 =	vmov s0;
	p0 =	slt.u32 s0, $0x38;
	v42 =	vld.idx.msk [tilespmem:v39+s21+$0x0], $0xffff;
	v39 =	vadd.s32 v13, v25;
	[tilespmem:v29+s25+$0x0] =	vst.idx.msk $0xffff, v41  }
0x1a9: {  	v41 =	vadd.s32 v4, v25;
	v29 =	vshrl.u32 v32, $0x3;
	v45 =	vld.idx.msk [tilespmem:v33+s21+$0x0], $0xffff;
	[tilespmem:v27+s25+$0x0] =	vst.idx.msk $0xffff, v40;
	v27 =	vmov v39  }
0x1aa: {  	v40 =	vadd.s32 v12, v25;
	v29 =	vshll.u32 v29, $0x3;
	v46 =	vld.idx.msk [tilespmem:v31+s21+$0x0], $0xffff;
	[tilespmem:v26+s25+$0x0] =	vst.idx.msk $0xffff, v36;
	v26 =	vmov v44  }
0x1ab: {  	v31 =	vbroadcast v29, $0x0;
	v29 =	vadd.s32 v5, v25;
	v44 =	vld.idx.msk [tilespmem:v30+s21+$0x0], $0xffff;
	[tilespmem:v9+s25+$0x0] =	vst.idx.msk $0xffff, v37;
	v9 =	vmov v38  }
0x1ac: {  	v48 =	vadd.s32 v15, v25;
	v32 =	vadd.s32 v7, v25;
	v30 =	vmul.f32 v35, v8;
	v47 =	vld.idx.msk [tilespmem:v34+s21+$0x0], $0xffff  }
0x1ad: {  	v34 =	vmul.f32 v43, v8;
	v35 =	vor.u32 v3, v31;
	v38 =	vor.u32 v31, v16;
	v37 =	vld.idx.msk [tilespmem:v28+s21+$0x0], $0xffff  }
.Ltmp5:
0x1ae: {  	v33 =	vor.u32 v31, v19;
	v39 =	vor.u32 v31, v18;
	v25 =	vmov v31;
	[tilespmem:v41+s25+$0x0] =	vst.idx.msk $0xffff, v30;
	(pc) =	sbr.rel @p0 .LBB2_15-.Ltmp5, $4  }
0x1af: {  	v30 =	vor.u32 v25, v22;
	v31 =	vor.u32 v25, v20;
	[tilespmem:v40+s25+$0x0] =	vst.idx.msk $0xffff, v34  }
0x1b0: {  	v43 =	vmul.f32 v42, v8;
	v28 =	vor.u32 v25, v21;
	v36 =	vmul.f32 v46, v8  }
0x1b1: {  	v42 =	vmul.f32 v45, v8;
	v34 =	vor.u32 v25, v17;
	v40 =	vmul.f32 v44, v8  }
0x1b2: {  	v41 =	vmul.f32 v47, v8;
	v35 =	vld.idx.msk [tilespmem:v35+s21+$0x0], $0xffff;
	[tilespmem:v48+s25+$0x0] =	vst.idx.msk $0xffff, v43  }
0x1b3: {  	_ =	sdelay $0x3  }
0x1b4: {  	v38 =	vld.idx.msk [tilespmem:v38+s21+$0x0], $0xffff  }
0x1b5: {  	v39 =	vld.idx.msk [tilespmem:v39+s21+$0x0], $0xffff;
	[tilespmem:v32+s25+$0x0] =	vst.idx.msk $0xffff, v42  }
0x1b6: {  	v43 =	vadd.s32 v14, v25;
	v52 =	vadd.s32 v4, v25;
	v33 =	vld.idx.msk [tilespmem:v33+s21+$0x0], $0xffff;
	[tilespmem:v27+s25+$0x0] =	vst.idx.msk $0xffff, v40  }
0x1b7: {  	v53 =	vadd.s32 v13, v25;
	v34 =	vld.idx.msk [tilespmem:v34+s21+$0x0], $0xffff;
	[tilespmem:v29+s25+$0x0] =	vst.idx.msk $0xffff, v41;
	v29 =	vadd.s32 v12, v25  }
0x1b8: {  	v37 =	vmul.f32 v37, v8;
	v27 =	vld.idx.msk [tilespmem:v31+s21+$0x0], $0xffff;
	v31 =	vadd.s32 v15, v25;
	[tilespmem:v26+s25+$0x0] =	vst.idx.msk $0xffff, v36  }
0x1b9: {  	v26 =	vld.idx.msk [tilespmem:v30+s21+$0x0], $0xffff;
	v54 =	vadd.s32 v7, v25;
	s0 =	simm.s32 $0x40;
	v55 =	vadd.s32 v5, v25;
	v30 =	vmul.f32 v35, v8  }
0x1ba: {  	v10 =	vadd.f32 v11, v10;
	v56 =	vmov s0;
	[tilespmem:v9+s25+$0x0] =	vst.idx.msk $0xffff, v37;
	v9 =	vmul.f32 v38, v8  }
0x1bb: {  	v28 =	vld.idx.msk [tilespmem:v28+s21+$0x0], $0xffff;
	v11 =	vshrl.u32 v56, $0x3;
	[tilespmem:v52+s25+$0x0] =	vst.idx.msk $0xffff, v30;
	v30 =	vmul.f32 v39, v8  }
0x1bc: {  	v10 =	vmul.f32 $1.442695020e+00, v10;
	v11 =	vshll.u32 v11, $0x3;
	[tilespmem:v29+s25+$0x0] =	vst.idx.msk $0xffff, v9;
	v9 =	vmul.f32 v33, v8  }
0x1bd: {  	v25 =	vadd.s32 v6, v25;
	v29 =	vmul.f32 v34, v8;
	[tilespmem:v31+s25+$0x0] =	vst.idx.msk $0xffff, v30;
	v31 =	vbroadcast v11, $0x0  }
0x1be: {  	v11 =	vmul.f32 v26, v8;
	[tilespmem:v54+s25+$0x0] =	vst.idx.msk $0xffff, v9;
	v9 =	vadd.s32 $0x81, v4  }
0x1bf: {  	(erf) = vpow2.f32 v10;
	v26 =	vmul.f32 v27, v8;
	[tilespmem:v55+s25+$0x0] =	vst.idx.msk $0xffff, v29;
	v10 =	vor.u32 v3, v31  }
0x1c0: {  	v27 =	vmul.f32 v28, v8;
	[tilespmem:v53+s25+$0x0] =	vst.idx.msk $0xffff, v11;
	v11 =	vor.u32 v31, v16  }
0x1c1: {  	[tilespmem:v43+s25+$0x0] =	vst.idx.msk $0xffff, v26;
	v26 =	vor.u32 v31, v18  }
0x1c2: {  	[tilespmem:v25+s25+$0x0] =	vst.idx.msk $0xffff, v27;
	v25 =	vor.u32 v31, v19  }
0x1c3: {  	v27 =	vor.u32 v31, v20;
	[tilespmem:v9+s25+$0x0] =	vst.idx.msk $0xffff, v8  }
0x1c4: {  	v28 =	vor.u32 v31, v22;
	v29 =	vld.idx.msk [tilespmem:v10+s21+$0x0], $0xffff  }
0x1c5: {  	s0 =	simm.s32 $0x48;
	v57 =	vor.u32 v31, v17;
	v58 =	vld.idx.msk [tilespmem:v11+s21+$0x0], $0xffff  }
0x1c6: {  	v8 =	vmov s0;
	v35 =	vld.idx.msk [tilespmem:v26+s21+$0x0], $0xffff  }
0x1c7: {  	v59 =	vor.u32 v31, v21;
	v61 =	vadd.s32 v12, v31;
	v8 =	vshrl.u32 v8, $0x3;
	v60 =	vld.idx.msk [tilespmem:v25+s21+$0x0], $0xffff  }
0x1c8: {  	v30 =	vadd.s32 v7, v31;
	v62 =	vadd.s32 v15, v31;
	v40 =	vld.idx.msk [tilespmem:v27+s21+$0x0], $0xffff;
	v10 =	vshll.u32 v8, $0x3  }
0x1c9: {  	v9 =	vadd.s32 v6, v31;
	v26 =	vadd.s32 v4, v31;
	v41 =	vld.idx.msk [tilespmem:v28+s21+$0x0], $0xffff;
	v10 =	vbroadcast v10, $0x0  }
0x1ca: {  	v11 =	vadd.s32 v14, v31;
	v25 =	vadd.s32 v13, v31;
	v27 =	vadd.s32 v5, v31;
	v42 =	vld.idx.msk [tilespmem:v57+s21+$0x0], $0xffff  }
0x1cb: {  	v8 =	vpop (erf);
	v44 =	vor.u32 v3, v10;
	v36 =	vor.u32 v10, v16;
	v31 =	vor.u32 v10, v19  }
0x1cc: {  	v37 =	vor.u32 v10, v18;
	v32 =	vor.u32 v10, v17;
	v28 =	vmul.f32 v29, v8  }
0x1cd: {  	v63 =	vmul.f32 v58, v8;
	v29 =	vor.u32 v10, v20;
	v45 =	vmul.f32 v35, v8;
	v35 =	vld.idx.msk [tilespmem:v59+s21+$0x0], $0xffff  }
0x1ce: {  	v34 =	vmul.f32 v40, v8;
	v40 =	vmul.f32 v60, v8;
	[tilespmem:v26+s25+$0x0] =	vst.idx.msk $0xffff, v28  }
0x1cf: {  	v38 =	vmul.f32 v41, v8;
	v39 =	vmul.f32 v42, v8;
	[tilespmem:v61+s25+$0x0] =	vst.idx.msk $0xffff, v63  }
0x1d0: {  	v28 =	vor.u32 v10, v22;
	v26 =	vor.u32 v10, v21;
	[tilespmem:v62+s25+$0x0] =	vst.idx.msk $0xffff, v45;
	v33 =	vld.idx.msk [tilespmem:v44+s21+$0x0], $0xffff  }
.LBB2_17:
0x1d1: {  	s0 =	sadd.s32 $0x8, s0;
	v41 =	vld.idx.msk [tilespmem:v36+s21+$0x0], $0xffff;
	v36 =	vadd.s32 v6, v10;
	v42 =	vadd.s32 v14, v10;
	[tilespmem:v30+s25+$0x0] =	vst.idx.msk $0xffff, v40  }
0x1d2: {  	v35 =	vmul.f32 v35, v8;
	v30 =	vmov s0;
	p0 =	slt.u32 s0, $0x58;
	v40 =	vld.idx.msk [tilespmem:v37+s21+$0x0], $0xffff;
	v37 =	vadd.s32 v13, v10;
	[tilespmem:v27+s25+$0x0] =	vst.idx.msk $0xffff, v39  }
0x1d3: {  	v39 =	vadd.s32 v4, v10;
	v27 =	vshrl.u32 v30, $0x3;
	v43 =	vld.idx.msk [tilespmem:v31+s21+$0x0], $0xffff;
	[tilespmem:v25+s25+$0x0] =	vst.idx.msk $0xffff, v38;
	v25 =	vmov v37  }
0x1d4: {  	v38 =	vadd.s32 v12, v10;
	v27 =	vshll.u32 v27, $0x3;
	v44 =	vld.idx.msk [tilespmem:v29+s21+$0x0], $0xffff;
	[tilespmem:v11+s25+$0x0] =	vst.idx.msk $0xffff, v34;
	v11 =	vmov v42  }
0x1d5: {  	v29 =	vbroadcast v27, $0x0;
	v27 =	vadd.s32 v5, v10;
	v42 =	vld.idx.msk [tilespmem:v28+s21+$0x0], $0xffff;
	[tilespmem:v9+s25+$0x0] =	vst.idx.msk $0xffff, v35;
	v9 =	vmov v36  }
0x1d6: {  	v46 =	vadd.s32 v15, v10;
	v30 =	vadd.s32 v7, v10;
	v28 =	vmul.f32 v33, v8;
	v45 =	vld.idx.msk [tilespmem:v32+s21+$0x0], $0xffff  }
0x1d7: {  	v32 =	vmul.f32 v41, v8;
	v33 =	vor.u32 v3, v29;
	v36 =	vor.u32 v29, v16;
	v35 =	vld.idx.msk [tilespmem:v26+s21+$0x0], $0xffff  }
.Ltmp6:
0x1d8: {  	v31 =	vor.u32 v29, v19;
	v37 =	vor.u32 v29, v18;
	v10 =	vmov v29;
	[tilespmem:v39+s25+$0x0] =	vst.idx.msk $0xffff, v28;
	(pc) =	sbr.rel @p0 .LBB2_17-.Ltmp6, $4  }
0x1d9: {  	v28 =	vor.u32 v10, v22;
	v29 =	vor.u32 v10, v20;
	[tilespmem:v38+s25+$0x0] =	vst.idx.msk $0xffff, v32  }
0x1da: {  	v41 =	vmul.f32 v40, v8;
	v26 =	vor.u32 v10, v21;
	v34 =	vmul.f32 v44, v8  }
0x1db: {  	v40 =	vmul.f32 v43, v8;
	v32 =	vor.u32 v10, v17;
	v38 =	vmul.f32 v42, v8  }
0x1dc: {  	v39 =	vmul.f32 v45, v8;
	v33 =	vld.idx.msk [tilespmem:v33+s21+$0x0], $0xffff;
	[tilespmem:v46+s25+$0x0] =	vst.idx.msk $0xffff, v41  }
0x1dd: {  	_ =	sdelay $0x3  }
0x1de: {  	v36 =	vld.idx.msk [tilespmem:v36+s21+$0x0], $0xffff  }
0x1df: {  	v37 =	vld.idx.msk [tilespmem:v37+s21+$0x0], $0xffff;
	[tilespmem:v30+s25+$0x0] =	vst.idx.msk $0xffff, v40  }
0x1e0: {  	v41 =	vadd.s32 v14, v10;
	v30 =	vadd.s32 v4, v10;
	[tilespmem:v11+s25+$0x0] =	vst.idx.msk $0xffff, v34;
	v11 =	vld.idx.msk [tilespmem:v28+s21+$0x0], $0xffff  }
0x1e1: {  	v31 =	vld.idx.msk [tilespmem:v31+s21+$0x0], $0xffff;
	v56 =	vadd.s32 v13, v10;
	[tilespmem:v27+s25+$0x0] =	vst.idx.msk $0xffff, v39;
	v27 =	vadd.s32 v12, v10  }
0x1e2: {  	v35 =	vmul.f32 v35, v8;
	[tilespmem:v25+s25+$0x0] =	vst.idx.msk $0xffff, v38;
	v25 =	vld.idx.msk [tilespmem:v29+s21+$0x0], $0xffff;
	v29 =	vadd.s32 v15, v10  }
0x1e3: {  	v57 =	vadd.s32 v7, v10;
	s0 =	simm.s32 $0x60;
	v58 =	vadd.s32 v5, v10;
	v26 =	vld.idx.msk [tilespmem:v26+s21+$0x0], $0xffff;
	v28 =	vmul.f32 v33, v8  }
0x1e4: {  	v32 =	vld.idx.msk [tilespmem:v32+s21+$0x0], $0xffff;
	v23 =	vadd.f32 v24, v23;
	v59 =	vmov s0;
	[tilespmem:v9+s25+$0x0] =	vst.idx.msk $0xffff, v35;
	v9 =	vmul.f32 v36, v8  }
0x1e5: {  	v10 =	vadd.s32 v6, v10;
	v24 =	vshrl.u32 v59, $0x3;
	v11 =	vmul.f32 v11, v8;
	[tilespmem:v30+s25+$0x0] =	vst.idx.msk $0xffff, v28  }
0x1e6: {  	v23 =	vmul.f32 $1.442695020e+00, v23;
	v24 =	vshll.u32 v24, $0x3;
	[tilespmem:v27+s25+$0x0] =	vst.idx.msk $0xffff, v9;
	v9 =	vmul.f32 v31, v8  }
0x1e7: {  	v24 =	vbroadcast v24, $0x0;
	v25 =	vmul.f32 v25, v8;
	[tilespmem:v56+s25+$0x0] =	vst.idx.msk $0xffff, v11  }
0x1e8: {  	v26 =	vmul.f32 v26, v8;
	[tilespmem:v57+s25+$0x0] =	vst.idx.msk $0xffff, v9;
	v9 =	vadd.s32 $0x82, v4  }
0x1e9: {  	(erf) = vpow2.f32 v23;
	v28 =	vmul.f32 v37, v8;
	v23 =	vor.u32 v3, v24;
	[tilespmem:v41+s25+$0x0] =	vst.idx.msk $0xffff, v25  }
0x1ea: {  	v27 =	vmul.f32 v32, v8;
	v11 =	vor.u32 v24, v16;
	[tilespmem:v10+s25+$0x0] =	vst.idx.msk $0xffff, v26  }
0x1eb: {  	v25 =	vor.u32 v24, v18;
	[tilespmem:v29+s25+$0x0] =	vst.idx.msk $0xffff, v28  }
0x1ec: {  	v26 =	vor.u32 v24, v19;
	[tilespmem:v58+s25+$0x0] =	vst.idx.msk $0xffff, v27  }
0x1ed: {  	v27 =	vor.u32 v24, v20;
	[tilespmem:v9+s25+$0x0] =	vst.idx.msk $0xffff, v8  }
0x1ee: {  	s0 =	simm.s32 $0x68;
	v28 =	vor.u32 v24, v22;
	v29 =	vld.idx.msk [tilespmem:v23+s21+$0x0], $0xffff  }
0x1ef: {  	v30 =	vor.u32 v24, v17;
	v8 =	vmov s0;
	v31 =	vld.idx.msk [tilespmem:v11+s21+$0x0], $0xffff  }
0x1f0: {  	v33 =	vld.idx.msk [tilespmem:v25+s21+$0x0], $0xffff;
	v8 =	vshrl.u32 v8, $0x3  }
0x1f1: {  	v60 =	vor.u32 v24, v21;
	v62 =	vld.idx.msk [tilespmem:v26+s21+$0x0], $0xffff;
	v11 =	vshll.u32 v8, $0x3  }
0x1f2: {  	v61 =	vadd.s32 v4, v24;
	v63 =	vadd.s32 v12, v24;
	v39 =	vld.idx.msk [tilespmem:v27+s21+$0x0], $0xffff;
	v11 =	vbroadcast v11, $0x0  }
0x1f3: {  	v42 =	vadd.s32 v15, v24;
	v10 =	vadd.s32 v14, v24;
	v9 =	vadd.s32 v6, v24;
	v40 =	vld.idx.msk [tilespmem:v28+s21+$0x0], $0xffff  }
0x1f4: {  	v23 =	vadd.s32 v13, v24;
	v25 =	vadd.s32 v5, v24;
	v41 =	vld.idx.msk [tilespmem:v30+s21+$0x0], $0xffff;
	v43 =	vor.u32 v3, v11  }
0x1f5: {  	v8 =	vpop (erf);
	v35 =	vor.u32 v11, v16;
	v28 =	vor.u32 v11, v19;
	v34 =	vor.u32 v11, v18  }
0x1f6: {  	v27 =	vor.u32 v11, v20;
	v26 =	vmul.f32 v29, v8;
	v29 =	vadd.s32 v7, v24  }
0x1f7: {  	v30 =	vor.u32 v11, v17;
	v24 =	vmul.f32 v31, v8;
	v44 =	vmul.f32 v33, v8;
	v33 =	vld.idx.msk [tilespmem:v60+s21+$0x0], $0xffff  }
0x1f8: {  	v32 =	vmul.f32 v39, v8;
	v38 =	vmul.f32 v62, v8;
	[tilespmem:v61+s25+$0x0] =	vst.idx.msk $0xffff, v26  }
0x1f9: {  	v36 =	vmul.f32 v40, v8;
	v37 =	vmul.f32 v41, v8;
	[tilespmem:v63+s25+$0x0] =	vst.idx.msk $0xffff, v24  }
0x1fa: {  	v26 =	vor.u32 v11, v22;
	v24 =	vor.u32 v11, v21;
	[tilespmem:v42+s25+$0x0] =	vst.idx.msk $0xffff, v44;
	v31 =	vld.idx.msk [tilespmem:v43+s21+$0x0], $0xffff  }
.LBB2_19:
0x1fb: {  	s0 =	sadd.s32 $0x8, s0;
	v39 =	vld.idx.msk [tilespmem:v35+s21+$0x0], $0xffff;
	v35 =	vadd.s32 v6, v11;
	v40 =	vadd.s32 v14, v11;
	[tilespmem:v29+s25+$0x0] =	vst.idx.msk $0xffff, v38  }
0x1fc: {  	v33 =	vmul.f32 v33, v8;
	v29 =	vmov s0;
	p0 =	slt.u32 s0, $0x78;
	v38 =	vld.idx.msk [tilespmem:v34+s21+$0x0], $0xffff;
	v34 =	vadd.s32 v13, v11;
	[tilespmem:v25+s25+$0x0] =	vst.idx.msk $0xffff, v37  }
0x1fd: {  	v37 =	vadd.s32 v4, v11;
	v25 =	vshrl.u32 v29, $0x3;
	v41 =	vld.idx.msk [tilespmem:v28+s21+$0x0], $0xffff;
	[tilespmem:v23+s25+$0x0] =	vst.idx.msk $0xffff, v36;
	v23 =	vmov v34  }
0x1fe: {  	v36 =	vadd.s32 v12, v11;
	v25 =	vshll.u32 v25, $0x3;
	v42 =	vld.idx.msk [tilespmem:v27+s21+$0x0], $0xffff;
	[tilespmem:v10+s25+$0x0] =	vst.idx.msk $0xffff, v32;
	v10 =	vmov v40  }
0x1ff: {  	v27 =	vbroadcast v25, $0x0;
	v25 =	vadd.s32 v5, v11;
	v40 =	vld.idx.msk [tilespmem:v26+s21+$0x0], $0xffff;
	[tilespmem:v9+s25+$0x0] =	vst.idx.msk $0xffff, v33;
	v9 =	vmov v35  }
0x200: {  	v44 =	vadd.s32 v15, v11;
	v29 =	vadd.s32 v7, v11;
	v26 =	vmul.f32 v31, v8;
	v43 =	vld.idx.msk [tilespmem:v30+s21+$0x0], $0xffff  }
0x201: {  	v30 =	vmul.f32 v39, v8;
	v31 =	vor.u32 v3, v27;
	v35 =	vor.u32 v27, v16;
	v33 =	vld.idx.msk [tilespmem:v24+s21+$0x0], $0xffff  }
.Ltmp7:
0x202: {  	v28 =	vor.u32 v27, v19;
	v34 =	vor.u32 v27, v18;
	v11 =	vmov v27;
	[tilespmem:v37+s25+$0x0] =	vst.idx.msk $0xffff, v26;
	(pc) =	sbr.rel @p0 .LBB2_19-.Ltmp7, $4  }
0x203: {  	v26 =	vor.u32 v11, v22;
	v27 =	vor.u32 v11, v20;
	[tilespmem:v36+s25+$0x0] =	vst.idx.msk $0xffff, v30  }
0x204: {  	v39 =	vmul.f32 v38, v8;
	v24 =	vor.u32 v11, v21;
	v32 =	vmul.f32 v42, v8  }
0x205: {  	v38 =	vmul.f32 v41, v8;
	v30 =	vor.u32 v11, v17;
	v36 =	vmul.f32 v40, v8  }
0x206: {  	v37 =	vmul.f32 v43, v8;
	v31 =	vld.idx.msk [tilespmem:v31+s21+$0x0], $0xffff;
	[tilespmem:v44+s25+$0x0] =	vst.idx.msk $0xffff, v39  }
0x207: {  	_ =	sdelay $0x3  }
0x208: {  	v3 =	vld.idx.msk [tilespmem:v35+s21+$0x0], $0xffff  }
0x209: {  	[tilespmem:v29+s25+$0x0] =	vst.idx.msk $0xffff, v38;
	v16 =	vld.idx.msk [tilespmem:v34+s21+$0x0], $0xffff;
	v17 =	vadd.s32 v4, v11  }
0x20a: {  	v18 =	vld.idx.msk [tilespmem:v28+s21+$0x0], $0xffff;
	v12 =	vadd.s32 v12, v11;
	[tilespmem:v23+s25+$0x0] =	vst.idx.msk $0xffff, v36  }
0x20b: {  	v19 =	vmul.f32 v33, v8;
	v20 =	vld.idx.msk [tilespmem:v30+s21+$0x0], $0xffff;
	v15 =	vadd.s32 v15, v11;
	[tilespmem:v10+s25+$0x0] =	vst.idx.msk $0xffff, v32  }
0x20c: {  	v58 =	vld.idx.msk [tilespmem:v26+s21+$0x0], $0xffff;
	v7 =	vadd.s32 v7, v11;
	[tilespmem:v25+s25+$0x0] =	vst.idx.msk $0xffff, v37;
	v21 =	vmul.f32 v31, v8  }
0x20d: {  	v22 =	vld.idx.msk [tilespmem:v27+s21+$0x0], $0xffff;
	v5 =	vadd.s32 v5, v11;
	[tilespmem:v9+s25+$0x0] =	vst.idx.msk $0xffff, v19;
	v3 =	vmul.f32 v3, v8  }
0x20e: {  	v59 =	vadd.s32 v13, v11;
	v60 =	vld.idx.msk [tilespmem:v24+s21+$0x0], $0xffff;
	v16 =	vmul.f32 v16, v8;
	[tilespmem:v17+s25+$0x0] =	vst.idx.msk $0xffff, v21  }
0x20f: {  	v14 =	vadd.s32 v14, v11;
	[tilespmem:v12+s25+$0x0] =	vst.idx.msk $0xffff, v3;
	v3 =	vmul.f32 v18, v8  }
0x210: {  	v6 =	vadd.s32 v6, v11;
	s31 =	sadd.s32 $0x1, s31;
	v61 =	vmul.f32 v20, v8;
	[tilespmem:v15+s25+$0x0] =	vst.idx.msk $0xffff, v16  }
0x211: {  	p0 =	sne.s32 s31, $0x4;
	v10 =	vmul.f32 v58, v8;
	[tilespmem:v7+s25+$0x0] =	vst.idx.msk $0xffff, v3;
	v3 =	vadd.s32 $0x83, v4  }
.Ltmp8:
0x212: {  	v62 =	vmul.f32 v22, v8;
	[tilespmem:v5+s25+$0x0] =	vst.idx.msk $0xffff, v61;
	(pc) =	sbr.rel @p0 .LBB2_4-.Ltmp8, $4  }
0x213: {  	v63 =	vmul.f32 v60, v8;
	[tilespmem:v59+s25+$0x0] =	vst.idx.msk $0xffff, v10  }
0x214: {  	[tilespmem:v14+s25+$0x0] =	vst.idx.msk $0xffff, v62  }
0x215: {  	[tilespmem:v6+s25+$0x0] =	vst.idx.msk $0xffff, v63  }
0x216: {  	[tilespmem:v3+s25+$0x0] =	vst.idx.msk $0xffff, v8  }
0x217: {  	s29 =	sadd.s32 $0x1, s29  }
0x218: {  	p0 =	sne.s32 s29, $0x8  }
.Ltmp9:
0x219: {  	_ = 	snop;
	(pc) =	sbr.rel @p0 .LBB2_3-.Ltmp9, $4  }
0x21a: {  	[spmem:s1] =	stream.indirect.scatter.add.f32 [tilespmem:s25], [sflag:$0x3], $0x90, s30, s20, $0xb8;
	[tilespmem:$0x1E200] =	vst v63  }
0x21b: {  	_ =	swait.ge [sflag:s15], $0x2400  }
0x21c: {  	[sflag:s15] =	ssyncset.done $0x0  }
0x21d: {  	[sflag:s15] =	ssyncadd.s32 $0xFFFFDC00  }
0x21e: {  	s28 =	sadd.s32 $0x1, s28  }
0x21f: {  	p0 =	sne.s32 s28, $0x14  }
.Ltmp10:
0x220: {  	_ = 	snop;
	(pc) =	sbr.rel @p0 .LBB2_2-.Ltmp10, $1  }
0x221: {  	_ =	sdelay $0x3  }
0x222: {  	s26 =	sadd.s32 $0x1, s26  }
0x223: {  	p0 =	sne.s32 s26, s13  }
.Ltmp11:
0x224: {  	[bflag:$0x0] =	sbarrier.arrive $0xFFFF;
	(pc) =	sbr.rel @p0 .LBB2_1-.Ltmp11, $4  }
0x225: {  	[hbm:s12], [sflag:s16] =	dma.local [spmem:s17], $0x2D00  }
0x226: {  	_ =	swait.ge [sflag:s15], $0x2D00  }
0x227: {  	[sflag:s15] =	ssyncset.done $0x0  }
0x228: {  	[sflag:s15] =	ssyncadd.s32 $0xFFFFD300  }
0x229: {  	_ =	sfence.sel $0x180000  }
0x22a: {  	[bflag:$0x0] =	sbarrier.arrive $0xFFFF  }
0x22b: {  	_ =	strace $0x9000004A  }
0x22c: {  	s0 =	stileid.u32;
	[bflag:$0x2] =	sbarrier.arrive $0xFFFF  }
0x22d: {  	p0 =	sne.s32 s0, $0x0;
	s0 =	rddreg [dreg:$0x2]  }
0x22e: {  	s0 =	sadd.s32 @!p0 $0x100000, s0  }
0x22f: {  	[sflag:s0] =	ssyncadd.tile.s32 @!p0 $0x1;
	_ =	shalt  }
.Lfunc_end2:
_tile_overlayer_lowered:
.L_overlay_start_2:
0x230: {  	(tag) =	ssettag $0x2  }
0x231: {  	s0 =	rddreg [dreg:$0x0];
	s2 =	stileid.u32  }
0x232: {  	s1 =	rddreg [dreg:$0x1];
	p0 =	sne.s32 s2, $0x0  }
0x233: {  	s3 =	rddreg [dreg:$0x2];
	[bflag:$0x3] =	sbarrier.arrive $0xFFFF;
	s2 =	simm.s32 @!p0 $0x1C03  }
0x234: {  	[timem:s3], [sflag:s2] =	dma.local @!p0 [hbm:s0], s1  }
0x235: {  	s0 =	simm.s32 @!p0 $0x3  }
0x236: {  	_ =	swait.ge @!p0 [sflag:s0], s1  }
0x237: {  	s1 =	ssub.s32 @!p0 $0x0, s1;
	[sflag:s0] =	ssyncset.done @!p0 $0x0  }
0x238: {  	[sflag:s0] =	ssyncadd.s32 @!p0 s1  }
0x239: {  	[bflag:$0x3] =	sbarrier.arrive $0xFFFF  }
0x23a: {  	_ =	shalt  }

// kernel: kernel.17.cloned.1.call-start
scs
__scs_entry_jumppad:
0x0: {  	(pc) =	sbr.rel $0x88, $3  }
0x1: {  	(tag) =	ssettag $0x0;
	lr =	simm.s32 $0x1  }
0x2: {  	[smem:$0x3F81] =	sst lr;
	_ =	strace $0xD0000000  }
0x3: {  	_ = 	snop  }
0x4: {  	_ = 	snop  }
0x5: {  	_ = 	snop  }
0x6: {  	_ = 	snop  }
0x7: {  	_ = 	snop  }
__scs_overlays_trampoline_lowered:
0x8: {  	[smem:$0x3F90] =	sst s0  }
0x9: {  	[smem:$0x3F91] =	sst s1  }
0xa: {  	[smem:$0x3F92] =	sst s2  }
0xb: {  	[smem:$0x3F93] =	sst s3  }
0xc: {  	[smem:$0x3F94] =	sst s4  }
0xd: {  	[smem:$0x3F95] =	sst s5  }
0xe: {  	[smem:$0x3F96] =	sst s6  }
0xf: {  	[smem:$0x3F97] =	sst s7  }
0x10: {  	[smem:$0x3F98] =	sst s8  }
0x11: {  	[smem:$0x3F99] =	sst s9;
	s0 =	simm.s32 @!p0 $0x0  }
0x12: {  	s1 =	sld [smem:$0x3F7F];
	s0 =	simm.s32 @p0 $0x1  }
0x13: {  	[smem:$0x3F9A] =	sst s0;
	s0 =	simm.s32 @!p1 $0x0  }
0x14: {  	s2 =	sld [smem:$0x3F7E];
	s0 =	simm.s32 @p1 $0x1  }
0x15: {  	[smem:$0x3F9B] =	sst s0;
	s0 =	simm.s32 @!p2 $0x0  }
0x16: {  	s3 =	sld [smem:$0x3FDB];
	s0 =	simm.s32 @p2 $0x1  }
0x17: {  	s4 =	simm.s32 $0x1BF5;
	[smem:$0x3F9D] =	sst s0  }
0x18: {  	s0 =	sld [smem:$0x3F80];
	_ =	swait.ge [sflag:s4], $0x0  }
0x19: {  	s7 =	sld [smem:$0x3F81]  }
0x1a: {  	s8 =	sadd.s32 $0xFFFFE003, lr  }
0x1b: {  	s9 =	sadd.s32 $0xFFFFFEF7, lr;
	s5 =	simm.s32 $0xFFFFFFFF;
	p2 =	slt.u32 s8, $0xFFFFF086  }
0x1c: {  	p1 =	slt.u32 s9, $0xF7A;
	s5 =	simm.s32 @!p2 $0x0  }
0x1d: {  	s5 =	simm.s32 @p1 $0x1;
	p0 =	seq.s32 s7, s2  }
0x1e: {  	s7 =	smul.u32 @!p0 $0xF7A, s2;
	p2 =	seq.s32 @!p0 s5, $0x0  }
0x1f: {  	s9 =	smul.u32 $0xF7A, s1;
	s8 =	simm.s32 @!p0 $0x1BF5;
	p2 =	por !p2, p0  }
0x20: {  	[sflag:s8] =	ssyncset.s32 @!p0 $0xFFFFF086;
	s6 =	sadd.s32 @!p0 s3, s7;
	s7 =	simm.s32 @!p0 $0x108  }
0x21: {  	s3 =	sadd.s32 s3, s9;
	s6 =	sadd.s32 @!p0 $0x88, s6;
	s7 =	simm.s32 @p2 $0x1082  }
0x22: {  	[simem:s7], [sflag:s8] =	dma.local @!p0 [hbm:s6], $0xF7A  }
0x23: {  	s9 =	sor.u32 $0xD0000000, s2;
	s6 =	simm.s32 $0x108;
	_ =	swait.ge @!p0 [sflag:s8], $0x0  }
0x24: {  	s3 =	sadd.s32 $0x88, s3;
	s6 =	simm.s32 @!p1 $0x1082;
	[sflag:s4] =	ssyncset.s32 $0xFFFFF086  }
0x25: {  	[simem:s6], [sflag:s4] =	dma.local [hbm:s3], $0xF7A  }
0x26: {  	[smem:$0x3F81] =	sst s1;
	(tag) =	ssettag s2;
	_ =	strace s9  }
0x27: {  	s1 =	sld [smem:$0x3F91]  }
0x28: {  	s2 =	sld [smem:$0x3F92]  }
0x29: {  	s4 =	sld [smem:$0x3F94]  }
0x2a: {  	p0 =	seq.s32 s5, $0x0;
	s5 =	sld [smem:$0x3F95]  }
0x2b: {  	s6 =	sld [smem:$0x3F96]  }
0x2c: {  	s7 =	sld [smem:$0x3F97]  }
0x2d: {  	s3 =	simm.s32 $0x108;
	s8 =	sld [smem:$0x3F98]  }
0x2e: {  	s3 =	simm.s32 @!p0 $0x1082;
	s9 =	sld [smem:$0x3F99]  }
0x2f: {  	lr =	sadd.s32 s0, s3;
	s0 =	sld [smem:$0x3F90]  }
0x30: {  	s3 =	sld [smem:$0x3F93]  }
0x31: {  	[smem:$0x3F9C] =	sst s10  }
0x32: {  	s10 =	sld [smem:$0x3F9A];
	_ =	sdelay $0x3  }
0x33: {  	p0 =	seq.s32 s10, $0x1;
	s10 =	sld [smem:$0x3F9C];
	_ =	sdelay $0x3  }
0x34: {  	[smem:$0x3F9C] =	sst s10  }
0x35: {  	s10 =	sld [smem:$0x3F9B];
	_ =	sdelay $0x3  }
0x36: {  	p1 =	seq.s32 s10, $0x1;
	s10 =	sld [smem:$0x3F9C];
	_ =	sdelay $0x3  }
0x37: {  	[smem:$0x3F9C] =	sst s10  }
0x38: {  	s10 =	sld [smem:$0x3F9D]  }
0x39: {  	_ = 	snop;
	(pc) =	sbr.ind lr, $3  }
0x3a: {  	_ = 	snop  }
0x3b: {  	_ = 	snop  }
0x3c: {  	p2 =	seq.s32 s10, $0x1;
	s10 =	sld [smem:$0x3F9C]  }
0x3d: {  	_ =	shalt  }
0x3e: {  	_ =	shalt  }
0x3f: {  	_ =	shalt  }
0x40: {  	_ =	shalt  }
0x41: {  	_ =	shalt  }
0x42: {  	_ =	shalt  }
0x43: {  	_ =	shalt  }
0x44: {  	_ =	shalt  }
0x45: {  	_ =	shalt  }
0x46: {  	_ =	shalt  }
0x47: {  	_ =	shalt  }
0x48: {  	_ =	shalt  }
0x49: {  	_ =	shalt  }
0x4a: {  	_ =	shalt  }
0x4b: {  	_ =	shalt  }
0x4c: {  	_ =	shalt  }
0x4d: {  	_ =	shalt  }
0x4e: {  	_ =	shalt  }
0x4f: {  	_ =	shalt  }
0x50: {  	_ =	shalt  }
0x51: {  	_ =	shalt  }
0x52: {  	_ =	shalt  }
0x53: {  	_ =	shalt  }
0x54: {  	_ =	shalt  }
0x55: {  	_ =	shalt  }
0x56: {  	_ =	shalt  }
0x57: {  	_ =	shalt  }
0x58: {  	_ =	shalt  }
0x59: {  	_ =	shalt  }
0x5a: {  	_ =	shalt  }
0x5b: {  	_ =	shalt  }
0x5c: {  	_ =	shalt  }
0x5d: {  	_ =	shalt  }
0x5e: {  	_ =	shalt  }
0x5f: {  	_ =	shalt  }
0x60: {  	_ =	shalt  }
0x61: {  	_ =	shalt  }
0x62: {  	_ =	shalt  }
0x63: {  	_ =	shalt  }
0x64: {  	_ =	shalt  }
0x65: {  	_ =	shalt  }
0x66: {  	_ =	shalt  }
0x67: {  	_ =	shalt  }
0x68: {  	_ =	shalt  }
0x69: {  	_ =	shalt  }
0x6a: {  	_ =	shalt  }
0x6b: {  	_ =	shalt  }
0x6c: {  	_ =	shalt  }
0x6d: {  	_ =	shalt  }
0x6e: {  	_ =	shalt  }
0x6f: {  	_ =	shalt  }
0x70: {  	_ =	shalt  }
0x71: {  	_ =	shalt  }
0x72: {  	_ =	shalt  }
0x73: {  	_ =	shalt  }
0x74: {  	_ =	shalt  }
0x75: {  	_ =	shalt  }
0x76: {  	_ =	shalt  }
0x77: {  	_ =	shalt  }
0x78: {  	_ =	shalt  }
0x79: {  	_ =	shalt  }
0x7a: {  	_ =	shalt  }
0x7b: {  	_ =	shalt  }
0x7c: {  	_ =	shalt  }
0x7d: {  	_ =	shalt  }
0x7e: {  	_ =	shalt  }
0x7f: {  	_ =	shalt  }
0x80: {  	_ =	shalt  }
0x81: {  	_ =	shalt  }
0x82: {  	_ =	shalt  }
0x83: {  	_ =	shalt  }
0x84: {  	_ =	shalt  }
0x85: {  	_ =	shalt  }
0x86: {  	_ =	shalt  }
0x87: {  	_ =	shalt  }
.Lfunc_end0:
.L_simem_size_0:
called_computation.2_lowered:
.L_overlay_start_0:
0x88: {  	s2 =	sld [smem:$0x3FD9]  }
0x89: {  	s3 =	sld [smem:$0x3FFE];
	_ =	sdelay $0x1  }
0x8a: {  	s1 =	srdreg.scid  }
0x8b: {  	s0 =	sand.u32 $0x1, s1  }
0x8c: {  	s17 =	sshll.u32 s0, $0xA;
	s2 =	sadd.s32 s3, s2  }
0x8d: {  	s2 =	sadd.s32 s2, s17  }
0x8e: {  	[smem:$0x3FA8] =	sst s2  }
0x8f: {  	_ = 	snop  }
0x90: {  	s2 =	sld [smem:$0x3FD0];
	(tm) =	ssettm $0x1  }
0x91: {  	s18 =	sld [smem:$0x3FFB];
	_ =	sdelay $0x3  }
0x92: {  	_ =	strace s18  }
0x93: {  	s3 =	sld [smem:$0x3FFC];
	_ =	sdelay $0x3  }
0x94: {  	_ =	strace s3  }
0x95: {  	s3 =	sld [smem:$0x3FFD];
	_ =	sdelay $0x3  }
0x96: {  	_ =	strace s3  }
0x97: {  	_ =	strace $0x8FFFFFFF  }
0x98: {  	s19 =	sld [smem:$0x3FDB];
	_ =	sdelay $0x1  }
0x99: {  	s4 =	simm.s32 $_scs_section_size  }
0x9a: {  	s5 =	simm.s32 $_size__tile_overlayer_lowered;
	s6 =	simm.s32 $_tile_overlayer_lowered  }
0x9b: {  	s22 =	simm.s32 $0x1BFF;
	s21 =	sshll.u32 s6, $0x1;
	s3 =	sadd.s32 s4, s19  }
0x9c: {  	s7 =	simm.s32 $0x0;
	s20 =	sshll.u32 s5, $0x1;
	s5 =	sadd.s32 s21, s3  }
0x9d: {  	[timem:s7], [sflag:s22] =	dma.local [hbm:s5], s20  }
0x9e: {  	_ =	swait.ge [sflag:s22], s20  }
0x9f: {  	s4 =	ssub.s32 $0x0, s20;
	[sflag:s22] =	ssyncset.done $0x0  }
0xa0: {  	[sflag:s22] =	ssyncadd.s32 s4;
	_ =	sdelay $0x1  }
0xa1: {  	s23 =	simm.s32 $0x1B8B  }
0xa2: {  	_ =	swait.ge [sflag:s23], $0x1  }
0xa3: {  	[sflag:s23] =	ssyncset.done $0x0  }
0xa4: {  	s25 =	simm.s32 $0x1B8E;
	s24 =	sld [smem:$0x3FFE];
	[sflag:s23] =	ssyncadd.s32 $0xFFFFFFFF  }
0xa5: {  	s26 =	simm.s32 $execute0_lowered;
	[smem:$0x3FD2] =	sst s25  }
0xa6: {  	s5 =	sshll.u32 s26, $0x1;
	_ =	strace $0x8000004C;
	[dreg:$0x1] =	wrdreg $0xFFFFFFFF  }
0xa7: {  	s28 =	simm.s32 $_size_execute0_lowered;
	s3 =	sadd.s32 s3, s5;
	[dreg:$0x0] =	wrdreg $0x0  }
0xa8: {  	s5 =	sshll.u32 s28, $0x1;
	[dreg:$0x2] =	wrdreg s3  }
0xa9: {  	[dreg:$0x3] =	wrdreg s5  }
0xaa: {  	[dreg:$0x4] =	wrdreg $0xC0  }
0xab: {  	_ =	task [dreg:s7], $0x5FFFF  }
0xac: {  	[dreg:$0x1] =	wrdreg $0xFFFFFFFF  }
0xad: {  	[dreg:$0x0] =	wrdreg $0x60  }
0xae: {  	[dreg:$0x2] =	wrdreg s24  }
0xaf: {  	[dreg:$0x3] =	wrdreg s2  }
0xb0: {  	[dreg:$0x4] =	wrdreg $0x26000  }
0xb1: {  	[dreg:$0x5] =	wrdreg $0x9  }
0xb2: {  	_ =	task.clear_ibuf [dreg:s7], $0x6FFFF;
	_ =	strace $0x9000004C  }
0xb3: {  	s29 =	simm.s32 $0x9;
	_ =	strace $0x8000004E  }
0xb4: {  	_ =	swait.ge [sflag:s29], $0x1  }
0xb5: {  	[sflag:s29] =	ssyncadd.s32 $0xFFFFFFFF  }
0xb6: {  	_ =	strace $0x9000004E  }
0xb7: {  	_ =	sfence  }
0xb8: {  	s30 =	sld [smem:$0x0];
	_ =	sdelay $0x2  }
0xb9: {  	s31 =	sshll.u32 s1, $0xD;
	s1 =	sshrl.u32 s1, $0x2  }
0xba: {  	s3 =	sand.u32 $0x4000, s31;
	s1 =	sadd.s32 s1, s30  }
0xbb: {  	s0 =	sor.u32 s3, s0;
	s1 =	sshll.u32 s1, $0x11  }
0xbc: {  	s0 =	sor.u32 s1, s0  }
0xbd: {  	s0 =	sadd.s32 $0x8F2B, s0  }
0xbe: {  	[sflag:s0] =	ssyncadd.remote.s32 $0x1  }
0xbf: {  	_ =	sfence.sel $0xFFFF  }
0xc0: {  	[dreg:$0x0] =	wrdreg $0xFFFFFFFF;
	(pc) =	sbr.abs _section_cstart, $3  }
0xc1: {  	[dreg:$0x1] =	wrdreg $0xFFFFFFFF  }
0xc2: {  	_ =	task.clear_ibuf [dreg:s7], $0x2FFFF;
	_ =	strace $0x9FFFFFFF  }
0xc3: {  	(tm) =	ssettm $0x7FFFFFFF  }
tec
execute0_lowered:
.L_overlay_start_1:
0x0: {  	(tag) =	ssettag $0x1  }
0x1: {  	s0 =	rddreg [dreg:$0x0]  }
0x2: {  	s1 =	rddreg [dreg:$0x1]  }
0x3: {  	s3 =	rddreg [dreg:$0x2]  }
0x4: {  	s2 =	simm.s32 $0x0;
	s4 =	stileid.u32;
	s6 =	srdreg.scid  }
0x5: {  	s15 =	simm.s32 $0x3;
	s18 =	simm.s32 $0x200;
	s19 =	simm.s32 $0x400  }
0x6: {  	s20 =	simm.s32 $0x40;
	s21 =	simm.s32 $0x600;
	s22 =	simm.s32 $0xE00  }
0x7: {  	s23 =	simm.s32 $0x1;
	s24 =	simm.s32 $0x2;
	s25 =	simm.s32 $0x1600  }
0x8: {  	[smem:$0x7FF] =	sst s2;
	s26 =	smul.u32 $0x7800, s4;
	s5 =	sadd.s32 $0xBA00, s0  }
0x9: {  	s10 =	sand.u32 $0x1, s6;
	s11 =	smul.u32 $0xF00, s4;
	s6 =	sadd.s32 $0x1A00, s0  }
0xa: {  	s7 =	sadd.s32 $0x15A00, s0;
	s8 =	sadd.s32 $0x46C00, s0;
	s9 =	sadd.s32 $0xC3000, s0  }
0xb: {  	s31 =	sshll.u32 s4, $0x6;
	_ =	strace $0x8000004D;
	s12 =	smul.u32 $0xF000, s10  }
0xc: {  	[dreg:$0x4] =	wrdreg s9;
	s28 =	ssub.s32 $0x2, s10;
	s10 =	sshll.u32 s10, $0x4  }
0xd: {  	s16 =	sor.u32 $0x1C03, s31;
	s13 =	sshrl.u32 s26, $0x3;
	s29 =	sshrl.u32 s28, $0x1  }
0xe: {  	s2 =	sadd.s32 s26, s3;
	s30 =	sor.u32 s4, s10;
	s26 =	simm.s32 $0x0  }
0xf: {  	s13 =	sadd.s32 s13, s0;
	s11 =	sadd.s32 s11, s12;
	s14 =	ssub.s32 s28, s29  }
0x10: {  	v1 =	vimm.s32 $0x0;
	vm0 =	vcmask $0x300;
	s17 =	sshrl.u32 s2, $0x3;
	s0 =	sadd.s32 s11, s0;
	s10 =	sadd.s32 $0x1FA00, s13  }
0x11: {  	v0 =	vlaneseq.u32;
	v1 =	vsel vm0, $0x3, v1;
	s11 =	smul.u32 $0x2800, s30;
	s13 =	smax.u32 s14, $0x1;
	s12 =	sadd.s32 $0x50A00, s0  }
.LBB2_1:
0x12: {  	s0 =	simm.s32 $0x0;
	s2 =	rddreg [dreg:$0x4];
	s4 =	simm.s32 $0x2200  }
0x13: {  	[tilespmem:s4], [sflag:$0x3] =	stream.linear.gather [hbm4b:s2+s0], $0x400, $0x38;
	[tilespmem:$0x9E00] =	vst v63  }
0x14: {  	_ =	swait.ge [sflag:s15], $0x400  }
0x15: {  	[sflag:s15] =	ssyncset.done $0x0  }
0x16: {  	[sflag:s15] =	ssyncadd.s32 $0xFFFFFC00  }
0x17: {  	[spmem:s17], [sflag:s16] =	dma.local [hbm:s10], $0xF00  }
0x18: {  	_ =	swait.ge [sflag:s15], $0xF00  }
0x19: {  	[sflag:s15] =	ssyncset.done $0x0  }
0x1a: {  	[sflag:s15] =	ssyncadd.s32 $0xFFFFF100  }
0x1b: {  	s28 =	simm.s32 $0x0;
	[bflag:$0x0] =	sbarrier.arrive $0xFFFF  }
.LBB2_2:
0x1c: {  	s0 =	sshll.u32 s28, $0x9  }
0x1d: {  	s0 =	sadd.s32 s11, s0  }
0x1e: {  	s0 =	sshrl.u32 s0, $0x3  }
0x1f: {  	s29 =	simm.s32 $0x0;
	s2 =	sadd.s32 s5, s0  }
0x20: {  	[tilespmem:s29], [sflag:$0x3] =	stream.linear.gather [hbm4b:s2+s29], $0x200, $0x38;
	[tilespmem:$0x9E00] =	vst v63  }
0x21: {  	_ =	swait.ge [sflag:s15], $0x200  }
0x22: {  	[sflag:s15] =	ssyncset.done $0x0  }
0x23: {  	s31 =	sadd.s32 s6, s0;
	[sflag:s15] =	ssyncadd.s32 $0xFFFFFE00  }
0x24: {  	[tilespmem:s18], [sflag:$0x3] =	stream.linear.gather [hbm4b:s31+s29], $0x200, $0x38;
	[tilespmem:$0x9E00] =	vst v63  }
0x25: {  	_ =	swait.ge [sflag:s15], $0x200  }
0x26: {  	[sflag:s15] =	ssyncset.done $0x0  }
0x27: {  	s0 =	sadd.s32 s7, s0;
	[sflag:s15] =	ssyncadd.s32 $0xFFFFFE00  }
0x28: {  	[tilespmem:s19], [sflag:$0x3] =	stream.linear.gather [hbm4b:s0+s29], $0x200, $0x38;
	[tilespmem:$0x9E00] =	vst v63  }
0x29: {  	_ =	swait.ge [sflag:s15], $0x200  }
0x2a: {  	[sflag:s15] =	ssyncset.done $0x0  }
0x2b: {  	[sflag:s15] =	ssyncadd.s32 $0xFFFFFE00  }
.LBB2_3:
0x2c: {  	s0 =	sshll.u32 s29, $0x6  }
0x2d: {  	[tilespmem:s21], [sflag:$0x1] =	stream.indirect.gather [hbm4b:s1+s20], $0x20, s0, s20, $0xb8;
	[tilespmem:$0x9E00] =	vst v63  }
0x2e: {  	s30 =	sadd.s32 $0x200, s0  }
0x2f: {  	[tilespmem:s22], [sflag:$0x2] =	stream.indirect.gather [hbm4b:s8+s20], $0x20, s30, s20, $0xb8;
	[tilespmem:$0x9E00] =	vst v63  }
0x30: {  	_ =	swait.ge [sflag:s23], $0x800  }
0x31: {  	[sflag:s23] =	ssyncset.done $0x0  }
0x32: {  	[sflag:s23] =	ssyncadd.s32 $0xFFFFF800  }
0x33: {  	_ =	swait.ge [sflag:s24], $0x800  }
0x34: {  	s0 =	sadd.s32 $0x400, s0;
	[sflag:s24] =	ssyncset.done $0x0  }
0x35: {  	s31 =	simm.s32 $0x0;
	v2 =	vmov s0;
	[sflag:s24] =	ssyncadd.s32 $0xFFFFF800  }
.LBB2_4:
0x36: {  	_ = 	snop  }
0x37: {  	s0 =	sshll.u32 s31, $0x4  }
0x38: {  	s2 =	simm.s32 $0x0;
	s4 =	simm.s32 $0x7;
	v5 =	vimm.f32 $0.0e+00;
	s9 =	simm.s32 $0x4;
	v4 =	vor.u32 s0, v0  }
0x39: {  	s14 =	simm.s32 $0x6;
	v7 =	vmov s2;
	v8 =	vmov s4;
	v9 =	vmov s9  }
0x3a: {  	v6 =	vld.idx.msk [tilespmem:v2+s0+$0x0 ss:$0x1], $0xffff;
	s0 =	simm.s32 $0x2400;
	s4 =	simm.s32 $0x5;
	v11 =	vmov s14;
	v3 =	vshll.u32 v4, $0x5;
	v8 =	vor.u32 $0x7, v8  }
0x3b: {  	v7 =	vshrl.u32 v7, $0x3;
	v13 =	vmov s4;
	v10 =	vld [tilespmem:s0+$0xFFFFFE70];
	v12 =	vbroadcast v8, $0x0  }
0x3c: {  	v11 =	vshrl.u32 v11, $0x3;
	v14 =	vshrl.u32 v9, $0x3;
	v9 =	vld [tilespmem:s0+$0xFFFFFE50];
	v7 =	vshll.u32 v7, v1  }
0x3d: {  	s14 =	simm.s32 $0x2;
	v8 =	vld [tilespmem:s0+$0xFFFFFE60];
	v11 =	vshll.u32 v11, v1;
	v7 =	vbroadcast v7, $0x0;
	v17 =	vor.u32 v3, v12  }
0x3e: {  	v15 =	vmov s14;
	v13 =	vshrl.u32 v13, $0x3;
	v18 =	vor.u32 $0x6, v11;
	v11 =	vld [tilespmem:s0+$0xFFFFFE20]  }
0x3f: {  	s9 =	simm.s32 $0x3;
	v14 =	vshll.u32 v14, v1;
	v12 =	vld [tilespmem:s0+$0xFFFFFE40];
	v18 =	vbroadcast v18, $0x0;
	v16 =	vor.u32 v3, v7  }
0x40: {  	v25 =	vmov s9;
	v7 =	vshll.u32 v13, v1;
	v13 =	vor.u32 $0x4, v14;
	v14 =	vld [tilespmem:s0+$0xFFFFFE00]  }
0x41: {  	s14 =	simm.s32 $0x1;
	v15 =	vshrl.u32 v15, $0x3;
	v19 =	vbroadcast v13, $0x0;
	v13 =	vld [tilespmem:s0+$0xFFFFFE10];
	v20 =	vor.u32 v3, v18  }
0x42: {  	v23 =	vmov s14;
	v15 =	vshll.u32 v15, v1;
	v7 =	vor.u32 $0x5, v7;
	v18 =	vld.idx.msk [tilespmem:v17+s21+$0x0], $0xffff  }
0x43: {  	v23 =	vshrl.u32 v23, $0x3;
	v22 =	vbroadcast v7, $0x0;
	v21 =	vor.u32 v3, v19;
	v19 =	vld.idx.msk [tilespmem:v17+s22+$0x0], $0xffff  }
0x44: {  	s2 =	simm.s32 $0x8;
	v24 =	vor.u32 $0x2, v15;
	v15 =	vshrl.u32 v25, $0x3;
	v7 =	vimm.f32 $0.0e+00;
	v17 =	vld.idx.msk [tilespmem:v16+s21+$0x0], $0xffff  }
.LBB2_5:
0x45: {  	p0 =	slt.u32 s2, $0x18;
	v25 =	vld.idx.msk [tilespmem:v16+s22+$0x0], $0xffff;
	v16 =	vbroadcast v24, $0x0;
	v15 =	vshll.u32 v15, v1;
	v22 =	vor.u32 v3, v22  }
0x46: {  	v23 =	vshll.u32 v23, v1;
	v15 =	vor.u32 $0x3, v15;
	v24 =	vld.idx.msk [tilespmem:v20+s21+$0x0], $0xffff  }
0x47: {  	s4 =	sadd.s32 $0x7, s2;
	v23 =	vor.u32 $0x1, v23;
	v16 =	vor.u32 v3, v16;
	v15 =	vbroadcast v15, $0x0;
	v20 =	vld.idx.msk [tilespmem:v20+s22+$0x0], $0xffff  }
0x48: {  	v26 =	vmov s2;
	s14 =	sadd.s32 $0x4, s2;
	s9 =	sadd.s32 $0x6, s2;
	v27 =	vmov s4;
	v23 =	vbroadcast v23, $0x0;
	v28 =	vld.idx.msk [tilespmem:v21+s21+$0x0], $0xffff  }
0x49: {  	v29 =	vmov s14;
	s4 =	sadd.s32 $0x5, s2;
	v30 =	vmov s9;
	v31 =	vor.u32 v3, v15;
	v21 =	vld.idx.msk [tilespmem:v21+s22+$0x0], $0xffff  }
0x4a: {  	v26 =	vshrl.u32 v26, $0x3;
	s9 =	sadd.s32 $0x2, s2;
	s14 =	sadd.s32 $0x3, s2;
	v32 =	vmov s4;
	v23 =	vor.u32 v3, v23;
	v33 =	vld.idx.msk [tilespmem:v22+s21+$0x0], $0xffff  }
0x4b: {  	v34 =	vmov s9;
	v27 =	vor.u32 $0x7, v27;
	v15 =	vmov s14;
	v22 =	vld.idx.msk [tilespmem:v22+s22+$0x0], $0xffff  }
0x4c: {  	v29 =	vshrl.u32 v29, $0x3;
	v30 =	vshrl.u32 v30, $0x3;
	v32 =	vshrl.u32 v32, $0x3;
	v35 =	vld.idx.msk [tilespmem:v16+s21+$0x0], $0xffff  }
0x4d: {  	v26 =	vshll.u32 v26, v1;
	v34 =	vshrl.u32 v34, $0x3;
	v27 =	vbroadcast v27, $0x0;
	v36 =	vld.idx.msk [tilespmem:v16+s22+$0x0], $0xffff  }
0x4e: {  	v30 =	vshll.u32 v30, v1;
	v16 =	vshll.u32 v29, v1;
	v29 =	vshll.u32 v32, v1;
	v32 =	vld.idx.msk [tilespmem:v31+s21+$0x0], $0xffff  }
0x4f: {  	v26 =	vbroadcast v26, $0x0;
	v30 =	vor.u32 $0x6, v30;
	v16 =	vor.u32 $0x4, v16;
	v37 =	vld.idx.msk [tilespmem:v23+s21+$0x0], $0xffff  }
0x50: {  	v30 =	vbroadcast v30, $0x0;
	v27 =	vor.u32 v3, v27;
	v29 =	vor.u32 $0x5, v29;
	v23 =	vld.idx.msk [tilespmem:v23+s22+$0x0], $0xffff  }
0x51: {  	v10 =	vmul.f32 v10, v6;
	v18 =	vadd.f32 v19, v18;
	v38 =	vbroadcast v16, $0x0;
	v31 =	vld.idx.msk [tilespmem:v31+s22+$0x0], $0xffff  }
0x52: {  	v12 =	vmul.f32 v12, v6;
	v8 =	vmul.f32 v8, v6;
	v16 =	vor.u32 v3, v26;
	v19 =	vld [tilespmem:s0+$0xFFFFFE30]  }
0x53: {  	v14 =	vmul.f32 v14, v6;
	v17 =	vadd.f32 v25, v17;
	v10 =	vadd.f32 v10, v18  }
0x54: {  	v9 =	vmul.f32 v9, v6;
	v20 =	vadd.f32 v20, v24;
	v18 =	vadd.f32 v21, v28  }
0x55: {  	v11 =	vmul.f32 v11, v6;
	v14 =	vadd.f32 v14, v17;
	v17 =	vadd.f32 v22, v33;
	v21 =	vld [tilespmem:s0+$0x60]  }
0x56: {  	v13 =	vmul.f32 v13, v6;
	v22 =	vadd.f32 v23, v37;
	v23 =	vadd.f32 v36, v35;
	v24 =	vld [tilespmem:s0+$0x70]  }
0x57: {  	v28 =	vadd.f32 v8, v20;
	v26 =	vadd.f32 v31, v32;
	v25 =	vld [tilespmem:s0+$0x0];
	v19 =	vmul.f32 v19, v6  }
0x58: {  	v12 =	vadd.f32 v12, v18;
	v8 =	vadd.f32 v13, v22;
	v13 =	vmul.f32 $2.000000030e-01, v10;
	v20 =	vld [tilespmem:s0+$0x10]  }
0x59: {  	v18 =	vmul.f32 $2.000000030e-01, v14;
	v17 =	vadd.f32 v9, v17;
	v11 =	vadd.f32 v11, v23;
	v22 =	vld [tilespmem:s0+$0x20]  }
0x5a: {  	v9 =	vmul.f32 $2.000000030e-01, v8;
	v19 =	vadd.f32 v19, v26;
	v26 =	vmul.f32 $2.000000030e-01, v12;
	v23 =	vld [tilespmem:s0+$0x30]  }
0x5b: {  	v33 =	vmul.f32 $2.000000030e-01, v17;
	v31 =	vmul.f32 $2.000000030e-01, v11;
	v13 =	vmax.f32 v10, v13;
	v32 =	vld [tilespmem:s0+$0x40]  }
0x5c: {  	v10 =	vmax.f32 v14, v18;
	v9 =	vmax.f32 v8, v9;
	v14 =	vmul.f32 $2.000000030e-01, v19;
	v18 =	vld [tilespmem:s0+$0x50];
	s0 =	sadd.s32 $0x80, s0  }
0x5d: {  	v11 =	vmax.f32 v11, v31;
	v25 =	vmul.f32 v10, v25;
	v8 =	vld [tilespmem:s0+$0xFFFFFE60];
	v9 =	vmul.f32 v9, v20  }
0x5e: {  	v10 =	vld [tilespmem:s0+$0xFFFFFE70];
	v20 =	vmul.f32 v11, v22;
	v11 =	vmax.f32 v19, v14;
	v14 =	vmax.f32 v12, v26  }
0x5f: {  	v5 =	vadd.f32 v25, v5;
	v12 =	vld [tilespmem:s0+$0xFFFFFE40];
	v7 =	vadd.f32 v9, v7;
	v19 =	vmul.f32 v11, v23  }
0x60: {  	v9 =	vld [tilespmem:s0+$0xFFFFFE50];
	v22 =	vmul.f32 v14, v32;
	v14 =	vmax.f32 v17, v33;
	v17 =	vmul.f32 $2.000000030e-01, v28  }
0x61: {  	v5 =	vadd.f32 v20, v5;
	v11 =	vld [tilespmem:s0+$0xFFFFFE20];
	v7 =	vadd.f32 v19, v7;
	v18 =	vmul.f32 v14, v18  }
.Ltmp0:
0x62: {  	v23 =	vmul.f32 v13, v24;
	v20 =	vor.u32 v3, v30;
	v14 =	vld [tilespmem:s0+$0xFFFFFE00];
	v17 =	vmax.f32 v28, v17;
	(pc) =	sbr.rel @p0 .LBB2_5-.Ltmp0, $4  }
0x63: {  	s4 =	sadd.s32 $0x1, s2;
	v5 =	vadd.f32 v22, v5;
	v13 =	vld [tilespmem:s0+$0xFFFFFE10];
	v7 =	vadd.f32 v18, v7;
	v17 =	vmul.f32 v17, v21  }
0x64: {  	v25 =	vshll.u32 v34, v1;
	v24 =	vmov s4;
	v22 =	vbroadcast v29, $0x0;
	v18 =	vld.idx.msk [tilespmem:v27+s21+$0x0], $0xffff  }
0x65: {  	v21 =	vor.u32 v3, v38;
	v19 =	vld.idx.msk [tilespmem:v27+s22+$0x0], $0xffff;
	v5 =	vadd.f32 v17, v5;
	v7 =	vadd.f32 v23, v7  }
0x66: {  	s2 =	sadd.s32 $0x8, s2;
	v15 =	vshrl.u32 v15, $0x3;
	v23 =	vshrl.u32 v24, $0x3;
	v24 =	vor.u32 $0x2, v25;
	v17 =	vld.idx.msk [tilespmem:v16+s21+$0x0], $0xffff  }
0x67: {  	_ =	sdelay $0x3  }
0x68: {  	v16 =	vld.idx.msk [tilespmem:v16+s22+$0x0], $0xffff  }
0x69: {  	v24 =	vbroadcast v24, $0x0;
	v22 =	vor.u32 v3, v22;
	v23 =	vshll.u32 v23, v1;
	v25 =	vld.idx.msk [tilespmem:v20+s21+$0x0], $0xffff  }
0x6a: {  	v20 =	vld.idx.msk [tilespmem:v20+s22+$0x0], $0xffff;
	v23 =	vor.u32 $0x1, v23  }
0x6b: {  	v15 =	vshll.u32 v15, v1;
	v26 =	vld.idx.msk [tilespmem:v21+s21+$0x0], $0xffff;
	v24 =	vor.u32 v3, v24;
	v23 =	vbroadcast v23, $0x0  }
0x6c: {  	v21 =	vld.idx.msk [tilespmem:v21+s22+$0x0], $0xffff;
	v15 =	vor.u32 $0x3, v15  }
0x6d: {  	v15 =	vbroadcast v15, $0x0;
	v18 =	vadd.f32 v19, v18;
	v19 =	vld [tilespmem:s0+$0xFFFFFE30];
	v23 =	vor.u32 v3, v23  }
0x6e: {  	v27 =	vld.idx.msk [tilespmem:v22+s21+$0x0], $0xffff  }
0x6f: {  	v15 =	vor.u32 v3, v15;
	v22 =	vld.idx.msk [tilespmem:v22+s22+$0x0], $0xffff  }
0x70: {  	v28 =	vld.idx.msk [tilespmem:v24+s21+$0x0], $0xffff  }
0x71: {  	v24 =	vld.idx.msk [tilespmem:v24+s22+$0x0], $0xffff  }
0x72: {  	v10 =	vmul.f32 v10, v6;
	v30 =	vld.idx.msk [tilespmem:v23+s21+$0x0], $0xffff  }
0x73: {  	v12 =	vmul.f32 v12, v6;
	v23 =	vld.idx.msk [tilespmem:v23+s22+$0x0], $0xffff  }
0x74: {  	v14 =	vmul.f32 v14, v6;
	v16 =	vadd.f32 v16, v17;
	v10 =	vadd.f32 v10, v18;
	v29 =	vld.idx.msk [tilespmem:v15+s21+$0x0], $0xffff  }
0x75: {  	v8 =	vmul.f32 v8, v6;
	v17 =	vadd.f32 v21, v26;
	v18 =	vadd.f32 v20, v25;
	v15 =	vld.idx.msk [tilespmem:v15+s22+$0x0], $0xffff  }
0x76: {  	v9 =	vmul.f32 v9, v6;
	v14 =	vadd.f32 v14, v16  }
0x77: {  	v11 =	vmul.f32 v11, v6;
	v8 =	vadd.f32 v8, v18;
	v12 =	vadd.f32 v12, v17  }
0x78: {  	v13 =	vmul.f32 v13, v6;
	v16 =	vadd.f32 v22, v27;
	v22 =	vld [tilespmem:s0+$0x0];
	v20 =	vadd.f32 v23, v30  }
0x79: {  	v6 =	vmul.f32 v19, v6;
	v19 =	vmul.f32 $2.000000030e-01, v14;
	v21 =	vadd.f32 v24, v28  }
0x7a: {  	v18 =	vld [tilespmem:s0+$0x10];
	v15 =	vadd.f32 v15, v29;
	v13 =	vadd.f32 v13, v20  }
0x7b: {  	v17 =	vmul.f32 $2.000000030e-01, v10;
	v14 =	vmax.f32 v14, v19;
	v11 =	vadd.f32 v11, v21;
	v21 =	vld [tilespmem:s0+$0x30]  }
0x7c: {  	v9 =	vadd.f32 v9, v16;
	v20 =	vld [tilespmem:s0+$0x20];
	v6 =	vadd.f32 v6, v15;
	v16 =	vmul.f32 $2.000000030e-01, v13  }
0x7d: {  	v10 =	vmax.f32 v10, v17;
	v24 =	vld [tilespmem:s0+$0x40];
	v14 =	vmul.f32 v14, v22;
	v15 =	vmul.f32 $2.000000030e-01, v12  }
0x7e: {  	v17 =	vld [tilespmem:s0+$0x50];
	v23 =	vmul.f32 $2.000000030e-01, v11;
	v13 =	vmax.f32 v13, v16;
	v16 =	vmul.f32 $2.000000030e-01, v6  }
0x7f: {  	v19 =	vld [tilespmem:s0+$0x70];
	v25 =	vmul.f32 $2.000000030e-01, v9;
	v5 =	vadd.f32 v14, v5;
	v13 =	vmul.f32 v13, v18  }
0x80: {  	v11 =	vmax.f32 v11, v23;
	v12 =	vmax.f32 v12, v15;
	v18 =	vld [tilespmem:s0+$0x60];
	v6 =	vmax.f32 v6, v16  }
0x81: {  	v11 =	vmul.f32 v11, v20;
	v7 =	vadd.f32 v13, v7;
	v6 =	vmul.f32 v6, v21  }
0x82: {  	v9 =	vmax.f32 v9, v25;
	v12 =	vmul.f32 v12, v24;
	v13 =	vmul.f32 $2.000000030e-01, v8  }
0x83: {  	v5 =	vadd.f32 v11, v5;
	v6 =	vadd.f32 v6, v7;
	v7 =	vmul.f32 v9, v17  }
0x84: {  	v8 =	vmax.f32 v8, v13;
	v9 =	vmul.f32 v10, v19  }
0x85: {  	v5 =	vadd.f32 v12, v5;
	v6 =	vadd.f32 v7, v6;
	v7 =	vmul.f32 v8, v18;
	_ =	sdelay $0x1  }
0x86: {  	v5 =	vadd.f32 v7, v5;
	v6 =	vadd.f32 v9, v6  }
0x87: {  	s14 =	simm.s32 $0x0  }
0x88: {  	v5 =	vadd.f32 v6, v5;
	v6 =	vmov s14  }
0x89: {  	v6 =	vshrl.u32 v6, $0x3  }
0x8a: {  	v6 =	vshll.u32 v6, $0x3  }
0x8b: {  	v4 =	vmul.u32 $0x30, v4;
	v24 =	vbroadcast v6, $0x0  }
0x8c: {  	v14 =	vor.u32 $0x2, v3;
	v15 =	vor.u32 $0x4, v3;
	v5 =	vmul.f32 $1.442695020e+00, v5  }
0x8d: {  	v20 =	vor.u32 $0x6, v3;
	v13 =	vor.u32 $0x1, v3;
	v7 =	vor.u32 v3, v24  }
0x8e: {  	v16 =	vor.u32 $0x3, v3;
	(erf) = vpow2.f32 v5;
	v17 =	vor.u32 v24, v13  }
0x8f: {  	v11 =	vor.u32 $0x7, v4;
	v12 =	vor.u32 $0x4, v4;
	v21 =	vor.u32 v24, v15  }
0x90: {  	v19 =	vor.u32 $0x5, v3;
	v18 =	vor.u32 $0x7, v3;
	v22 =	vor.u32 v24, v16  }
0x91: {  	v10 =	vor.u32 $0x6, v4;
	v8 =	vor.u32 $0x3, v4;
	v25 =	vor.u32 v24, v18  }
0x92: {  	s0 =	simm.s32 $0x8;
	v9 =	vor.u32 $0x1, v4;
	v6 =	vor.u32 $0x5, v4;
	v26 =	vor.u32 v24, v20;
	v27 =	vld.idx.msk [tilespmem:v7+s21+$0x0], $0xffff  }
0x93: {  	v5 =	vor.u32 $0x2, v4;
	v28 =	vor.u32 v24, v14;
	v30 =	vld.idx.msk [tilespmem:v17+s21+$0x0], $0xffff;
	v7 =	vmov s0  }
0x94: {  	v31 =	vor.u32 v24, v19;
	v33 =	vadd.s32 v4, v24;
	v32 =	vld.idx.msk [tilespmem:v21+s21+$0x0], $0xffff;
	v7 =	vshrl.u32 v7, $0x3  }
0x95: {  	v23 =	vadd.s32 v10, v24;
	v37 =	vadd.s32 v9, v24;
	v36 =	vld.idx.msk [tilespmem:v22+s21+$0x0], $0xffff;
	v22 =	vshll.u32 v7, $0x3  }
0x96: {  	v29 =	vadd.s32 v8, v24;
	v41 =	vadd.s32 v12, v24;
	v38 =	vld.idx.msk [tilespmem:v25+s21+$0x0], $0xffff;
	v22 =	vbroadcast v22, $0x0  }
0x97: {  	v17 =	vadd.s32 v6, v24;
	v21 =	vadd.s32 v11, v24;
	v25 =	vadd.s32 v5, v24;
	v39 =	vld.idx.msk [tilespmem:v26+s21+$0x0], $0xffff;
	v7 =	vpop (erf)  }
0x98: {  	v40 =	vld.idx.msk [tilespmem:v28+s21+$0x0], $0xffff;
	v26 =	vmul.f32 v27, v7;
	v42 =	vor.u32 v3, v22;
	v35 =	vor.u32 v22, v13  }
0x99: {  	v24 =	vmul.f32 v30, v7;
	v28 =	vor.u32 v22, v16;
	v34 =	vor.u32 v22, v15  }
0x9a: {  	v27 =	vor.u32 v22, v18;
	v43 =	vmul.f32 v32, v7;
	[tilespmem:v33+s25+$0x0] =	vst.idx.msk $0xffff, v26;
	v33 =	vld.idx.msk [tilespmem:v31+s21+$0x0], $0xffff  }
0x9b: {  	v32 =	vmul.f32 v38, v7;
	v30 =	vor.u32 v22, v14;
	v38 =	vmul.f32 v36, v7  }
0x9c: {  	v36 =	vmul.f32 v39, v7;
	v26 =	vor.u32 v22, v20;
	[tilespmem:v37+s25+$0x0] =	vst.idx.msk $0xffff, v24  }
0x9d: {  	v24 =	vor.u32 v22, v19;
	v37 =	vmul.f32 v40, v7;
	[tilespmem:v41+s25+$0x0] =	vst.idx.msk $0xffff, v43;
	v31 =	vld.idx.msk [tilespmem:v42+s21+$0x0], $0xffff  }
.LBB2_7:
0x9e: {  	s0 =	sadd.s32 $0x8, s0;
	v39 =	vld.idx.msk [tilespmem:v35+s21+$0x0], $0xffff;
	v35 =	vadd.s32 v6, v22;
	v40 =	vadd.s32 v11, v22;
	[tilespmem:v29+s25+$0x0] =	vst.idx.msk $0xffff, v38  }
0x9f: {  	v33 =	vmul.f32 v33, v7;
	v29 =	vmov s0;
	p0 =	slt.u32 s0, $0x18;
	v38 =	vld.idx.msk [tilespmem:v34+s21+$0x0], $0xffff;
	v34 =	vadd.s32 v10, v22;
	[tilespmem:v25+s25+$0x0] =	vst.idx.msk $0xffff, v37  }
0xa0: {  	v37 =	vadd.s32 v4, v22;
	v25 =	vshrl.u32 v29, $0x3;
	v41 =	vld.idx.msk [tilespmem:v28+s21+$0x0], $0xffff;
	[tilespmem:v23+s25+$0x0] =	vst.idx.msk $0xffff, v36;
	v23 =	vmov v34  }
0xa1: {  	v36 =	vadd.s32 v9, v22;
	v25 =	vshll.u32 v25, $0x3;
	v42 =	vld.idx.msk [tilespmem:v27+s21+$0x0], $0xffff;
	[tilespmem:v21+s25+$0x0] =	vst.idx.msk $0xffff, v32;
	v21 =	vmov v40  }
0xa2: {  	v27 =	vbroadcast v25, $0x0;
	v25 =	vadd.s32 v5, v22;
	v40 =	vld.idx.msk [tilespmem:v26+s21+$0x0], $0xffff;
	[tilespmem:v17+s25+$0x0] =	vst.idx.msk $0xffff, v33;
	v17 =	vmov v35  }
0xa3: {  	v44 =	vadd.s32 v12, v22;
	v29 =	vadd.s32 v8, v22;
	v26 =	vmul.f32 v31, v7;
	v43 =	vld.idx.msk [tilespmem:v30+s21+$0x0], $0xffff  }
0xa4: {  	v30 =	vmul.f32 v39, v7;
	v31 =	vor.u32 v3, v27;
	v35 =	vor.u32 v27, v13;
	v33 =	vld.idx.msk [tilespmem:v24+s21+$0x0], $0xffff  }
.Ltmp1:
0xa5: {  	v28 =	vor.u32 v27, v16;
	v34 =	vor.u32 v27, v15;
	v22 =	vmov v27;
	[tilespmem:v37+s25+$0x0] =	vst.idx.msk $0xffff, v26;
	(pc) =	sbr.rel @p0 .LBB2_7-.Ltmp1, $4  }
0xa6: {  	v26 =	vor.u32 v22, v20;
	v27 =	vor.u32 v22, v18;
	[tilespmem:v36+s25+$0x0] =	vst.idx.msk $0xffff, v30  }
0xa7: {  	v39 =	vmul.f32 v38, v7;
	v24 =	vor.u32 v22, v19;
	v32 =	vmul.f32 v42, v7  }
0xa8: {  	v38 =	vmul.f32 v41, v7;
	v30 =	vor.u32 v22, v14;
	v36 =	vmul.f32 v40, v7  }
0xa9: {  	v37 =	vmul.f32 v43, v7;
	v31 =	vld.idx.msk [tilespmem:v31+s21+$0x0], $0xffff;
	[tilespmem:v44+s25+$0x0] =	vst.idx.msk $0xffff, v39  }
0xaa: {  	_ =	sdelay $0x3  }
0xab: {  	v3 =	vld.idx.msk [tilespmem:v35+s21+$0x0], $0xffff  }
0xac: {  	[tilespmem:v29+s25+$0x0] =	vst.idx.msk $0xffff, v38;
	v13 =	vld.idx.msk [tilespmem:v34+s21+$0x0], $0xffff;
	v14 =	vadd.s32 v4, v22  }
0xad: {  	v15 =	vld.idx.msk [tilespmem:v28+s21+$0x0], $0xffff;
	v9 =	vadd.s32 v9, v22;
	[tilespmem:v23+s25+$0x0] =	vst.idx.msk $0xffff, v36  }
0xae: {  	v16 =	vmul.f32 v33, v7;
	v18 =	vld.idx.msk [tilespmem:v30+s21+$0x0], $0xffff;
	v12 =	vadd.s32 v12, v22;
	[tilespmem:v21+s25+$0x0] =	vst.idx.msk $0xffff, v32  }
0xaf: {  	v19 =	vld.idx.msk [tilespmem:v26+s21+$0x0], $0xffff;
	v8 =	vadd.s32 v8, v22;
	[tilespmem:v25+s25+$0x0] =	vst.idx.msk $0xffff, v37;
	v20 =	vmul.f32 v31, v7  }
0xb0: {  	v58 =	vld.idx.msk [tilespmem:v27+s21+$0x0], $0xffff;
	v5 =	vadd.s32 v5, v22;
	[tilespmem:v17+s25+$0x0] =	vst.idx.msk $0xffff, v16;
	v3 =	vmul.f32 v3, v7  }
0xb1: {  	v10 =	vadd.s32 v10, v22;
	v59 =	vld.idx.msk [tilespmem:v24+s21+$0x0], $0xffff;
	v13 =	vmul.f32 v13, v7;
	[tilespmem:v14+s25+$0x0] =	vst.idx.msk $0xffff, v20  }
0xb2: {  	v11 =	vadd.s32 v11, v22;
	[tilespmem:v9+s25+$0x0] =	vst.idx.msk $0xffff, v3;
	v3 =	vmul.f32 v15, v7  }
0xb3: {  	v6 =	vadd.s32 v6, v22;
	s31 =	sadd.s32 $0x1, s31;
	v60 =	vmul.f32 v18, v7;
	[tilespmem:v12+s25+$0x0] =	vst.idx.msk $0xffff, v13  }
0xb4: {  	p0 =	sne.s32 s31, $0x4;
	v61 =	vmul.f32 v19, v7;
	[tilespmem:v8+s25+$0x0] =	vst.idx.msk $0xffff, v3;
	v3 =	vadd.s32 $0x20, v4  }
.Ltmp2:
0xb5: {  	v62 =	vmul.f32 v58, v7;
	[tilespmem:v5+s25+$0x0] =	vst.idx.msk $0xffff, v60;
	(pc) =	sbr.rel @p0 .LBB2_4-.Ltmp2, $4  }
0xb6: {  	v63 =	vmul.f32 v59, v7;
	[tilespmem:v10+s25+$0x0] =	vst.idx.msk $0xffff, v61  }
0xb7: {  	[tilespmem:v11+s25+$0x0] =	vst.idx.msk $0xffff, v62  }
0xb8: {  	[tilespmem:v6+s25+$0x0] =	vst.idx.msk $0xffff, v63  }
0xb9: {  	[tilespmem:v3+s25+$0x0] =	vst.idx.msk $0xffff, v7  }
0xba: {  	s29 =	sadd.s32 $0x1, s29  }
0xbb: {  	p0 =	sne.s32 s29, $0x8  }
.Ltmp3:
0xbc: {  	_ = 	snop;
	(pc) =	sbr.rel @p0 .LBB2_3-.Ltmp3, $4  }
0xbd: {  	[spmem:s3] =	stream.indirect.scatter.add.f32 [tilespmem:s25], [sflag:$0x3], $0x30, s30, s20, $0xb8;
	[tilespmem:$0x9E00] =	vst v63  }
0xbe: {  	_ =	swait.ge [sflag:s15], $0xC00  }
0xbf: {  	[sflag:s15] =	ssyncset.done $0x0  }
0xc0: {  	[sflag:s15] =	ssyncadd.s32 $0xFFFFF400  }
0xc1: {  	s28 =	sadd.s32 $0x1, s28  }
0xc2: {  	p0 =	sne.s32 s28, $0x14  }
.Ltmp4:
0xc3: {  	_ = 	snop;
	(pc) =	sbr.rel @p0 .LBB2_2-.Ltmp4, $1  }
0xc4: {  	_ =	sdelay $0x3  }
0xc5: {  	s26 =	sadd.s32 $0x1, s26  }
0xc6: {  	p0 =	sne.s32 s26, s13  }
.Ltmp5:
0xc7: {  	[bflag:$0x0] =	sbarrier.arrive $0xFFFF;
	(pc) =	sbr.rel @p0 .LBB2_1-.Ltmp5, $4  }
0xc8: {  	[hbm:s12], [sflag:s16] =	dma.local [spmem:s17], $0xF00  }
0xc9: {  	_ =	swait.ge [sflag:s15], $0xF00  }
0xca: {  	[sflag:s15] =	ssyncset.done $0x0  }
0xcb: {  	[sflag:s15] =	ssyncadd.s32 $0xFFFFF100  }
0xcc: {  	_ =	sfence.sel $0x180000  }
0xcd: {  	[bflag:$0x0] =	sbarrier.arrive $0xFFFF  }
0xce: {  	_ =	strace $0x9000004D  }
0xcf: {  	s0 =	stileid.u32;
	[bflag:$0x2] =	sbarrier.arrive $0xFFFF  }
0xd0: {  	p0 =	sne.s32 s0, $0x0;
	s0 =	rddreg [dreg:$0x3]  }
0xd1: {  	s0 =	sadd.s32 @!p0 $0x100000, s0  }
0xd2: {  	[sflag:s0] =	ssyncadd.tile.s32 @!p0 $0x1;
	_ =	shalt  }
.Lfunc_end2:
_tile_overlayer_lowered:
.L_overlay_start_2:
0xd3: {  	(tag) =	ssettag $0x2  }
0xd4: {  	s0 =	rddreg [dreg:$0x0];
	s2 =	stileid.u32  }
0xd5: {  	s1 =	rddreg [dreg:$0x1];
	p0 =	sne.s32 s2, $0x0  }
0xd6: {  	s3 =	rddreg [dreg:$0x2];
	[bflag:$0x3] =	sbarrier.arrive $0xFFFF;
	s2 =	simm.s32 @!p0 $0x1C03  }
0xd7: {  	[timem:s3], [sflag:s2] =	dma.local @!p0 [hbm:s0], s1  }
0xd8: {  	s0 =	simm.s32 @!p0 $0x3  }
0xd9: {  	_ =	swait.ge @!p0 [sflag:s0], s1  }
0xda: {  	s1 =	ssub.s32 @!p0 $0x0, s1;
	[sflag:s0] =	ssyncset.done @!p0 $0x0  }
0xdb: {  	[sflag:s0] =	ssyncadd.s32 @!p0 s1  }
0xdc: {  	[bflag:$0x3] =	sbarrier.arrive $0xFFFF  }
0xdd: {  	_ =	shalt  }

</sc_bundles>
